<compile_context>
chip_gen: v7x
topology: tpu7x:2x2x1
jax: 0.10.2.dev20260603
libtpu: 0.0.44.dev20260713+nightly
codegen_flags: <defaults>
</compile_context>

<pallas_src>
import functools

import jax
import jax.numpy as jnp
from jax import lax
from jax.experimental import pallas as pl
from jax.experimental.pallas import tpu as pltpu
from jax.experimental.pallas import tpu_sc as plsc

N_NODES = 10000
N_EDGES = 320000
D = 128
D_EDGE = 16

NC = 2
NS = 16
NW = NC * NS
EPW = N_EDGES // NW
K = 40
SB = 25
NSB = EPW // (SB * K)
NB = 3
NP = 10240
RPT = NP // NS
NL = D // 16


def _leaky(v):
    return jnp.where(v > 0.0, v, 0.01 * v)


def _bn(h, g, b):
    mu = jnp.mean(h, axis=0, keepdims=True)
    var = jnp.mean((h - mu) ** 2, axis=0, keepdims=True)
    return (h - mu) * lax.rsqrt(var + 1e-5) * g + b



def _node_bn_body(x_ref, g_ref, b_ref, o_ref):
    o_ref[...] = _bn(x_ref[...], g_ref[...], b_ref[...])


def _node_bn(x, g, b):
    return pl.pallas_call(
        _node_bn_body,
        out_shape=jax.ShapeDtypeStruct((N_NODES, D), jnp.float32),
    )(x, g, b)


_BE = 4000


def _edge_proj_body(ea_ref, w_ref, b_ref, e_ref):
    e_ref[...] = (
        jnp.dot(ea_ref[...], w_ref[...], preferred_element_type=jnp.float32)
        + b_ref[...]
    )


def _edge_proj(edge_attr, W, b):
    return pl.pallas_call(
        _edge_proj_body,
        grid=(N_EDGES // _BE,),
        in_specs=[
            pl.BlockSpec((_BE, D_EDGE), lambda i: (i, 0)),
            pl.BlockSpec((D_EDGE, D), lambda i: (0, 0)),
            pl.BlockSpec((1, D), lambda i: (0, 0)),
        ],
        out_specs=pl.BlockSpec((_BE, D), lambda i: (i, 0)),
        out_shape=jax.ShapeDtypeStruct((N_EDGES, D), jnp.float32),
    )(edge_attr, W, b)


def _dense_mid_body(hn_ref, p_ref, eps_ref, w1_ref, b1_ref, mg_ref, mb_ref,
                    w2_ref, b2_ref, g1_ref, bb1_ref, h_ref, ha_ref):
    z = eps_ref[0, 0] * hn_ref[...] + p_ref[0, :N_NODES] + p_ref[1, :N_NODES]
    t = jnp.dot(z, w1_ref[...], preferred_element_type=jnp.float32) + b1_ref[...]
    t = _leaky(_bn(t, mg_ref[...], mb_ref[...]))
    h = jnp.dot(t, w2_ref[...], preferred_element_type=jnp.float32) + b2_ref[...]
    h_ref[...] = h
    ha_ref[...] = _leaky(_bn(h, g1_ref[...], bb1_ref[...]))


def _dense_mid(hn, p, eps1p, W1, b1, mg, mb, W2, b2, g1, bb1):
    return pl.pallas_call(
        _dense_mid_body,
        out_shape=[
            jax.ShapeDtypeStruct((N_NODES, D), jnp.float32),
            jax.ShapeDtypeStruct((N_NODES, D), jnp.float32),
        ],
    )(hn, p, eps1p, W1, b1, mg, mb, W2, b2, g1, bb1)


def _dense_final_body(ha_ref, p_ref, h_ref, eps_ref, w1_ref, b1_ref, mg_ref,
                      mb_ref, w2_ref, b2_ref, wc1_ref, bc1_ref, cg_ref,
                      cb_ref, wc2_ref, bc2_ref, o_ref):
    z = eps_ref[0, 0] * ha_ref[...] + p_ref[0, :N_NODES] + p_ref[1, :N_NODES]
    t = jnp.dot(z, w1_ref[...], preferred_element_type=jnp.float32) + b1_ref[...]
    t = _leaky(_bn(t, mg_ref[...], mb_ref[...]))
    h2 = h_ref[...] + jnp.dot(t, w2_ref[...], preferred_element_type=jnp.float32) + b2_ref[...]
    c = jnp.dot(h2, wc1_ref[...], preferred_element_type=jnp.float32) + bc1_ref[...]
    c = _leaky(_bn(c, cg_ref[...], cb_ref[...]))
    o_ref[...] = jnp.sum(c * wc2_ref[...], axis=1, keepdims=True) + bc2_ref[0, 0]


def _dense_final(ha, p, h, eps1p, W1, b1, mg, mb, W2, b2, Wc1, bc1, cg, cb,
                 wc2_row, bc2):
    return pl.pallas_call(
        _dense_final_body,
        out_shape=jax.ShapeDtypeStruct((N_NODES, 1), jnp.float32),
    )(ha, p, h, eps1p, W1, b1, mg, mb, W2, b2, Wc1, bc1, cg, cb, wc2_row, bc2)



def _sc_msg_body(hn_hbm, e_hbm, src_hbm, dst_hbm, out_hbm,
                 acc_sh, src_v, dst_v, e_v, g_v,
                 esem0, esem1, esem2, gsem0, gsem1, gsem2,
                 ssem0, ssem1, ssem2):
    cc = lax.axis_index("c")
    s = lax.axis_index("s")
    wid = cc * NS + s
    esems = (esem0, esem1, esem2)
    gsems = (gsem0, gsem1, gsem2)
    ssems = (ssem0, ssem1, ssem2)

    @pl.loop(0, K)
    def _zfill(i):
        for j in range(NL):
            e_v[0, i, pl.ds(j * 16, 16)] = jnp.zeros((16,), jnp.float32)

    @pl.loop(0, RPT // K)
    def _zacc(r):
        pltpu.sync_copy(e_v.at[0], acc_sh.at[pl.ds(s * RPT + r * K, K)])

    plsc.subcore_barrier()

    def _issue(sb, c, b):
        ebase = wid * EPW + (sb * SB + c) * K
        pltpu.async_copy(e_hbm.at[pl.ds(ebase, K)], e_v.at[b], esems[b])
        pltpu.async_copy(hn_hbm.at[src_v.at[c]], g_v.at[b], gsems[b])

    def _body(c, b):
        pltpu.make_async_copy(e_hbm.at[pl.ds(0, K)], e_v.at[b],
                              esems[b]).wait()
        pltpu.make_async_copy(hn_hbm.at[src_v.at[c]], g_v.at[b],
                              gsems[b]).wait()

        @pl.loop(0, K)
        def _rows(i):
            for j in range(NL):
                sl = pl.ds(j * 16, 16)
                e_v[b, i, sl] = jnp.maximum(e_v[b, i, sl] + g_v[b, i, sl], 0.0)

        pltpu.async_copy(e_v.at[b], acc_sh.at[dst_v.at[c]], ssems[b],
                         add=True)

        @pl.when(c > 0)
        def _drain_prev():
            bp = (b + NB - 1) % NB
            pltpu.make_async_copy(e_v.at[bp], acc_sh.at[dst_v.at[c]],
                                  ssems[bp]).wait()

    @pl.loop(0, NSB)
    def _super(sb):
        pltpu.sync_copy(src_hbm.at[wid, sb], src_v)
        pltpu.sync_copy(dst_hbm.at[wid, sb], dst_v)
        _issue(sb, 0, 0)
        _issue(sb, 1, 1)

        @pl.loop(0, SB // NB)
        def _triple(t):
            for k in range(NB):
                c = t * NB + k
                _body(c, k)

                bn = (k + 2) % NB

                @pl.when(c + 2 < SB)
                def _prefetch():
                    _issue(sb, c + 2, bn)

        _body(SB - 1, (SB - 1) % NB)

        bl = (SB - 1) % NB
        pltpu.make_async_copy(e_v.at[bl], acc_sh.at[dst_v.at[SB - 1]],
                              ssems[bl]).wait()

    plsc.subcore_barrier()

    @pl.loop(0, 5)
    def _out(r):
        rows = RPT // 5
        base = s * RPT + r * rows
        pltpu.sync_copy(acc_sh.at[pl.ds(base, rows)],
                        out_hbm.at[cc, pl.ds(base, rows)])


@functools.lru_cache(maxsize=1)
def _sc_msg_kernel():
    return pl.kernel(
        _sc_msg_body,
        out_type=jax.ShapeDtypeStruct((NC, NP, D), jnp.float32),
        mesh=plsc.VectorSubcoreMesh(core_axis_name="c", subcore_axis_name="s",
                                    num_cores=NC, num_subcores=NS),
        scratch_types=[
            pltpu.VMEM_SHARED((NP, D), jnp.float32),
            pltpu.VMEM((SB, K), jnp.int32),
            pltpu.VMEM((SB, K), jnp.int32),
            pltpu.VMEM((NB, K, D), jnp.float32),
            pltpu.VMEM((NB, K, D), jnp.float32),
            pltpu.SemaphoreType.DMA,
            pltpu.SemaphoreType.DMA,
            pltpu.SemaphoreType.DMA,
            pltpu.SemaphoreType.DMA,
            pltpu.SemaphoreType.DMA,
            pltpu.SemaphoreType.DMA,
            pltpu.SemaphoreType.DMA,
            pltpu.SemaphoreType.DMA,
            pltpu.SemaphoreType.DMA,
        ],
    )


def _sc_msg(hn, e, src, dst):
    return _sc_msg_kernel()(hn, e, src, dst)



def kernel(x, edge_attr, edge_index, bn0_g, bn0_b, We0, be0, eps0, W1_0, b1_0,
           mg0, mb0, W2_0, b2_0, bn1_g, bn1_b, We1, be1, eps1, W1_1, b1_1,
           mg1, mb1, W2_1, b2_1, Wc1, bc1, cg, cb, Wc2, bc2):
    r = lambda v: v.reshape(1, D)
    src = edge_index[0].reshape(NW, NSB, SB, K)
    dst = edge_index[1].reshape(NW, NSB, SB, K)

    hn0 = _node_bn(x, r(bn0_g), r(bn0_b))
    e0 = _edge_proj(edge_attr, We0, r(be0))
    e1 = _edge_proj(edge_attr, We1, r(be1))

    p0 = _sc_msg(hn0, e0, src, dst)
    h, ha = _dense_mid(hn0, p0, (1.0 + eps0).reshape(1, 1), W1_0, r(b1_0),
                       r(mg0), r(mb0), W2_0, r(b2_0), r(bn1_g), r(bn1_b))

    p1 = _sc_msg(ha, e1, src, dst)
    out = _dense_final(ha, p1, h, (1.0 + eps1).reshape(1, 1), W1_1, r(b1_1),
                       r(mg1), r(mb1), W2_1, r(b2_1), Wc1, r(bc1), r(cg),
                       r(cb), Wc2.reshape(1, D), bc2.reshape(1, 1))
    return out.reshape(-1)

# --- scband reference (transcript-rebuilt; emitter-appended) ---
"""Pipeline reference for scband-m12-70480413327935 (READ-ONLY COPY).

The authoritative reference and input builder live on the scoring server;
editing this copy changes nothing except your own understanding.
"""

import jax, jax.numpy as jnp
import numpy as np

N_NODES = 10000
N_EDGES = 320000
D_FEAT = 128
D_EDGE = 16
D_HID = 128
D_MLP = 128


def _bn(h, g, b):
    mu = jnp.mean(h, axis=0)
    var = jnp.mean((h - mu) ** 2, axis=0)
    return (h - mu) / jnp.sqrt(var + 1e-5) * g + b


def _leaky(x):
    return jnp.where(x > 0.0, x, 0.01 * x)


def _forward(x, edge_attr, bn0_g, bn0_b, We0, be0, eps0, W1_0, b1_0, mg0, mb0, W2_0, b2_0, bn1_g, bn1_b, We1, be1, eps1, W1_1, b1_1, mg1, mb1, W2_1, b2_1, Wc1, bc1, cg, cb, Wc2, bc2, edge_index):
    src = edge_index[0]
    dst = edge_index[1]
    n = x.shape[0]
    # ---- GINE layer 0 (no pre-activation, no residual) ----
    hn = _bn(x, bn0_g, bn0_b)
    e = edge_attr @ We0 + be0
    m = jax.nn.relu(hn[src] + e)
    aggr = jax.ops.segment_sum(m, dst, num_segments=n)
    z = (1.0 + eps0) * hn + aggr
    z = _leaky(_bn(z @ W1_0 + b1_0, mg0, mb0))
    h = z @ W2_0 + b2_0
    # ---- GINE layer 1 (pre-act LeakyReLU + residual add) ----
    hn = _bn(h, bn1_g, bn1_b)
    ha = _leaky(hn)
    e = edge_attr @ We1 + be1
    m = jax.nn.relu(ha[src] + e)
    aggr = jax.ops.segment_sum(m, dst, num_segments=n)
    z = (1.0 + eps1) * ha + aggr
    z = _leaky(_bn(z @ W1_1 + b1_1, mg1, mb1))
    h = h + (z @ W2_1 + b2_1)
    # ---- classifier head ----
    c = _leaky(_bn(h @ Wc1 + bc1, cg, cb))
    c = c @ Wc2 + bc2
    return c.reshape(-1)


def setup_inputs(seed: int = 0):
    key = jax.random.key(seed)
    ks = jax.random.split(key, 16)

    def w(k, shape):
        return (jax.random.normal(k, shape, dtype=jnp.float32) / np.sqrt(shape[0])).astype(jnp.float32)

    inp = {}
    inp["x"] = jax.random.normal(ks[0], (N_NODES, D_FEAT), dtype=jnp.float32)
    inp["edge_attr"] = jax.random.normal(ks[1], (N_EDGES, D_EDGE), dtype=jnp.float32)
    inp["edge_index"] = jax.random.randint(ks[2], (2, N_EDGES), 0, N_NODES, dtype=jnp.int32)
    inp["bn0_g"] = jnp.ones((D_FEAT,), jnp.float32)
    inp["bn0_b"] = jnp.zeros((D_FEAT,), jnp.float32)
    inp["We0"] = w(ks[3], (D_EDGE, D_FEAT))
    inp["be0"] = jnp.zeros((D_FEAT,), jnp.float32)
    inp["eps0"] = jnp.zeros((), jnp.float32)
    inp["W1_0"] = w(ks[4], (D_FEAT, D_HID))
    inp["b1_0"] = jnp.zeros((D_HID,), jnp.float32)
    inp["mg0"] = jnp.ones((D_HID,), jnp.float32)
    inp["mb0"] = jnp.zeros((D_HID,), jnp.float32)
    inp["W2_0"] = w(ks[5], (D_HID, D_HID))
    inp["b2_0"] = jnp.zeros((D_HID,), jnp.float32)
    inp["bn1_g"] = jnp.ones((D_HID,), jnp.float32)
    inp["bn1_b"] = jnp.zeros((D_HID,), jnp.float32)
    inp["We1"] = w(ks[6], (D_EDGE, D_HID))
    inp["be1"] = jnp.zeros((D_HID,), jnp.float32)
    inp["eps1"] = jnp.zeros((), jnp.float32)
    inp["W1_1"] = w(ks[7], (D_HID, D_HID))
    inp["b1_1"] = jnp.zeros((D_HID,), jnp.float32)
    inp["mg1"] = jnp.ones((D_HID,), jnp.float32)
    inp["mb1"] = jnp.zeros((D_HID,), jnp.float32)
    inp["W2_1"] = w(ks[8], (D_HID, D_HID))
    inp["b2_1"] = jnp.zeros((D_HID,), jnp.float32)
    inp["Wc1"] = w(ks[9], (D_HID, D_MLP))
    inp["bc1"] = jnp.zeros((D_MLP,), jnp.float32)
    inp["cg"] = jnp.ones((D_MLP,), jnp.float32)
    inp["cb"] = jnp.zeros((D_MLP,), jnp.float32)
    inp["Wc2"] = w(ks[10], (D_MLP, 1))
    inp["bc2"] = jnp.zeros((1,), jnp.float32)
    return inp


def reference(x, edge_attr, edge_index, bn0_g, bn0_b, We0, be0, eps0, W1_0, b1_0, mg0, mb0, W2_0, b2_0, bn1_g, bn1_b, We1, be1, eps1, W1_1, b1_1, mg1, mb1, W2_1, b2_1, Wc1, bc1, cg, cb, Wc2, bc2):
    return _forward(x, edge_attr, bn0_g, bn0_b, We0, be0, eps0, W1_0, b1_0, mg0, mb0, W2_0, b2_0, bn1_g, bn1_b, We1, be1, eps1, W1_1, b1_1, mg1, mb1, W2_1, b2_1, Wc1, bc1, cg, cb, Wc2, bc2, edge_index)

if __name__ == "__main__":
    import jax
    _d = setup_inputs()
    print(jax.jit(kernel)(*tuple(_d.values())))

</pallas_src>

<mosaic_0001>
#map = affine_map<(d0, d1) -> (0, 0)>
#map1 = affine_map<(d0, d1) -> (0, 0, 0, 0)>
#map2 = affine_map<(d0, d1) -> (0, 0, 0)>
module attributes {stable_mosaic.version = 14 : i64} {
  func.func @_sc_msg_body(%arg0: i32, %arg1: i32, %arg2: memref<10000x128xf32, #tpu.memory_space<hbm>>, %arg3: memref<320000x128xf32, #tpu.memory_space<hbm>>, %arg4: memref<32x10x25x40xi32, #tpu.memory_space<hbm>>, %arg5: memref<32x10x25x40xi32, #tpu.memory_space<hbm>>, %arg6: memref<2x10240x128xf32, #tpu.memory_space<hbm>>, %arg7: memref<10240x128xf32, #tpu.memory_space<vmem_shared>>, %arg8: memref<25x40xi32, #tpu.memory_space<vmem>>, %arg9: memref<25x40xi32, #tpu.memory_space<vmem>>, %arg10: memref<3x40x128xf32, #tpu.memory_space<vmem>>, %arg11: memref<3x40x128xf32, #tpu.memory_space<vmem>>, %arg12: memref<!tpu.dma_semaphore, #tpu.memory_space<semaphore_mem>>, %arg13: memref<!tpu.dma_semaphore, #tpu.memory_space<semaphore_mem>>, %arg14: memref<!tpu.dma_semaphore, #tpu.memory_space<semaphore_mem>>, %arg15: memref<!tpu.dma_semaphore, #tpu.memory_space<semaphore_mem>>, %arg16: memref<!tpu.dma_semaphore, #tpu.memory_space<semaphore_mem>>, %arg17: memref<!tpu.dma_semaphore, #tpu.memory_space<semaphore_mem>>, %arg18: memref<!tpu.dma_semaphore, #tpu.memory_space<semaphore_mem>>, %arg19: memref<!tpu.dma_semaphore, #tpu.memory_space<semaphore_mem>>, %arg20: memref<!tpu.dma_semaphore, #tpu.memory_space<semaphore_mem>>) attributes {dimension_semantics = [#tpu.dimension_semantics<core_parallel>, #tpu.dimension_semantics<subcore_parallel>], iteration_bounds = array<i64: 2, 16>, scalar_prefetch = 0 : i64, scratch_operands = 14 : i64, tpu.core_type = #tpu.core_type<sc_vector_subcore>, window_params = [{transform_indices = #map}, {transform_indices = #map}, {transform_indices = #map1}, {transform_indices = #map1}, {transform_indices = #map2}]} {
    %mul3A = arith.constant 16 : i32
    %mul3A_0 = arith.muli %arg0, %mul3A : i32
    %add3A = arith.addi %mul3A_0, %arg1 : i32
    %scan3A = arith.constant 0 : i32
    %scan3A_1 = arith.constant 40 : i32
    %scan3A_2 = arith.addi %scan3A, %scan3A_1 : i32
    %scan3A_3 = arith.constant 1 : i32
    scf.for %scan3A_21 = %scan3A to %scan3A_2 step %scan3A_3  : i32 {
      %mul3A_22 = arith.constant 1 : i32
      %mul3A_23 = arith.muli %scan3A_21, %mul3A_22 : i32
      %add3A_24 = arith.constant 0 : i32
      %add3A_25 = arith.addi %add3A_24, %mul3A_23 : i32
      %broadcast_in_dim3A = arith.constant 0.000000e+00 : f32
      %broadcast_in_dim3A_26 = vector.broadcast %broadcast_in_dim3A : f32 to vector<16xf32>
      %swap3A = arith.constant 0 : i32
      %swap3A_27 = arith.index_cast %swap3A : i32 to index
      %swap3A_28 = arith.index_cast %add3A_25 : i32 to index
      %swap3A_29 = arith.constant 0 : index
      %swap3A_30 = tpu.vector_load %arg10[%swap3A_27, %swap3A_28, %swap3A_29] {strides = array<i32>} : memref<3x40x128xf32, #tpu.memory_space<vmem>>, vector<1x1x16xf32>,
      %swap3A_31 = vector.shape_cast %swap3A_30 : vector<1x1x16xf32> to vector<16xf32>
      %swap3A_32 = vector.shape_cast %broadcast_in_dim3A_26 : vector<16xf32> to vector<1x1x16xf32>
      tpu.vector_store %arg10[%swap3A_27, %swap3A_28, %swap3A_29], %swap3A_32 {strides = array<i32>} : memref<3x40x128xf32, #tpu.memory_space<vmem>>, vector<1x1x16xf32>,
      %broadcast_in_dim3A_33 = arith.constant 0.000000e+00 : f32
      %broadcast_in_dim3A_34 = vector.broadcast %broadcast_in_dim3A_33 : f32 to vector<16xf32>
      %swap3A_35 = arith.constant 0 : i32
      %swap3A_36 = arith.index_cast %swap3A_35 : i32 to index
      %swap3A_37 = arith.index_cast %add3A_25 : i32 to index
      %swap3A_38 = arith.constant 16 : index
      %swap3A_39 = tpu.vector_load %arg10[%swap3A_36, %swap3A_37, %swap3A_38] {strides = array<i32>} : memref<3x40x128xf32, #tpu.memory_space<vmem>>, vector<1x1x16xf32>,
      %swap3A_40 = vector.shape_cast %swap3A_39 : vector<1x1x16xf32> to vector<16xf32>
      %swap3A_41 = vector.shape_cast %broadcast_in_dim3A_34 : vector<16xf32> to vector<1x1x16xf32>
      tpu.vector_store %arg10[%swap3A_36, %swap3A_37, %swap3A_38], %swap3A_41 {strides = array<i32>} : memref<3x40x128xf32, #tpu.memory_space<vmem>>, vector<1x1x16xf32>,
      %broadcast_in_dim3A_42 = arith.constant 0.000000e+00 : f32
      %broadcast_in_dim3A_43 = vector.broadcast %broadcast_in_dim3A_42 : f32 to vector<16xf32>
      %swap3A_44 = arith.constant 0 : i32
      %swap3A_45 = arith.index_cast %swap3A_44 : i32 to index
      %swap3A_46 = arith.index_cast %add3A_25 : i32 to index
      %swap3A_47 = arith.constant 32 : index
      %swap3A_48 = tpu.vector_load %arg10[%swap3A_45, %swap3A_46, %swap3A_47] {strides = array<i32>} : memref<3x40x128xf32, #tpu.memory_space<vmem>>, vector<1x1x16xf32>,
      %swap3A_49 = vector.shape_cast %swap3A_48 : vector<1x1x16xf32> to vector<16xf32>
      %swap3A_50 = vector.shape_cast %broadcast_in_dim3A_43 : vector<16xf32> to vector<1x1x16xf32>
      tpu.vector_store %arg10[%swap3A_45, %swap3A_46, %swap3A_47], %swap3A_50 {strides = array<i32>} : memref<3x40x128xf32, #tpu.memory_space<vmem>>, vector<1x1x16xf32>,
      %broadcast_in_dim3A_51 = arith.constant 0.000000e+00 : f32
      %broadcast_in_dim3A_52 = vector.broadcast %broadcast_in_dim3A_51 : f32 to vector<16xf32>
      %swap3A_53 = arith.constant 0 : i32
      %swap3A_54 = arith.index_cast %swap3A_53 : i32 to index
      %swap3A_55 = arith.index_cast %add3A_25 : i32 to index
      %swap3A_56 = arith.constant 48 : index
      %swap3A_57 = tpu.vector_load %arg10[%swap3A_54, %swap3A_55, %swap3A_56] {strides = array<i32>} : memref<3x40x128xf32, #tpu.memory_space<vmem>>, vector<1x1x16xf32>,
      %swap3A_58 = vector.shape_cast %swap3A_57 : vector<1x1x16xf32> to vector<16xf32>
      %swap3A_59 = vector.shape_cast %broadcast_in_dim3A_52 : vector<16xf32> to vector<1x1x16xf32>
      tpu.vector_store %arg10[%swap3A_54, %swap3A_55, %swap3A_56], %swap3A_59 {strides = array<i32>} : memref<3x40x128xf32, #tpu.memory_space<vmem>>, vector<1x1x16xf32>,
      %broadcast_in_dim3A_60 = arith.constant 0.000000e+00 : f32
      %broadcast_in_dim3A_61 = vector.broadcast %broadcast_in_dim3A_60 : f32 to vector<16xf32>
      %swap3A_62 = arith.constant 0 : i32
      %swap3A_63 = arith.index_cast %swap3A_62 : i32 to index
      %swap3A_64 = arith.index_cast %add3A_25 : i32 to index
      %swap3A_65 = arith.constant 64 : index
      %swap3A_66 = tpu.vector_load %arg10[%swap3A_63, %swap3A_64, %swap3A_65] {strides = array<i32>} : memref<3x40x128xf32, #tpu.memory_space<vmem>>, vector<1x1x16xf32>,
      %swap3A_67 = vector.shape_cast %swap3A_66 : vector<1x1x16xf32> to vector<16xf32>
      %swap3A_68 = vector.shape_cast %broadcast_in_dim3A_61 : vector<16xf32> to vector<1x1x16xf32>
      tpu.vector_store %arg10[%swap3A_63, %swap3A_64, %swap3A_65], %swap3A_68 {strides = array<i32>} : memref<3x40x128xf32, #tpu.memory_space<vmem>>, vector<1x1x16xf32>,
      %broadcast_in_dim3A_69 = arith.constant 0.000000e+00 : f32
      %broadcast_in_dim3A_70 = vector.broadcast %broadcast_in_dim3A_69 : f32 to vector<16xf32>
      %swap3A_71 = arith.constant 0 : i32
      %swap3A_72 = arith.index_cast %swap3A_71 : i32 to index
      %swap3A_73 = arith.index_cast %add3A_25 : i32 to index
      %swap3A_74 = arith.constant 80 : index
      %swap3A_75 = tpu.vector_load %arg10[%swap3A_72, %swap3A_73, %swap3A_74] {strides = array<i32>} : memref<3x40x128xf32, #tpu.memory_space<vmem>>, vector<1x1x16xf32>,
      %swap3A_76 = vector.shape_cast %swap3A_75 : vector<1x1x16xf32> to vector<16xf32>
      %swap3A_77 = vector.shape_cast %broadcast_in_dim3A_70 : vector<16xf32> to vector<1x1x16xf32>
      tpu.vector_store %arg10[%swap3A_72, %swap3A_73, %swap3A_74], %swap3A_77 {strides = array<i32>} : memref<3x40x128xf32, #tpu.memory_space<vmem>>, vector<1x1x16xf32>,
      %broadcast_in_dim3A_78 = arith.constant 0.000000e+00 : f32
      %broadcast_in_dim3A_79 = vector.broadcast %broadcast_in_dim3A_78 : f32 to vector<16xf32>
      %swap3A_80 = arith.constant 0 : i32
      %swap3A_81 = arith.index_cast %swap3A_80 : i32 to index
      %swap3A_82 = arith.index_cast %add3A_25 : i32 to index
      %swap3A_83 = arith.constant 96 : index
      %swap3A_84 = tpu.vector_load %arg10[%swap3A_81, %swap3A_82, %swap3A_83] {strides = array<i32>} : memref<3x40x128xf32, #tpu.memory_space<vmem>>, vector<1x1x16xf32>,
      %swap3A_85 = vector.shape_cast %swap3A_84 : vector<1x1x16xf32> to vector<16xf32>
      %swap3A_86 = vector.shape_cast %broadcast_in_dim3A_79 : vector<16xf32> to vector<1x1x16xf32>
      tpu.vector_store %arg10[%swap3A_81, %swap3A_82, %swap3A_83], %swap3A_86 {strides = array<i32>} : memref<3x40x128xf32, #tpu.memory_space<vmem>>, vector<1x1x16xf32>,
      %broadcast_in_dim3A_87 = arith.constant 0.000000e+00 : f32
      %broadcast_in_dim3A_88 = vector.broadcast %broadcast_in_dim3A_87 : f32 to vector<16xf32>
      %swap3A_89 = arith.constant 0 : i32
      %swap3A_90 = arith.index_cast %swap3A_89 : i32 to index
      %swap3A_91 = arith.index_cast %add3A_25 : i32 to index
      %swap3A_92 = arith.constant 112 : index
      %swap3A_93 = tpu.vector_load %arg10[%swap3A_90, %swap3A_91, %swap3A_92] {strides = array<i32>} : memref<3x40x128xf32, #tpu.memory_space<vmem>>, vector<1x1x16xf32>,
      %swap3A_94 = vector.shape_cast %swap3A_93 : vector<1x1x16xf32> to vector<16xf32>
      %swap3A_95 = vector.shape_cast %broadcast_in_dim3A_88 : vector<16xf32> to vector<1x1x16xf32>
      tpu.vector_store %arg10[%swap3A_90, %swap3A_91, %swap3A_92], %swap3A_95 {strides = array<i32>} : memref<3x40x128xf32, #tpu.memory_space<vmem>>, vector<1x1x16xf32>,
    }
    %scan3A_4 = arith.constant 40 : i32
    %scan3A_5 = arith.constant 0 : i32
    %scan3A_6 = arith.constant 16 : i32
    %scan3A_7 = arith.addi %scan3A_5, %scan3A_6 : i32
    %scan3A_8 = arith.constant 1 : i32
    scf.for %scan3A_21 = %scan3A_5 to %scan3A_7 step %scan3A_8  : i32 {
      %mul3A_22 = arith.constant 1 : i32
      %mul3A_23 = arith.muli %scan3A_21, %mul3A_22 : i32
      %add3A_24 = arith.constant 0 : i32
      %add3A_25 = arith.addi %add3A_24, %mul3A_23 : i32
      %mul3A_26 = arith.constant 640 : i32
      %mul3A_27 = arith.muli %arg1, %mul3A_26 : i32
      %mul3A_28 = arith.constant 40 : i32
      %mul3A_29 = arith.muli %add3A_25, %mul3A_28 : i32
      %add3A_30 = arith.addi %mul3A_27, %mul3A_29 : i32
      %run_scoped3A = arith.constant 0 : i32
      "tpu.region"() ({
        %run_scoped3A_31 = tpu.sem_alloc : memref<!tpu.dma_semaphore, #tpu.memory_space<semaphore_mem>>
        %dma_start3A = arith.constant 0 : i32
        %dma_start3A_32 = arith.constant 0 : i32
        %dma_start3A_33 = tpu.memref_slice %arg10[%run_scoped3A, %dma_start3A, %dma_start3A_32] : memref<3x40x128xf32, #tpu.memory_space<vmem>> -> memref<1x40x128xf32, #tpu.memory_space<vmem>>
        %dma_start3A_34 = tpu.memref_squeeze %dma_start3A_33 : memref<1x40x128xf32, #tpu.memory_space<vmem>> -> memref<40x128xf32, #tpu.memory_space<vmem>>
        %dma_start3A_35 = arith.constant 0 : i32
        %dma_start3A_36 = tpu.memref_slice %arg7[%add3A_30, %dma_start3A_35] : memref<10240x128xf32, #tpu.memory_space<vmem_shared>> -> memref<40x128xf32, #tpu.memory_space<vmem_shared>>
        %dma_start3A_37 = arith.constant 0 : i32
        %dma_start3A_38 = tpu.memref_slice %arg7[%add3A_30, %dma_start3A_37] : memref<10240x128xf32, #tpu.memory_space<vmem_shared>> -> memref<40x128xf32, #tpu.memory_space<vmem_shared>>
        %dma_start3A_39 = arith.constant 0 : i32
        %dma_start3A_40 = arith.constant 0 : i32
        %dma_start3A_41 = tpu.memref_slice %arg10[%run_scoped3A, %dma_start3A_39, %dma_start3A_40] : memref<3x40x128xf32, #tpu.memory_space<vmem>> -> memref<1x40x128xf32, #tpu.memory_space<vmem>>
        %dma_start3A_42 = tpu.memref_squeeze %dma_start3A_41 : memref<1x40x128xf32, #tpu.memory_space<vmem>> -> memref<40x128xf32, #tpu.memory_space<vmem>>
        tpu.enqueue_dma source(%dma_start3A_42 : memref<40x128xf32, #tpu.memory_space<vmem>>) target(%dma_start3A_38 : memref<40x128xf32, #tpu.memory_space<vmem_shared>>) target_semaphore(%run_scoped3A_31 : memref<!tpu.dma_semaphore, #tpu.memory_space<semaphore_mem>>)
        %dma_wait3A = arith.constant 0 : i32
        %dma_wait3A_43 = arith.constant 0 : i32
        %dma_wait3A_44 = tpu.memref_slice %arg10[%run_scoped3A, %dma_wait3A, %dma_wait3A_43] : memref<3x40x128xf32, #tpu.memory_space<vmem>> -> memref<1x40x128xf32, #tpu.memory_space<vmem>>
        %dma_wait3A_45 = tpu.memref_squeeze %dma_wait3A_44 : memref<1x40x128xf32, #tpu.memory_space<vmem>> -> memref<40x128xf32, #tpu.memory_space<vmem>>
        %dma_wait3A_46 = arith.constant 0 : i32
        %dma_wait3A_47 = tpu.memref_slice %arg7[%add3A_30, %dma_wait3A_46] : memref<10240x128xf32, #tpu.memory_space<vmem_shared>> -> memref<40x128xf32, #tpu.memory_space<vmem_shared>>
        %dma_wait3A_48 = arith.constant 0 : i32
        %dma_wait3A_49 = tpu.memref_slice %arg7[%add3A_30, %dma_wait3A_48] : memref<10240x128xf32, #tpu.memory_space<vmem_shared>> -> memref<40x128xf32, #tpu.memory_space<vmem_shared>>
        %dma_wait3A_50 = arith.constant 0 : i32
        %dma_wait3A_51 = arith.constant 0 : i32
        %dma_wait3A_52 = tpu.memref_slice %arg10[%run_scoped3A, %dma_wait3A_50, %dma_wait3A_51] : memref<3x40x128xf32, #tpu.memory_space<vmem>> -> memref<1x40x128xf32, #tpu.memory_space<vmem>>
        %dma_wait3A_53 = tpu.memref_squeeze %dma_wait3A_52 : memref<1x40x128xf32, #tpu.memory_space<vmem>> -> memref<40x128xf32, #tpu.memory_space<vmem>>
        tpu.wait_dma2 semaphore(%run_scoped3A_31 : memref<!tpu.dma_semaphore, #tpu.memory_space<semaphore_mem>>) src(%dma_wait3A_53 : memref<40x128xf32, #tpu.memory_space<vmem>>) dst(%dma_wait3A_49 : memref<40x128xf32, #tpu.memory_space<vmem_shared>>)
        tpu.yield
      }) : () -> ()
    }
    %scan3A_9 = arith.constant 16 : i32
    %barrier3A = arith.constant 0 : index
    tpu.barrier barrier_id(%barrier3A)
    %scan3A_10 = arith.constant 0 : i32
    %scan3A_11 = arith.constant 10 : i32
    %scan3A_12 = arith.addi %scan3A_10, %scan3A_11 : i32
    %scan3A_13 = arith.constant 1 : i32
    scf.for %scan3A_21 = %scan3A_10 to %scan3A_12 step %scan3A_13  : i32 {
      %mul3A_22 = arith.constant 1 : i32
      %mul3A_23 = arith.muli %scan3A_21, %mul3A_22 : i32
      %add3A_24 = arith.constant 0 : i32
      %add3A_25 = arith.addi %add3A_24, %mul3A_23 : i32
      "tpu.region"() ({
        %run_scoped3A = tpu.sem_alloc : memref<!tpu.dma_semaphore, #tpu.memory_space<semaphore_mem>>
        %dma_start3A_165 = arith.constant 0 : i32
        %dma_start3A_166 = arith.constant 0 : i32
        %dma_start3A_167 = tpu.memref_slice %arg4[%add3A, %add3A_25, %dma_start3A_165, %dma_start3A_166] : memref<32x10x25x40xi32, #tpu.memory_space<hbm>> -> memref<1x1x25x40xi32, #tpu.memory_space<hbm>>
        %dma_start3A_168 = tpu.memref_squeeze %dma_start3A_167 : memref<1x1x25x40xi32, #tpu.memory_space<hbm>> -> memref<25x40xi32, #tpu.memory_space<hbm>>
        %dma_start3A_169 = arith.constant 0 : i32
        %dma_start3A_170 = arith.constant 0 : i32
        %dma_start3A_171 = tpu.memref_slice %arg4[%add3A, %add3A_25, %dma_start3A_169, %dma_start3A_170] : memref<32x10x25x40xi32, #tpu.memory_space<hbm>> -> memref<1x1x25x40xi32, #tpu.memory_space<hbm>>
        %dma_start3A_172 = tpu.memref_squeeze %dma_start3A_171 : memref<1x1x25x40xi32, #tpu.memory_space<hbm>> -> memref<25x40xi32, #tpu.memory_space<hbm>>
        tpu.enqueue_dma source(%dma_start3A_172 : memref<25x40xi32, #tpu.memory_space<hbm>>) target(%arg8 : memref<25x40xi32, #tpu.memory_space<vmem>>) target_semaphore(%run_scoped3A : memref<!tpu.dma_semaphore, #tpu.memory_space<semaphore_mem>>)
        %dma_wait3A_173 = arith.constant 0 : i32
        %dma_wait3A_174 = arith.constant 0 : i32
        %dma_wait3A_175 = tpu.memref_slice %arg4[%add3A, %add3A_25, %dma_wait3A_173, %dma_wait3A_174] : memref<32x10x25x40xi32, #tpu.memory_space<hbm>> -> memref<1x1x25x40xi32, #tpu.memory_space<hbm>>
        %dma_wait3A_176 = tpu.memref_squeeze %dma_wait3A_175 : memref<1x1x25x40xi32, #tpu.memory_space<hbm>> -> memref<25x40xi32, #tpu.memory_space<hbm>>
        %dma_wait3A_177 = arith.constant 0 : i32
        %dma_wait3A_178 = arith.constant 0 : i32
        %dma_wait3A_179 = tpu.memref_slice %arg4[%add3A, %add3A_25, %dma_wait3A_177, %dma_wait3A_178] : memref<32x10x25x40xi32, #tpu.memory_space<hbm>> -> memref<1x1x25x40xi32, #tpu.memory_space<hbm>>
        %dma_wait3A_180 = tpu.memref_squeeze %dma_wait3A_179 : memref<1x1x25x40xi32, #tpu.memory_space<hbm>> -> memref<25x40xi32, #tpu.memory_space<hbm>>
        tpu.wait_dma2 semaphore(%run_scoped3A : memref<!tpu.dma_semaphore, #tpu.memory_space<semaphore_mem>>) src(%dma_wait3A_180 : memref<25x40xi32, #tpu.memory_space<hbm>>) dst(%arg8 : memref<25x40xi32, #tpu.memory_space<vmem>>)
        tpu.yield
      }) : () -> ()
      "tpu.region"() ({
        %run_scoped3A = tpu.sem_alloc : memref<!tpu.dma_semaphore, #tpu.memory_space<semaphore_mem>>
        %dma_start3A_165 = arith.constant 0 : i32
        %dma_start3A_166 = arith.constant 0 : i32
        %dma_start3A_167 = tpu.memref_slice %arg5[%add3A, %add3A_25, %dma_start3A_165, %dma_start3A_166] : memref<32x10x25x40xi32, #tpu.memory_space<hbm>> -> memref<1x1x25x40xi32, #tpu.memory_space<hbm>>
        %dma_start3A_168 = tpu.memref_squeeze %dma_start3A_167 : memref<1x1x25x40xi32, #tpu.memory_space<hbm>> -> memref<25x40xi32, #tpu.memory_space<hbm>>
        %dma_start3A_169 = arith.constant 0 : i32
        %dma_start3A_170 = arith.constant 0 : i32
        %dma_start3A_171 = tpu.memref_slice %arg5[%add3A, %add3A_25, %dma_start3A_169, %dma_start3A_170] : memref<32x10x25x40xi32, #tpu.memory_space<hbm>> -> memref<1x1x25x40xi32, #tpu.memory_space<hbm>>
        %dma_start3A_172 = tpu.memref_squeeze %dma_start3A_171 : memref<1x1x25x40xi32, #tpu.memory_space<hbm>> -> memref<25x40xi32, #tpu.memory_space<hbm>>
        tpu.enqueue_dma source(%dma_start3A_172 : memref<25x40xi32, #tpu.memory_space<hbm>>) target(%arg9 : memref<25x40xi32, #tpu.memory_space<vmem>>) target_semaphore(%run_scoped3A : memref<!tpu.dma_semaphore, #tpu.memory_space<semaphore_mem>>)
        %dma_wait3A_173 = arith.constant 0 : i32
        %dma_wait3A_174 = arith.constant 0 : i32
        %dma_wait3A_175 = tpu.memref_slice %arg5[%add3A, %add3A_25, %dma_wait3A_173, %dma_wait3A_174] : memref<32x10x25x40xi32, #tpu.memory_space<hbm>> -> memref<1x1x25x40xi32, #tpu.memory_space<hbm>>
        %dma_wait3A_176 = tpu.memref_squeeze %dma_wait3A_175 : memref<1x1x25x40xi32, #tpu.memory_space<hbm>> -> memref<25x40xi32, #tpu.memory_space<hbm>>
        %dma_wait3A_177 = arith.constant 0 : i32
        %dma_wait3A_178 = arith.constant 0 : i32
        %dma_wait3A_179 = tpu.memref_slice %arg5[%add3A, %add3A_25, %dma_wait3A_177, %dma_wait3A_178] : memref<32x10x25x40xi32, #tpu.memory_space<hbm>> -> memref<1x1x25x40xi32, #tpu.memory_space<hbm>>
        %dma_wait3A_180 = tpu.memref_squeeze %dma_wait3A_179 : memref<1x1x25x40xi32, #tpu.memory_space<hbm>> -> memref<25x40xi32, #tpu.memory_space<hbm>>
        tpu.wait_dma2 semaphore(%run_scoped3A : memref<!tpu.dma_semaphore, #tpu.memory_space<semaphore_mem>>) src(%dma_wait3A_180 : memref<25x40xi32, #tpu.memory_space<hbm>>) dst(%arg9 : memref<25x40xi32, #tpu.memory_space<vmem>>)
        tpu.yield
      }) : () -> ()
      %mul3A_26 = arith.constant 10000 : i32
      %mul3A_27 = arith.muli %add3A, %mul3A_26 : i32
      %mul3A_28 = arith.constant 25 : i32
      %mul3A_29 = arith.muli %add3A_25, %mul3A_28 : i32
      %add3A_30 = arith.constant 0 : i32
      %add3A_31 = arith.addi %mul3A_29, %add3A_30 : i32
      %mul3A_32 = arith.constant 40 : i32
      %mul3A_33 = arith.muli %add3A_31, %mul3A_32 : i32
      %add3A_34 = arith.addi %mul3A_27, %mul3A_33 : i32
      %dma_start3A = arith.constant 0 : i32
      %dma_start3A_35 = arith.constant 0 : i32
      %dma_start3A_36 = arith.constant 0 : i32
      %dma_start3A_37 = tpu.memref_slice %arg10[%dma_start3A, %dma_start3A_35, %dma_start3A_36] : memref<3x40x128xf32, #tpu.memory_space<vmem>> -> memref<1x40x128xf32, #tpu.memory_space<vmem>>
      %dma_start3A_38 = tpu.memref_squeeze %dma_start3A_37 : memref<1x40x128xf32, #tpu.memory_space<vmem>> -> memref<40x128xf32, #tpu.memory_space<vmem>>
      %dma_start3A_39 = arith.constant 0 : i32
      %dma_start3A_40 = tpu.memref_slice %arg3[%add3A_34, %dma_start3A_39] : memref<320000x128xf32, #tpu.memory_space<hbm>> -> memref<40x128xf32, #tpu.memory_space<hbm>>
      %dma_start3A_41 = arith.constant 0 : i32
      %dma_start3A_42 = arith.constant 0 : i32
      %dma_start3A_43 = tpu.memref_slice %arg10[%dma_start3A, %dma_start3A_41, %dma_start3A_42] : memref<3x40x128xf32, #tpu.memory_space<vmem>> -> memref<1x40x128xf32, #tpu.memory_space<vmem>>
      %dma_start3A_44 = tpu.memref_squeeze %dma_start3A_43 : memref<1x40x128xf32, #tpu.memory_space<vmem>> -> memref<40x128xf32, #tpu.memory_space<vmem>>
      %dma_start3A_45 = arith.constant 0 : i32
      %dma_start3A_46 = tpu.memref_slice %arg3[%add3A_34, %dma_start3A_45] : memref<320000x128xf32, #tpu.memory_space<hbm>> -> memref<40x128xf32, #tpu.memory_space<hbm>>
      tpu.enqueue_dma source(%dma_start3A_46 : memref<40x128xf32, #tpu.memory_space<hbm>>) target(%dma_start3A_44 : memref<40x128xf32, #tpu.memory_space<vmem>>) target_semaphore(%arg12 : memref<!tpu.dma_semaphore, #tpu.memory_space<semaphore_mem>>)
      %dma_start3A_47 = arith.constant 0 : i32
      %dma_start3A_48 = arith.constant 0 : i32
      %dma_start3A_49 = arith.constant 0 : i32
      %dma_start3A_50 = arith.constant 0 : i32
      %dma_start3A_51 = tpu.memref_slice %arg11[%dma_start3A_48, %dma_start3A_49, %dma_start3A_50] : memref<3x40x128xf32, #tpu.memory_space<vmem>> -> memref<1x40x128xf32, #tpu.memory_space<vmem>>
      %dma_start3A_52 = tpu.memref_squeeze %dma_start3A_51 : memref<1x40x128xf32, #tpu.memory_space<vmem>> -> memref<40x128xf32, #tpu.memory_space<vmem>>
      %dma_start3A_53 = arith.constant 0 : i32
      %dma_start3A_54 = tpu.memref_slice %arg8[%dma_start3A_47, %dma_start3A_53] : memref<25x40xi32, #tpu.memory_space<vmem>> -> memref<1x40xi32, #tpu.memory_space<vmem>>
      %dma_start3A_55 = tpu.memref_squeeze %dma_start3A_54 : memref<1x40xi32, #tpu.memory_space<vmem>> -> memref<40xi32, #tpu.memory_space<vmem>>
      %dma_start3A_56 = arith.constant 0 : i32
      %dma_start3A_57 = arith.constant 0 : i32
      %dma_start3A_58 = tpu.memref_slice %arg2[%dma_start3A_56, %dma_start3A_57] : memref<10000x128xf32, #tpu.memory_space<hbm>> -> memref<10000x128xf32, #tpu.memory_space<hbm>>
      tpu.enqueue_indirect_dma source(%dma_start3A_58 : memref<10000x128xf32, #tpu.memory_space<hbm>>) target(%dma_start3A_52 : memref<40x128xf32, #tpu.memory_space<vmem>>) offsets(%dma_start3A_55 : memref<40xi32, #tpu.memory_space<vmem>>) semaphore(%arg15 : memref<!tpu.dma_semaphore, #tpu.memory_space<semaphore_mem>>)
      %mul3A_59 = arith.constant 10000 : i32
      %mul3A_60 = arith.muli %add3A, %mul3A_59 : i32
      %mul3A_61 = arith.constant 25 : i32
      %mul3A_62 = arith.muli %add3A_25, %mul3A_61 : i32
      %add3A_63 = arith.constant 1 : i32
      %add3A_64 = arith.addi %mul3A_62, %add3A_63 : i32
      %mul3A_65 = arith.constant 40 : i32
      %mul3A_66 = arith.muli %add3A_64, %mul3A_65 : i32
      %add3A_67 = arith.addi %mul3A_60, %mul3A_66 : i32
      %dma_start3A_68 = arith.constant 1 : i32
      %dma_start3A_69 = arith.constant 0 : i32
      %dma_start3A_70 = arith.constant 0 : i32
      %dma_start3A_71 = tpu.memref_slice %arg10[%dma_start3A_68, %dma_start3A_69, %dma_start3A_70] : memref<3x40x128xf32, #tpu.memory_space<vmem>> -> memref<1x40x128xf32, #tpu.memory_space<vmem>>
      %dma_start3A_72 = tpu.memref_squeeze %dma_start3A_71 : memref<1x40x128xf32, #tpu.memory_space<vmem>> -> memref<40x128xf32, #tpu.memory_space<vmem>>
      %dma_start3A_73 = arith.constant 0 : i32
      %dma_start3A_74 = tpu.memref_slice %arg3[%add3A_67, %dma_start3A_73] : memref<320000x128xf32, #tpu.memory_space<hbm>> -> memref<40x128xf32, #tpu.memory_space<hbm>>
      %dma_start3A_75 = arith.constant 0 : i32
      %dma_start3A_76 = arith.constant 0 : i32
      %dma_start3A_77 = tpu.memref_slice %arg10[%dma_start3A_68, %dma_start3A_75, %dma_start3A_76] : memref<3x40x128xf32, #tpu.memory_space<vmem>> -> memref<1x40x128xf32, #tpu.memory_space<vmem>>
      %dma_start3A_78 = tpu.memref_squeeze %dma_start3A_77 : memref<1x40x128xf32, #tpu.memory_space<vmem>> -> memref<40x128xf32, #tpu.memory_space<vmem>>
      %dma_start3A_79 = arith.constant 0 : i32
      %dma_start3A_80 = tpu.memref_slice %arg3[%add3A_67, %dma_start3A_79] : memref<320000x128xf32, #tpu.memory_space<hbm>> -> memref<40x128xf32, #tpu.memory_space<hbm>>
      tpu.enqueue_dma source(%dma_start3A_80 : memref<40x128xf32, #tpu.memory_space<hbm>>) target(%dma_start3A_78 : memref<40x128xf32, #tpu.memory_space<vmem>>) target_semaphore(%arg13 : memref<!tpu.dma_semaphore, #tpu.memory_space<semaphore_mem>>)
      %dma_start3A_81 = arith.constant 1 : i32
      %dma_start3A_82 = arith.constant 1 : i32
      %dma_start3A_83 = arith.constant 0 : i32
      %dma_start3A_84 = arith.constant 0 : i32
      %dma_start3A_85 = tpu.memref_slice %arg11[%dma_start3A_82, %dma_start3A_83, %dma_start3A_84] : memref<3x40x128xf32, #tpu.memory_space<vmem>> -> memref<1x40x128xf32, #tpu.memory_space<vmem>>
      %dma_start3A_86 = tpu.memref_squeeze %dma_start3A_85 : memref<1x40x128xf32, #tpu.memory_space<vmem>> -> memref<40x128xf32, #tpu.memory_space<vmem>>
      %dma_start3A_87 = arith.constant 0 : i32
      %dma_start3A_88 = tpu.memref_slice %arg8[%dma_start3A_81, %dma_start3A_87] : memref<25x40xi32, #tpu.memory_space<vmem>> -> memref<1x40xi32, #tpu.memory_space<vmem>>
      %dma_start3A_89 = tpu.memref_squeeze %dma_start3A_88 : memref<1x40xi32, #tpu.memory_space<vmem>> -> memref<40xi32, #tpu.memory_space<vmem>>
      %dma_start3A_90 = arith.constant 0 : i32
      %dma_start3A_91 = arith.constant 0 : i32
      %dma_start3A_92 = tpu.memref_slice %arg2[%dma_start3A_90, %dma_start3A_91] : memref<10000x128xf32, #tpu.memory_space<hbm>> -> memref<10000x128xf32, #tpu.memory_space<hbm>>
      tpu.enqueue_indirect_dma source(%dma_start3A_92 : memref<10000x128xf32, #tpu.memory_space<hbm>>) target(%dma_start3A_86 : memref<40x128xf32, #tpu.memory_space<vmem>>) offsets(%dma_start3A_89 : memref<40xi32, #tpu.memory_space<vmem>>) semaphore(%arg16 : memref<!tpu.dma_semaphore, #tpu.memory_space<semaphore_mem>>)
      %scan3A_93 = arith.constant 0 : i32
      %scan3A_94 = arith.constant 8 : i32
      %scan3A_95 = arith.addi %scan3A_93, %scan3A_94 : i32
      %scan3A_96 = arith.constant 1 : i32
      scf.for %scan3A_165 = %scan3A_93 to %scan3A_95 step %scan3A_96  : i32 {
        %mul3A_166 = arith.constant 1 : i32
        %mul3A_167 = arith.muli %scan3A_165, %mul3A_166 : i32
        %add3A_168 = arith.constant 0 : i32
        %add3A_169 = arith.addi %add3A_168, %mul3A_167 : i32
        %mul3A_170 = arith.constant 3 : i32
        %mul3A_171 = arith.muli %add3A_169, %mul3A_170 : i32
        %add3A_172 = arith.constant 0 : i32
        %add3A_173 = arith.addi %mul3A_171, %add3A_172 : i32
        %dma_wait3A_174 = arith.constant 0 : i32
        %dma_wait3A_175 = arith.constant 0 : i32
        %dma_wait3A_176 = arith.constant 0 : i32
        %dma_wait3A_177 = tpu.memref_slice %arg10[%dma_wait3A_174, %dma_wait3A_175, %dma_wait3A_176] : memref<3x40x128xf32, #tpu.memory_space<vmem>> -> memref<1x40x128xf32, #tpu.memory_space<vmem>>
        %dma_wait3A_178 = tpu.memref_squeeze %dma_wait3A_177 : memref<1x40x128xf32, #tpu.memory_space<vmem>> -> memref<40x128xf32, #tpu.memory_space<vmem>>
        %dma_wait3A_179 = arith.constant 0 : i32
        %dma_wait3A_180 = arith.constant 0 : i32
        %dma_wait3A_181 = tpu.memref_slice %arg3[%dma_wait3A_179, %dma_wait3A_180] : memref<320000x128xf32, #tpu.memory_space<hbm>> -> memref<40x128xf32, #tpu.memory_space<hbm>>
        %dma_wait3A_182 = arith.constant 0 : i32
        %dma_wait3A_183 = arith.constant 0 : i32
        %dma_wait3A_184 = tpu.memref_slice %arg10[%dma_wait3A_174, %dma_wait3A_182, %dma_wait3A_183] : memref<3x40x128xf32, #tpu.memory_space<vmem>> -> memref<1x40x128xf32, #tpu.memory_space<vmem>>
        %dma_wait3A_185 = tpu.memref_squeeze %dma_wait3A_184 : memref<1x40x128xf32, #tpu.memory_space<vmem>> -> memref<40x128xf32, #tpu.memory_space<vmem>>
        %dma_wait3A_186 = arith.constant 0 : i32
        %dma_wait3A_187 = arith.constant 0 : i32
        %dma_wait3A_188 = tpu.memref_slice %arg3[%dma_wait3A_186, %dma_wait3A_187] : memref<320000x128xf32, #tpu.memory_space<hbm>> -> memref<40x128xf32, #tpu.memory_space<hbm>>
        tpu.wait_dma2 semaphore(%arg12 : memref<!tpu.dma_semaphore, #tpu.memory_space<semaphore_mem>>) src(%dma_wait3A_188 : memref<40x128xf32, #tpu.memory_space<hbm>>) dst(%dma_wait3A_185 : memref<40x128xf32, #tpu.memory_space<vmem>>)
        %dma_wait3A_189 = arith.constant 0 : i32
        %dma_wait3A_190 = arith.constant 0 : i32
        %dma_wait3A_191 = arith.constant 0 : i32
        %dma_wait3A_192 = tpu.memref_slice %arg11[%dma_wait3A_189, %dma_wait3A_190, %dma_wait3A_191] : memref<3x40x128xf32, #tpu.memory_space<vmem>> -> memref<1x40x128xf32, #tpu.memory_space<vmem>>
        %dma_wait3A_193 = tpu.memref_squeeze %dma_wait3A_192 : memref<1x40x128xf32, #tpu.memory_space<vmem>> -> memref<40x128xf32, #tpu.memory_space<vmem>>
        %dma_wait3A_194 = arith.constant 0 : i32
        %dma_wait3A_195 = tpu.memref_slice %arg8[%add3A_173, %dma_wait3A_194] : memref<25x40xi32, #tpu.memory_space<vmem>> -> memref<1x40xi32, #tpu.memory_space<vmem>>
        %dma_wait3A_196 = tpu.memref_squeeze %dma_wait3A_195 : memref<1x40xi32, #tpu.memory_space<vmem>> -> memref<40xi32, #tpu.memory_space<vmem>>
        %dma_wait3A_197 = arith.constant 0 : i32
        %dma_wait3A_198 = arith.constant 0 : i32
        %dma_wait3A_199 = tpu.memref_slice %arg2[%dma_wait3A_197, %dma_wait3A_198] : memref<10000x128xf32, #tpu.memory_space<hbm>> -> memref<10000x128xf32, #tpu.memory_space<hbm>>
        tpu.wait_indirect_dma semaphore(%arg15 : memref<!tpu.dma_semaphore, #tpu.memory_space<semaphore_mem>>) src(%dma_wait3A_199 : memref<10000x128xf32, #tpu.memory_space<hbm>>) dst(%dma_wait3A_193 : memref<40x128xf32, #tpu.memory_space<vmem>>)
        %scan3A_200 = arith.constant 0 : i32
        %scan3A_201 = arith.constant 40 : i32
        %scan3A_202 = arith.addi %scan3A_200, %scan3A_201 : i32
        %scan3A_203 = arith.constant 1 : i32
        scf.for %scan3A_340 = %scan3A_200 to %scan3A_202 step %scan3A_203  : i32 {
          %mul3A_341 = arith.constant 1 : i32
          %mul3A_342 = arith.muli %scan3A_340, %mul3A_341 : i32
          %add3A_343 = arith.constant 0 : i32
          %add3A_344 = arith.addi %add3A_343, %mul3A_342 : i32
          %get3A = arith.constant 0 : i32
          %get3A_345 = arith.index_cast %get3A : i32 to index
          %get3A_346 = arith.index_cast %add3A_344 : i32 to index
          %get3A_347 = arith.constant 0 : index
          %get3A_348 = tpu.vector_load %arg10[%get3A_345, %get3A_346, %get3A_347] {strides = array<i32>} : memref<3x40x128xf32, #tpu.memory_space<vmem>>, vector<1x1x16xf32>,
          %get3A_349 = vector.shape_cast %get3A_348 : vector<1x1x16xf32> to vector<16xf32>
          %get3A_350 = arith.constant 0 : i32
          %get3A_351 = arith.index_cast %get3A_350 : i32 to index
          %get3A_352 = arith.index_cast %add3A_344 : i32 to index
          %get3A_353 = arith.constant 0 : index
          %get3A_354 = tpu.vector_load %arg11[%get3A_351, %get3A_352, %get3A_353] {strides = array<i32>} : memref<3x40x128xf32, #tpu.memory_space<vmem>>, vector<1x1x16xf32>,
          %get3A_355 = vector.shape_cast %get3A_354 : vector<1x1x16xf32> to vector<16xf32>
          %add3A_356 = arith.addf %get3A_349, %get3A_355 : vector<16xf32>
          %max3A = arith.constant 0.000000e+00 : f32
          %max3A_357 = vector.broadcast %max3A : f32 to vector<16xf32>
          %max3A_358 = arith.maximumf %add3A_356, %max3A_357 : vector<16xf32>
          %swap3A = arith.constant 0 : i32
          %swap3A_359 = arith.index_cast %swap3A : i32 to index
          %swap3A_360 = arith.index_cast %add3A_344 : i32 to index
          %swap3A_361 = arith.constant 0 : index
          %swap3A_362 = tpu.vector_load %arg10[%swap3A_359, %swap3A_360, %swap3A_361] {strides = array<i32>} : memref<3x40x128xf32, #tpu.memory_space<vmem>>, vector<1x1x16xf32>,
          %swap3A_363 = vector.shape_cast %swap3A_362 : vector<1x1x16xf32> to vector<16xf32>
          %swap3A_364 = vector.shape_cast %max3A_358 : vector<16xf32> to vector<1x1x16xf32>
          tpu.vector_store %arg10[%swap3A_359, %swap3A_360, %swap3A_361], %swap3A_364 {strides = array<i32>} : memref<3x40x128xf32, #tpu.memory_space<vmem>>, vector<1x1x16xf32>,
          %get3A_365 = arith.constant 0 : i32
          %get3A_366 = arith.index_cast %get3A_365 : i32 to index
          %get3A_367 = arith.index_cast %add3A_344 : i32 to index
          %get3A_368 = arith.constant 16 : index
          %get3A_369 = tpu.vector_load %arg10[%get3A_366, %get3A_367, %get3A_368] {strides = array<i32>} : memref<3x40x128xf32, #tpu.memory_space<vmem>>, vector<1x1x16xf32>,
          %get3A_370 = vector.shape_cast %get3A_369 : vector<1x1x16xf32> to vector<16xf32>
          %get3A_371 = arith.constant 0 : i32
          %get3A_372 = arith.index_cast %get3A_371 : i32 to index
          %get3A_373 = arith.index_cast %add3A_344 : i32 to index
          %get3A_374 = arith.constant 16 : index
          %get3A_375 = tpu.vector_load %arg11[%get3A_372, %get3A_373, %get3A_374] {strides = array<i32>} : memref<3x40x128xf32, #tpu.memory_space<vmem>>, vector<1x1x16xf32>,
          %get3A_376 = vector.shape_cast %get3A_375 : vector<1x1x16xf32> to vector<16xf32>
          %add3A_377 = arith.addf %get3A_370, %get3A_376 : vector<16xf32>
          %max3A_378 = arith.constant 0.000000e+00 : f32
          %max3A_379 = vector.broadcast %max3A_378 : f32 to vector<16xf32>
          %max3A_380 = arith.maximumf %add3A_377, %max3A_379 : vector<16xf32>
          %swap3A_381 = arith.constant 0 : i32
          %swap3A_382 = arith.index_cast %swap3A_381 : i32 to index
          %swap3A_383 = arith.index_cast %add3A_344 : i32 to index
          %swap3A_384 = arith.constant 16 : index
          %swap3A_385 = tpu.vector_load %arg10[%swap3A_382, %swap3A_383, %swap3A_384] {strides = array<i32>} : memref<3x40x128xf32, #tpu.memory_space<vmem>>, vector<1x1x16xf32>,
          %swap3A_386 = vector.shape_cast %swap3A_385 : vector<1x1x16xf32> to vector<16xf32>
          %swap3A_387 = vector.shape_cast %max3A_380 : vector<16xf32> to vector<1x1x16xf32>
          tpu.vector_store %arg10[%swap3A_382, %swap3A_383, %swap3A_384], %swap3A_387 {strides = array<i32>} : memref<3x40x128xf32, #tpu.memory_space<vmem>>, vector<1x1x16xf32>,
          %get3A_388 = arith.constant 0 : i32
          %get3A_389 = arith.index_cast %get3A_388 : i32 to index
          %get3A_390 = arith.index_cast %add3A_344 : i32 to index
          %get3A_391 = arith.constant 32 : index
          %get3A_392 = tpu.vector_load %arg10[%get3A_389, %get3A_390, %get3A_391] {strides = array<i32>} : memref<3x40x128xf32, #tpu.memory_space<vmem>>, vector<1x1x16xf32>,
          %get3A_393 = vector.shape_cast %get3A_392 : vector<1x1x16xf32> to vector<16xf32>
          %get3A_394 = arith.constant 0 : i32
          %get3A_395 = arith.index_cast %get3A_394 : i32 to index
          %get3A_396 = arith.index_cast %add3A_344 : i32 to index
          %get3A_397 = arith.constant 32 : index
          %get3A_398 = tpu.vector_load %arg11[%get3A_395, %get3A_396, %get3A_397] {strides = array<i32>} : memref<3x40x128xf32, #tpu.memory_space<vmem>>, vector<1x1x16xf32>,
          %get3A_399 = vector.shape_cast %get3A_398 : vector<1x1x16xf32> to vector<16xf32>
          %add3A_400 = arith.addf %get3A_393, %get3A_399 : vector<16xf32>
          %max3A_401 = arith.constant 0.000000e+00 : f32
          %max3A_402 = vector.broadcast %max3A_401 : f32 to vector<16xf32>
          %max3A_403 = arith.maximumf %add3A_400, %max3A_402 : vector<16xf32>
          %swap3A_404 = arith.constant 0 : i32
          %swap3A_405 = arith.index_cast %swap3A_404 : i32 to index
          %swap3A_406 = arith.index_cast %add3A_344 : i32 to index
          %swap3A_407 = arith.constant 32 : index
          %swap3A_408 = tpu.vector_load %arg10[%swap3A_405, %swap3A_406, %swap3A_407] {strides = array<i32>} : memref<3x40x128xf32, #tpu.memory_space<vmem>>, vector<1x1x16xf32>,
          %swap3A_409 = vector.shape_cast %swap3A_408 : vector<1x1x16xf32> to vector<16xf32>
          %swap3A_410 = vector.shape_cast %max3A_403 : vector<16xf32> to vector<1x1x16xf32>
          tpu.vector_store %arg10[%swap3A_405, %swap3A_406, %swap3A_407], %swap3A_410 {strides = array<i32>} : memref<3x40x128xf32, #tpu.memory_space<vmem>>, vector<1x1x16xf32>,
          %get3A_411 = arith.constant 0 : i32
          %get3A_412 = arith.index_cast %get3A_411 : i32 to index
          %get3A_413 = arith.index_cast %add3A_344 : i32 to index
          %get3A_414 = arith.constant 48 : index
          %get3A_415 = tpu.vector_load %arg10[%get3A_412, %get3A_413, %get3A_414] {strides = array<i32>} : memref<3x40x128xf32, #tpu.memory_space<vmem>>, vector<1x1x16xf32>,
          %get3A_416 = vector.shape_cast %get3A_415 : vector<1x1x16xf32> to vector<16xf32>
          %get3A_417 = arith.constant 0 : i32
          %get3A_418 = arith.index_cast %get3A_417 : i32 to index
          %get3A_419 = arith.index_cast %add3A_344 : i32 to index
          %get3A_420 = arith.constant 48 : index
          %get3A_421 = tpu.vector_load %arg11[%get3A_418, %get3A_419, %get3A_420] {strides = array<i32>} : memref<3x40x128xf32, #tpu.memory_space<vmem>>, vector<1x1x16xf32>,
          %get3A_422 = vector.shape_cast %get3A_421 : vector<1x1x16xf32> to vector<16xf32>
          %add3A_423 = arith.addf %get3A_416, %get3A_422 : vector<16xf32>
          %max3A_424 = arith.constant 0.000000e+00 : f32
          %max3A_425 = vector.broadcast %max3A_424 : f32 to vector<16xf32>
          %max3A_426 = arith.maximumf %add3A_423, %max3A_425 : vector<16xf32>
          %swap3A_427 = arith.constant 0 : i32
          %swap3A_428 = arith.index_cast %swap3A_427 : i32 to index
          %swap3A_429 = arith.index_cast %add3A_344 : i32 to index
          %swap3A_430 = arith.constant 48 : index
          %swap3A_431 = tpu.vector_load %arg10[%swap3A_428, %swap3A_429, %swap3A_430] {strides = array<i32>} : memref<3x40x128xf32, #tpu.memory_space<vmem>>, vector<1x1x16xf32>,
          %swap3A_432 = vector.shape_cast %swap3A_431 : vector<1x1x16xf32> to vector<16xf32>
          %swap3A_433 = vector.shape_cast %max3A_426 : vector<16xf32> to vector<1x1x16xf32>
          tpu.vector_store %arg10[%swap3A_428, %swap3A_429, %swap3A_430], %swap3A_433 {strides = array<i32>} : memref<3x40x128xf32, #tpu.memory_space<vmem>>, vector<1x1x16xf32>,
          %get3A_434 = arith.constant 0 : i32
          %get3A_435 = arith.index_cast %get3A_434 : i32 to index
          %get3A_436 = arith.index_cast %add3A_344 : i32 to index
          %get3A_437 = arith.constant 64 : index
          %get3A_438 = tpu.vector_load %arg10[%get3A_435, %get3A_436, %get3A_437] {strides = array<i32>} : memref<3x40x128xf32, #tpu.memory_space<vmem>>, vector<1x1x16xf32>,
          %get3A_439 = vector.shape_cast %get3A_438 : vector<1x1x16xf32> to vector<16xf32>
          %get3A_440 = arith.constant 0 : i32
          %get3A_441 = arith.index_cast %get3A_440 : i32 to index
          %get3A_442 = arith.index_cast %add3A_344 : i32 to index
          %get3A_443 = arith.constant 64 : index
          %get3A_444 = tpu.vector_load %arg11[%get3A_441, %get3A_442, %get3A_443] {strides = array<i32>} : memref<3x40x128xf32, #tpu.memory_space<vmem>>, vector<1x1x16xf32>,
          %get3A_445 = vector.shape_cast %get3A_444 : vector<1x1x16xf32> to vector<16xf32>
          %add3A_446 = arith.addf %get3A_439, %get3A_445 : vector<16xf32>
          %max3A_447 = arith.constant 0.000000e+00 : f32
          %max3A_448 = vector.broadcast %max3A_447 : f32 to vector<16xf32>
          %max3A_449 = arith.maximumf %add3A_446, %max3A_448 : vector<16xf32>
          %swap3A_450 = arith.constant 0 : i32
          %swap3A_451 = arith.index_cast %swap3A_450 : i32 to index
          %swap3A_452 = arith.index_cast %add3A_344 : i32 to index
          %swap3A_453 = arith.constant 64 : index
          %swap3A_454 = tpu.vector_load %arg10[%swap3A_451, %swap3A_452, %swap3A_453] {strides = array<i32>} : memref<3x40x128xf32, #tpu.memory_space<vmem>>, vector<1x1x16xf32>,
          %swap3A_455 = vector.shape_cast %swap3A_454 : vector<1x1x16xf32> to vector<16xf32>
          %swap3A_456 = vector.shape_cast %max3A_449 : vector<16xf32> to vector<1x1x16xf32>
          tpu.vector_store %arg10[%swap3A_451, %swap3A_452, %swap3A_453], %swap3A_456 {strides = array<i32>} : memref<3x40x128xf32, #tpu.memory_space<vmem>>, vector<1x1x16xf32>,
          %get3A_457 = arith.constant 0 : i32
          %get3A_458 = arith.index_cast %get3A_457 : i32 to index
          %get3A_459 = arith.index_cast %add3A_344 : i32 to index
          %get3A_460 = arith.constant 80 : index
          %get3A_461 = tpu.vector_load %arg10[%get3A_458, %get3A_459, %get3A_460] {strides = array<i32>} : memref<3x40x128xf32, #tpu.memory_space<vmem>>, vector<1x1x16xf32>,
          %get3A_462 = vector.shape_cast %get3A_461 : vector<1x1x16xf32> to vector<16xf32>
          %get3A_463 = arith.constant 0 : i32
          %get3A_464 = arith.index_cast %get3A_463 : i32 to index
          %get3A_465 = arith.index_cast %add3A_344 : i32 to index
          %get3A_466 = arith.constant 80 : index
          %get3A_467 = tpu.vector_load %arg11[%get3A_464, %get3A_465, %get3A_466] {strides = array<i32>} : memref<3x40x128xf32, #tpu.memory_space<vmem>>, vector<1x1x16xf32>,
          %get3A_468 = vector.shape_cast %get3A_467 : vector<1x1x16xf32> to vector<16xf32>
          %add3A_469 = arith.addf %get3A_462, %get3A_468 : vector<16xf32>
          %max3A_470 = arith.constant 0.000000e+00 : f32
          %max3A_471 = vector.broadcast %max3A_470 : f32 to vector<16xf32>
          %max3A_472 = arith.maximumf %add3A_469, %max3A_471 : vector<16xf32>
          %swap3A_473 = arith.constant 0 : i32
          %swap3A_474 = arith.index_cast %swap3A_473 : i32 to index
          %swap3A_475 = arith.index_cast %add3A_344 : i32 to index
          %swap3A_476 = arith.constant 80 : index
          %swap3A_477 = tpu.vector_load %arg10[%swap3A_474, %swap3A_475, %swap3A_476] {strides = array<i32>} : memref<3x40x128xf32, #tpu.memory_space<vmem>>, vector<1x1x16xf32>,
          %swap3A_478 = vector.shape_cast %swap3A_477 : vector<1x1x16xf32> to vector<16xf32>
          %swap3A_479 = vector.shape_cast %max3A_472 : vector<16xf32> to vector<1x1x16xf32>
          tpu.vector_store %arg10[%swap3A_474, %swap3A_475, %swap3A_476], %swap3A_479 {strides = array<i32>} : memref<3x40x128xf32, #tpu.memory_space<vmem>>, vector<1x1x16xf32>,
          %get3A_480 = arith.constant 0 : i32
          %get3A_481 = arith.index_cast %get3A_480 : i32 to index
          %get3A_482 = arith.index_cast %add3A_344 : i32 to index
          %get3A_483 = arith.constant 96 : index
          %get3A_484 = tpu.vector_load %arg10[%get3A_481, %get3A_482, %get3A_483] {strides = array<i32>} : memref<3x40x128xf32, #tpu.memory_space<vmem>>, vector<1x1x16xf32>,
          %get3A_485 = vector.shape_cast %get3A_484 : vector<1x1x16xf32> to vector<16xf32>
          %get3A_486 = arith.constant 0 : i32
          %get3A_487 = arith.index_cast %get3A_486 : i32 to index
          %get3A_488 = arith.index_cast %add3A_344 : i32 to index
          %get3A_489 = arith.constant 96 : index
          %get3A_490 = tpu.vector_load %arg11[%get3A_487, %get3A_488, %get3A_489] {strides = array<i32>} : memref<3x40x128xf32, #tpu.memory_space<vmem>>, vector<1x1x16xf32>,
          %get3A_491 = vector.shape_cast %get3A_490 : vector<1x1x16xf32> to vector<16xf32>
          %add3A_492 = arith.addf %get3A_485, %get3A_491 : vector<16xf32>
          %max3A_493 = arith.constant 0.000000e+00 : f32
          %max3A_494 = vector.broadcast %max3A_493 : f32 to vector<16xf32>
          %max3A_495 = arith.maximumf %add3A_492, %max3A_494 : vector<16xf32>
          %swap3A_496 = arith.constant 0 : i32
          %swap3A_497 = arith.index_cast %swap3A_496 : i32 to index
          %swap3A_498 = arith.index_cast %add3A_344 : i32 to index
          %swap3A_499 = arith.constant 96 : index
          %swap3A_500 = tpu.vector_load %arg10[%swap3A_497, %swap3A_498, %swap3A_499] {strides = array<i32>} : memref<3x40x128xf32, #tpu.memory_space<vmem>>, vector<1x1x16xf32>,
          %swap3A_501 = vector.shape_cast %swap3A_500 : vector<1x1x16xf32> to vector<16xf32>
          %swap3A_502 = vector.shape_cast %max3A_495 : vector<16xf32> to vector<1x1x16xf32>
          tpu.vector_store %arg10[%swap3A_497, %swap3A_498, %swap3A_499], %swap3A_502 {strides = array<i32>} : memref<3x40x128xf32, #tpu.memory_space<vmem>>, vector<1x1x16xf32>,
          %get3A_503 = arith.constant 0 : i32
          %get3A_504 = arith.index_cast %get3A_503 : i32 to index
          %get3A_505 = arith.index_cast %add3A_344 : i32 to index
          %get3A_506 = arith.constant 112 : index
          %get3A_507 = tpu.vector_load %arg10[%get3A_504, %get3A_505, %get3A_506] {strides = array<i32>} : memref<3x40x128xf32, #tpu.memory_space<vmem>>, vector<1x1x16xf32>,
          %get3A_508 = vector.shape_cast %get3A_507 : vector<1x1x16xf32> to vector<16xf32>
          %get3A_509 = arith.constant 0 : i32
          %get3A_510 = arith.index_cast %get3A_509 : i32 to index
          %get3A_511 = arith.index_cast %add3A_344 : i32 to index
          %get3A_512 = arith.constant 112 : index
          %get3A_513 = tpu.vector_load %arg11[%get3A_510, %get3A_511, %get3A_512] {strides = array<i32>} : memref<3x40x128xf32, #tpu.memory_space<vmem>>, vector<1x1x16xf32>,
          %get3A_514 = vector.shape_cast %get3A_513 : vector<1x1x16xf32> to vector<16xf32>
          %add3A_515 = arith.addf %get3A_508, %get3A_514 : vector<16xf32>
          %max3A_516 = arith.constant 0.000000e+00 : f32
          %max3A_517 = vector.broadcast %max3A_516 : f32 to vector<16xf32>
          %max3A_518 = arith.maximumf %add3A_515, %max3A_517 : vector<16xf32>
          %swap3A_519 = arith.constant 0 : i32
          %swap3A_520 = arith.index_cast %swap3A_519 : i32 to index
          %swap3A_521 = arith.index_cast %add3A_344 : i32 to index
          %swap3A_522 = arith.constant 112 : index
          %swap3A_523 = tpu.vector_load %arg10[%swap3A_520, %swap3A_521, %swap3A_522] {strides = array<i32>} : memref<3x40x128xf32, #tpu.memory_space<vmem>>, vector<1x1x16xf32>,
          %swap3A_524 = vector.shape_cast %swap3A_523 : vector<1x1x16xf32> to vector<16xf32>
          %swap3A_525 = vector.shape_cast %max3A_518 : vector<16xf32> to vector<1x1x16xf32>
          tpu.vector_store %arg10[%swap3A_520, %swap3A_521, %swap3A_522], %swap3A_525 {strides = array<i32>} : memref<3x40x128xf32, #tpu.memory_space<vmem>>, vector<1x1x16xf32>,
        }
        %scan3A_204 = arith.constant 40 : i32
        %dma_start3A_205 = arith.constant 0 : i32
        %dma_start3A_206 = arith.constant 0 : i32
        %dma_start3A_207 = arith.constant 0 : i32
        %dma_start3A_208 = tpu.memref_slice %arg10[%dma_start3A_205, %dma_start3A_206, %dma_start3A_207] : memref<3x40x128xf32, #tpu.memory_space<vmem>> -> memref<1x40x128xf32, #tpu.memory_space<vmem>>
        %dma_start3A_209 = tpu.memref_squeeze %dma_start3A_208 : memref<1x40x128xf32, #tpu.memory_space<vmem>> -> memref<40x128xf32, #tpu.memory_space<vmem>>
        %dma_start3A_210 = arith.constant 0 : i32
        %dma_start3A_211 = tpu.memref_slice %arg9[%add3A_173, %dma_start3A_210] : memref<25x40xi32, #tpu.memory_space<vmem>> -> memref<1x40xi32, #tpu.memory_space<vmem>>
        %dma_start3A_212 = tpu.memref_squeeze %dma_start3A_211 : memref<1x40xi32, #tpu.memory_space<vmem>> -> memref<40xi32, #tpu.memory_space<vmem>>
        %dma_start3A_213 = arith.constant 0 : i32
        %dma_start3A_214 = arith.constant 0 : i32
        %dma_start3A_215 = tpu.memref_slice %arg7[%dma_start3A_213, %dma_start3A_214] : memref<10240x128xf32, #tpu.memory_space<vmem_shared>> -> memref<10240x128xf32, #tpu.memory_space<vmem_shared>>
        tpu.enqueue_indirect_dma source(%dma_start3A_209 : memref<40x128xf32, #tpu.memory_space<vmem>>) target(%dma_start3A_215 : memref<10240x128xf32, #tpu.memory_space<vmem_shared>>) offsets(%dma_start3A_212 : memref<40xi32, #tpu.memory_space<vmem>>) semaphore(%arg18 : memref<!tpu.dma_semaphore, #tpu.memory_space<semaphore_mem>>) {add = true}
        %gt3A = arith.constant 0 : i32
        %gt3A_216 = arith.cmpi sgt, %add3A_173, %gt3A : i32
        %convert_element_type3A = arith.extui %gt3A_216 : i1 to i32
        %cond3A = arith.constant 0 : i32
        %cond3A_217 = arith.cmpi ne, %convert_element_type3A, %cond3A : i32
        scf.if %cond3A_217 {
          %dma_wait3A_340 = arith.constant 2 : i32
          %dma_wait3A_341 = arith.constant 0 : i32
          %dma_wait3A_342 = arith.constant 0 : i32
          %dma_wait3A_343 = tpu.memref_slice %arg10[%dma_wait3A_340, %dma_wait3A_341, %dma_wait3A_342] : memref<3x40x128xf32, #tpu.memory_space<vmem>> -> memref<1x40x128xf32, #tpu.memory_space<vmem>>
          %dma_wait3A_344 = tpu.memref_squeeze %dma_wait3A_343 : memref<1x40x128xf32, #tpu.memory_space<vmem>> -> memref<40x128xf32, #tpu.memory_space<vmem>>
          %dma_wait3A_345 = arith.constant 0 : i32
          %dma_wait3A_346 = tpu.memref_slice %arg9[%add3A_173, %dma_wait3A_345] : memref<25x40xi32, #tpu.memory_space<vmem>> -> memref<1x40xi32, #tpu.memory_space<vmem>>
          %dma_wait3A_347 = tpu.memref_squeeze %dma_wait3A_346 : memref<1x40xi32, #tpu.memory_space<vmem>> -> memref<40xi32, #tpu.memory_space<vmem>>
          %dma_wait3A_348 = arith.constant 0 : i32
          %dma_wait3A_349 = arith.constant 0 : i32
          %dma_wait3A_350 = tpu.memref_slice %arg7[%dma_wait3A_348, %dma_wait3A_349] : memref<10240x128xf32, #tpu.memory_space<vmem_shared>> -> memref<10240x128xf32, #tpu.memory_space<vmem_shared>>
          tpu.wait_indirect_dma semaphore(%arg20 : memref<!tpu.dma_semaphore, #tpu.memory_space<semaphore_mem>>) src(%dma_wait3A_344 : memref<40x128xf32, #tpu.memory_space<vmem>>) dst(%dma_wait3A_350 : memref<10240x128xf32, #tpu.memory_space<vmem_shared>>)
        } else {
        }
        %add3A_218 = arith.constant 2 : i32
        %add3A_219 = arith.addi %add3A_173, %add3A_218 : i32
        %lt3A = arith.constant 25 : i32
        %lt3A_220 = arith.cmpi slt, %add3A_219, %lt3A : i32
        %convert_element_type3A_221 = arith.extui %lt3A_220 : i1 to i32
        %cond3A_222 = arith.constant 0 : i32
        %cond3A_223 = arith.cmpi ne, %convert_element_type3A_221, %cond3A_222 : i32
        scf.if %cond3A_223 {
          %add3A_340 = arith.constant 2 : i32
          %add3A_341 = arith.addi %add3A_173, %add3A_340 : i32
          %mul3A_342 = arith.constant 10000 : i32
          %mul3A_343 = arith.muli %add3A, %mul3A_342 : i32
          %mul3A_344 = arith.constant 25 : i32
          %mul3A_345 = arith.muli %add3A_25, %mul3A_344 : i32
          %add3A_346 = arith.addi %mul3A_345, %add3A_341 : i32
          %mul3A_347 = arith.constant 40 : i32
          %mul3A_348 = arith.muli %add3A_346, %mul3A_347 : i32
          %add3A_349 = arith.addi %mul3A_343, %mul3A_348 : i32
          %dma_start3A_350 = arith.constant 2 : i32
          %dma_start3A_351 = arith.constant 0 : i32
          %dma_start3A_352 = arith.constant 0 : i32
          %dma_start3A_353 = tpu.memref_slice %arg10[%dma_start3A_350, %dma_start3A_351, %dma_start3A_352] : memref<3x40x128xf32, #tpu.memory_space<vmem>> -> memref<1x40x128xf32, #tpu.memory_space<vmem>>
          %dma_start3A_354 = tpu.memref_squeeze %dma_start3A_353 : memref<1x40x128xf32, #tpu.memory_space<vmem>> -> memref<40x128xf32, #tpu.memory_space<vmem>>
          %dma_start3A_355 = arith.constant 0 : i32
          %dma_start3A_356 = tpu.memref_slice %arg3[%add3A_349, %dma_start3A_355] : memref<320000x128xf32, #tpu.memory_space<hbm>> -> memref<40x128xf32, #tpu.memory_space<hbm>>
          %dma_start3A_357 = arith.constant 0 : i32
          %dma_start3A_358 = arith.constant 0 : i32
          %dma_start3A_359 = tpu.memref_slice %arg10[%dma_start3A_350, %dma_start3A_357, %dma_start3A_358] : memref<3x40x128xf32, #tpu.memory_space<vmem>> -> memref<1x40x128xf32, #tpu.memory_space<vmem>>
          %dma_start3A_360 = tpu.memref_squeeze %dma_start3A_359 : memref<1x40x128xf32, #tpu.memory_space<vmem>> -> memref<40x128xf32, #tpu.memory_space<vmem>>
          %dma_start3A_361 = arith.constant 0 : i32
          %dma_start3A_362 = tpu.memref_slice %arg3[%add3A_349, %dma_start3A_361] : memref<320000x128xf32, #tpu.memory_space<hbm>> -> memref<40x128xf32, #tpu.memory_space<hbm>>
          tpu.enqueue_dma source(%dma_start3A_362 : memref<40x128xf32, #tpu.memory_space<hbm>>) target(%dma_start3A_360 : memref<40x128xf32, #tpu.memory_space<vmem>>) target_semaphore(%arg14 : memref<!tpu.dma_semaphore, #tpu.memory_space<semaphore_mem>>)
          %dma_start3A_363 = arith.constant 2 : i32
          %dma_start3A_364 = arith.constant 0 : i32
          %dma_start3A_365 = arith.constant 0 : i32
          %dma_start3A_366 = tpu.memref_slice %arg11[%dma_start3A_363, %dma_start3A_364, %dma_start3A_365] : memref<3x40x128xf32, #tpu.memory_space<vmem>> -> memref<1x40x128xf32, #tpu.memory_space<vmem>>
          %dma_start3A_367 = tpu.memref_squeeze %dma_start3A_366 : memref<1x40x128xf32, #tpu.memory_space<vmem>> -> memref<40x128xf32, #tpu.memory_space<vmem>>
          %dma_start3A_368 = arith.constant 0 : i32
          %dma_start3A_369 = tpu.memref_slice %arg8[%add3A_341, %dma_start3A_368] : memref<25x40xi32, #tpu.memory_space<vmem>> -> memref<1x40xi32, #tpu.memory_space<vmem>>
          %dma_start3A_370 = tpu.memref_squeeze %dma_start3A_369 : memref<1x40xi32, #tpu.memory_space<vmem>> -> memref<40xi32, #tpu.memory_space<vmem>>
          %dma_start3A_371 = arith.constant 0 : i32
          %dma_start3A_372 = arith.constant 0 : i32
          %dma_start3A_373 = tpu.memref_slice %arg2[%dma_start3A_371, %dma_start3A_372] : memref<10000x128xf32, #tpu.memory_space<hbm>> -> memref<10000x128xf32, #tpu.memory_space<hbm>>
          tpu.enqueue_indirect_dma source(%dma_start3A_373 : memref<10000x128xf32, #tpu.memory_space<hbm>>) target(%dma_start3A_367 : memref<40x128xf32, #tpu.memory_space<vmem>>) offsets(%dma_start3A_370 : memref<40xi32, #tpu.memory_space<vmem>>) semaphore(%arg17 : memref<!tpu.dma_semaphore, #tpu.memory_space<semaphore_mem>>)
        } else {
        }
        %mul3A_224 = arith.constant 3 : i32
        %mul3A_225 = arith.muli %add3A_169, %mul3A_224 : i32
        %add3A_226 = arith.constant 1 : i32
        %add3A_227 = arith.addi %mul3A_225, %add3A_226 : i32
        %dma_wait3A_228 = arith.constant 1 : i32
        %dma_wait3A_229 = arith.constant 0 : i32
        %dma_wait3A_230 = arith.constant 0 : i32
        %dma_wait3A_231 = tpu.memref_slice %arg10[%dma_wait3A_228, %dma_wait3A_229, %dma_wait3A_230] : memref<3x40x128xf32, #tpu.memory_space<vmem>> -> memref<1x40x128xf32, #tpu.memory_space<vmem>>
        %dma_wait3A_232 = tpu.memref_squeeze %dma_wait3A_231 : memref<1x40x128xf32, #tpu.memory_space<vmem>> -> memref<40x128xf32, #tpu.memory_space<vmem>>
        %dma_wait3A_233 = arith.constant 0 : i32
        %dma_wait3A_234 = arith.constant 0 : i32
        %dma_wait3A_235 = tpu.memref_slice %arg3[%dma_wait3A_233, %dma_wait3A_234] : memref<320000x128xf32, #tpu.memory_space<hbm>> -> memref<40x128xf32, #tpu.memory_space<hbm>>
        %dma_wait3A_236 = arith.constant 0 : i32
        %dma_wait3A_237 = arith.constant 0 : i32
        %dma_wait3A_238 = tpu.memref_slice %arg10[%dma_wait3A_228, %dma_wait3A_236, %dma_wait3A_237] : memref<3x40x128xf32, #tpu.memory_space<vmem>> -> memref<1x40x128xf32, #tpu.memory_space<vmem>>
        %dma_wait3A_239 = tpu.memref_squeeze %dma_wait3A_238 : memref<1x40x128xf32, #tpu.memory_space<vmem>> -> memref<40x128xf32, #tpu.memory_space<vmem>>
        %dma_wait3A_240 = arith.constant 0 : i32
        %dma_wait3A_241 = arith.constant 0 : i32
        %dma_wait3A_242 = tpu.memref_slice %arg3[%dma_wait3A_240, %dma_wait3A_241] : memref<320000x128xf32, #tpu.memory_space<hbm>> -> memref<40x128xf32, #tpu.memory_space<hbm>>
        tpu.wait_dma2 semaphore(%arg13 : memref<!tpu.dma_semaphore, #tpu.memory_space<semaphore_mem>>) src(%dma_wait3A_242 : memref<40x128xf32, #tpu.memory_space<hbm>>) dst(%dma_wait3A_239 : memref<40x128xf32, #tpu.memory_space<vmem>>)
        %dma_wait3A_243 = arith.constant 1 : i32
        %dma_wait3A_244 = arith.constant 0 : i32
        %dma_wait3A_245 = arith.constant 0 : i32
        %dma_wait3A_246 = tpu.memref_slice %arg11[%dma_wait3A_243, %dma_wait3A_244, %dma_wait3A_245] : memref<3x40x128xf32, #tpu.memory_space<vmem>> -> memref<1x40x128xf32, #tpu.memory_space<vmem>>
        %dma_wait3A_247 = tpu.memref_squeeze %dma_wait3A_246 : memref<1x40x128xf32, #tpu.memory_space<vmem>> -> memref<40x128xf32, #tpu.memory_space<vmem>>
        %dma_wait3A_248 = arith.constant 0 : i32
        %dma_wait3A_249 = tpu.memref_slice %arg8[%add3A_227, %dma_wait3A_248] : memref<25x40xi32, #tpu.memory_space<vmem>> -> memref<1x40xi32, #tpu.memory_space<vmem>>
        %dma_wait3A_250 = tpu.memref_squeeze %dma_wait3A_249 : memref<1x40xi32, #tpu.memory_space<vmem>> -> memref<40xi32, #tpu.memory_space<vmem>>
        %dma_wait3A_251 = arith.constant 0 : i32
        %dma_wait3A_252 = arith.constant 0 : i32
        %dma_wait3A_253 = tpu.memref_slice %arg2[%dma_wait3A_251, %dma_wait3A_252] : memref<10000x128xf32, #tpu.memory_space<hbm>> -> memref<10000x128xf32, #tpu.memory_space<hbm>>
        tpu.wait_indirect_dma semaphore(%arg16 : memref<!tpu.dma_semaphore, #tpu.memory_space<semaphore_mem>>) src(%dma_wait3A_253 : memref<10000x128xf32, #tpu.memory_space<hbm>>) dst(%dma_wait3A_247 : memref<40x128xf32, #tpu.memory_space<vmem>>)
        %scan3A_254 = arith.constant 0 : i32
        %scan3A_255 = arith.constant 40 : i32
        %scan3A_256 = arith.addi %scan3A_254, %scan3A_255 : i32
        %scan3A_257 = arith.constant 1 : i32
        scf.for %scan3A_340 = %scan3A_254 to %scan3A_256 step %scan3A_257  : i32 {
          %mul3A_341 = arith.constant 1 : i32
          %mul3A_342 = arith.muli %scan3A_340, %mul3A_341 : i32
          %add3A_343 = arith.constant 0 : i32
          %add3A_344 = arith.addi %add3A_343, %mul3A_342 : i32
          %get3A = arith.constant 1 : i32
          %get3A_345 = arith.index_cast %get3A : i32 to index
          %get3A_346 = arith.index_cast %add3A_344 : i32 to index
          %get3A_347 = arith.constant 0 : index
          %get3A_348 = tpu.vector_load %arg10[%get3A_345, %get3A_346, %get3A_347] {strides = array<i32>} : memref<3x40x128xf32, #tpu.memory_space<vmem>>, vector<1x1x16xf32>,
          %get3A_349 = vector.shape_cast %get3A_348 : vector<1x1x16xf32> to vector<16xf32>
          %get3A_350 = arith.constant 1 : i32
          %get3A_351 = arith.index_cast %get3A_350 : i32 to index
          %get3A_352 = arith.index_cast %add3A_344 : i32 to index
          %get3A_353 = arith.constant 0 : index
          %get3A_354 = tpu.vector_load %arg11[%get3A_351, %get3A_352, %get3A_353] {strides = array<i32>} : memref<3x40x128xf32, #tpu.memory_space<vmem>>, vector<1x1x16xf32>,
          %get3A_355 = vector.shape_cast %get3A_354 : vector<1x1x16xf32> to vector<16xf32>
          %add3A_356 = arith.addf %get3A_349, %get3A_355 : vector<16xf32>
          %max3A = arith.constant 0.000000e+00 : f32
          %max3A_357 = vector.broadcast %max3A : f32 to vector<16xf32>
          %max3A_358 = arith.maximumf %add3A_356, %max3A_357 : vector<16xf32>
          %swap3A = arith.constant 1 : i32
          %swap3A_359 = arith.index_cast %swap3A : i32 to index
          %swap3A_360 = arith.index_cast %add3A_344 : i32 to index
          %swap3A_361 = arith.constant 0 : index
          %swap3A_362 = tpu.vector_load %arg10[%swap3A_359, %swap3A_360, %swap3A_361] {strides = array<i32>} : memref<3x40x128xf32, #tpu.memory_space<vmem>>, vector<1x1x16xf32>,
          %swap3A_363 = vector.shape_cast %swap3A_362 : vector<1x1x16xf32> to vector<16xf32>
          %swap3A_364 = vector.shape_cast %max3A_358 : vector<16xf32> to vector<1x1x16xf32>
          tpu.vector_store %arg10[%swap3A_359, %swap3A_360, %swap3A_361], %swap3A_364 {strides = array<i32>} : memref<3x40x128xf32, #tpu.memory_space<vmem>>, vector<1x1x16xf32>,
          %get3A_365 = arith.constant 1 : i32
          %get3A_366 = arith.index_cast %get3A_365 : i32 to index
          %get3A_367 = arith.index_cast %add3A_344 : i32 to index
          %get3A_368 = arith.constant 16 : index
          %get3A_369 = tpu.vector_load %arg10[%get3A_366, %get3A_367, %get3A_368] {strides = array<i32>} : memref<3x40x128xf32, #tpu.memory_space<vmem>>, vector<1x1x16xf32>,
          %get3A_370 = vector.shape_cast %get3A_369 : vector<1x1x16xf32> to vector<16xf32>
          %get3A_371 = arith.constant 1 : i32
          %get3A_372 = arith.index_cast %get3A_371 : i32 to index
          %get3A_373 = arith.index_cast %add3A_344 : i32 to index
          %get3A_374 = arith.constant 16 : index
          %get3A_375 = tpu.vector_load %arg11[%get3A_372, %get3A_373, %get3A_374] {strides = array<i32>} : memref<3x40x128xf32, #tpu.memory_space<vmem>>, vector<1x1x16xf32>,
          %get3A_376 = vector.shape_cast %get3A_375 : vector<1x1x16xf32> to vector<16xf32>
          %add3A_377 = arith.addf %get3A_370, %get3A_376 : vector<16xf32>
          %max3A_378 = arith.constant 0.000000e+00 : f32
          %max3A_379 = vector.broadcast %max3A_378 : f32 to vector<16xf32>
          %max3A_380 = arith.maximumf %add3A_377, %max3A_379 : vector<16xf32>
          %swap3A_381 = arith.constant 1 : i32
          %swap3A_382 = arith.index_cast %swap3A_381 : i32 to index
          %swap3A_383 = arith.index_cast %add3A_344 : i32 to index
          %swap3A_384 = arith.constant 16 : index
          %swap3A_385 = tpu.vector_load %arg10[%swap3A_382, %swap3A_383, %swap3A_384] {strides = array<i32>} : memref<3x40x128xf32, #tpu.memory_space<vmem>>, vector<1x1x16xf32>,
          %swap3A_386 = vector.shape_cast %swap3A_385 : vector<1x1x16xf32> to vector<16xf32>
          %swap3A_387 = vector.shape_cast %max3A_380 : vector<16xf32> to vector<1x1x16xf32>
          tpu.vector_store %arg10[%swap3A_382, %swap3A_383, %swap3A_384], %swap3A_387 {strides = array<i32>} : memref<3x40x128xf32, #tpu.memory_space<vmem>>, vector<1x1x16xf32>,
          %get3A_388 = arith.constant 1 : i32
          %get3A_389 = arith.index_cast %get3A_388 : i32 to index
          %get3A_390 = arith.index_cast %add3A_344 : i32 to index
          %get3A_391 = arith.constant 32 : index
          %get3A_392 = tpu.vector_load %arg10[%get3A_389, %get3A_390, %get3A_391] {strides = array<i32>} : memref<3x40x128xf32, #tpu.memory_space<vmem>>, vector<1x1x16xf32>,
          %get3A_393 = vector.shape_cast %get3A_392 : vector<1x1x16xf32> to vector<16xf32>
          %get3A_394 = arith.constant 1 : i32
          %get3A_395 = arith.index_cast %get3A_394 : i32 to index
          %get3A_396 = arith.index_cast %add3A_344 : i32 to index
          %get3A_397 = arith.constant 32 : index
          %get3A_398 = tpu.vector_load %arg11[%get3A_395, %get3A_396, %get3A_397] {strides = array<i32>} : memref<3x40x128xf32, #tpu.memory_space<vmem>>, vector<1x1x16xf32>,
          %get3A_399 = vector.shape_cast %get3A_398 : vector<1x1x16xf32> to vector<16xf32>
          %add3A_400 = arith.addf %get3A_393, %get3A_399 : vector<16xf32>
          %max3A_401 = arith.constant 0.000000e+00 : f32
          %max3A_402 = vector.broadcast %max3A_401 : f32 to vector<16xf32>
          %max3A_403 = arith.maximumf %add3A_400, %max3A_402 : vector<16xf32>
          %swap3A_404 = arith.constant 1 : i32
          %swap3A_405 = arith.index_cast %swap3A_404 : i32 to index
          %swap3A_406 = arith.index_cast %add3A_344 : i32 to index
          %swap3A_407 = arith.constant 32 : index
          %swap3A_408 = tpu.vector_load %arg10[%swap3A_405, %swap3A_406, %swap3A_407] {strides = array<i32>} : memref<3x40x128xf32, #tpu.memory_space<vmem>>, vector<1x1x16xf32>,
          %swap3A_409 = vector.shape_cast %swap3A_408 : vector<1x1x16xf32> to vector<16xf32>
          %swap3A_410 = vector.shape_cast %max3A_403 : vector<16xf32> to vector<1x1x16xf32>
          tpu.vector_store %arg10[%swap3A_405, %swap3A_406, %swap3A_407], %swap3A_410 {strides = array<i32>} : memref<3x40x128xf32, #tpu.memory_space<vmem>>, vector<1x1x16xf32>,
          %get3A_411 = arith.constant 1 : i32
          %get3A_412 = arith.index_cast %get3A_411 : i32 to index
          %get3A_413 = arith.index_cast %add3A_344 : i32 to index
          %get3A_414 = arith.constant 48 : index
          %get3A_415 = tpu.vector_load %arg10[%get3A_412, %get3A_413, %get3A_414] {strides = array<i32>} : memref<3x40x128xf32, #tpu.memory_space<vmem>>, vector<1x1x16xf32>,
          %get3A_416 = vector.shape_cast %get3A_415 : vector<1x1x16xf32> to vector<16xf32>
          %get3A_417 = arith.constant 1 : i32
          %get3A_418 = arith.index_cast %get3A_417 : i32 to index
          %get3A_419 = arith.index_cast %add3A_344 : i32 to index
          %get3A_420 = arith.constant 48 : index
          %get3A_421 = tpu.vector_load %arg11[%get3A_418, %get3A_419, %get3A_420] {strides = array<i32>} : memref<3x40x128xf32, #tpu.memory_space<vmem>>, vector<1x1x16xf32>,
          %get3A_422 = vector.shape_cast %get3A_421 : vector<1x1x16xf32> to vector<16xf32>
          %add3A_423 = arith.addf %get3A_416, %get3A_422 : vector<16xf32>
          %max3A_424 = arith.constant 0.000000e+00 : f32
          %max3A_425 = vector.broadcast %max3A_424 : f32 to vector<16xf32>
          %max3A_426 = arith.maximumf %add3A_423, %max3A_425 : vector<16xf32>
          %swap3A_427 = arith.constant 1 : i32
          %swap3A_428 = arith.index_cast %swap3A_427 : i32 to index
          %swap3A_429 = arith.index_cast %add3A_344 : i32 to index
          %swap3A_430 = arith.constant 48 : index
          %swap3A_431 = tpu.vector_load %arg10[%swap3A_428, %swap3A_429, %swap3A_430] {strides = array<i32>} : memref<3x40x128xf32, #tpu.memory_space<vmem>>, vector<1x1x16xf32>,
          %swap3A_432 = vector.shape_cast %swap3A_431 : vector<1x1x16xf32> to vector<16xf32>
          %swap3A_433 = vector.shape_cast %max3A_426 : vector<16xf32> to vector<1x1x16xf32>
          tpu.vector_store %arg10[%swap3A_428, %swap3A_429, %swap3A_430], %swap3A_433 {strides = array<i32>} : memref<3x40x128xf32, #tpu.memory_space<vmem>>, vector<1x1x16xf32>,
          %get3A_434 = arith.constant 1 : i32
          %get3A_435 = arith.index_cast %get3A_434 : i32 to index
          %get3A_436 = arith.index_cast %add3A_344 : i32 to index
          %get3A_437 = arith.constant 64 : index
          %get3A_438 = tpu.vector_load %arg10[%get3A_435, %get3A_436, %get3A_437] {strides = array<i32>} : memref<3x40x128xf32, #tpu.memory_space<vmem>>, vector<1x1x16xf32>,
          %get3A_439 = vector.shape_cast %get3A_438 : vector<1x1x16xf32> to vector<16xf32>
          %get3A_440 = arith.constant 1 : i32
          %get3A_441 = arith.index_cast %get3A_440 : i32 to index
          %get3A_442 = arith.index_cast %add3A_344 : i32 to index
          %get3A_443 = arith.constant 64 : index
          %get3A_444 = tpu.vector_load %arg11[%get3A_441, %get3A_442, %get3A_443] {strides = array<i32>} : memref<3x40x128xf32, #tpu.memory_space<vmem>>, vector<1x1x16xf32>,
          %get3A_445 = vector.shape_cast %get3A_444 : vector<1x1x16xf32> to vector<16xf32>
          %add3A_446 = arith.addf %get3A_439, %get3A_445 : vector<16xf32>
          %max3A_447 = arith.constant 0.000000e+00 : f32
          %max3A_448 = vector.broadcast %max3A_447 : f32 to vector<16xf32>
          %max3A_449 = arith.maximumf %add3A_446, %max3A_448 : vector<16xf32>
          %swap3A_450 = arith.constant 1 : i32
          %swap3A_451 = arith.index_cast %swap3A_450 : i32 to index
          %swap3A_452 = arith.index_cast %add3A_344 : i32 to index
          %swap3A_453 = arith.constant 64 : index
          %swap3A_454 = tpu.vector_load %arg10[%swap3A_451, %swap3A_452, %swap3A_453] {strides = array<i32>} : memref<3x40x128xf32, #tpu.memory_space<vmem>>, vector<1x1x16xf32>,
          %swap3A_455 = vector.shape_cast %swap3A_454 : vector<1x1x16xf32> to vector<16xf32>
          %swap3A_456 = vector.shape_cast %max3A_449 : vector<16xf32> to vector<1x1x16xf32>
          tpu.vector_store %arg10[%swap3A_451, %swap3A_452, %swap3A_453], %swap3A_456 {strides = array<i32>} : memref<3x40x128xf32, #tpu.memory_space<vmem>>, vector<1x1x16xf32>,
          %get3A_457 = arith.constant 1 : i32
          %get3A_458 = arith.index_cast %get3A_457 : i32 to index
          %get3A_459 = arith.index_cast %add3A_344 : i32 to index
          %get3A_460 = arith.constant 80 : index
          %get3A_461 = tpu.vector_load %arg10[%get3A_458, %get3A_459, %get3A_460] {strides = array<i32>} : memref<3x40x128xf32, #tpu.memory_space<vmem>>, vector<1x1x16xf32>,
          %get3A_462 = vector.shape_cast %get3A_461 : vector<1x1x16xf32> to vector<16xf32>
          %get3A_463 = arith.constant 1 : i32
          %get3A_464 = arith.index_cast %get3A_463 : i32 to index
          %get3A_465 = arith.index_cast %add3A_344 : i32 to index
          %get3A_466 = arith.constant 80 : index
          %get3A_467 = tpu.vector_load %arg11[%get3A_464, %get3A_465, %get3A_466] {strides = array<i32>} : memref<3x40x128xf32, #tpu.memory_space<vmem>>, vector<1x1x16xf32>,
          %get3A_468 = vector.shape_cast %get3A_467 : vector<1x1x16xf32> to vector<16xf32>
          %add3A_469 = arith.addf %get3A_462, %get3A_468 : vector<16xf32>
          %max3A_470 = arith.constant 0.000000e+00 : f32
          %max3A_471 = vector.broadcast %max3A_470 : f32 to vector<16xf32>
          %max3A_472 = arith.maximumf %add3A_469, %max3A_471 : vector<16xf32>
          %swap3A_473 = arith.constant 1 : i32
          %swap3A_474 = arith.index_cast %swap3A_473 : i32 to index
          %swap3A_475 = arith.index_cast %add3A_344 : i32 to index
          %swap3A_476 = arith.constant 80 : index
          %swap3A_477 = tpu.vector_load %arg10[%swap3A_474, %swap3A_475, %swap3A_476] {strides = array<i32>} : memref<3x40x128xf32, #tpu.memory_space<vmem>>, vector<1x1x16xf32>,
          %swap3A_478 = vector.shape_cast %swap3A_477 : vector<1x1x16xf32> to vector<16xf32>
          %swap3A_479 = vector.shape_cast %max3A_472 : vector<16xf32> to vector<1x1x16xf32>
          tpu.vector_store %arg10[%swap3A_474, %swap3A_475, %swap3A_476], %swap3A_479 {strides = array<i32>} : memref<3x40x128xf32, #tpu.memory_space<vmem>>, vector<1x1x16xf32>,
          %get3A_480 = arith.constant 1 : i32
          %get3A_481 = arith.index_cast %get3A_480 : i32 to index
          %get3A_482 = arith.index_cast %add3A_344 : i32 to index
          %get3A_483 = arith.constant 96 : index
          %get3A_484 = tpu.vector_load %arg10[%get3A_481, %get3A_482, %get3A_483] {strides = array<i32>} : memref<3x40x128xf32, #tpu.memory_space<vmem>>, vector<1x1x16xf32>,
          %get3A_485 = vector.shape_cast %get3A_484 : vector<1x1x16xf32> to vector<16xf32>
          %get3A_486 = arith.constant 1 : i32
          %get3A_487 = arith.index_cast %get3A_486 : i32 to index
          %get3A_488 = arith.index_cast %add3A_344 : i32 to index
          %get3A_489 = arith.constant 96 : index
          %get3A_490 = tpu.vector_load %arg11[%get3A_487, %get3A_488, %get3A_489] {strides = array<i32>} : memref<3x40x128xf32, #tpu.memory_space<vmem>>, vector<1x1x16xf32>,
          %get3A_491 = vector.shape_cast %get3A_490 : vector<1x1x16xf32> to vector<16xf32>
          %add3A_492 = arith.addf %get3A_485, %get3A_491 : vector<16xf32>
          %max3A_493 = arith.constant 0.000000e+00 : f32
          %max3A_494 = vector.broadcast %max3A_493 : f32 to vector<16xf32>
          %max3A_495 = arith.maximumf %add3A_492, %max3A_494 : vector<16xf32>
          %swap3A_496 = arith.constant 1 : i32
          %swap3A_497 = arith.index_cast %swap3A_496 : i32 to index
          %swap3A_498 = arith.index_cast %add3A_344 : i32 to index
          %swap3A_499 = arith.constant 96 : index
          %swap3A_500 = tpu.vector_load %arg10[%swap3A_497, %swap3A_498, %swap3A_499] {strides = array<i32>} : memref<3x40x128xf32, #tpu.memory_space<vmem>>, vector<1x1x16xf32>,
          %swap3A_501 = vector.shape_cast %swap3A_500 : vector<1x1x16xf32> to vector<16xf32>
          %swap3A_502 = vector.shape_cast %max3A_495 : vector<16xf32> to vector<1x1x16xf32>
          tpu.vector_store %arg10[%swap3A_497, %swap3A_498, %swap3A_499], %swap3A_502 {strides = array<i32>} : memref<3x40x128xf32, #tpu.memory_space<vmem>>, vector<1x1x16xf32>,
          %get3A_503 = arith.constant 1 : i32
          %get3A_504 = arith.index_cast %get3A_503 : i32 to index
          %get3A_505 = arith.index_cast %add3A_344 : i32 to index
          %get3A_506 = arith.constant 112 : index
          %get3A_507 = tpu.vector_load %arg10[%get3A_504, %get3A_505, %get3A_506] {strides = array<i32>} : memref<3x40x128xf32, #tpu.memory_space<vmem>>, vector<1x1x16xf32>,
          %get3A_508 = vector.shape_cast %get3A_507 : vector<1x1x16xf32> to vector<16xf32>
          %get3A_509 = arith.constant 1 : i32
          %get3A_510 = arith.index_cast %get3A_509 : i32 to index
          %get3A_511 = arith.index_cast %add3A_344 : i32 to index
          %get3A_512 = arith.constant 112 : index
          %get3A_513 = tpu.vector_load %arg11[%get3A_510, %get3A_511, %get3A_512] {strides = array<i32>} : memref<3x40x128xf32, #tpu.memory_space<vmem>>, vector<1x1x16xf32>,
          %get3A_514 = vector.shape_cast %get3A_513 : vector<1x1x16xf32> to vector<16xf32>
          %add3A_515 = arith.addf %get3A_508, %get3A_514 : vector<16xf32>
          %max3A_516 = arith.constant 0.000000e+00 : f32
          %max3A_517 = vector.broadcast %max3A_516 : f32 to vector<16xf32>
          %max3A_518 = arith.maximumf %add3A_515, %max3A_517 : vector<16xf32>
          %swap3A_519 = arith.constant 1 : i32
          %swap3A_520 = arith.index_cast %swap3A_519 : i32 to index
          %swap3A_521 = arith.index_cast %add3A_344 : i32 to index
          %swap3A_522 = arith.constant 112 : index
          %swap3A_523 = tpu.vector_load %arg10[%swap3A_520, %swap3A_521, %swap3A_522] {strides = array<i32>} : memref<3x40x128xf32, #tpu.memory_space<vmem>>, vector<1x1x16xf32>,
          %swap3A_524 = vector.shape_cast %swap3A_523 : vector<1x1x16xf32> to vector<16xf32>
          %swap3A_525 = vector.shape_cast %max3A_518 : vector<16xf32> to vector<1x1x16xf32>
          tpu.vector_store %arg10[%swap3A_520, %swap3A_521, %swap3A_522], %swap3A_525 {strides = array<i32>} : memref<3x40x128xf32, #tpu.memory_space<vmem>>, vector<1x1x16xf32>,
        }
        %scan3A_258 = arith.constant 40 : i32
        %dma_start3A_259 = arith.constant 1 : i32
        %dma_start3A_260 = arith.constant 0 : i32
        %dma_start3A_261 = arith.constant 0 : i32
        %dma_start3A_262 = tpu.memref_slice %arg10[%dma_start3A_259, %dma_start3A_260, %dma_start3A_261] : memref<3x40x128xf32, #tpu.memory_space<vmem>> -> memref<1x40x128xf32, #tpu.memory_space<vmem>>
        %dma_start3A_263 = tpu.memref_squeeze %dma_start3A_262 : memref<1x40x128xf32, #tpu.memory_space<vmem>> -> memref<40x128xf32, #tpu.memory_space<vmem>>
        %dma_start3A_264 = arith.constant 0 : i32
        %dma_start3A_265 = tpu.memref_slice %arg9[%add3A_227, %dma_start3A_264] : memref<25x40xi32, #tpu.memory_space<vmem>> -> memref<1x40xi32, #tpu.memory_space<vmem>>
        %dma_start3A_266 = tpu.memref_squeeze %dma_start3A_265 : memref<1x40xi32, #tpu.memory_space<vmem>> -> memref<40xi32, #tpu.memory_space<vmem>>
        %dma_start3A_267 = arith.constant 0 : i32
        %dma_start3A_268 = arith.constant 0 : i32
        %dma_start3A_269 = tpu.memref_slice %arg7[%dma_start3A_267, %dma_start3A_268] : memref<10240x128xf32, #tpu.memory_space<vmem_shared>> -> memref<10240x128xf32, #tpu.memory_space<vmem_shared>>
        tpu.enqueue_indirect_dma source(%dma_start3A_263 : memref<40x128xf32, #tpu.memory_space<vmem>>) target(%dma_start3A_269 : memref<10240x128xf32, #tpu.memory_space<vmem_shared>>) offsets(%dma_start3A_266 : memref<40xi32, #tpu.memory_space<vmem>>) semaphore(%arg19 : memref<!tpu.dma_semaphore, #tpu.memory_space<semaphore_mem>>) {add = true}
        %gt3A_270 = arith.constant 0 : i32
        %gt3A_271 = arith.cmpi sgt, %add3A_227, %gt3A_270 : i32
        %convert_element_type3A_272 = arith.extui %gt3A_271 : i1 to i32
        %cond3A_273 = arith.constant 0 : i32
        %cond3A_274 = arith.cmpi ne, %convert_element_type3A_272, %cond3A_273 : i32
        scf.if %cond3A_274 {
          %dma_wait3A_340 = arith.constant 0 : i32
          %dma_wait3A_341 = arith.constant 0 : i32
          %dma_wait3A_342 = arith.constant 0 : i32
          %dma_wait3A_343 = tpu.memref_slice %arg10[%dma_wait3A_340, %dma_wait3A_341, %dma_wait3A_342] : memref<3x40x128xf32, #tpu.memory_space<vmem>> -> memref<1x40x128xf32, #tpu.memory_space<vmem>>
          %dma_wait3A_344 = tpu.memref_squeeze %dma_wait3A_343 : memref<1x40x128xf32, #tpu.memory_space<vmem>> -> memref<40x128xf32, #tpu.memory_space<vmem>>
          %dma_wait3A_345 = arith.constant 0 : i32
          %dma_wait3A_346 = tpu.memref_slice %arg9[%add3A_227, %dma_wait3A_345] : memref<25x40xi32, #tpu.memory_space<vmem>> -> memref<1x40xi32, #tpu.memory_space<vmem>>
          %dma_wait3A_347 = tpu.memref_squeeze %dma_wait3A_346 : memref<1x40xi32, #tpu.memory_space<vmem>> -> memref<40xi32, #tpu.memory_space<vmem>>
          %dma_wait3A_348 = arith.constant 0 : i32
          %dma_wait3A_349 = arith.constant 0 : i32
          %dma_wait3A_350 = tpu.memref_slice %arg7[%dma_wait3A_348, %dma_wait3A_349] : memref<10240x128xf32, #tpu.memory_space<vmem_shared>> -> memref<10240x128xf32, #tpu.memory_space<vmem_shared>>
          tpu.wait_indirect_dma semaphore(%arg18 : memref<!tpu.dma_semaphore, #tpu.memory_space<semaphore_mem>>) src(%dma_wait3A_344 : memref<40x128xf32, #tpu.memory_space<vmem>>) dst(%dma_wait3A_350 : memref<10240x128xf32, #tpu.memory_space<vmem_shared>>)
        } else {
        }
        %add3A_275 = arith.constant 2 : i32
        %add3A_276 = arith.addi %add3A_227, %add3A_275 : i32
        %lt3A_277 = arith.constant 25 : i32
        %lt3A_278 = arith.cmpi slt, %add3A_276, %lt3A_277 : i32
        %convert_element_type3A_279 = arith.extui %lt3A_278 : i1 to i32
        %cond3A_280 = arith.constant 0 : i32
        %cond3A_281 = arith.cmpi ne, %convert_element_type3A_279, %cond3A_280 : i32
        scf.if %cond3A_281 {
          %add3A_340 = arith.constant 2 : i32
          %add3A_341 = arith.addi %add3A_227, %add3A_340 : i32
          %mul3A_342 = arith.constant 10000 : i32
          %mul3A_343 = arith.muli %add3A, %mul3A_342 : i32
          %mul3A_344 = arith.constant 25 : i32
          %mul3A_345 = arith.muli %add3A_25, %mul3A_344 : i32
          %add3A_346 = arith.addi %mul3A_345, %add3A_341 : i32
          %mul3A_347 = arith.constant 40 : i32
          %mul3A_348 = arith.muli %add3A_346, %mul3A_347 : i32
          %add3A_349 = arith.addi %mul3A_343, %mul3A_348 : i32
          %dma_start3A_350 = arith.constant 0 : i32
          %dma_start3A_351 = arith.constant 0 : i32
          %dma_start3A_352 = arith.constant 0 : i32
          %dma_start3A_353 = tpu.memref_slice %arg10[%dma_start3A_350, %dma_start3A_351, %dma_start3A_352] : memref<3x40x128xf32, #tpu.memory_space<vmem>> -> memref<1x40x128xf32, #tpu.memory_space<vmem>>
          %dma_start3A_354 = tpu.memref_squeeze %dma_start3A_353 : memref<1x40x128xf32, #tpu.memory_space<vmem>> -> memref<40x128xf32, #tpu.memory_space<vmem>>
          %dma_start3A_355 = arith.constant 0 : i32
          %dma_start3A_356 = tpu.memref_slice %arg3[%add3A_349, %dma_start3A_355] : memref<320000x128xf32, #tpu.memory_space<hbm>> -> memref<40x128xf32, #tpu.memory_space<hbm>>
          %dma_start3A_357 = arith.constant 0 : i32
          %dma_start3A_358 = arith.constant 0 : i32
          %dma_start3A_359 = tpu.memref_slice %arg10[%dma_start3A_350, %dma_start3A_357, %dma_start3A_358] : memref<3x40x128xf32, #tpu.memory_space<vmem>> -> memref<1x40x128xf32, #tpu.memory_space<vmem>>
          %dma_start3A_360 = tpu.memref_squeeze %dma_start3A_359 : memref<1x40x128xf32, #tpu.memory_space<vmem>> -> memref<40x128xf32, #tpu.memory_space<vmem>>
          %dma_start3A_361 = arith.constant 0 : i32
          %dma_start3A_362 = tpu.memref_slice %arg3[%add3A_349, %dma_start3A_361] : memref<320000x128xf32, #tpu.memory_space<hbm>> -> memref<40x128xf32, #tpu.memory_space<hbm>>
          tpu.enqueue_dma source(%dma_start3A_362 : memref<40x128xf32, #tpu.memory_space<hbm>>) target(%dma_start3A_360 : memref<40x128xf32, #tpu.memory_space<vmem>>) target_semaphore(%arg12 : memref<!tpu.dma_semaphore, #tpu.memory_space<semaphore_mem>>)
          %dma_start3A_363 = arith.constant 0 : i32
          %dma_start3A_364 = arith.constant 0 : i32
          %dma_start3A_365 = arith.constant 0 : i32
          %dma_start3A_366 = tpu.memref_slice %arg11[%dma_start3A_363, %dma_start3A_364, %dma_start3A_365] : memref<3x40x128xf32, #tpu.memory_space<vmem>> -> memref<1x40x128xf32, #tpu.memory_space<vmem>>
          %dma_start3A_367 = tpu.memref_squeeze %dma_start3A_366 : memref<1x40x128xf32, #tpu.memory_space<vmem>> -> memref<40x128xf32, #tpu.memory_space<vmem>>
          %dma_start3A_368 = arith.constant 0 : i32
          %dma_start3A_369 = tpu.memref_slice %arg8[%add3A_341, %dma_start3A_368] : memref<25x40xi32, #tpu.memory_space<vmem>> -> memref<1x40xi32, #tpu.memory_space<vmem>>
          %dma_start3A_370 = tpu.memref_squeeze %dma_start3A_369 : memref<1x40xi32, #tpu.memory_space<vmem>> -> memref<40xi32, #tpu.memory_space<vmem>>
          %dma_start3A_371 = arith.constant 0 : i32
          %dma_start3A_372 = arith.constant 0 : i32
          %dma_start3A_373 = tpu.memref_slice %arg2[%dma_start3A_371, %dma_start3A_372] : memref<10000x128xf32, #tpu.memory_space<hbm>> -> memref<10000x128xf32, #tpu.memory_space<hbm>>
          tpu.enqueue_indirect_dma source(%dma_start3A_373 : memref<10000x128xf32, #tpu.memory_space<hbm>>) target(%dma_start3A_367 : memref<40x128xf32, #tpu.memory_space<vmem>>) offsets(%dma_start3A_370 : memref<40xi32, #tpu.memory_space<vmem>>) semaphore(%arg15 : memref<!tpu.dma_semaphore, #tpu.memory_space<semaphore_mem>>)
        } else {
        }
        %mul3A_282 = arith.constant 3 : i32
        %mul3A_283 = arith.muli %add3A_169, %mul3A_282 : i32
        %add3A_284 = arith.constant 2 : i32
        %add3A_285 = arith.addi %mul3A_283, %add3A_284 : i32
        %dma_wait3A_286 = arith.constant 2 : i32
        %dma_wait3A_287 = arith.constant 0 : i32
        %dma_wait3A_288 = arith.constant 0 : i32
        %dma_wait3A_289 = tpu.memref_slice %arg10[%dma_wait3A_286, %dma_wait3A_287, %dma_wait3A_288] : memref<3x40x128xf32, #tpu.memory_space<vmem>> -> memref<1x40x128xf32, #tpu.memory_space<vmem>>
        %dma_wait3A_290 = tpu.memref_squeeze %dma_wait3A_289 : memref<1x40x128xf32, #tpu.memory_space<vmem>> -> memref<40x128xf32, #tpu.memory_space<vmem>>
        %dma_wait3A_291 = arith.constant 0 : i32
        %dma_wait3A_292 = arith.constant 0 : i32
        %dma_wait3A_293 = tpu.memref_slice %arg3[%dma_wait3A_291, %dma_wait3A_292] : memref<320000x128xf32, #tpu.memory_space<hbm>> -> memref<40x128xf32, #tpu.memory_space<hbm>>
        %dma_wait3A_294 = arith.constant 0 : i32
        %dma_wait3A_295 = arith.constant 0 : i32
        %dma_wait3A_296 = tpu.memref_slice %arg10[%dma_wait3A_286, %dma_wait3A_294, %dma_wait3A_295] : memref<3x40x128xf32, #tpu.memory_space<vmem>> -> memref<1x40x128xf32, #tpu.memory_space<vmem>>
        %dma_wait3A_297 = tpu.memref_squeeze %dma_wait3A_296 : memref<1x40x128xf32, #tpu.memory_space<vmem>> -> memref<40x128xf32, #tpu.memory_space<vmem>>
        %dma_wait3A_298 = arith.constant 0 : i32
        %dma_wait3A_299 = arith.constant 0 : i32
        %dma_wait3A_300 = tpu.memref_slice %arg3[%dma_wait3A_298, %dma_wait3A_299] : memref<320000x128xf32, #tpu.memory_space<hbm>> -> memref<40x128xf32, #tpu.memory_space<hbm>>
        tpu.wait_dma2 semaphore(%arg14 : memref<!tpu.dma_semaphore, #tpu.memory_space<semaphore_mem>>) src(%dma_wait3A_300 : memref<40x128xf32, #tpu.memory_space<hbm>>) dst(%dma_wait3A_297 : memref<40x128xf32, #tpu.memory_space<vmem>>)
        %dma_wait3A_301 = arith.constant 2 : i32
        %dma_wait3A_302 = arith.constant 0 : i32
        %dma_wait3A_303 = arith.constant 0 : i32
        %dma_wait3A_304 = tpu.memref_slice %arg11[%dma_wait3A_301, %dma_wait3A_302, %dma_wait3A_303] : memref<3x40x128xf32, #tpu.memory_space<vmem>> -> memref<1x40x128xf32, #tpu.memory_space<vmem>>
        %dma_wait3A_305 = tpu.memref_squeeze %dma_wait3A_304 : memref<1x40x128xf32, #tpu.memory_space<vmem>> -> memref<40x128xf32, #tpu.memory_space<vmem>>
        %dma_wait3A_306 = arith.constant 0 : i32
        %dma_wait3A_307 = tpu.memref_slice %arg8[%add3A_285, %dma_wait3A_306] : memref<25x40xi32, #tpu.memory_space<vmem>> -> memref<1x40xi32, #tpu.memory_space<vmem>>
        %dma_wait3A_308 = tpu.memref_squeeze %dma_wait3A_307 : memref<1x40xi32, #tpu.memory_space<vmem>> -> memref<40xi32, #tpu.memory_space<vmem>>
        %dma_wait3A_309 = arith.constant 0 : i32
        %dma_wait3A_310 = arith.constant 0 : i32
        %dma_wait3A_311 = tpu.memref_slice %arg2[%dma_wait3A_309, %dma_wait3A_310] : memref<10000x128xf32, #tpu.memory_space<hbm>> -> memref<10000x128xf32, #tpu.memory_space<hbm>>
        tpu.wait_indirect_dma semaphore(%arg17 : memref<!tpu.dma_semaphore, #tpu.memory_space<semaphore_mem>>) src(%dma_wait3A_311 : memref<10000x128xf32, #tpu.memory_space<hbm>>) dst(%dma_wait3A_305 : memref<40x128xf32, #tpu.memory_space<vmem>>)
        %scan3A_312 = arith.constant 0 : i32
        %scan3A_313 = arith.constant 40 : i32
        %scan3A_314 = arith.addi %scan3A_312, %scan3A_313 : i32
        %scan3A_315 = arith.constant 1 : i32
        scf.for %scan3A_340 = %scan3A_312 to %scan3A_314 step %scan3A_315  : i32 {
          %mul3A_341 = arith.constant 1 : i32
          %mul3A_342 = arith.muli %scan3A_340, %mul3A_341 : i32
          %add3A_343 = arith.constant 0 : i32
          %add3A_344 = arith.addi %add3A_343, %mul3A_342 : i32
          %get3A = arith.constant 2 : i32
          %get3A_345 = arith.index_cast %get3A : i32 to index
          %get3A_346 = arith.index_cast %add3A_344 : i32 to index
          %get3A_347 = arith.constant 0 : index
          %get3A_348 = tpu.vector_load %arg10[%get3A_345, %get3A_346, %get3A_347] {strides = array<i32>} : memref<3x40x128xf32, #tpu.memory_space<vmem>>, vector<1x1x16xf32>,
          %get3A_349 = vector.shape_cast %get3A_348 : vector<1x1x16xf32> to vector<16xf32>
          %get3A_350 = arith.constant 2 : i32
          %get3A_351 = arith.index_cast %get3A_350 : i32 to index
          %get3A_352 = arith.index_cast %add3A_344 : i32 to index
          %get3A_353 = arith.constant 0 : index
          %get3A_354 = tpu.vector_load %arg11[%get3A_351, %get3A_352, %get3A_353] {strides = array<i32>} : memref<3x40x128xf32, #tpu.memory_space<vmem>>, vector<1x1x16xf32>,
          %get3A_355 = vector.shape_cast %get3A_354 : vector<1x1x16xf32> to vector<16xf32>
          %add3A_356 = arith.addf %get3A_349, %get3A_355 : vector<16xf32>
          %max3A = arith.constant 0.000000e+00 : f32
          %max3A_357 = vector.broadcast %max3A : f32 to vector<16xf32>
          %max3A_358 = arith.maximumf %add3A_356, %max3A_357 : vector<16xf32>
          %swap3A = arith.constant 2 : i32
          %swap3A_359 = arith.index_cast %swap3A : i32 to index
          %swap3A_360 = arith.index_cast %add3A_344 : i32 to index
          %swap3A_361 = arith.constant 0 : index
          %swap3A_362 = tpu.vector_load %arg10[%swap3A_359, %swap3A_360, %swap3A_361] {strides = array<i32>} : memref<3x40x128xf32, #tpu.memory_space<vmem>>, vector<1x1x16xf32>,
          %swap3A_363 = vector.shape_cast %swap3A_362 : vector<1x1x16xf32> to vector<16xf32>
          %swap3A_364 = vector.shape_cast %max3A_358 : vector<16xf32> to vector<1x1x16xf32>
          tpu.vector_store %arg10[%swap3A_359, %swap3A_360, %swap3A_361], %swap3A_364 {strides = array<i32>} : memref<3x40x128xf32, #tpu.memory_space<vmem>>, vector<1x1x16xf32>,
          %get3A_365 = arith.constant 2 : i32
          %get3A_366 = arith.index_cast %get3A_365 : i32 to index
          %get3A_367 = arith.index_cast %add3A_344 : i32 to index
          %get3A_368 = arith.constant 16 : index
          %get3A_369 = tpu.vector_load %arg10[%get3A_366, %get3A_367, %get3A_368] {strides = array<i32>} : memref<3x40x128xf32, #tpu.memory_space<vmem>>, vector<1x1x16xf32>,
          %get3A_370 = vector.shape_cast %get3A_369 : vector<1x1x16xf32> to vector<16xf32>
          %get3A_371 = arith.constant 2 : i32
          %get3A_372 = arith.index_cast %get3A_371 : i32 to index
          %get3A_373 = arith.index_cast %add3A_344 : i32 to index
          %get3A_374 = arith.constant 16 : index
          %get3A_375 = tpu.vector_load %arg11[%get3A_372, %get3A_373, %get3A_374] {strides = array<i32>} : memref<3x40x128xf32, #tpu.memory_space<vmem>>, vector<1x1x16xf32>,
          %get3A_376 = vector.shape_cast %get3A_375 : vector<1x1x16xf32> to vector<16xf32>
          %add3A_377 = arith.addf %get3A_370, %get3A_376 : vector<16xf32>
          %max3A_378 = arith.constant 0.000000e+00 : f32
          %max3A_379 = vector.broadcast %max3A_378 : f32 to vector<16xf32>
          %max3A_380 = arith.maximumf %add3A_377, %max3A_379 : vector<16xf32>
          %swap3A_381 = arith.constant 2 : i32
          %swap3A_382 = arith.index_cast %swap3A_381 : i32 to index
          %swap3A_383 = arith.index_cast %add3A_344 : i32 to index
          %swap3A_384 = arith.constant 16 : index
          %swap3A_385 = tpu.vector_load %arg10[%swap3A_382, %swap3A_383, %swap3A_384] {strides = array<i32>} : memref<3x40x128xf32, #tpu.memory_space<vmem>>, vector<1x1x16xf32>,
          %swap3A_386 = vector.shape_cast %swap3A_385 : vector<1x1x16xf32> to vector<16xf32>
          %swap3A_387 = vector.shape_cast %max3A_380 : vector<16xf32> to vector<1x1x16xf32>
          tpu.vector_store %arg10[%swap3A_382, %swap3A_383, %swap3A_384], %swap3A_387 {strides = array<i32>} : memref<3x40x128xf32, #tpu.memory_space<vmem>>, vector<1x1x16xf32>,
          %get3A_388 = arith.constant 2 : i32
          %get3A_389 = arith.index_cast %get3A_388 : i32 to index
          %get3A_390 = arith.index_cast %add3A_344 : i32 to index
          %get3A_391 = arith.constant 32 : index
          %get3A_392 = tpu.vector_load %arg10[%get3A_389, %get3A_390, %get3A_391] {strides = array<i32>} : memref<3x40x128xf32, #tpu.memory_space<vmem>>, vector<1x1x16xf32>,
          %get3A_393 = vector.shape_cast %get3A_392 : vector<1x1x16xf32> to vector<16xf32>
          %get3A_394 = arith.constant 2 : i32
          %get3A_395 = arith.index_cast %get3A_394 : i32 to index
          %get3A_396 = arith.index_cast %add3A_344 : i32 to index
          %get3A_397 = arith.constant 32 : index
          %get3A_398 = tpu.vector_load %arg11[%get3A_395, %get3A_396, %get3A_397] {strides = array<i32>} : memref<3x40x128xf32, #tpu.memory_space<vmem>>, vector<1x1x16xf32>,
          %get3A_399 = vector.shape_cast %get3A_398 : vector<1x1x16xf32> to vector<16xf32>
          %add3A_400 = arith.addf %get3A_393, %get3A_399 : vector<16xf32>
          %max3A_401 = arith.constant 0.000000e+00 : f32
          %max3A_402 = vector.broadcast %max3A_401 : f32 to vector<16xf32>
          %max3A_403 = arith.maximumf %add3A_400, %max3A_402 : vector<16xf32>
          %swap3A_404 = arith.constant 2 : i32
          %swap3A_405 = arith.index_cast %swap3A_404 : i32 to index
          %swap3A_406 = arith.index_cast %add3A_344 : i32 to index
          %swap3A_407 = arith.constant 32 : index
          %swap3A_408 = tpu.vector_load %arg10[%swap3A_405, %swap3A_406, %swap3A_407] {strides = array<i32>} : memref<3x40x128xf32, #tpu.memory_space<vmem>>, vector<1x1x16xf32>,
          %swap3A_409 = vector.shape_cast %swap3A_408 : vector<1x1x16xf32> to vector<16xf32>
          %swap3A_410 = vector.shape_cast %max3A_403 : vector<16xf32> to vector<1x1x16xf32>
          tpu.vector_store %arg10[%swap3A_405, %swap3A_406, %swap3A_407], %swap3A_410 {strides = array<i32>} : memref<3x40x128xf32, #tpu.memory_space<vmem>>, vector<1x1x16xf32>,
          %get3A_411 = arith.constant 2 : i32
          %get3A_412 = arith.index_cast %get3A_411 : i32 to index
          %get3A_413 = arith.index_cast %add3A_344 : i32 to index
          %get3A_414 = arith.constant 48 : index
          %get3A_415 = tpu.vector_load %arg10[%get3A_412, %get3A_413, %get3A_414] {strides = array<i32>} : memref<3x40x128xf32, #tpu.memory_space<vmem>>, vector<1x1x16xf32>,
          %get3A_416 = vector.shape_cast %get3A_415 : vector<1x1x16xf32> to vector<16xf32>
          %get3A_417 = arith.constant 2 : i32
          %get3A_418 = arith.index_cast %get3A_417 : i32 to index
          %get3A_419 = arith.index_cast %add3A_344 : i32 to index
          %get3A_420 = arith.constant 48 : index
          %get3A_421 = tpu.vector_load %arg11[%get3A_418, %get3A_419, %get3A_420] {strides = array<i32>} : memref<3x40x128xf32, #tpu.memory_space<vmem>>, vector<1x1x16xf32>,
          %get3A_422 = vector.shape_cast %get3A_421 : vector<1x1x16xf32> to vector<16xf32>
          %add3A_423 = arith.addf %get3A_416, %get3A_422 : vector<16xf32>
          %max3A_424 = arith.constant 0.000000e+00 : f32
          %max3A_425 = vector.broadcast %max3A_424 : f32 to vector<16xf32>
          %max3A_426 = arith.maximumf %add3A_423, %max3A_425 : vector<16xf32>
          %swap3A_427 = arith.constant 2 : i32
          %swap3A_428 = arith.index_cast %swap3A_427 : i32 to index
          %swap3A_429 = arith.index_cast %add3A_344 : i32 to index
          %swap3A_430 = arith.constant 48 : index
          %swap3A_431 = tpu.vector_load %arg10[%swap3A_428, %swap3A_429, %swap3A_430] {strides = array<i32>} : memref<3x40x128xf32, #tpu.memory_space<vmem>>, vector<1x1x16xf32>,
          %swap3A_432 = vector.shape_cast %swap3A_431 : vector<1x1x16xf32> to vector<16xf32>
          %swap3A_433 = vector.shape_cast %max3A_426 : vector<16xf32> to vector<1x1x16xf32>
          tpu.vector_store %arg10[%swap3A_428, %swap3A_429, %swap3A_430], %swap3A_433 {strides = array<i32>} : memref<3x40x128xf32, #tpu.memory_space<vmem>>, vector<1x1x16xf32>,
          %get3A_434 = arith.constant 2 : i32
          %get3A_435 = arith.index_cast %get3A_434 : i32 to index
          %get3A_436 = arith.index_cast %add3A_344 : i32 to index
          %get3A_437 = arith.constant 64 : index
          %get3A_438 = tpu.vector_load %arg10[%get3A_435, %get3A_436, %get3A_437] {strides = array<i32>} : memref<3x40x128xf32, #tpu.memory_space<vmem>>, vector<1x1x16xf32>,
          %get3A_439 = vector.shape_cast %get3A_438 : vector<1x1x16xf32> to vector<16xf32>
          %get3A_440 = arith.constant 2 : i32
          %get3A_441 = arith.index_cast %get3A_440 : i32 to index
          %get3A_442 = arith.index_cast %add3A_344 : i32 to index
          %get3A_443 = arith.constant 64 : index
          %get3A_444 = tpu.vector_load %arg11[%get3A_441, %get3A_442, %get3A_443] {strides = array<i32>} : memref<3x40x128xf32, #tpu.memory_space<vmem>>, vector<1x1x16xf32>,
          %get3A_445 = vector.shape_cast %get3A_444 : vector<1x1x16xf32> to vector<16xf32>
          %add3A_446 = arith.addf %get3A_439, %get3A_445 : vector<16xf32>
          %max3A_447 = arith.constant 0.000000e+00 : f32
          %max3A_448 = vector.broadcast %max3A_447 : f32 to vector<16xf32>
          %max3A_449 = arith.maximumf %add3A_446, %max3A_448 : vector<16xf32>
          %swap3A_450 = arith.constant 2 : i32
          %swap3A_451 = arith.index_cast %swap3A_450 : i32 to index
          %swap3A_452 = arith.index_cast %add3A_344 : i32 to index
          %swap3A_453 = arith.constant 64 : index
          %swap3A_454 = tpu.vector_load %arg10[%swap3A_451, %swap3A_452, %swap3A_453] {strides = array<i32>} : memref<3x40x128xf32, #tpu.memory_space<vmem>>, vector<1x1x16xf32>,
          %swap3A_455 = vector.shape_cast %swap3A_454 : vector<1x1x16xf32> to vector<16xf32>
          %swap3A_456 = vector.shape_cast %max3A_449 : vector<16xf32> to vector<1x1x16xf32>
          tpu.vector_store %arg10[%swap3A_451, %swap3A_452, %swap3A_453], %swap3A_456 {strides = array<i32>} : memref<3x40x128xf32, #tpu.memory_space<vmem>>, vector<1x1x16xf32>,
          %get3A_457 = arith.constant 2 : i32
          %get3A_458 = arith.index_cast %get3A_457 : i32 to index
          %get3A_459 = arith.index_cast %add3A_344 : i32 to index
          %get3A_460 = arith.constant 80 : index
          %get3A_461 = tpu.vector_load %arg10[%get3A_458, %get3A_459, %get3A_460] {strides = array<i32>} : memref<3x40x128xf32, #tpu.memory_space<vmem>>, vector<1x1x16xf32>,
          %get3A_462 = vector.shape_cast %get3A_461 : vector<1x1x16xf32> to vector<16xf32>
          %get3A_463 = arith.constant 2 : i32
          %get3A_464 = arith.index_cast %get3A_463 : i32 to index
          %get3A_465 = arith.index_cast %add3A_344 : i32 to index
          %get3A_466 = arith.constant 80 : index
          %get3A_467 = tpu.vector_load %arg11[%get3A_464, %get3A_465, %get3A_466] {strides = array<i32>} : memref<3x40x128xf32, #tpu.memory_space<vmem>>, vector<1x1x16xf32>,
          %get3A_468 = vector.shape_cast %get3A_467 : vector<1x1x16xf32> to vector<16xf32>
          %add3A_469 = arith.addf %get3A_462, %get3A_468 : vector<16xf32>
          %max3A_470 = arith.constant 0.000000e+00 : f32
          %max3A_471 = vector.broadcast %max3A_470 : f32 to vector<16xf32>
          %max3A_472 = arith.maximumf %add3A_469, %max3A_471 : vector<16xf32>
          %swap3A_473 = arith.constant 2 : i32
          %swap3A_474 = arith.index_cast %swap3A_473 : i32 to index
          %swap3A_475 = arith.index_cast %add3A_344 : i32 to index
          %swap3A_476 = arith.constant 80 : index
          %swap3A_477 = tpu.vector_load %arg10[%swap3A_474, %swap3A_475, %swap3A_476] {strides = array<i32>} : memref<3x40x128xf32, #tpu.memory_space<vmem>>, vector<1x1x16xf32>,
          %swap3A_478 = vector.shape_cast %swap3A_477 : vector<1x1x16xf32> to vector<16xf32>
          %swap3A_479 = vector.shape_cast %max3A_472 : vector<16xf32> to vector<1x1x16xf32>
          tpu.vector_store %arg10[%swap3A_474, %swap3A_475, %swap3A_476], %swap3A_479 {strides = array<i32>} : memref<3x40x128xf32, #tpu.memory_space<vmem>>, vector<1x1x16xf32>,
          %get3A_480 = arith.constant 2 : i32
          %get3A_481 = arith.index_cast %get3A_480 : i32 to index
          %get3A_482 = arith.index_cast %add3A_344 : i32 to index
          %get3A_483 = arith.constant 96 : index
          %get3A_484 = tpu.vector_load %arg10[%get3A_481, %get3A_482, %get3A_483] {strides = array<i32>} : memref<3x40x128xf32, #tpu.memory_space<vmem>>, vector<1x1x16xf32>,
          %get3A_485 = vector.shape_cast %get3A_484 : vector<1x1x16xf32> to vector<16xf32>
          %get3A_486 = arith.constant 2 : i32
          %get3A_487 = arith.index_cast %get3A_486 : i32 to index
          %get3A_488 = arith.index_cast %add3A_344 : i32 to index
          %get3A_489 = arith.constant 96 : index
          %get3A_490 = tpu.vector_load %arg11[%get3A_487, %get3A_488, %get3A_489] {strides = array<i32>} : memref<3x40x128xf32, #tpu.memory_space<vmem>>, vector<1x1x16xf32>,
          %get3A_491 = vector.shape_cast %get3A_490 : vector<1x1x16xf32> to vector<16xf32>
          %add3A_492 = arith.addf %get3A_485, %get3A_491 : vector<16xf32>
          %max3A_493 = arith.constant 0.000000e+00 : f32
          %max3A_494 = vector.broadcast %max3A_493 : f32 to vector<16xf32>
          %max3A_495 = arith.maximumf %add3A_492, %max3A_494 : vector<16xf32>
          %swap3A_496 = arith.constant 2 : i32
          %swap3A_497 = arith.index_cast %swap3A_496 : i32 to index
          %swap3A_498 = arith.index_cast %add3A_344 : i32 to index
          %swap3A_499 = arith.constant 96 : index
          %swap3A_500 = tpu.vector_load %arg10[%swap3A_497, %swap3A_498, %swap3A_499] {strides = array<i32>} : memref<3x40x128xf32, #tpu.memory_space<vmem>>, vector<1x1x16xf32>,
          %swap3A_501 = vector.shape_cast %swap3A_500 : vector<1x1x16xf32> to vector<16xf32>
          %swap3A_502 = vector.shape_cast %max3A_495 : vector<16xf32> to vector<1x1x16xf32>
          tpu.vector_store %arg10[%swap3A_497, %swap3A_498, %swap3A_499], %swap3A_502 {strides = array<i32>} : memref<3x40x128xf32, #tpu.memory_space<vmem>>, vector<1x1x16xf32>,
          %get3A_503 = arith.constant 2 : i32
          %get3A_504 = arith.index_cast %get3A_503 : i32 to index
          %get3A_505 = arith.index_cast %add3A_344 : i32 to index
          %get3A_506 = arith.constant 112 : index
          %get3A_507 = tpu.vector_load %arg10[%get3A_504, %get3A_505, %get3A_506] {strides = array<i32>} : memref<3x40x128xf32, #tpu.memory_space<vmem>>, vector<1x1x16xf32>,
          %get3A_508 = vector.shape_cast %get3A_507 : vector<1x1x16xf32> to vector<16xf32>
          %get3A_509 = arith.constant 2 : i32
          %get3A_510 = arith.index_cast %get3A_509 : i32 to index
          %get3A_511 = arith.index_cast %add3A_344 : i32 to index
          %get3A_512 = arith.constant 112 : index
          %get3A_513 = tpu.vector_load %arg11[%get3A_510, %get3A_511, %get3A_512] {strides = array<i32>} : memref<3x40x128xf32, #tpu.memory_space<vmem>>, vector<1x1x16xf32>,
          %get3A_514 = vector.shape_cast %get3A_513 : vector<1x1x16xf32> to vector<16xf32>
          %add3A_515 = arith.addf %get3A_508, %get3A_514 : vector<16xf32>
          %max3A_516 = arith.constant 0.000000e+00 : f32
          %max3A_517 = vector.broadcast %max3A_516 : f32 to vector<16xf32>
          %max3A_518 = arith.maximumf %add3A_515, %max3A_517 : vector<16xf32>
          %swap3A_519 = arith.constant 2 : i32
          %swap3A_520 = arith.index_cast %swap3A_519 : i32 to index
          %swap3A_521 = arith.index_cast %add3A_344 : i32 to index
          %swap3A_522 = arith.constant 112 : index
          %swap3A_523 = tpu.vector_load %arg10[%swap3A_520, %swap3A_521, %swap3A_522] {strides = array<i32>} : memref<3x40x128xf32, #tpu.memory_space<vmem>>, vector<1x1x16xf32>,
          %swap3A_524 = vector.shape_cast %swap3A_523 : vector<1x1x16xf32> to vector<16xf32>
          %swap3A_525 = vector.shape_cast %max3A_518 : vector<16xf32> to vector<1x1x16xf32>
          tpu.vector_store %arg10[%swap3A_520, %swap3A_521, %swap3A_522], %swap3A_525 {strides = array<i32>} : memref<3x40x128xf32, #tpu.memory_space<vmem>>, vector<1x1x16xf32>,
        }
        %scan3A_316 = arith.constant 40 : i32
        %dma_start3A_317 = arith.constant 2 : i32
        %dma_start3A_318 = arith.constant 0 : i32
        %dma_start3A_319 = arith.constant 0 : i32
        %dma_start3A_320 = tpu.memref_slice %arg10[%dma_start3A_317, %dma_start3A_318, %dma_start3A_319] : memref<3x40x128xf32, #tpu.memory_space<vmem>> -> memref<1x40x128xf32, #tpu.memory_space<vmem>>
        %dma_start3A_321 = tpu.memref_squeeze %dma_start3A_320 : memref<1x40x128xf32, #tpu.memory_space<vmem>> -> memref<40x128xf32, #tpu.memory_space<vmem>>
        %dma_start3A_322 = arith.constant 0 : i32
        %dma_start3A_323 = tpu.memref_slice %arg9[%add3A_285, %dma_start3A_322] : memref<25x40xi32, #tpu.memory_space<vmem>> -> memref<1x40xi32, #tpu.memory_space<vmem>>
        %dma_start3A_324 = tpu.memref_squeeze %dma_start3A_323 : memref<1x40xi32, #tpu.memory_space<vmem>> -> memref<40xi32, #tpu.memory_space<vmem>>
        %dma_start3A_325 = arith.constant 0 : i32
        %dma_start3A_326 = arith.constant 0 : i32
        %dma_start3A_327 = tpu.memref_slice %arg7[%dma_start3A_325, %dma_start3A_326] : memref<10240x128xf32, #tpu.memory_space<vmem_shared>> -> memref<10240x128xf32, #tpu.memory_space<vmem_shared>>
        tpu.enqueue_indirect_dma source(%dma_start3A_321 : memref<40x128xf32, #tpu.memory_space<vmem>>) target(%dma_start3A_327 : memref<10240x128xf32, #tpu.memory_space<vmem_shared>>) offsets(%dma_start3A_324 : memref<40xi32, #tpu.memory_space<vmem>>) semaphore(%arg20 : memref<!tpu.dma_semaphore, #tpu.memory_space<semaphore_mem>>) {add = true}
        %gt3A_328 = arith.constant 0 : i32
        %gt3A_329 = arith.cmpi sgt, %add3A_285, %gt3A_328 : i32
        %convert_element_type3A_330 = arith.extui %gt3A_329 : i1 to i32
        %cond3A_331 = arith.constant 0 : i32
        %cond3A_332 = arith.cmpi ne, %convert_element_type3A_330, %cond3A_331 : i32
        scf.if %cond3A_332 {
          %dma_wait3A_340 = arith.constant 1 : i32
          %dma_wait3A_341 = arith.constant 0 : i32
          %dma_wait3A_342 = arith.constant 0 : i32
          %dma_wait3A_343 = tpu.memref_slice %arg10[%dma_wait3A_340, %dma_wait3A_341, %dma_wait3A_342] : memref<3x40x128xf32, #tpu.memory_space<vmem>> -> memref<1x40x128xf32, #tpu.memory_space<vmem>>
          %dma_wait3A_344 = tpu.memref_squeeze %dma_wait3A_343 : memref<1x40x128xf32, #tpu.memory_space<vmem>> -> memref<40x128xf32, #tpu.memory_space<vmem>>
          %dma_wait3A_345 = arith.constant 0 : i32
          %dma_wait3A_346 = tpu.memref_slice %arg9[%add3A_285, %dma_wait3A_345] : memref<25x40xi32, #tpu.memory_space<vmem>> -> memref<1x40xi32, #tpu.memory_space<vmem>>
          %dma_wait3A_347 = tpu.memref_squeeze %dma_wait3A_346 : memref<1x40xi32, #tpu.memory_space<vmem>> -> memref<40xi32, #tpu.memory_space<vmem>>
          %dma_wait3A_348 = arith.constant 0 : i32
          %dma_wait3A_349 = arith.constant 0 : i32
          %dma_wait3A_350 = tpu.memref_slice %arg7[%dma_wait3A_348, %dma_wait3A_349] : memref<10240x128xf32, #tpu.memory_space<vmem_shared>> -> memref<10240x128xf32, #tpu.memory_space<vmem_shared>>
          tpu.wait_indirect_dma semaphore(%arg19 : memref<!tpu.dma_semaphore, #tpu.memory_space<semaphore_mem>>) src(%dma_wait3A_344 : memref<40x128xf32, #tpu.memory_space<vmem>>) dst(%dma_wait3A_350 : memref<10240x128xf32, #tpu.memory_space<vmem_shared>>)
        } else {
        }
        %add3A_333 = arith.constant 2 : i32
        %add3A_334 = arith.addi %add3A_285, %add3A_333 : i32
        %lt3A_335 = arith.constant 25 : i32
        %lt3A_336 = arith.cmpi slt, %add3A_334, %lt3A_335 : i32
        %convert_element_type3A_337 = arith.extui %lt3A_336 : i1 to i32
        %cond3A_338 = arith.constant 0 : i32
        %cond3A_339 = arith.cmpi ne, %convert_element_type3A_337, %cond3A_338 : i32
        scf.if %cond3A_339 {
          %add3A_340 = arith.constant 2 : i32
          %add3A_341 = arith.addi %add3A_285, %add3A_340 : i32
          %mul3A_342 = arith.constant 10000 : i32
          %mul3A_343 = arith.muli %add3A, %mul3A_342 : i32
          %mul3A_344 = arith.constant 25 : i32
          %mul3A_345 = arith.muli %add3A_25, %mul3A_344 : i32
          %add3A_346 = arith.addi %mul3A_345, %add3A_341 : i32
          %mul3A_347 = arith.constant 40 : i32
          %mul3A_348 = arith.muli %add3A_346, %mul3A_347 : i32
          %add3A_349 = arith.addi %mul3A_343, %mul3A_348 : i32
          %dma_start3A_350 = arith.constant 1 : i32
          %dma_start3A_351 = arith.constant 0 : i32
          %dma_start3A_352 = arith.constant 0 : i32
          %dma_start3A_353 = tpu.memref_slice %arg10[%dma_start3A_350, %dma_start3A_351, %dma_start3A_352] : memref<3x40x128xf32, #tpu.memory_space<vmem>> -> memref<1x40x128xf32, #tpu.memory_space<vmem>>
          %dma_start3A_354 = tpu.memref_squeeze %dma_start3A_353 : memref<1x40x128xf32, #tpu.memory_space<vmem>> -> memref<40x128xf32, #tpu.memory_space<vmem>>
          %dma_start3A_355 = arith.constant 0 : i32
          %dma_start3A_356 = tpu.memref_slice %arg3[%add3A_349, %dma_start3A_355] : memref<320000x128xf32, #tpu.memory_space<hbm>> -> memref<40x128xf32, #tpu.memory_space<hbm>>
          %dma_start3A_357 = arith.constant 0 : i32
          %dma_start3A_358 = arith.constant 0 : i32
          %dma_start3A_359 = tpu.memref_slice %arg10[%dma_start3A_350, %dma_start3A_357, %dma_start3A_358] : memref<3x40x128xf32, #tpu.memory_space<vmem>> -> memref<1x40x128xf32, #tpu.memory_space<vmem>>
          %dma_start3A_360 = tpu.memref_squeeze %dma_start3A_359 : memref<1x40x128xf32, #tpu.memory_space<vmem>> -> memref<40x128xf32, #tpu.memory_space<vmem>>
          %dma_start3A_361 = arith.constant 0 : i32
          %dma_start3A_362 = tpu.memref_slice %arg3[%add3A_349, %dma_start3A_361] : memref<320000x128xf32, #tpu.memory_space<hbm>> -> memref<40x128xf32, #tpu.memory_space<hbm>>
          tpu.enqueue_dma source(%dma_start3A_362 : memref<40x128xf32, #tpu.memory_space<hbm>>) target(%dma_start3A_360 : memref<40x128xf32, #tpu.memory_space<vmem>>) target_semaphore(%arg13 : memref<!tpu.dma_semaphore, #tpu.memory_space<semaphore_mem>>)
          %dma_start3A_363 = arith.constant 1 : i32
          %dma_start3A_364 = arith.constant 0 : i32
          %dma_start3A_365 = arith.constant 0 : i32
          %dma_start3A_366 = tpu.memref_slice %arg11[%dma_start3A_363, %dma_start3A_364, %dma_start3A_365] : memref<3x40x128xf32, #tpu.memory_space<vmem>> -> memref<1x40x128xf32, #tpu.memory_space<vmem>>
          %dma_start3A_367 = tpu.memref_squeeze %dma_start3A_366 : memref<1x40x128xf32, #tpu.memory_space<vmem>> -> memref<40x128xf32, #tpu.memory_space<vmem>>
          %dma_start3A_368 = arith.constant 0 : i32
          %dma_start3A_369 = tpu.memref_slice %arg8[%add3A_341, %dma_start3A_368] : memref<25x40xi32, #tpu.memory_space<vmem>> -> memref<1x40xi32, #tpu.memory_space<vmem>>
          %dma_start3A_370 = tpu.memref_squeeze %dma_start3A_369 : memref<1x40xi32, #tpu.memory_space<vmem>> -> memref<40xi32, #tpu.memory_space<vmem>>
          %dma_start3A_371 = arith.constant 0 : i32
          %dma_start3A_372 = arith.constant 0 : i32
          %dma_start3A_373 = tpu.memref_slice %arg2[%dma_start3A_371, %dma_start3A_372] : memref<10000x128xf32, #tpu.memory_space<hbm>> -> memref<10000x128xf32, #tpu.memory_space<hbm>>
          tpu.enqueue_indirect_dma source(%dma_start3A_373 : memref<10000x128xf32, #tpu.memory_space<hbm>>) target(%dma_start3A_367 : memref<40x128xf32, #tpu.memory_space<vmem>>) offsets(%dma_start3A_370 : memref<40xi32, #tpu.memory_space<vmem>>) semaphore(%arg16 : memref<!tpu.dma_semaphore, #tpu.memory_space<semaphore_mem>>)
        } else {
        }
      }
      %scan3A_97 = arith.constant 8 : i32
      %dma_wait3A = arith.constant 0 : i32
      %dma_wait3A_98 = arith.constant 0 : i32
      %dma_wait3A_99 = arith.constant 0 : i32
      %dma_wait3A_100 = tpu.memref_slice %arg10[%dma_wait3A, %dma_wait3A_98, %dma_wait3A_99] : memref<3x40x128xf32, #tpu.memory_space<vmem>> -> memref<1x40x128xf32, #tpu.memory_space<vmem>>
      %dma_wait3A_101 = tpu.memref_squeeze %dma_wait3A_100 : memref<1x40x128xf32, #tpu.memory_space<vmem>> -> memref<40x128xf32, #tpu.memory_space<vmem>>
      %dma_wait3A_102 = arith.constant 0 : i32
      %dma_wait3A_103 = arith.constant 0 : i32
      %dma_wait3A_104 = tpu.memref_slice %arg3[%dma_wait3A_102, %dma_wait3A_103] : memref<320000x128xf32, #tpu.memory_space<hbm>> -> memref<40x128xf32, #tpu.memory_space<hbm>>
      %dma_wait3A_105 = arith.constant 0 : i32
      %dma_wait3A_106 = arith.constant 0 : i32
      %dma_wait3A_107 = tpu.memref_slice %arg10[%dma_wait3A, %dma_wait3A_105, %dma_wait3A_106] : memref<3x40x128xf32, #tpu.memory_space<vmem>> -> memref<1x40x128xf32, #tpu.memory_space<vmem>>
      %dma_wait3A_108 = tpu.memref_squeeze %dma_wait3A_107 : memref<1x40x128xf32, #tpu.memory_space<vmem>> -> memref<40x128xf32, #tpu.memory_space<vmem>>
      %dma_wait3A_109 = arith.constant 0 : i32
      %dma_wait3A_110 = arith.constant 0 : i32
      %dma_wait3A_111 = tpu.memref_slice %arg3[%dma_wait3A_109, %dma_wait3A_110] : memref<320000x128xf32, #tpu.memory_space<hbm>> -> memref<40x128xf32, #tpu.memory_space<hbm>>
      tpu.wait_dma2 semaphore(%arg12 : memref<!tpu.dma_semaphore, #tpu.memory_space<semaphore_mem>>) src(%dma_wait3A_111 : memref<40x128xf32, #tpu.memory_space<hbm>>) dst(%dma_wait3A_108 : memref<40x128xf32, #tpu.memory_space<vmem>>)
      %dma_wait3A_112 = arith.constant 24 : i32
      %dma_wait3A_113 = arith.constant 0 : i32
      %dma_wait3A_114 = arith.constant 0 : i32
      %dma_wait3A_115 = arith.constant 0 : i32
      %dma_wait3A_116 = tpu.memref_slice %arg11[%dma_wait3A_113, %dma_wait3A_114, %dma_wait3A_115] : memref<3x40x128xf32, #tpu.memory_space<vmem>> -> memref<1x40x128xf32, #tpu.memory_space<vmem>>
      %dma_wait3A_117 = tpu.memref_squeeze %dma_wait3A_116 : memref<1x40x128xf32, #tpu.memory_space<vmem>> -> memref<40x128xf32, #tpu.memory_space<vmem>>
      %dma_wait3A_118 = arith.constant 0 : i32
      %dma_wait3A_119 = tpu.memref_slice %arg8[%dma_wait3A_112, %dma_wait3A_118] : memref<25x40xi32, #tpu.memory_space<vmem>> -> memref<1x40xi32, #tpu.memory_space<vmem>>
      %dma_wait3A_120 = tpu.memref_squeeze %dma_wait3A_119 : memref<1x40xi32, #tpu.memory_space<vmem>> -> memref<40xi32, #tpu.memory_space<vmem>>
      %dma_wait3A_121 = arith.constant 0 : i32
      %dma_wait3A_122 = arith.constant 0 : i32
      %dma_wait3A_123 = tpu.memref_slice %arg2[%dma_wait3A_121, %dma_wait3A_122] : memref<10000x128xf32, #tpu.memory_space<hbm>> -> memref<10000x128xf32, #tpu.memory_space<hbm>>
      tpu.wait_indirect_dma semaphore(%arg15 : memref<!tpu.dma_semaphore, #tpu.memory_space<semaphore_mem>>) src(%dma_wait3A_123 : memref<10000x128xf32, #tpu.memory_space<hbm>>) dst(%dma_wait3A_117 : memref<40x128xf32, #tpu.memory_space<vmem>>)
      %scan3A_124 = arith.constant 0 : i32
      %scan3A_125 = arith.constant 40 : i32
      %scan3A_126 = arith.addi %scan3A_124, %scan3A_125 : i32
      %scan3A_127 = arith.constant 1 : i32
      scf.for %scan3A_165 = %scan3A_124 to %scan3A_126 step %scan3A_127  : i32 {
        %mul3A_166 = arith.constant 1 : i32
        %mul3A_167 = arith.muli %scan3A_165, %mul3A_166 : i32
        %add3A_168 = arith.constant 0 : i32
        %add3A_169 = arith.addi %add3A_168, %mul3A_167 : i32
        %get3A = arith.constant 0 : i32
        %get3A_170 = arith.index_cast %get3A : i32 to index
        %get3A_171 = arith.index_cast %add3A_169 : i32 to index
        %get3A_172 = arith.constant 0 : index
        %get3A_173 = tpu.vector_load %arg10[%get3A_170, %get3A_171, %get3A_172] {strides = array<i32>} : memref<3x40x128xf32, #tpu.memory_space<vmem>>, vector<1x1x16xf32>,
        %get3A_174 = vector.shape_cast %get3A_173 : vector<1x1x16xf32> to vector<16xf32>
        %get3A_175 = arith.constant 0 : i32
        %get3A_176 = arith.index_cast %get3A_175 : i32 to index
        %get3A_177 = arith.index_cast %add3A_169 : i32 to index
        %get3A_178 = arith.constant 0 : index
        %get3A_179 = tpu.vector_load %arg11[%get3A_176, %get3A_177, %get3A_178] {strides = array<i32>} : memref<3x40x128xf32, #tpu.memory_space<vmem>>, vector<1x1x16xf32>,
        %get3A_180 = vector.shape_cast %get3A_179 : vector<1x1x16xf32> to vector<16xf32>
        %add3A_181 = arith.addf %get3A_174, %get3A_180 : vector<16xf32>
        %max3A = arith.constant 0.000000e+00 : f32
        %max3A_182 = vector.broadcast %max3A : f32 to vector<16xf32>
        %max3A_183 = arith.maximumf %add3A_181, %max3A_182 : vector<16xf32>
        %swap3A = arith.constant 0 : i32
        %swap3A_184 = arith.index_cast %swap3A : i32 to index
        %swap3A_185 = arith.index_cast %add3A_169 : i32 to index
        %swap3A_186 = arith.constant 0 : index
        %swap3A_187 = tpu.vector_load %arg10[%swap3A_184, %swap3A_185, %swap3A_186] {strides = array<i32>} : memref<3x40x128xf32, #tpu.memory_space<vmem>>, vector<1x1x16xf32>,
        %swap3A_188 = vector.shape_cast %swap3A_187 : vector<1x1x16xf32> to vector<16xf32>
        %swap3A_189 = vector.shape_cast %max3A_183 : vector<16xf32> to vector<1x1x16xf32>
        tpu.vector_store %arg10[%swap3A_184, %swap3A_185, %swap3A_186], %swap3A_189 {strides = array<i32>} : memref<3x40x128xf32, #tpu.memory_space<vmem>>, vector<1x1x16xf32>,
        %get3A_190 = arith.constant 0 : i32
        %get3A_191 = arith.index_cast %get3A_190 : i32 to index
        %get3A_192 = arith.index_cast %add3A_169 : i32 to index
        %get3A_193 = arith.constant 16 : index
        %get3A_194 = tpu.vector_load %arg10[%get3A_191, %get3A_192, %get3A_193] {strides = array<i32>} : memref<3x40x128xf32, #tpu.memory_space<vmem>>, vector<1x1x16xf32>,
        %get3A_195 = vector.shape_cast %get3A_194 : vector<1x1x16xf32> to vector<16xf32>
        %get3A_196 = arith.constant 0 : i32
        %get3A_197 = arith.index_cast %get3A_196 : i32 to index
        %get3A_198 = arith.index_cast %add3A_169 : i32 to index
        %get3A_199 = arith.constant 16 : index
        %get3A_200 = tpu.vector_load %arg11[%get3A_197, %get3A_198, %get3A_199] {strides = array<i32>} : memref<3x40x128xf32, #tpu.memory_space<vmem>>, vector<1x1x16xf32>,
        %get3A_201 = vector.shape_cast %get3A_200 : vector<1x1x16xf32> to vector<16xf32>
        %add3A_202 = arith.addf %get3A_195, %get3A_201 : vector<16xf32>
        %max3A_203 = arith.constant 0.000000e+00 : f32
        %max3A_204 = vector.broadcast %max3A_203 : f32 to vector<16xf32>
        %max3A_205 = arith.maximumf %add3A_202, %max3A_204 : vector<16xf32>
        %swap3A_206 = arith.constant 0 : i32
        %swap3A_207 = arith.index_cast %swap3A_206 : i32 to index
        %swap3A_208 = arith.index_cast %add3A_169 : i32 to index
        %swap3A_209 = arith.constant 16 : index
        %swap3A_210 = tpu.vector_load %arg10[%swap3A_207, %swap3A_208, %swap3A_209] {strides = array<i32>} : memref<3x40x128xf32, #tpu.memory_space<vmem>>, vector<1x1x16xf32>,
        %swap3A_211 = vector.shape_cast %swap3A_210 : vector<1x1x16xf32> to vector<16xf32>
        %swap3A_212 = vector.shape_cast %max3A_205 : vector<16xf32> to vector<1x1x16xf32>
        tpu.vector_store %arg10[%swap3A_207, %swap3A_208, %swap3A_209], %swap3A_212 {strides = array<i32>} : memref<3x40x128xf32, #tpu.memory_space<vmem>>, vector<1x1x16xf32>,
        %get3A_213 = arith.constant 0 : i32
        %get3A_214 = arith.index_cast %get3A_213 : i32 to index
        %get3A_215 = arith.index_cast %add3A_169 : i32 to index
        %get3A_216 = arith.constant 32 : index
        %get3A_217 = tpu.vector_load %arg10[%get3A_214, %get3A_215, %get3A_216] {strides = array<i32>} : memref<3x40x128xf32, #tpu.memory_space<vmem>>, vector<1x1x16xf32>,
        %get3A_218 = vector.shape_cast %get3A_217 : vector<1x1x16xf32> to vector<16xf32>
        %get3A_219 = arith.constant 0 : i32
        %get3A_220 = arith.index_cast %get3A_219 : i32 to index
        %get3A_221 = arith.index_cast %add3A_169 : i32 to index
        %get3A_222 = arith.constant 32 : index
        %get3A_223 = tpu.vector_load %arg11[%get3A_220, %get3A_221, %get3A_222] {strides = array<i32>} : memref<3x40x128xf32, #tpu.memory_space<vmem>>, vector<1x1x16xf32>,
        %get3A_224 = vector.shape_cast %get3A_223 : vector<1x1x16xf32> to vector<16xf32>
        %add3A_225 = arith.addf %get3A_218, %get3A_224 : vector<16xf32>
        %max3A_226 = arith.constant 0.000000e+00 : f32
        %max3A_227 = vector.broadcast %max3A_226 : f32 to vector<16xf32>
        %max3A_228 = arith.maximumf %add3A_225, %max3A_227 : vector<16xf32>
        %swap3A_229 = arith.constant 0 : i32
        %swap3A_230 = arith.index_cast %swap3A_229 : i32 to index
        %swap3A_231 = arith.index_cast %add3A_169 : i32 to index
        %swap3A_232 = arith.constant 32 : index
        %swap3A_233 = tpu.vector_load %arg10[%swap3A_230, %swap3A_231, %swap3A_232] {strides = array<i32>} : memref<3x40x128xf32, #tpu.memory_space<vmem>>, vector<1x1x16xf32>,
        %swap3A_234 = vector.shape_cast %swap3A_233 : vector<1x1x16xf32> to vector<16xf32>
        %swap3A_235 = vector.shape_cast %max3A_228 : vector<16xf32> to vector<1x1x16xf32>
        tpu.vector_store %arg10[%swap3A_230, %swap3A_231, %swap3A_232], %swap3A_235 {strides = array<i32>} : memref<3x40x128xf32, #tpu.memory_space<vmem>>, vector<1x1x16xf32>,
        %get3A_236 = arith.constant 0 : i32
        %get3A_237 = arith.index_cast %get3A_236 : i32 to index
        %get3A_238 = arith.index_cast %add3A_169 : i32 to index
        %get3A_239 = arith.constant 48 : index
        %get3A_240 = tpu.vector_load %arg10[%get3A_237, %get3A_238, %get3A_239] {strides = array<i32>} : memref<3x40x128xf32, #tpu.memory_space<vmem>>, vector<1x1x16xf32>,
        %get3A_241 = vector.shape_cast %get3A_240 : vector<1x1x16xf32> to vector<16xf32>
        %get3A_242 = arith.constant 0 : i32
        %get3A_243 = arith.index_cast %get3A_242 : i32 to index
        %get3A_244 = arith.index_cast %add3A_169 : i32 to index
        %get3A_245 = arith.constant 48 : index
        %get3A_246 = tpu.vector_load %arg11[%get3A_243, %get3A_244, %get3A_245] {strides = array<i32>} : memref<3x40x128xf32, #tpu.memory_space<vmem>>, vector<1x1x16xf32>,
        %get3A_247 = vector.shape_cast %get3A_246 : vector<1x1x16xf32> to vector<16xf32>
        %add3A_248 = arith.addf %get3A_241, %get3A_247 : vector<16xf32>
        %max3A_249 = arith.constant 0.000000e+00 : f32
        %max3A_250 = vector.broadcast %max3A_249 : f32 to vector<16xf32>
        %max3A_251 = arith.maximumf %add3A_248, %max3A_250 : vector<16xf32>
        %swap3A_252 = arith.constant 0 : i32
        %swap3A_253 = arith.index_cast %swap3A_252 : i32 to index
        %swap3A_254 = arith.index_cast %add3A_169 : i32 to index
        %swap3A_255 = arith.constant 48 : index
        %swap3A_256 = tpu.vector_load %arg10[%swap3A_253, %swap3A_254, %swap3A_255] {strides = array<i32>} : memref<3x40x128xf32, #tpu.memory_space<vmem>>, vector<1x1x16xf32>,
        %swap3A_257 = vector.shape_cast %swap3A_256 : vector<1x1x16xf32> to vector<16xf32>
        %swap3A_258 = vector.shape_cast %max3A_251 : vector<16xf32> to vector<1x1x16xf32>
        tpu.vector_store %arg10[%swap3A_253, %swap3A_254, %swap3A_255], %swap3A_258 {strides = array<i32>} : memref<3x40x128xf32, #tpu.memory_space<vmem>>, vector<1x1x16xf32>,
        %get3A_259 = arith.constant 0 : i32
        %get3A_260 = arith.index_cast %get3A_259 : i32 to index
        %get3A_261 = arith.index_cast %add3A_169 : i32 to index
        %get3A_262 = arith.constant 64 : index
        %get3A_263 = tpu.vector_load %arg10[%get3A_260, %get3A_261, %get3A_262] {strides = array<i32>} : memref<3x40x128xf32, #tpu.memory_space<vmem>>, vector<1x1x16xf32>,
        %get3A_264 = vector.shape_cast %get3A_263 : vector<1x1x16xf32> to vector<16xf32>
        %get3A_265 = arith.constant 0 : i32
        %get3A_266 = arith.index_cast %get3A_265 : i32 to index
        %get3A_267 = arith.index_cast %add3A_169 : i32 to index
        %get3A_268 = arith.constant 64 : index
        %get3A_269 = tpu.vector_load %arg11[%get3A_266, %get3A_267, %get3A_268] {strides = array<i32>} : memref<3x40x128xf32, #tpu.memory_space<vmem>>, vector<1x1x16xf32>,
        %get3A_270 = vector.shape_cast %get3A_269 : vector<1x1x16xf32> to vector<16xf32>
        %add3A_271 = arith.addf %get3A_264, %get3A_270 : vector<16xf32>
        %max3A_272 = arith.constant 0.000000e+00 : f32
        %max3A_273 = vector.broadcast %max3A_272 : f32 to vector<16xf32>
        %max3A_274 = arith.maximumf %add3A_271, %max3A_273 : vector<16xf32>
        %swap3A_275 = arith.constant 0 : i32
        %swap3A_276 = arith.index_cast %swap3A_275 : i32 to index
        %swap3A_277 = arith.index_cast %add3A_169 : i32 to index
        %swap3A_278 = arith.constant 64 : index
        %swap3A_279 = tpu.vector_load %arg10[%swap3A_276, %swap3A_277, %swap3A_278] {strides = array<i32>} : memref<3x40x128xf32, #tpu.memory_space<vmem>>, vector<1x1x16xf32>,
        %swap3A_280 = vector.shape_cast %swap3A_279 : vector<1x1x16xf32> to vector<16xf32>
        %swap3A_281 = vector.shape_cast %max3A_274 : vector<16xf32> to vector<1x1x16xf32>
        tpu.vector_store %arg10[%swap3A_276, %swap3A_277, %swap3A_278], %swap3A_281 {strides = array<i32>} : memref<3x40x128xf32, #tpu.memory_space<vmem>>, vector<1x1x16xf32>,
        %get3A_282 = arith.constant 0 : i32
        %get3A_283 = arith.index_cast %get3A_282 : i32 to index
        %get3A_284 = arith.index_cast %add3A_169 : i32 to index
        %get3A_285 = arith.constant 80 : index
        %get3A_286 = tpu.vector_load %arg10[%get3A_283, %get3A_284, %get3A_285] {strides = array<i32>} : memref<3x40x128xf32, #tpu.memory_space<vmem>>, vector<1x1x16xf32>,
        %get3A_287 = vector.shape_cast %get3A_286 : vector<1x1x16xf32> to vector<16xf32>
        %get3A_288 = arith.constant 0 : i32
        %get3A_289 = arith.index_cast %get3A_288 : i32 to index
        %get3A_290 = arith.index_cast %add3A_169 : i32 to index
        %get3A_291 = arith.constant 80 : index
        %get3A_292 = tpu.vector_load %arg11[%get3A_289, %get3A_290, %get3A_291] {strides = array<i32>} : memref<3x40x128xf32, #tpu.memory_space<vmem>>, vector<1x1x16xf32>,
        %get3A_293 = vector.shape_cast %get3A_292 : vector<1x1x16xf32> to vector<16xf32>
        %add3A_294 = arith.addf %get3A_287, %get3A_293 : vector<16xf32>
        %max3A_295 = arith.constant 0.000000e+00 : f32
        %max3A_296 = vector.broadcast %max3A_295 : f32 to vector<16xf32>
        %max3A_297 = arith.maximumf %add3A_294, %max3A_296 : vector<16xf32>
        %swap3A_298 = arith.constant 0 : i32
        %swap3A_299 = arith.index_cast %swap3A_298 : i32 to index
        %swap3A_300 = arith.index_cast %add3A_169 : i32 to index
        %swap3A_301 = arith.constant 80 : index
        %swap3A_302 = tpu.vector_load %arg10[%swap3A_299, %swap3A_300, %swap3A_301] {strides = array<i32>} : memref<3x40x128xf32, #tpu.memory_space<vmem>>, vector<1x1x16xf32>,
        %swap3A_303 = vector.shape_cast %swap3A_302 : vector<1x1x16xf32> to vector<16xf32>
        %swap3A_304 = vector.shape_cast %max3A_297 : vector<16xf32> to vector<1x1x16xf32>
        tpu.vector_store %arg10[%swap3A_299, %swap3A_300, %swap3A_301], %swap3A_304 {strides = array<i32>} : memref<3x40x128xf32, #tpu.memory_space<vmem>>, vector<1x1x16xf32>,
        %get3A_305 = arith.constant 0 : i32
        %get3A_306 = arith.index_cast %get3A_305 : i32 to index
        %get3A_307 = arith.index_cast %add3A_169 : i32 to index
        %get3A_308 = arith.constant 96 : index
        %get3A_309 = tpu.vector_load %arg10[%get3A_306, %get3A_307, %get3A_308] {strides = array<i32>} : memref<3x40x128xf32, #tpu.memory_space<vmem>>, vector<1x1x16xf32>,
        %get3A_310 = vector.shape_cast %get3A_309 : vector<1x1x16xf32> to vector<16xf32>
        %get3A_311 = arith.constant 0 : i32
        %get3A_312 = arith.index_cast %get3A_311 : i32 to index
        %get3A_313 = arith.index_cast %add3A_169 : i32 to index
        %get3A_314 = arith.constant 96 : index
        %get3A_315 = tpu.vector_load %arg11[%get3A_312, %get3A_313, %get3A_314] {strides = array<i32>} : memref<3x40x128xf32, #tpu.memory_space<vmem>>, vector<1x1x16xf32>,
        %get3A_316 = vector.shape_cast %get3A_315 : vector<1x1x16xf32> to vector<16xf32>
        %add3A_317 = arith.addf %get3A_310, %get3A_316 : vector<16xf32>
        %max3A_318 = arith.constant 0.000000e+00 : f32
        %max3A_319 = vector.broadcast %max3A_318 : f32 to vector<16xf32>
        %max3A_320 = arith.maximumf %add3A_317, %max3A_319 : vector<16xf32>
        %swap3A_321 = arith.constant 0 : i32
        %swap3A_322 = arith.index_cast %swap3A_321 : i32 to index
        %swap3A_323 = arith.index_cast %add3A_169 : i32 to index
        %swap3A_324 = arith.constant 96 : index
        %swap3A_325 = tpu.vector_load %arg10[%swap3A_322, %swap3A_323, %swap3A_324] {strides = array<i32>} : memref<3x40x128xf32, #tpu.memory_space<vmem>>, vector<1x1x16xf32>,
        %swap3A_326 = vector.shape_cast %swap3A_325 : vector<1x1x16xf32> to vector<16xf32>
        %swap3A_327 = vector.shape_cast %max3A_320 : vector<16xf32> to vector<1x1x16xf32>
        tpu.vector_store %arg10[%swap3A_322, %swap3A_323, %swap3A_324], %swap3A_327 {strides = array<i32>} : memref<3x40x128xf32, #tpu.memory_space<vmem>>, vector<1x1x16xf32>,
        %get3A_328 = arith.constant 0 : i32
        %get3A_329 = arith.index_cast %get3A_328 : i32 to index
        %get3A_330 = arith.index_cast %add3A_169 : i32 to index
        %get3A_331 = arith.constant 112 : index
        %get3A_332 = tpu.vector_load %arg10[%get3A_329, %get3A_330, %get3A_331] {strides = array<i32>} : memref<3x40x128xf32, #tpu.memory_space<vmem>>, vector<1x1x16xf32>,
        %get3A_333 = vector.shape_cast %get3A_332 : vector<1x1x16xf32> to vector<16xf32>
        %get3A_334 = arith.constant 0 : i32
        %get3A_335 = arith.index_cast %get3A_334 : i32 to index
        %get3A_336 = arith.index_cast %add3A_169 : i32 to index
        %get3A_337 = arith.constant 112 : index
        %get3A_338 = tpu.vector_load %arg11[%get3A_335, %get3A_336, %get3A_337] {strides = array<i32>} : memref<3x40x128xf32, #tpu.memory_space<vmem>>, vector<1x1x16xf32>,
        %get3A_339 = vector.shape_cast %get3A_338 : vector<1x1x16xf32> to vector<16xf32>
        %add3A_340 = arith.addf %get3A_333, %get3A_339 : vector<16xf32>
        %max3A_341 = arith.constant 0.000000e+00 : f32
        %max3A_342 = vector.broadcast %max3A_341 : f32 to vector<16xf32>
        %max3A_343 = arith.maximumf %add3A_340, %max3A_342 : vector<16xf32>
        %swap3A_344 = arith.constant 0 : i32
        %swap3A_345 = arith.index_cast %swap3A_344 : i32 to index
        %swap3A_346 = arith.index_cast %add3A_169 : i32 to index
        %swap3A_347 = arith.constant 112 : index
        %swap3A_348 = tpu.vector_load %arg10[%swap3A_345, %swap3A_346, %swap3A_347] {strides = array<i32>} : memref<3x40x128xf32, #tpu.memory_space<vmem>>, vector<1x1x16xf32>,
        %swap3A_349 = vector.shape_cast %swap3A_348 : vector<1x1x16xf32> to vector<16xf32>
        %swap3A_350 = vector.shape_cast %max3A_343 : vector<16xf32> to vector<1x1x16xf32>
        tpu.vector_store %arg10[%swap3A_345, %swap3A_346, %swap3A_347], %swap3A_350 {strides = array<i32>} : memref<3x40x128xf32, #tpu.memory_space<vmem>>, vector<1x1x16xf32>,
      }
      %scan3A_128 = arith.constant 40 : i32
      %dma_start3A_129 = arith.constant 0 : i32
      %dma_start3A_130 = arith.constant 24 : i32
      %dma_start3A_131 = arith.constant 0 : i32
      %dma_start3A_132 = arith.constant 0 : i32
      %dma_start3A_133 = tpu.memref_slice %arg10[%dma_start3A_129, %dma_start3A_131, %dma_start3A_132] : memref<3x40x128xf32, #tpu.memory_space<vmem>> -> memref<1x40x128xf32, #tpu.memory_space<vmem>>
      %dma_start3A_134 = tpu.memref_squeeze %dma_start3A_133 : memref<1x40x128xf32, #tpu.memory_space<vmem>> -> memref<40x128xf32, #tpu.memory_space<vmem>>
      %dma_start3A_135 = arith.constant 0 : i32
      %dma_start3A_136 = tpu.memref_slice %arg9[%dma_start3A_130, %dma_start3A_135] : memref<25x40xi32, #tpu.memory_space<vmem>> -> memref<1x40xi32, #tpu.memory_space<vmem>>
      %dma_start3A_137 = tpu.memref_squeeze %dma_start3A_136 : memref<1x40xi32, #tpu.memory_space<vmem>> -> memref<40xi32, #tpu.memory_space<vmem>>
      %dma_start3A_138 = arith.constant 0 : i32
      %dma_start3A_139 = arith.constant 0 : i32
      %dma_start3A_140 = tpu.memref_slice %arg7[%dma_start3A_138, %dma_start3A_139] : memref<10240x128xf32, #tpu.memory_space<vmem_shared>> -> memref<10240x128xf32, #tpu.memory_space<vmem_shared>>
      tpu.enqueue_indirect_dma source(%dma_start3A_134 : memref<40x128xf32, #tpu.memory_space<vmem>>) target(%dma_start3A_140 : memref<10240x128xf32, #tpu.memory_space<vmem_shared>>) offsets(%dma_start3A_137 : memref<40xi32, #tpu.memory_space<vmem>>) semaphore(%arg18 : memref<!tpu.dma_semaphore, #tpu.memory_space<semaphore_mem>>) {add = true}
      %dma_wait3A_141 = arith.constant 2 : i32
      %dma_wait3A_142 = arith.constant 24 : i32
      %dma_wait3A_143 = arith.constant 0 : i32
      %dma_wait3A_144 = arith.constant 0 : i32
      %dma_wait3A_145 = tpu.memref_slice %arg10[%dma_wait3A_141, %dma_wait3A_143, %dma_wait3A_144] : memref<3x40x128xf32, #tpu.memory_space<vmem>> -> memref<1x40x128xf32, #tpu.memory_space<vmem>>
      %dma_wait3A_146 = tpu.memref_squeeze %dma_wait3A_145 : memref<1x40x128xf32, #tpu.memory_space<vmem>> -> memref<40x128xf32, #tpu.memory_space<vmem>>
      %dma_wait3A_147 = arith.constant 0 : i32
      %dma_wait3A_148 = tpu.memref_slice %arg9[%dma_wait3A_142, %dma_wait3A_147] : memref<25x40xi32, #tpu.memory_space<vmem>> -> memref<1x40xi32, #tpu.memory_space<vmem>>
      %dma_wait3A_149 = tpu.memref_squeeze %dma_wait3A_148 : memref<1x40xi32, #tpu.memory_space<vmem>> -> memref<40xi32, #tpu.memory_space<vmem>>
      %dma_wait3A_150 = arith.constant 0 : i32
      %dma_wait3A_151 = arith.constant 0 : i32
      %dma_wait3A_152 = tpu.memref_slice %arg7[%dma_wait3A_150, %dma_wait3A_151] : memref<10240x128xf32, #tpu.memory_space<vmem_shared>> -> memref<10240x128xf32, #tpu.memory_space<vmem_shared>>
      tpu.wait_indirect_dma semaphore(%arg20 : memref<!tpu.dma_semaphore, #tpu.memory_space<semaphore_mem>>) src(%dma_wait3A_146 : memref<40x128xf32, #tpu.memory_space<vmem>>) dst(%dma_wait3A_152 : memref<10240x128xf32, #tpu.memory_space<vmem_shared>>)
      %dma_wait3A_153 = arith.constant 0 : i32
      %dma_wait3A_154 = arith.constant 24 : i32
      %dma_wait3A_155 = arith.constant 0 : i32
      %dma_wait3A_156 = arith.constant 0 : i32
      %dma_wait3A_157 = tpu.memref_slice %arg10[%dma_wait3A_153, %dma_wait3A_155, %dma_wait3A_156] : memref<3x40x128xf32, #tpu.memory_space<vmem>> -> memref<1x40x128xf32, #tpu.memory_space<vmem>>
      %dma_wait3A_158 = tpu.memref_squeeze %dma_wait3A_157 : memref<1x40x128xf32, #tpu.memory_space<vmem>> -> memref<40x128xf32, #tpu.memory_space<vmem>>
      %dma_wait3A_159 = arith.constant 0 : i32
      %dma_wait3A_160 = tpu.memref_slice %arg9[%dma_wait3A_154, %dma_wait3A_159] : memref<25x40xi32, #tpu.memory_space<vmem>> -> memref<1x40xi32, #tpu.memory_space<vmem>>
      %dma_wait3A_161 = tpu.memref_squeeze %dma_wait3A_160 : memref<1x40xi32, #tpu.memory_space<vmem>> -> memref<40xi32, #tpu.memory_space<vmem>>
      %dma_wait3A_162 = arith.constant 0 : i32
      %dma_wait3A_163 = arith.constant 0 : i32
      %dma_wait3A_164 = tpu.memref_slice %arg7[%dma_wait3A_162, %dma_wait3A_163] : memref<10240x128xf32, #tpu.memory_space<vmem_shared>> -> memref<10240x128xf32, #tpu.memory_space<vmem_shared>>
      tpu.wait_indirect_dma semaphore(%arg18 : memref<!tpu.dma_semaphore, #tpu.memory_space<semaphore_mem>>) src(%dma_wait3A_158 : memref<40x128xf32, #tpu.memory_space<vmem>>) dst(%dma_wait3A_164 : memref<10240x128xf32, #tpu.memory_space<vmem_shared>>)
    }
    %scan3A_14 = arith.constant 10 : i32
    %barrier3A_15 = arith.constant 0 : index
    tpu.barrier barrier_id(%barrier3A_15)
    %scan3A_16 = arith.constant 0 : i32
    %scan3A_17 = arith.constant 5 : i32
    %scan3A_18 = arith.addi %scan3A_16, %scan3A_17 : i32
    %scan3A_19 = arith.constant 1 : i32
    scf.for %scan3A_21 = %scan3A_16 to %scan3A_18 step %scan3A_19  : i32 {
      %mul3A_22 = arith.constant 1 : i32
      %mul3A_23 = arith.muli %scan3A_21, %mul3A_22 : i32
      %add3A_24 = arith.constant 0 : i32
      %add3A_25 = arith.addi %add3A_24, %mul3A_23 : i32
      %mul3A_26 = arith.constant 640 : i32
      %mul3A_27 = arith.muli %arg1, %mul3A_26 : i32
      %mul3A_28 = arith.constant 128 : i32
      %mul3A_29 = arith.muli %add3A_25, %mul3A_28 : i32
      %add3A_30 = arith.addi %mul3A_27, %mul3A_29 : i32
      "tpu.region"() ({
        %run_scoped3A = tpu.sem_alloc : memref<!tpu.dma_semaphore, #tpu.memory_space<semaphore_mem>>
        %dma_start3A = arith.constant 0 : i32
        %dma_start3A_31 = tpu.memref_slice %arg6[%arg0, %add3A_30, %dma_start3A] : memref<2x10240x128xf32, #tpu.memory_space<hbm>> -> memref<1x128x128xf32, #tpu.memory_space<hbm>>
        %dma_start3A_32 = tpu.memref_squeeze %dma_start3A_31 : memref<1x128x128xf32, #tpu.memory_space<hbm>> -> memref<128x128xf32, #tpu.memory_space<hbm>>
        %dma_start3A_33 = arith.constant 0 : i32
        %dma_start3A_34 = tpu.memref_slice %arg7[%add3A_30, %dma_start3A_33] : memref<10240x128xf32, #tpu.memory_space<vmem_shared>> -> memref<128x128xf32, #tpu.memory_space<vmem_shared>>
        tpu.enqueue_dma source(%dma_start3A_34 : memref<128x128xf32, #tpu.memory_space<vmem_shared>>) target(%dma_start3A_32 : memref<128x128xf32, #tpu.memory_space<hbm>>) target_semaphore(%run_scoped3A : memref<!tpu.dma_semaphore, #tpu.memory_space<semaphore_mem>>)
        %dma_wait3A = arith.constant 0 : i32
        %dma_wait3A_35 = tpu.memref_slice %arg6[%arg0, %add3A_30, %dma_wait3A] : memref<2x10240x128xf32, #tpu.memory_space<hbm>> -> memref<1x128x128xf32, #tpu.memory_space<hbm>>
        %dma_wait3A_36 = tpu.memref_squeeze %dma_wait3A_35 : memref<1x128x128xf32, #tpu.memory_space<hbm>> -> memref<128x128xf32, #tpu.memory_space<hbm>>
        %dma_wait3A_37 = arith.constant 0 : i32
        %dma_wait3A_38 = tpu.memref_slice %arg7[%add3A_30, %dma_wait3A_37] : memref<10240x128xf32, #tpu.memory_space<vmem_shared>> -> memref<128x128xf32, #tpu.memory_space<vmem_shared>>
        tpu.wait_dma2 semaphore(%run_scoped3A : memref<!tpu.dma_semaphore, #tpu.memory_space<semaphore_mem>>) src(%dma_wait3A_38 : memref<128x128xf32, #tpu.memory_space<vmem_shared>>) dst(%dma_wait3A_36 : memref<128x128xf32, #tpu.memory_space<hbm>>)
        tpu.yield
      }) : () -> ()
    }
    %scan3A_20 = arith.constant 5 : i32
    return
  }
}

#map = affine_map<(d0, d1) -> (0, 0)>
#map1 = affine_map<(d0, d1) -> (0, 0, 0, 0)>
#map2 = affine_map<(d0, d1) -> (0, 0, 0)>
module attributes {stable_mosaic.version = 14 : i64} {
  func.func @_sc_msg_body(%arg0: i32, %arg1: i32, %arg2: memref<10000x128xf32, #tpu.memory_space<hbm>>, %arg3: memref<320000x128xf32, #tpu.memory_space<hbm>>, %arg4: memref<32x10x25x40xi32, #tpu.memory_space<hbm>>, %arg5: memref<32x10x25x40xi32, #tpu.memory_space<hbm>>, %arg6: memref<2x10240x128xf32, #tpu.memory_space<hbm>>, %arg7: memref<10240x128xf32, #tpu.memory_space<vmem_shared>>, %arg8: memref<25x40xi32, #tpu.memory_space<vmem>>, %arg9: memref<25x40xi32, #tpu.memory_space<vmem>>, %arg10: memref<3x40x128xf32, #tpu.memory_space<vmem>>, %arg11: memref<3x40x128xf32, #tpu.memory_space<vmem>>, %arg12: memref<!tpu.dma_semaphore, #tpu.memory_space<semaphore_mem>>, %arg13: memref<!tpu.dma_semaphore, #tpu.memory_space<semaphore_mem>>, %arg14: memref<!tpu.dma_semaphore, #tpu.memory_space<semaphore_mem>>, %arg15: memref<!tpu.dma_semaphore, #tpu.memory_space<semaphore_mem>>, %arg16: memref<!tpu.dma_semaphore, #tpu.memory_space<semaphore_mem>>, %arg17: memref<!tpu.dma_semaphore, #tpu.memory_space<semaphore_mem>>, %arg18: memref<!tpu.dma_semaphore, #tpu.memory_space<semaphore_mem>>, %arg19: memref<!tpu.dma_semaphore, #tpu.memory_space<semaphore_mem>>, %arg20: memref<!tpu.dma_semaphore, #tpu.memory_space<semaphore_mem>>) attributes {dimension_semantics = [#tpu.dimension_semantics<core_parallel>, #tpu.dimension_semantics<subcore_parallel>], iteration_bounds = array<i64: 2, 16>, scalar_prefetch = 0 : i64, scratch_operands = 14 : i64, tpu.core_type = #tpu.core_type<sc_vector_subcore>, window_params = [{transform_indices = #map}, {transform_indices = #map}, {transform_indices = #map1}, {transform_indices = #map1}, {transform_indices = #map2}]} {
    %mul3A = arith.constant 16 : i32
    %mul3A_0 = arith.muli %arg0, %mul3A : i32
    %add3A = arith.addi %mul3A_0, %arg1 : i32
    %scan3A = arith.constant 0 : i32
    %scan3A_1 = arith.constant 40 : i32
    %scan3A_2 = arith.addi %scan3A, %scan3A_1 : i32
    %scan3A_3 = arith.constant 1 : i32
    scf.for %scan3A_21 = %scan3A to %scan3A_2 step %scan3A_3  : i32 {
      %mul3A_22 = arith.constant 1 : i32
      %mul3A_23 = arith.muli %scan3A_21, %mul3A_22 : i32
      %add3A_24 = arith.constant 0 : i32
      %add3A_25 = arith.addi %add3A_24, %mul3A_23 : i32
      %broadcast_in_dim3A = arith.constant 0.000000e+00 : f32
      %broadcast_in_dim3A_26 = vector.broadcast %broadcast_in_dim3A : f32 to vector<16xf32>
      %swap3A = arith.constant 0 : i32
      %swap3A_27 = arith.index_cast %swap3A : i32 to index
      %swap3A_28 = arith.index_cast %add3A_25 : i32 to index
      %swap3A_29 = arith.constant 0 : index
      %swap3A_30 = tpu.vector_load %arg10[%swap3A_27, %swap3A_28, %swap3A_29] {strides = array<i32>} : memref<3x40x128xf32, #tpu.memory_space<vmem>>, vector<1x1x16xf32>,
      %swap3A_31 = vector.shape_cast %swap3A_30 : vector<1x1x16xf32> to vector<16xf32>
      %swap3A_32 = vector.shape_cast %broadcast_in_dim3A_26 : vector<16xf32> to vector<1x1x16xf32>
      tpu.vector_store %arg10[%swap3A_27, %swap3A_28, %swap3A_29], %swap3A_32 {strides = array<i32>} : memref<3x40x128xf32, #tpu.memory_space<vmem>>, vector<1x1x16xf32>,
      %broadcast_in_dim3A_33 = arith.constant 0.000000e+00 : f32
      %broadcast_in_dim3A_34 = vector.broadcast %broadcast_in_dim3A_33 : f32 to vector<16xf32>
      %swap3A_35 = arith.constant 0 : i32
      %swap3A_36 = arith.index_cast %swap3A_35 : i32 to index
      %swap3A_37 = arith.index_cast %add3A_25 : i32 to index
      %swap3A_38 = arith.constant 16 : index
      %swap3A_39 = tpu.vector_load %arg10[%swap3A_36, %swap3A_37, %swap3A_38] {strides = array<i32>} : memref<3x40x128xf32, #tpu.memory_space<vmem>>, vector<1x1x16xf32>,
      %swap3A_40 = vector.shape_cast %swap3A_39 : vector<1x1x16xf32> to vector<16xf32>
      %swap3A_41 = vector.shape_cast %broadcast_in_dim3A_34 : vector<16xf32> to vector<1x1x16xf32>
      tpu.vector_store %arg10[%swap3A_36, %swap3A_37, %swap3A_38], %swap3A_41 {strides = array<i32>} : memref<3x40x128xf32, #tpu.memory_space<vmem>>, vector<1x1x16xf32>,
      %broadcast_in_dim3A_42 = arith.constant 0.000000e+00 : f32
      %broadcast_in_dim3A_43 = vector.broadcast %broadcast_in_dim3A_42 : f32 to vector<16xf32>
      %swap3A_44 = arith.constant 0 : i32
      %swap3A_45 = arith.index_cast %swap3A_44 : i32 to index
      %swap3A_46 = arith.index_cast %add3A_25 : i32 to index
      %swap3A_47 = arith.constant 32 : index
      %swap3A_48 = tpu.vector_load %arg10[%swap3A_45, %swap3A_46, %swap3A_47] {strides = array<i32>} : memref<3x40x128xf32, #tpu.memory_space<vmem>>, vector<1x1x16xf32>,
      %swap3A_49 = vector.shape_cast %swap3A_48 : vector<1x1x16xf32> to vector<16xf32>
      %swap3A_50 = vector.shape_cast %broadcast_in_dim3A_43 : vector<16xf32> to vector<1x1x16xf32>
      tpu.vector_store %arg10[%swap3A_45, %swap3A_46, %swap3A_47], %swap3A_50 {strides = array<i32>} : memref<3x40x128xf32, #tpu.memory_space<vmem>>, vector<1x1x16xf32>,
      %broadcast_in_dim3A_51 = arith.constant 0.000000e+00 : f32
      %broadcast_in_dim3A_52 = vector.broadcast %broadcast_in_dim3A_51 : f32 to vector<16xf32>
      %swap3A_53 = arith.constant 0 : i32
      %swap3A_54 = arith.index_cast %swap3A_53 : i32 to index
      %swap3A_55 = arith.index_cast %add3A_25 : i32 to index
      %swap3A_56 = arith.constant 48 : index
      %swap3A_57 = tpu.vector_load %arg10[%swap3A_54, %swap3A_55, %swap3A_56] {strides = array<i32>} : memref<3x40x128xf32, #tpu.memory_space<vmem>>, vector<1x1x16xf32>,
      %swap3A_58 = vector.shape_cast %swap3A_57 : vector<1x1x16xf32> to vector<16xf32>
      %swap3A_59 = vector.shape_cast %broadcast_in_dim3A_52 : vector<16xf32> to vector<1x1x16xf32>
      tpu.vector_store %arg10[%swap3A_54, %swap3A_55, %swap3A_56], %swap3A_59 {strides = array<i32>} : memref<3x40x128xf32, #tpu.memory_space<vmem>>, vector<1x1x16xf32>,
      %broadcast_in_dim3A_60 = arith.constant 0.000000e+00 : f32
      %broadcast_in_dim3A_61 = vector.broadcast %broadcast_in_dim3A_60 : f32 to vector<16xf32>
      %swap3A_62 = arith.constant 0 : i32
      %swap3A_63 = arith.index_cast %swap3A_62 : i32 to index
      %swap3A_64 = arith.index_cast %add3A_25 : i32 to index
      %swap3A_65 = arith.constant 64 : index
      %swap3A_66 = tpu.vector_load %arg10[%swap3A_63, %swap3A_64, %swap3A_65] {strides = array<i32>} : memref<3x40x128xf32, #tpu.memory_space<vmem>>, vector<1x1x16xf32>,
      %swap3A_67 = vector.shape_cast %swap3A_66 : vector<1x1x16xf32> to vector<16xf32>
      %swap3A_68 = vector.shape_cast %broadcast_in_dim3A_61 : vector<16xf32> to vector<1x1x16xf32>
      tpu.vector_store %arg10[%swap3A_63, %swap3A_64, %swap3A_65], %swap3A_68 {strides = array<i32>} : memref<3x40x128xf32, #tpu.memory_space<vmem>>, vector<1x1x16xf32>,
      %broadcast_in_dim3A_69 = arith.constant 0.000000e+00 : f32
      %broadcast_in_dim3A_70 = vector.broadcast %broadcast_in_dim3A_69 : f32 to vector<16xf32>
      %swap3A_71 = arith.constant 0 : i32
      %swap3A_72 = arith.index_cast %swap3A_71 : i32 to index
      %swap3A_73 = arith.index_cast %add3A_25 : i32 to index
      %swap3A_74 = arith.constant 80 : index
      %swap3A_75 = tpu.vector_load %arg10[%swap3A_72, %swap3A_73, %swap3A_74] {strides = array<i32>} : memref<3x40x128xf32, #tpu.memory_space<vmem>>, vector<1x1x16xf32>,
      %swap3A_76 = vector.shape_cast %swap3A_75 : vector<1x1x16xf32> to vector<16xf32>
      %swap3A_77 = vector.shape_cast %broadcast_in_dim3A_70 : vector<16xf32> to vector<1x1x16xf32>
      tpu.vector_store %arg10[%swap3A_72, %swap3A_73, %swap3A_74], %swap3A_77 {strides = array<i32>} : memref<3x40x128xf32, #tpu.memory_space<vmem>>, vector<1x1x16xf32>,
      %broadcast_in_dim3A_78 = arith.constant 0.000000e+00 : f32
      %broadcast_in_dim3A_79 = vector.broadcast %broadcast_in_dim3A_78 : f32 to vector<16xf32>
      %swap3A_80 = arith.constant 0 : i32
      %swap3A_81 = arith.index_cast %swap3A_80 : i32 to index
      %swap3A_82 = arith.index_cast %add3A_25 : i32 to index
      %swap3A_83 = arith.constant 96 : index
      %swap3A_84 = tpu.vector_load %arg10[%swap3A_81, %swap3A_82, %swap3A_83] {strides = array<i32>} : memref<3x40x128xf32, #tpu.memory_space<vmem>>, vector<1x1x16xf32>,
      %swap3A_85 = vector.shape_cast %swap3A_84 : vector<1x1x16xf32> to vector<16xf32>
      %swap3A_86 = vector.shape_cast %broadcast_in_dim3A_79 : vector<16xf32> to vector<1x1x16xf32>
      tpu.vector_store %arg10[%swap3A_81, %swap3A_82, %swap3A_83], %swap3A_86 {strides = array<i32>} : memref<3x40x128xf32, #tpu.memory_space<vmem>>, vector<1x1x16xf32>,
      %broadcast_in_dim3A_87 = arith.constant 0.000000e+00 : f32
      %broadcast_in_dim3A_88 = vector.broadcast %broadcast_in_dim3A_87 : f32 to vector<16xf32>
      %swap3A_89 = arith.constant 0 : i32
      %swap3A_90 = arith.index_cast %swap3A_89 : i32 to index
      %swap3A_91 = arith.index_cast %add3A_25 : i32 to index
      %swap3A_92 = arith.constant 112 : index
      %swap3A_93 = tpu.vector_load %arg10[%swap3A_90, %swap3A_91, %swap3A_92] {strides = array<i32>} : memref<3x40x128xf32, #tpu.memory_space<vmem>>, vector<1x1x16xf32>,
      %swap3A_94 = vector.shape_cast %swap3A_93 : vector<1x1x16xf32> to vector<16xf32>
      %swap3A_95 = vector.shape_cast %broadcast_in_dim3A_88 : vector<16xf32> to vector<1x1x16xf32>
      tpu.vector_store %arg10[%swap3A_90, %swap3A_91, %swap3A_92], %swap3A_95 {strides = array<i32>} : memref<3x40x128xf32, #tpu.memory_space<vmem>>, vector<1x1x16xf32>,
    }
    %scan3A_4 = arith.constant 40 : i32
    %scan3A_5 = arith.constant 0 : i32
    %scan3A_6 = arith.constant 16 : i32
    %scan3A_7 = arith.addi %scan3A_5, %scan3A_6 : i32
    %scan3A_8 = arith.constant 1 : i32
    scf.for %scan3A_21 = %scan3A_5 to %scan3A_7 step %scan3A_8  : i32 {
      %mul3A_22 = arith.constant 1 : i32
      %mul3A_23 = arith.muli %scan3A_21, %mul3A_22 : i32
      %add3A_24 = arith.constant 0 : i32
      %add3A_25 = arith.addi %add3A_24, %mul3A_23 : i32
      %mul3A_26 = arith.constant 640 : i32
      %mul3A_27 = arith.muli %arg1, %mul3A_26 : i32
      %mul3A_28 = arith.constant 40 : i32
      %mul3A_29 = arith.muli %add3A_25, %mul3A_28 : i32
      %add3A_30 = arith.addi %mul3A_27, %mul3A_29 : i32
      %run_scoped3A = arith.constant 0 : i32
      "tpu.region"() ({
        %run_scoped3A_31 = tpu.sem_alloc : memref<!tpu.dma_semaphore, #tpu.memory_space<semaphore_mem>>
        %dma_start3A = arith.constant 0 : i32
        %dma_start3A_32 = arith.constant 0 : i32
        %dma_start3A_33 = tpu.memref_slice %arg10[%run_scoped3A, %dma_start3A, %dma_start3A_32] : memref<3x40x128xf32, #tpu.memory_space<vmem>> -> memref<1x40x128xf32, #tpu.memory_space<vmem>>
        %dma_start3A_34 = tpu.memref_squeeze %dma_start3A_33 : memref<1x40x128xf32, #tpu.memory_space<vmem>> -> memref<40x128xf32, #tpu.memory_space<vmem>>
        %dma_start3A_35 = arith.constant 0 : i32
        %dma_start3A_36 = tpu.memref_slice %arg7[%add3A_30, %dma_start3A_35] : memref<10240x128xf32, #tpu.memory_space<vmem_shared>> -> memref<40x128xf32, #tpu.memory_space<vmem_shared>>
        %dma_start3A_37 = arith.constant 0 : i32
        %dma_start3A_38 = tpu.memref_slice %arg7[%add3A_30, %dma_start3A_37] : memref<10240x128xf32, #tpu.memory_space<vmem_shared>> -> memref<40x128xf32, #tpu.memory_space<vmem_shared>>
        %dma_start3A_39 = arith.constant 0 : i32
        %dma_start3A_40 = arith.constant 0 : i32
        %dma_start3A_41 = tpu.memref_slice %arg10[%run_scoped3A, %dma_start3A_39, %dma_start3A_40] : memref<3x40x128xf32, #tpu.memory_space<vmem>> -> memref<1x40x128xf32, #tpu.memory_space<vmem>>
        %dma_start3A_42 = tpu.memref_squeeze %dma_start3A_41 : memref<1x40x128xf32, #tpu.memory_space<vmem>> -> memref<40x128xf32, #tpu.memory_space<vmem>>
        tpu.enqueue_dma source(%dma_start3A_42 : memref<40x128xf32, #tpu.memory_space<vmem>>) target(%dma_start3A_38 : memref<40x128xf32, #tpu.memory_space<vmem_shared>>) target_semaphore(%run_scoped3A_31 : memref<!tpu.dma_semaphore, #tpu.memory_space<semaphore_mem>>)
        %dma_wait3A = arith.constant 0 : i32
        %dma_wait3A_43 = arith.constant 0 : i32
        %dma_wait3A_44 = tpu.memref_slice %arg10[%run_scoped3A, %dma_wait3A, %dma_wait3A_43] : memref<3x40x128xf32, #tpu.memory_space<vmem>> -> memref<1x40x128xf32, #tpu.memory_space<vmem>>
        %dma_wait3A_45 = tpu.memref_squeeze %dma_wait3A_44 : memref<1x40x128xf32, #tpu.memory_space<vmem>> -> memref<40x128xf32, #tpu.memory_space<vmem>>
        %dma_wait3A_46 = arith.constant 0 : i32
        %dma_wait3A_47 = tpu.memref_slice %arg7[%add3A_30, %dma_wait3A_46] : memref<10240x128xf32, #tpu.memory_space<vmem_shared>> -> memref<40x128xf32, #tpu.memory_space<vmem_shared>>
        %dma_wait3A_48 = arith.constant 0 : i32
        %dma_wait3A_49 = tpu.memref_slice %arg7[%add3A_30, %dma_wait3A_48] : memref<10240x128xf32, #tpu.memory_space<vmem_shared>> -> memref<40x128xf32, #tpu.memory_space<vmem_shared>>
        %dma_wait3A_50 = arith.constant 0 : i32
        %dma_wait3A_51 = arith.constant 0 : i32
        %dma_wait3A_52 = tpu.memref_slice %arg10[%run_scoped3A, %dma_wait3A_50, %dma_wait3A_51] : memref<3x40x128xf32, #tpu.memory_space<vmem>> -> memref<1x40x128xf32, #tpu.memory_space<vmem>>
        %dma_wait3A_53 = tpu.memref_squeeze %dma_wait3A_52 : memref<1x40x128xf32, #tpu.memory_space<vmem>> -> memref<40x128xf32, #tpu.memory_space<vmem>>
        tpu.wait_dma2 semaphore(%run_scoped3A_31 : memref<!tpu.dma_semaphore, #tpu.memory_space<semaphore_mem>>) src(%dma_wait3A_53 : memref<40x128xf32, #tpu.memory_space<vmem>>) dst(%dma_wait3A_49 : memref<40x128xf32, #tpu.memory_space<vmem_shared>>)
        tpu.yield
      }) : () -> ()
    }
    %scan3A_9 = arith.constant 16 : i32
    %barrier3A = arith.constant 0 : index
    tpu.barrier barrier_id(%barrier3A)
    %scan3A_10 = arith.constant 0 : i32
    %scan3A_11 = arith.constant 10 : i32
    %scan3A_12 = arith.addi %scan3A_10, %scan3A_11 : i32
    %scan3A_13 = arith.constant 1 : i32
    scf.for %scan3A_21 = %scan3A_10 to %scan3A_12 step %scan3A_13  : i32 {
      %mul3A_22 = arith.constant 1 : i32
      %mul3A_23 = arith.muli %scan3A_21, %mul3A_22 : i32
      %add3A_24 = arith.constant 0 : i32
      %add3A_25 = arith.addi %add3A_24, %mul3A_23 : i32
      "tpu.region"() ({
        %run_scoped3A = tpu.sem_alloc : memref<!tpu.dma_semaphore, #tpu.memory_space<semaphore_mem>>
        %dma_start3A_165 = arith.constant 0 : i32
        %dma_start3A_166 = arith.constant 0 : i32
        %dma_start3A_167 = tpu.memref_slice %arg4[%add3A, %add3A_25, %dma_start3A_165, %dma_start3A_166] : memref<32x10x25x40xi32, #tpu.memory_space<hbm>> -> memref<1x1x25x40xi32, #tpu.memory_space<hbm>>
        %dma_start3A_168 = tpu.memref_squeeze %dma_start3A_167 : memref<1x1x25x40xi32, #tpu.memory_space<hbm>> -> memref<25x40xi32, #tpu.memory_space<hbm>>
        %dma_start3A_169 = arith.constant 0 : i32
        %dma_start3A_170 = arith.constant 0 : i32
        %dma_start3A_171 = tpu.memref_slice %arg4[%add3A, %add3A_25, %dma_start3A_169, %dma_start3A_170] : memref<32x10x25x40xi32, #tpu.memory_space<hbm>> -> memref<1x1x25x40xi32, #tpu.memory_space<hbm>>
        %dma_start3A_172 = tpu.memref_squeeze %dma_start3A_171 : memref<1x1x25x40xi32, #tpu.memory_space<hbm>> -> memref<25x40xi32, #tpu.memory_space<hbm>>
        tpu.enqueue_dma source(%dma_start3A_172 : memref<25x40xi32, #tpu.memory_space<hbm>>) target(%arg8 : memref<25x40xi32, #tpu.memory_space<vmem>>) target_semaphore(%run_scoped3A : memref<!tpu.dma_semaphore, #tpu.memory_space<semaphore_mem>>)
        %dma_wait3A_173 = arith.constant 0 : i32
        %dma_wait3A_174 = arith.constant 0 : i32
        %dma_wait3A_175 = tpu.memref_slice %arg4[%add3A, %add3A_25, %dma_wait3A_173, %dma_wait3A_174] : memref<32x10x25x40xi32, #tpu.memory_space<hbm>> -> memref<1x1x25x40xi32, #tpu.memory_space<hbm>>
        %dma_wait3A_176 = tpu.memref_squeeze %dma_wait3A_175 : memref<1x1x25x40xi32, #tpu.memory_space<hbm>> -> memref<25x40xi32, #tpu.memory_space<hbm>>
        %dma_wait3A_177 = arith.constant 0 : i32
        %dma_wait3A_178 = arith.constant 0 : i32
        %dma_wait3A_179 = tpu.memref_slice %arg4[%add3A, %add3A_25, %dma_wait3A_177, %dma_wait3A_178] : memref<32x10x25x40xi32, #tpu.memory_space<hbm>> -> memref<1x1x25x40xi32, #tpu.memory_space<hbm>>
        %dma_wait3A_180 = tpu.memref_squeeze %dma_wait3A_179 : memref<1x1x25x40xi32, #tpu.memory_space<hbm>> -> memref<25x40xi32, #tpu.memory_space<hbm>>
        tpu.wait_dma2 semaphore(%run_scoped3A : memref<!tpu.dma_semaphore, #tpu.memory_space<semaphore_mem>>) src(%dma_wait3A_180 : memref<25x40xi32, #tpu.memory_space<hbm>>) dst(%arg8 : memref<25x40xi32, #tpu.memory_space<vmem>>)
        tpu.yield
      }) : () -> ()
      "tpu.region"() ({
        %run_scoped3A = tpu.sem_alloc : memref<!tpu.dma_semaphore, #tpu.memory_space<semaphore_mem>>
        %dma_start3A_165 = arith.constant 0 : i32
        %dma_start3A_166 = arith.constant 0 : i32
        %dma_start3A_167 = tpu.memref_slice %arg5[%add3A, %add3A_25, %dma_start3A_165, %dma_start3A_166] : memref<32x10x25x40xi32, #tpu.memory_space<hbm>> -> memref<1x1x25x40xi32, #tpu.memory_space<hbm>>
        %dma_start3A_168 = tpu.memref_squeeze %dma_start3A_167 : memref<1x1x25x40xi32, #tpu.memory_space<hbm>> -> memref<25x40xi32, #tpu.memory_space<hbm>>
        %dma_start3A_169 = arith.constant 0 : i32
        %dma_start3A_170 = arith.constant 0 : i32
        %dma_start3A_171 = tpu.memref_slice %arg5[%add3A, %add3A_25, %dma_start3A_169, %dma_start3A_170] : memref<32x10x25x40xi32, #tpu.memory_space<hbm>> -> memref<1x1x25x40xi32, #tpu.memory_space<hbm>>
        %dma_start3A_172 = tpu.memref_squeeze %dma_start3A_171 : memref<1x1x25x40xi32, #tpu.memory_space<hbm>> -> memref<25x40xi32, #tpu.memory_space<hbm>>
        tpu.enqueue_dma source(%dma_start3A_172 : memref<25x40xi32, #tpu.memory_space<hbm>>) target(%arg9 : memref<25x40xi32, #tpu.memory_space<vmem>>) target_semaphore(%run_scoped3A : memref<!tpu.dma_semaphore, #tpu.memory_space<semaphore_mem>>)
        %dma_wait3A_173 = arith.constant 0 : i32
        %dma_wait3A_174 = arith.constant 0 : i32
        %dma_wait3A_175 = tpu.memref_slice %arg5[%add3A, %add3A_25, %dma_wait3A_173, %dma_wait3A_174] : memref<32x10x25x40xi32, #tpu.memory_space<hbm>> -> memref<1x1x25x40xi32, #tpu.memory_space<hbm>>
        %dma_wait3A_176 = tpu.memref_squeeze %dma_wait3A_175 : memref<1x1x25x40xi32, #tpu.memory_space<hbm>> -> memref<25x40xi32, #tpu.memory_space<hbm>>
        %dma_wait3A_177 = arith.constant 0 : i32
        %dma_wait3A_178 = arith.constant 0 : i32
        %dma_wait3A_179 = tpu.memref_slice %arg5[%add3A, %add3A_25, %dma_wait3A_177, %dma_wait3A_178] : memref<32x10x25x40xi32, #tpu.memory_space<hbm>> -> memref<1x1x25x40xi32, #tpu.memory_space<hbm>>
        %dma_wait3A_180 = tpu.memref_squeeze %dma_wait3A_179 : memref<1x1x25x40xi32, #tpu.memory_space<hbm>> -> memref<25x40xi32, #tpu.memory_space<hbm>>
        tpu.wait_dma2 semaphore(%run_scoped3A : memref<!tpu.dma_semaphore, #tpu.memory_space<semaphore_mem>>) src(%dma_wait3A_180 : memref<25x40xi32, #tpu.memory_space<hbm>>) dst(%arg9 : memref<25x40xi32, #tpu.memory_space<vmem>>)
        tpu.yield
      }) : () -> ()
      %mul3A_26 = arith.constant 10000 : i32
      %mul3A_27 = arith.muli %add3A, %mul3A_26 : i32
      %mul3A_28 = arith.constant 25 : i32
      %mul3A_29 = arith.muli %add3A_25, %mul3A_28 : i32
      %add3A_30 = arith.constant 0 : i32
      %add3A_31 = arith.addi %mul3A_29, %add3A_30 : i32
      %mul3A_32 = arith.constant 40 : i32
      %mul3A_33 = arith.muli %add3A_31, %mul3A_32 : i32
      %add3A_34 = arith.addi %mul3A_27, %mul3A_33 : i32
      %dma_start3A = arith.constant 0 : i32
      %dma_start3A_35 = arith.constant 0 : i32
      %dma_start3A_36 = arith.constant 0 : i32
      %dma_start3A_37 = tpu.memref_slice %arg10[%dma_start3A, %dma_start3A_35, %dma_start3A_36] : memref<3x40x128xf32, #tpu.memory_space<vmem>> -> memref<1x40x128xf32, #tpu.memory_space<vmem>>
      %dma_start3A_38 = tpu.memref_squeeze %dma_start3A_37 : memref<1x40x128xf32, #tpu.memory_space<vmem>> -> memref<40x128xf32, #tpu.memory_space<vmem>>
      %dma_start3A_39 = arith.constant 0 : i32
      %dma_start3A_40 = tpu.memref_slice %arg3[%add3A_34, %dma_start3A_39] : memref<320000x128xf32, #tpu.memory_space<hbm>> -> memref<40x128xf32, #tpu.memory_space<hbm>>
      %dma_start3A_41 = arith.constant 0 : i32
      %dma_start3A_42 = arith.constant 0 : i32
      %dma_start3A_43 = tpu.memref_slice %arg10[%dma_start3A, %dma_start3A_41, %dma_start3A_42] : memref<3x40x128xf32, #tpu.memory_space<vmem>> -> memref<1x40x128xf32, #tpu.memory_space<vmem>>
      %dma_start3A_44 = tpu.memref_squeeze %dma_start3A_43 : memref<1x40x128xf32, #tpu.memory_space<vmem>> -> memref<40x128xf32, #tpu.memory_space<vmem>>
      %dma_start3A_45 = arith.constant 0 : i32
      %dma_start3A_46 = tpu.memref_slice %arg3[%add3A_34, %dma_start3A_45] : memref<320000x128xf32, #tpu.memory_space<hbm>> -> memref<40x128xf32, #tpu.memory_space<hbm>>
      tpu.enqueue_dma source(%dma_start3A_46 : memref<40x128xf32, #tpu.memory_space<hbm>>) target(%dma_start3A_44 : memref<40x128xf32, #tpu.memory_space<vmem>>) target_semaphore(%arg12 : memref<!tpu.dma_semaphore, #tpu.memory_space<semaphore_mem>>)
      %dma_start3A_47 = arith.constant 0 : i32
      %dma_start3A_48 = arith.constant 0 : i32
      %dma_start3A_49 = arith.constant 0 : i32
      %dma_start3A_50 = arith.constant 0 : i32
      %dma_start3A_51 = tpu.memref_slice %arg11[%dma_start3A_48, %dma_start3A_49, %dma_start3A_50] : memref<3x40x128xf32, #tpu.memory_space<vmem>> -> memref<1x40x128xf32, #tpu.memory_space<vmem>>
      %dma_start3A_52 = tpu.memref_squeeze %dma_start3A_51 : memref<1x40x128xf32, #tpu.memory_space<vmem>> -> memref<40x128xf32, #tpu.memory_space<vmem>>
      %dma_start3A_53 = arith.constant 0 : i32
      %dma_start3A_54 = tpu.memref_slice %arg8[%dma_start3A_47, %dma_start3A_53] : memref<25x40xi32, #tpu.memory_space<vmem>> -> memref<1x40xi32, #tpu.memory_space<vmem>>
      %dma_start3A_55 = tpu.memref_squeeze %dma_start3A_54 : memref<1x40xi32, #tpu.memory_space<vmem>> -> memref<40xi32, #tpu.memory_space<vmem>>
      %dma_start3A_56 = arith.constant 0 : i32
      %dma_start3A_57 = arith.constant 0 : i32
      %dma_start3A_58 = tpu.memref_slice %arg2[%dma_start3A_56, %dma_start3A_57] : memref<10000x128xf32, #tpu.memory_space<hbm>> -> memref<10000x128xf32, #tpu.memory_space<hbm>>
      tpu.enqueue_indirect_dma source(%dma_start3A_58 : memref<10000x128xf32, #tpu.memory_space<hbm>>) target(%dma_start3A_52 : memref<40x128xf32, #tpu.memory_space<vmem>>) offsets(%dma_start3A_55 : memref<40xi32, #tpu.memory_space<vmem>>) semaphore(%arg15 : memref<!tpu.dma_semaphore, #tpu.memory_space<semaphore_mem>>)
      %mul3A_59 = arith.constant 10000 : i32
      %mul3A_60 = arith.muli %add3A, %mul3A_59 : i32
      %mul3A_61 = arith.constant 25 : i32
      %mul3A_62 = arith.muli %add3A_25, %mul3A_61 : i32
      %add3A_63 = arith.constant 1 : i32
      %add3A_64 = arith.addi %mul3A_62, %add3A_63 : i32
      %mul3A_65 = arith.constant 40 : i32
      %mul3A_66 = arith.muli %add3A_64, %mul3A_65 : i32
      %add3A_67 = arith.addi %mul3A_60, %mul3A_66 : i32
      %dma_start3A_68 = arith.constant 1 : i32
      %dma_start3A_69 = arith.constant 0 : i32
      %dma_start3A_70 = arith.constant 0 : i32
      %dma_start3A_71 = tpu.memref_slice %arg10[%dma_start3A_68, %dma_start3A_69, %dma_start3A_70] : memref<3x40x128xf32, #tpu.memory_space<vmem>> -> memref<1x40x128xf32, #tpu.memory_space<vmem>>
      %dma_start3A_72 = tpu.memref_squeeze %dma_start3A_71 : memref<1x40x128xf32, #tpu.memory_space<vmem>> -> memref<40x128xf32, #tpu.memory_space<vmem>>
      %dma_start3A_73 = arith.constant 0 : i32
      %dma_start3A_74 = tpu.memref_slice %arg3[%add3A_67, %dma_start3A_73] : memref<320000x128xf32, #tpu.memory_space<hbm>> -> memref<40x128xf32, #tpu.memory_space<hbm>>
      %dma_start3A_75 = arith.constant 0 : i32
      %dma_start3A_76 = arith.constant 0 : i32
      %dma_start3A_77 = tpu.memref_slice %arg10[%dma_start3A_68, %dma_start3A_75, %dma_start3A_76] : memref<3x40x128xf32, #tpu.memory_space<vmem>> -> memref<1x40x128xf32, #tpu.memory_space<vmem>>
      %dma_start3A_78 = tpu.memref_squeeze %dma_start3A_77 : memref<1x40x128xf32, #tpu.memory_space<vmem>> -> memref<40x128xf32, #tpu.memory_space<vmem>>
      %dma_start3A_79 = arith.constant 0 : i32
      %dma_start3A_80 = tpu.memref_slice %arg3[%add3A_67, %dma_start3A_79] : memref<320000x128xf32, #tpu.memory_space<hbm>> -> memref<40x128xf32, #tpu.memory_space<hbm>>
      tpu.enqueue_dma source(%dma_start3A_80 : memref<40x128xf32, #tpu.memory_space<hbm>>) target(%dma_start3A_78 : memref<40x128xf32, #tpu.memory_space<vmem>>) target_semaphore(%arg13 : memref<!tpu.dma_semaphore, #tpu.memory_space<semaphore_mem>>)
      %dma_start3A_81 = arith.constant 1 : i32
      %dma_start3A_82 = arith.constant 1 : i32
      %dma_start3A_83 = arith.constant 0 : i32
      %dma_start3A_84 = arith.constant 0 : i32
      %dma_start3A_85 = tpu.memref_slice %arg11[%dma_start3A_82, %dma_start3A_83, %dma_start3A_84] : memref<3x40x128xf32, #tpu.memory_space<vmem>> -> memref<1x40x128xf32, #tpu.memory_space<vmem>>
      %dma_start3A_86 = tpu.memref_squeeze %dma_start3A_85 : memref<1x40x128xf32, #tpu.memory_space<vmem>> -> memref<40x128xf32, #tpu.memory_space<vmem>>
      %dma_start3A_87 = arith.constant 0 : i32
      %dma_start3A_88 = tpu.memref_slice %arg8[%dma_start3A_81, %dma_start3A_87] : memref<25x40xi32, #tpu.memory_space<vmem>> -> memref<1x40xi32, #tpu.memory_space<vmem>>
      %dma_start3A_89 = tpu.memref_squeeze %dma_start3A_88 : memref<1x40xi32, #tpu.memory_space<vmem>> -> memref<40xi32, #tpu.memory_space<vmem>>
      %dma_start3A_90 = arith.constant 0 : i32
      %dma_start3A_91 = arith.constant 0 : i32
      %dma_start3A_92 = tpu.memref_slice %arg2[%dma_start3A_90, %dma_start3A_91] : memref<10000x128xf32, #tpu.memory_space<hbm>> -> memref<10000x128xf32, #tpu.memory_space<hbm>>
      tpu.enqueue_indirect_dma source(%dma_start3A_92 : memref<10000x128xf32, #tpu.memory_space<hbm>>) target(%dma_start3A_86 : memref<40x128xf32, #tpu.memory_space<vmem>>) offsets(%dma_start3A_89 : memref<40xi32, #tpu.memory_space<vmem>>) semaphore(%arg16 : memref<!tpu.dma_semaphore, #tpu.memory_space<semaphore_mem>>)
      %scan3A_93 = arith.constant 0 : i32
      %scan3A_94 = arith.constant 8 : i32
      %scan3A_95 = arith.addi %scan3A_93, %scan3A_94 : i32
      %scan3A_96 = arith.constant 1 : i32
      scf.for %scan3A_165 = %scan3A_93 to %scan3A_95 step %scan3A_96  : i32 {
        %mul3A_166 = arith.constant 1 : i32
        %mul3A_167 = arith.muli %scan3A_165, %mul3A_166 : i32
        %add3A_168 = arith.constant 0 : i32
        %add3A_169 = arith.addi %add3A_168, %mul3A_167 : i32
        %mul3A_170 = arith.constant 3 : i32
        %mul3A_171 = arith.muli %add3A_169, %mul3A_170 : i32
        %add3A_172 = arith.constant 0 : i32
        %add3A_173 = arith.addi %mul3A_171, %add3A_172 : i32
        %dma_wait3A_174 = arith.constant 0 : i32
        %dma_wait3A_175 = arith.constant 0 : i32
        %dma_wait3A_176 = arith.constant 0 : i32
        %dma_wait3A_177 = tpu.memref_slice %arg10[%dma_wait3A_174, %dma_wait3A_175, %dma_wait3A_176] : memref<3x40x128xf32, #tpu.memory_space<vmem>> -> memref<1x40x128xf32, #tpu.memory_space<vmem>>
        %dma_wait3A_178 = tpu.memref_squeeze %dma_wait3A_177 : memref<1x40x128xf32, #tpu.memory_space<vmem>> -> memref<40x128xf32, #tpu.memory_space<vmem>>
        %dma_wait3A_179 = arith.constant 0 : i32
        %dma_wait3A_180 = arith.constant 0 : i32
        %dma_wait3A_181 = tpu.memref_slice %arg3[%dma_wait3A_179, %dma_wait3A_180] : memref<320000x128xf32, #tpu.memory_space<hbm>> -> memref<40x128xf32, #tpu.memory_space<hbm>>
        %dma_wait3A_182 = arith.constant 0 : i32
        %dma_wait3A_183 = arith.constant 0 : i32
        %dma_wait3A_184 = tpu.memref_slice %arg10[%dma_wait3A_174, %dma_wait3A_182, %dma_wait3A_183] : memref<3x40x128xf32, #tpu.memory_space<vmem>> -> memref<1x40x128xf32, #tpu.memory_space<vmem>>
        %dma_wait3A_185 = tpu.memref_squeeze %dma_wait3A_184 : memref<1x40x128xf32, #tpu.memory_space<vmem>> -> memref<40x128xf32, #tpu.memory_space<vmem>>
        %dma_wait3A_186 = arith.constant 0 : i32
        %dma_wait3A_187 = arith.constant 0 : i32
        %dma_wait3A_188 = tpu.memref_slice %arg3[%dma_wait3A_186, %dma_wait3A_187] : memref<320000x128xf32, #tpu.memory_space<hbm>> -> memref<40x128xf32, #tpu.memory_space<hbm>>
        tpu.wait_dma2 semaphore(%arg12 : memref<!tpu.dma_semaphore, #tpu.memory_space<semaphore_mem>>) src(%dma_wait3A_188 : memref<40x128xf32, #tpu.memory_space<hbm>>) dst(%dma_wait3A_185 : memref<40x128xf32, #tpu.memory_space<vmem>>)
        %dma_wait3A_189 = arith.constant 0 : i32
        %dma_wait3A_190 = arith.constant 0 : i32
        %dma_wait3A_191 = arith.constant 0 : i32
        %dma_wait3A_192 = tpu.memref_slice %arg11[%dma_wait3A_189, %dma_wait3A_190, %dma_wait3A_191] : memref<3x40x128xf32, #tpu.memory_space<vmem>> -> memref<1x40x128xf32, #tpu.memory_space<vmem>>
        %dma_wait3A_193 = tpu.memref_squeeze %dma_wait3A_192 : memref<1x40x128xf32, #tpu.memory_space<vmem>> -> memref<40x128xf32, #tpu.memory_space<vmem>>
        %dma_wait3A_194 = arith.constant 0 : i32
        %dma_wait3A_195 = tpu.memref_slice %arg8[%add3A_173, %dma_wait3A_194] : memref<25x40xi32, #tpu.memory_space<vmem>> -> memref<1x40xi32, #tpu.memory_space<vmem>>
        %dma_wait3A_196 = tpu.memref_squeeze %dma_wait3A_195 : memref<1x40xi32, #tpu.memory_space<vmem>> -> memref<40xi32, #tpu.memory_space<vmem>>
        %dma_wait3A_197 = arith.constant 0 : i32
        %dma_wait3A_198 = arith.constant 0 : i32
        %dma_wait3A_199 = tpu.memref_slice %arg2[%dma_wait3A_197, %dma_wait3A_198] : memref<10000x128xf32, #tpu.memory_space<hbm>> -> memref<10000x128xf32, #tpu.memory_space<hbm>>
        tpu.wait_indirect_dma semaphore(%arg15 : memref<!tpu.dma_semaphore, #tpu.memory_space<semaphore_mem>>) src(%dma_wait3A_199 : memref<10000x128xf32, #tpu.memory_space<hbm>>) dst(%dma_wait3A_193 : memref<40x128xf32, #tpu.memory_space<vmem>>)
        %scan3A_200 = arith.constant 0 : i32
        %scan3A_201 = arith.constant 40 : i32
        %scan3A_202 = arith.addi %scan3A_200, %scan3A_201 : i32
        %scan3A_203 = arith.constant 1 : i32
        scf.for %scan3A_340 = %scan3A_200 to %scan3A_202 step %scan3A_203  : i32 {
          %mul3A_341 = arith.constant 1 : i32
          %mul3A_342 = arith.muli %scan3A_340, %mul3A_341 : i32
          %add3A_343 = arith.constant 0 : i32
          %add3A_344 = arith.addi %add3A_343, %mul3A_342 : i32
          %get3A = arith.constant 0 : i32
          %get3A_345 = arith.index_cast %get3A : i32 to index
          %get3A_346 = arith.index_cast %add3A_344 : i32 to index
          %get3A_347 = arith.constant 0 : index
          %get3A_348 = tpu.vector_load %arg10[%get3A_345, %get3A_346, %get3A_347] {strides = array<i32>} : memref<3x40x128xf32, #tpu.memory_space<vmem>>, vector<1x1x16xf32>,
          %get3A_349 = vector.shape_cast %get3A_348 : vector<1x1x16xf32> to vector<16xf32>
          %get3A_350 = arith.constant 0 : i32
          %get3A_351 = arith.index_cast %get3A_350 : i32 to index
          %get3A_352 = arith.index_cast %add3A_344 : i32 to index
          %get3A_353 = arith.constant 0 : index
          %get3A_354 = tpu.vector_load %arg11[%get3A_351, %get3A_352, %get3A_353] {strides = array<i32>} : memref<3x40x128xf32, #tpu.memory_space<vmem>>, vector<1x1x16xf32>,
          %get3A_355 = vector.shape_cast %get3A_354 : vector<1x1x16xf32> to vector<16xf32>
          %add3A_356 = arith.addf %get3A_349, %get3A_355 : vector<16xf32>
          %max3A = arith.constant 0.000000e+00 : f32
          %max3A_357 = vector.broadcast %max3A : f32 to vector<16xf32>
          %max3A_358 = arith.maximumf %add3A_356, %max3A_357 : vector<16xf32>
          %swap3A = arith.constant 0 : i32
          %swap3A_359 = arith.index_cast %swap3A : i32 to index
          %swap3A_360 = arith.index_cast %add3A_344 : i32 to index
          %swap3A_361 = arith.constant 0 : index
          %swap3A_362 = tpu.vector_load %arg10[%swap3A_359, %swap3A_360, %swap3A_361] {strides = array<i32>} : memref<3x40x128xf32, #tpu.memory_space<vmem>>, vector<1x1x16xf32>,
          %swap3A_363 = vector.shape_cast %swap3A_362 : vector<1x1x16xf32> to vector<16xf32>
          %swap3A_364 = vector.shape_cast %max3A_358 : vector<16xf32> to vector<1x1x16xf32>
          tpu.vector_store %arg10[%swap3A_359, %swap3A_360, %swap3A_361], %swap3A_364 {strides = array<i32>} : memref<3x40x128xf32, #tpu.memory_space<vmem>>, vector<1x1x16xf32>,
          %get3A_365 = arith.constant 0 : i32
          %get3A_366 = arith.index_cast %get3A_365 : i32 to index
          %get3A_367 = arith.index_cast %add3A_344 : i32 to index
          %get3A_368 = arith.constant 16 : index
          %get3A_369 = tpu.vector_load %arg10[%get3A_366, %get3A_367, %get3A_368] {strides = array<i32>} : memref<3x40x128xf32, #tpu.memory_space<vmem>>, vector<1x1x16xf32>,
          %get3A_370 = vector.shape_cast %get3A_369 : vector<1x1x16xf32> to vector<16xf32>
          %get3A_371 = arith.constant 0 : i32
          %get3A_372 = arith.index_cast %get3A_371 : i32 to index
          %get3A_373 = arith.index_cast %add3A_344 : i32 to index
          %get3A_374 = arith.constant 16 : index
          %get3A_375 = tpu.vector_load %arg11[%get3A_372, %get3A_373, %get3A_374] {strides = array<i32>} : memref<3x40x128xf32, #tpu.memory_space<vmem>>, vector<1x1x16xf32>,
          %get3A_376 = vector.shape_cast %get3A_375 : vector<1x1x16xf32> to vector<16xf32>
          %add3A_377 = arith.addf %get3A_370, %get3A_376 : vector<16xf32>
          %max3A_378 = arith.constant 0.000000e+00 : f32
          %max3A_379 = vector.broadcast %max3A_378 : f32 to vector<16xf32>
          %max3A_380 = arith.maximumf %add3A_377, %max3A_379 : vector<16xf32>
          %swap3A_381 = arith.constant 0 : i32
          %swap3A_382 = arith.index_cast %swap3A_381 : i32 to index
          %swap3A_383 = arith.index_cast %add3A_344 : i32 to index
          %swap3A_384 = arith.constant 16 : index
          %swap3A_385 = tpu.vector_load %arg10[%swap3A_382, %swap3A_383, %swap3A_384] {strides = array<i32>} : memref<3x40x128xf32, #tpu.memory_space<vmem>>, vector<1x1x16xf32>,
          %swap3A_386 = vector.shape_cast %swap3A_385 : vector<1x1x16xf32> to vector<16xf32>
          %swap3A_387 = vector.shape_cast %max3A_380 : vector<16xf32> to vector<1x1x16xf32>
          tpu.vector_store %arg10[%swap3A_382, %swap3A_383, %swap3A_384], %swap3A_387 {strides = array<i32>} : memref<3x40x128xf32, #tpu.memory_space<vmem>>, vector<1x1x16xf32>,
          %get3A_388 = arith.constant 0 : i32
          %get3A_389 = arith.index_cast %get3A_388 : i32 to index
          %get3A_390 = arith.index_cast %add3A_344 : i32 to index
          %get3A_391 = arith.constant 32 : index
          %get3A_392 = tpu.vector_load %arg10[%get3A_389, %get3A_390, %get3A_391] {strides = array<i32>} : memref<3x40x128xf32, #tpu.memory_space<vmem>>, vector<1x1x16xf32>,
          %get3A_393 = vector.shape_cast %get3A_392 : vector<1x1x16xf32> to vector<16xf32>
          %get3A_394 = arith.constant 0 : i32
          %get3A_395 = arith.index_cast %get3A_394 : i32 to index
          %get3A_396 = arith.index_cast %add3A_344 : i32 to index
          %get3A_397 = arith.constant 32 : index
          %get3A_398 = tpu.vector_load %arg11[%get3A_395, %get3A_396, %get3A_397] {strides = array<i32>} : memref<3x40x128xf32, #tpu.memory_space<vmem>>, vector<1x1x16xf32>,
          %get3A_399 = vector.shape_cast %get3A_398 : vector<1x1x16xf32> to vector<16xf32>
          %add3A_400 = arith.addf %get3A_393, %get3A_399 : vector<16xf32>
          %max3A_401 = arith.constant 0.000000e+00 : f32
          %max3A_402 = vector.broadcast %max3A_401 : f32 to vector<16xf32>
          %max3A_403 = arith.maximumf %add3A_400, %max3A_402 : vector<16xf32>
          %swap3A_404 = arith.constant 0 : i32
          %swap3A_405 = arith.index_cast %swap3A_404 : i32 to index
          %swap3A_406 = arith.index_cast %add3A_344 : i32 to index
          %swap3A_407 = arith.constant 32 : index
          %swap3A_408 = tpu.vector_load %arg10[%swap3A_405, %swap3A_406, %swap3A_407] {strides = array<i32>} : memref<3x40x128xf32, #tpu.memory_space<vmem>>, vector<1x1x16xf32>,
          %swap3A_409 = vector.shape_cast %swap3A_408 : vector<1x1x16xf32> to vector<16xf32>
          %swap3A_410 = vector.shape_cast %max3A_403 : vector<16xf32> to vector<1x1x16xf32>
          tpu.vector_store %arg10[%swap3A_405, %swap3A_406, %swap3A_407], %swap3A_410 {strides = array<i32>} : memref<3x40x128xf32, #tpu.memory_space<vmem>>, vector<1x1x16xf32>,
          %get3A_411 = arith.constant 0 : i32
          %get3A_412 = arith.index_cast %get3A_411 : i32 to index
          %get3A_413 = arith.index_cast %add3A_344 : i32 to index
          %get3A_414 = arith.constant 48 : index
          %get3A_415 = tpu.vector_load %arg10[%get3A_412, %get3A_413, %get3A_414] {strides = array<i32>} : memref<3x40x128xf32, #tpu.memory_space<vmem>>, vector<1x1x16xf32>,
          %get3A_416 = vector.shape_cast %get3A_415 : vector<1x1x16xf32> to vector<16xf32>
          %get3A_417 = arith.constant 0 : i32
          %get3A_418 = arith.index_cast %get3A_417 : i32 to index
          %get3A_419 = arith.index_cast %add3A_344 : i32 to index
          %get3A_420 = arith.constant 48 : index
          %get3A_421 = tpu.vector_load %arg11[%get3A_418, %get3A_419, %get3A_420] {strides = array<i32>} : memref<3x40x128xf32, #tpu.memory_space<vmem>>, vector<1x1x16xf32>,
          %get3A_422 = vector.shape_cast %get3A_421 : vector<1x1x16xf32> to vector<16xf32>
          %add3A_423 = arith.addf %get3A_416, %get3A_422 : vector<16xf32>
          %max3A_424 = arith.constant 0.000000e+00 : f32
          %max3A_425 = vector.broadcast %max3A_424 : f32 to vector<16xf32>
          %max3A_426 = arith.maximumf %add3A_423, %max3A_425 : vector<16xf32>
          %swap3A_427 = arith.constant 0 : i32
          %swap3A_428 = arith.index_cast %swap3A_427 : i32 to index
          %swap3A_429 = arith.index_cast %add3A_344 : i32 to index
          %swap3A_430 = arith.constant 48 : index
          %swap3A_431 = tpu.vector_load %arg10[%swap3A_428, %swap3A_429, %swap3A_430] {strides = array<i32>} : memref<3x40x128xf32, #tpu.memory_space<vmem>>, vector<1x1x16xf32>,
          %swap3A_432 = vector.shape_cast %swap3A_431 : vector<1x1x16xf32> to vector<16xf32>
          %swap3A_433 = vector.shape_cast %max3A_426 : vector<16xf32> to vector<1x1x16xf32>
          tpu.vector_store %arg10[%swap3A_428, %swap3A_429, %swap3A_430], %swap3A_433 {strides = array<i32>} : memref<3x40x128xf32, #tpu.memory_space<vmem>>, vector<1x1x16xf32>,
          %get3A_434 = arith.constant 0 : i32
          %get3A_435 = arith.index_cast %get3A_434 : i32 to index
          %get3A_436 = arith.index_cast %add3A_344 : i32 to index
          %get3A_437 = arith.constant 64 : index
          %get3A_438 = tpu.vector_load %arg10[%get3A_435, %get3A_436, %get3A_437] {strides = array<i32>} : memref<3x40x128xf32, #tpu.memory_space<vmem>>, vector<1x1x16xf32>,
          %get3A_439 = vector.shape_cast %get3A_438 : vector<1x1x16xf32> to vector<16xf32>
          %get3A_440 = arith.constant 0 : i32
          %get3A_441 = arith.index_cast %get3A_440 : i32 to index
          %get3A_442 = arith.index_cast %add3A_344 : i32 to index
          %get3A_443 = arith.constant 64 : index
          %get3A_444 = tpu.vector_load %arg11[%get3A_441, %get3A_442, %get3A_443] {strides = array<i32>} : memref<3x40x128xf32, #tpu.memory_space<vmem>>, vector<1x1x16xf32>,
          %get3A_445 = vector.shape_cast %get3A_444 : vector<1x1x16xf32> to vector<16xf32>
          %add3A_446 = arith.addf %get3A_439, %get3A_445 : vector<16xf32>
          %max3A_447 = arith.constant 0.000000e+00 : f32
          %max3A_448 = vector.broadcast %max3A_447 : f32 to vector<16xf32>
          %max3A_449 = arith.maximumf %add3A_446, %max3A_448 : vector<16xf32>
          %swap3A_450 = arith.constant 0 : i32
          %swap3A_451 = arith.index_cast %swap3A_450 : i32 to index
          %swap3A_452 = arith.index_cast %add3A_344 : i32 to index
          %swap3A_453 = arith.constant 64 : index
          %swap3A_454 = tpu.vector_load %arg10[%swap3A_451, %swap3A_452, %swap3A_453] {strides = array<i32>} : memref<3x40x128xf32, #tpu.memory_space<vmem>>, vector<1x1x16xf32>,
          %swap3A_455 = vector.shape_cast %swap3A_454 : vector<1x1x16xf32> to vector<16xf32>
          %swap3A_456 = vector.shape_cast %max3A_449 : vector<16xf32> to vector<1x1x16xf32>
          tpu.vector_store %arg10[%swap3A_451, %swap3A_452, %swap3A_453], %swap3A_456 {strides = array<i32>} : memref<3x40x128xf32, #tpu.memory_space<vmem>>, vector<1x1x16xf32>,
          %get3A_457 = arith.constant 0 : i32
          %get3A_458 = arith.index_cast %get3A_457 : i32 to index
          %get3A_459 = arith.index_cast %add3A_344 : i32 to index
          %get3A_460 = arith.constant 80 : index
          %get3A_461 = tpu.vector_load %arg10[%get3A_458, %get3A_459, %get3A_460] {strides = array<i32>} : memref<3x40x128xf32, #tpu.memory_space<vmem>>, vector<1x1x16xf32>,
          %get3A_462 = vector.shape_cast %get3A_461 : vector<1x1x16xf32> to vector<16xf32>
          %get3A_463 = arith.constant 0 : i32
          %get3A_464 = arith.index_cast %get3A_463 : i32 to index
          %get3A_465 = arith.index_cast %add3A_344 : i32 to index
          %get3A_466 = arith.constant 80 : index
          %get3A_467 = tpu.vector_load %arg11[%get3A_464, %get3A_465, %get3A_466] {strides = array<i32>} : memref<3x40x128xf32, #tpu.memory_space<vmem>>, vector<1x1x16xf32>,
          %get3A_468 = vector.shape_cast %get3A_467 : vector<1x1x16xf32> to vector<16xf32>
          %add3A_469 = arith.addf %get3A_462, %get3A_468 : vector<16xf32>
          %max3A_470 = arith.constant 0.000000e+00 : f32
          %max3A_471 = vector.broadcast %max3A_470 : f32 to vector<16xf32>
          %max3A_472 = arith.maximumf %add3A_469, %max3A_471 : vector<16xf32>
          %swap3A_473 = arith.constant 0 : i32
          %swap3A_474 = arith.index_cast %swap3A_473 : i32 to index
          %swap3A_475 = arith.index_cast %add3A_344 : i32 to index
          %swap3A_476 = arith.constant 80 : index
          %swap3A_477 = tpu.vector_load %arg10[%swap3A_474, %swap3A_475, %swap3A_476] {strides = array<i32>} : memref<3x40x128xf32, #tpu.memory_space<vmem>>, vector<1x1x16xf32>,
          %swap3A_478 = vector.shape_cast %swap3A_477 : vector<1x1x16xf32> to vector<16xf32>
          %swap3A_479 = vector.shape_cast %max3A_472 : vector<16xf32> to vector<1x1x16xf32>
          tpu.vector_store %arg10[%swap3A_474, %swap3A_475, %swap3A_476], %swap3A_479 {strides = array<i32>} : memref<3x40x128xf32, #tpu.memory_space<vmem>>, vector<1x1x16xf32>,
          %get3A_480 = arith.constant 0 : i32
          %get3A_481 = arith.index_cast %get3A_480 : i32 to index
          %get3A_482 = arith.index_cast %add3A_344 : i32 to index
          %get3A_483 = arith.constant 96 : index
          %get3A_484 = tpu.vector_load %arg10[%get3A_481, %get3A_482, %get3A_483] {strides = array<i32>} : memref<3x40x128xf32, #tpu.memory_space<vmem>>, vector<1x1x16xf32>,
          %get3A_485 = vector.shape_cast %get3A_484 : vector<1x1x16xf32> to vector<16xf32>
          %get3A_486 = arith.constant 0 : i32
          %get3A_487 = arith.index_cast %get3A_486 : i32 to index
          %get3A_488 = arith.index_cast %add3A_344 : i32 to index
          %get3A_489 = arith.constant 96 : index
          %get3A_490 = tpu.vector_load %arg11[%get3A_487, %get3A_488, %get3A_489] {strides = array<i32>} : memref<3x40x128xf32, #tpu.memory_space<vmem>>, vector<1x1x16xf32>,
          %get3A_491 = vector.shape_cast %get3A_490 : vector<1x1x16xf32> to vector<16xf32>
          %add3A_492 = arith.addf %get3A_485, %get3A_491 : vector<16xf32>
          %max3A_493 = arith.constant 0.000000e+00 : f32
          %max3A_494 = vector.broadcast %max3A_493 : f32 to vector<16xf32>
          %max3A_495 = arith.maximumf %add3A_492, %max3A_494 : vector<16xf32>
          %swap3A_496 = arith.constant 0 : i32
          %swap3A_497 = arith.index_cast %swap3A_496 : i32 to index
          %swap3A_498 = arith.index_cast %add3A_344 : i32 to index
          %swap3A_499 = arith.constant 96 : index
          %swap3A_500 = tpu.vector_load %arg10[%swap3A_497, %swap3A_498, %swap3A_499] {strides = array<i32>} : memref<3x40x128xf32, #tpu.memory_space<vmem>>, vector<1x1x16xf32>,
          %swap3A_501 = vector.shape_cast %swap3A_500 : vector<1x1x16xf32> to vector<16xf32>
          %swap3A_502 = vector.shape_cast %max3A_495 : vector<16xf32> to vector<1x1x16xf32>
          tpu.vector_store %arg10[%swap3A_497, %swap3A_498, %swap3A_499], %swap3A_502 {strides = array<i32>} : memref<3x40x128xf32, #tpu.memory_space<vmem>>, vector<1x1x16xf32>,
          %get3A_503 = arith.constant 0 : i32
          %get3A_504 = arith.index_cast %get3A_503 : i32 to index
          %get3A_505 = arith.index_cast %add3A_344 : i32 to index
          %get3A_506 = arith.constant 112 : index
          %get3A_507 = tpu.vector_load %arg10[%get3A_504, %get3A_505, %get3A_506] {strides = array<i32>} : memref<3x40x128xf32, #tpu.memory_space<vmem>>, vector<1x1x16xf32>,
          %get3A_508 = vector.shape_cast %get3A_507 : vector<1x1x16xf32> to vector<16xf32>
          %get3A_509 = arith.constant 0 : i32
          %get3A_510 = arith.index_cast %get3A_509 : i32 to index
          %get3A_511 = arith.index_cast %add3A_344 : i32 to index
          %get3A_512 = arith.constant 112 : index
          %get3A_513 = tpu.vector_load %arg11[%get3A_510, %get3A_511, %get3A_512] {strides = array<i32>} : memref<3x40x128xf32, #tpu.memory_space<vmem>>, vector<1x1x16xf32>,
          %get3A_514 = vector.shape_cast %get3A_513 : vector<1x1x16xf32> to vector<16xf32>
          %add3A_515 = arith.addf %get3A_508, %get3A_514 : vector<16xf32>
          %max3A_516 = arith.constant 0.000000e+00 : f32
          %max3A_517 = vector.broadcast %max3A_516 : f32 to vector<16xf32>
          %max3A_518 = arith.maximumf %add3A_515, %max3A_517 : vector<16xf32>
          %swap3A_519 = arith.constant 0 : i32
          %swap3A_520 = arith.index_cast %swap3A_519 : i32 to index
          %swap3A_521 = arith.index_cast %add3A_344 : i32 to index
          %swap3A_522 = arith.constant 112 : index
          %swap3A_523 = tpu.vector_load %arg10[%swap3A_520, %swap3A_521, %swap3A_522] {strides = array<i32>} : memref<3x40x128xf32, #tpu.memory_space<vmem>>, vector<1x1x16xf32>,
          %swap3A_524 = vector.shape_cast %swap3A_523 : vector<1x1x16xf32> to vector<16xf32>
          %swap3A_525 = vector.shape_cast %max3A_518 : vector<16xf32> to vector<1x1x16xf32>
          tpu.vector_store %arg10[%swap3A_520, %swap3A_521, %swap3A_522], %swap3A_525 {strides = array<i32>} : memref<3x40x128xf32, #tpu.memory_space<vmem>>, vector<1x1x16xf32>,
        }
        %scan3A_204 = arith.constant 40 : i32
        %dma_start3A_205 = arith.constant 0 : i32
        %dma_start3A_206 = arith.constant 0 : i32
        %dma_start3A_207 = arith.constant 0 : i32
        %dma_start3A_208 = tpu.memref_slice %arg10[%dma_start3A_205, %dma_start3A_206, %dma_start3A_207] : memref<3x40x128xf32, #tpu.memory_space<vmem>> -> memref<1x40x128xf32, #tpu.memory_space<vmem>>
        %dma_start3A_209 = tpu.memref_squeeze %dma_start3A_208 : memref<1x40x128xf32, #tpu.memory_space<vmem>> -> memref<40x128xf32, #tpu.memory_space<vmem>>
        %dma_start3A_210 = arith.constant 0 : i32
        %dma_start3A_211 = tpu.memref_slice %arg9[%add3A_173, %dma_start3A_210] : memref<25x40xi32, #tpu.memory_space<vmem>> -> memref<1x40xi32, #tpu.memory_space<vmem>>
        %dma_start3A_212 = tpu.memref_squeeze %dma_start3A_211 : memref<1x40xi32, #tpu.memory_space<vmem>> -> memref<40xi32, #tpu.memory_space<vmem>>
        %dma_start3A_213 = arith.constant 0 : i32
        %dma_start3A_214 = arith.constant 0 : i32
        %dma_start3A_215 = tpu.memref_slice %arg7[%dma_start3A_213, %dma_start3A_214] : memref<10240x128xf32, #tpu.memory_space<vmem_shared>> -> memref<10240x128xf32, #tpu.memory_space<vmem_shared>>
        tpu.enqueue_indirect_dma source(%dma_start3A_209 : memref<40x128xf32, #tpu.memory_space<vmem>>) target(%dma_start3A_215 : memref<10240x128xf32, #tpu.memory_space<vmem_shared>>) offsets(%dma_start3A_212 : memref<40xi32, #tpu.memory_space<vmem>>) semaphore(%arg18 : memref<!tpu.dma_semaphore, #tpu.memory_space<semaphore_mem>>) {add = true}
        %gt3A = arith.constant 0 : i32
        %gt3A_216 = arith.cmpi sgt, %add3A_173, %gt3A : i32
        %convert_element_type3A = arith.extui %gt3A_216 : i1 to i32
        %cond3A = arith.constant 0 : i32
        %cond3A_217 = arith.cmpi ne, %convert_element_type3A, %cond3A : i32
        scf.if %cond3A_217 {
          %dma_wait3A_340 = arith.constant 2 : i32
          %dma_wait3A_341 = arith.constant 0 : i32
          %dma_wait3A_342 = arith.constant 0 : i32
          %dma_wait3A_343 = tpu.memref_slice %arg10[%dma_wait3A_340, %dma_wait3A_341, %dma_wait3A_342] : memref<3x40x128xf32, #tpu.memory_space<vmem>> -> memref<1x40x128xf32, #tpu.memory_space<vmem>>
          %dma_wait3A_344 = tpu.memref_squeeze %dma_wait3A_343 : memref<1x40x128xf32, #tpu.memory_space<vmem>> -> memref<40x128xf32, #tpu.memory_space<vmem>>
          %dma_wait3A_345 = arith.constant 0 : i32
          %dma_wait3A_346 = tpu.memref_slice %arg9[%add3A_173, %dma_wait3A_345] : memref<25x40xi32, #tpu.memory_space<vmem>> -> memref<1x40xi32, #tpu.memory_space<vmem>>
          %dma_wait3A_347 = tpu.memref_squeeze %dma_wait3A_346 : memref<1x40xi32, #tpu.memory_space<vmem>> -> memref<40xi32, #tpu.memory_space<vmem>>
          %dma_wait3A_348 = arith.constant 0 : i32
          %dma_wait3A_349 = arith.constant 0 : i32
          %dma_wait3A_350 = tpu.memref_slice %arg7[%dma_wait3A_348, %dma_wait3A_349] : memref<10240x128xf32, #tpu.memory_space<vmem_shared>> -> memref<10240x128xf32, #tpu.memory_space<vmem_shared>>
          tpu.wait_indirect_dma semaphore(%arg20 : memref<!tpu.dma_semaphore, #tpu.memory_space<semaphore_mem>>) src(%dma_wait3A_344 : memref<40x128xf32, #tpu.memory_space<vmem>>) dst(%dma_wait3A_350 : memref<10240x128xf32, #tpu.memory_space<vmem_shared>>)
        } else {
        }
        %add3A_218 = arith.constant 2 : i32
        %add3A_219 = arith.addi %add3A_173, %add3A_218 : i32
        %lt3A = arith.constant 25 : i32
        %lt3A_220 = arith.cmpi slt, %add3A_219, %lt3A : i32
        %convert_element_type3A_221 = arith.extui %lt3A_220 : i1 to i32
        %cond3A_222 = arith.constant 0 : i32
        %cond3A_223 = arith.cmpi ne, %convert_element_type3A_221, %cond3A_222 : i32
        scf.if %cond3A_223 {
          %add3A_340 = arith.constant 2 : i32
          %add3A_341 = arith.addi %add3A_173, %add3A_340 : i32
          %mul3A_342 = arith.constant 10000 : i32
          %mul3A_343 = arith.muli %add3A, %mul3A_342 : i32
          %mul3A_344 = arith.constant 25 : i32
          %mul3A_345 = arith.muli %add3A_25, %mul3A_344 : i32
          %add3A_346 = arith.addi %mul3A_345, %add3A_341 : i32
          %mul3A_347 = arith.constant 40 : i32
          %mul3A_348 = arith.muli %add3A_346, %mul3A_347 : i32
          %add3A_349 = arith.addi %mul3A_343, %mul3A_348 : i32
          %dma_start3A_350 = arith.constant 2 : i32
          %dma_start3A_351 = arith.constant 0 : i32
          %dma_start3A_352 = arith.constant 0 : i32
          %dma_start3A_353 = tpu.memref_slice %arg10[%dma_start3A_350, %dma_start3A_351, %dma_start3A_352] : memref<3x40x128xf32, #tpu.memory_space<vmem>> -> memref<1x40x128xf32, #tpu.memory_space<vmem>>
          %dma_start3A_354 = tpu.memref_squeeze %dma_start3A_353 : memref<1x40x128xf32, #tpu.memory_space<vmem>> -> memref<40x128xf32, #tpu.memory_space<vmem>>
          %dma_start3A_355 = arith.constant 0 : i32
          %dma_start3A_356 = tpu.memref_slice %arg3[%add3A_349, %dma_start3A_355] : memref<320000x128xf32, #tpu.memory_space<hbm>> -> memref<40x128xf32, #tpu.memory_space<hbm>>
          %dma_start3A_357 = arith.constant 0 : i32
          %dma_start3A_358 = arith.constant 0 : i32
          %dma_start3A_359 = tpu.memref_slice %arg10[%dma_start3A_350, %dma_start3A_357, %dma_start3A_358] : memref<3x40x128xf32, #tpu.memory_space<vmem>> -> memref<1x40x128xf32, #tpu.memory_space<vmem>>
          %dma_start3A_360 = tpu.memref_squeeze %dma_start3A_359 : memref<1x40x128xf32, #tpu.memory_space<vmem>> -> memref<40x128xf32, #tpu.memory_space<vmem>>
          %dma_start3A_361 = arith.constant 0 : i32
          %dma_start3A_362 = tpu.memref_slice %arg3[%add3A_349, %dma_start3A_361] : memref<320000x128xf32, #tpu.memory_space<hbm>> -> memref<40x128xf32, #tpu.memory_space<hbm>>
          tpu.enqueue_dma source(%dma_start3A_362 : memref<40x128xf32, #tpu.memory_space<hbm>>) target(%dma_start3A_360 : memref<40x128xf32, #tpu.memory_space<vmem>>) target_semaphore(%arg14 : memref<!tpu.dma_semaphore, #tpu.memory_space<semaphore_mem>>)
          %dma_start3A_363 = arith.constant 2 : i32
          %dma_start3A_364 = arith.constant 0 : i32
          %dma_start3A_365 = arith.constant 0 : i32
          %dma_start3A_366 = tpu.memref_slice %arg11[%dma_start3A_363, %dma_start3A_364, %dma_start3A_365] : memref<3x40x128xf32, #tpu.memory_space<vmem>> -> memref<1x40x128xf32, #tpu.memory_space<vmem>>
          %dma_start3A_367 = tpu.memref_squeeze %dma_start3A_366 : memref<1x40x128xf32, #tpu.memory_space<vmem>> -> memref<40x128xf32, #tpu.memory_space<vmem>>
          %dma_start3A_368 = arith.constant 0 : i32
          %dma_start3A_369 = tpu.memref_slice %arg8[%add3A_341, %dma_start3A_368] : memref<25x40xi32, #tpu.memory_space<vmem>> -> memref<1x40xi32, #tpu.memory_space<vmem>>
          %dma_start3A_370 = tpu.memref_squeeze %dma_start3A_369 : memref<1x40xi32, #tpu.memory_space<vmem>> -> memref<40xi32, #tpu.memory_space<vmem>>
          %dma_start3A_371 = arith.constant 0 : i32
          %dma_start3A_372 = arith.constant 0 : i32
          %dma_start3A_373 = tpu.memref_slice %arg2[%dma_start3A_371, %dma_start3A_372] : memref<10000x128xf32, #tpu.memory_space<hbm>> -> memref<10000x128xf32, #tpu.memory_space<hbm>>
          tpu.enqueue_indirect_dma source(%dma_start3A_373 : memref<10000x128xf32, #tpu.memory_space<hbm>>) target(%dma_start3A_367 : memref<40x128xf32, #tpu.memory_space<vmem>>) offsets(%dma_start3A_370 : memref<40xi32, #tpu.memory_space<vmem>>) semaphore(%arg17 : memref<!tpu.dma_semaphore, #tpu.memory_space<semaphore_mem>>)
        } else {
        }
        %mul3A_224 = arith.constant 3 : i32
        %mul3A_225 = arith.muli %add3A_169, %mul3A_224 : i32
        %add3A_226 = arith.constant 1 : i32
        %add3A_227 = arith.addi %mul3A_225, %add3A_226 : i32
        %dma_wait3A_228 = arith.constant 1 : i32
        %dma_wait3A_229 = arith.constant 0 : i32
        %dma_wait3A_230 = arith.constant 0 : i32
        %dma_wait3A_231 = tpu.memref_slice %arg10[%dma_wait3A_228, %dma_wait3A_229, %dma_wait3A_230] : memref<3x40x128xf32, #tpu.memory_space<vmem>> -> memref<1x40x128xf32, #tpu.memory_space<vmem>>
        %dma_wait3A_232 = tpu.memref_squeeze %dma_wait3A_231 : memref<1x40x128xf32, #tpu.memory_space<vmem>> -> memref<40x128xf32, #tpu.memory_space<vmem>>
        %dma_wait3A_233 = arith.constant 0 : i32
        %dma_wait3A_234 = arith.constant 0 : i32
        %dma_wait3A_235 = tpu.memref_slice %arg3[%dma_wait3A_233, %dma_wait3A_234] : memref<320000x128xf32, #tpu.memory_space<hbm>> -> memref<40x128xf32, #tpu.memory_space<hbm>>
        %dma_wait3A_236 = arith.constant 0 : i32
        %dma_wait3A_237 = arith.constant 0 : i32
        %dma_wait3A_238 = tpu.memref_slice %arg10[%dma_wait3A_228, %dma_wait3A_236, %dma_wait3A_237] : memref<3x40x128xf32, #tpu.memory_space<vmem>> -> memref<1x40x128xf32, #tpu.memory_space<vmem>>
        %dma_wait3A_239 = tpu.memref_squeeze %dma_wait3A_238 : memref<1x40x128xf32, #tpu.memory_space<vmem>> -> memref<40x128xf32, #tpu.memory_space<vmem>>
        %dma_wait3A_240 = arith.constant 0 : i32
        %dma_wait3A_241 = arith.constant 0 : i32
        %dma_wait3A_242 = tpu.memref_slice %arg3[%dma_wait3A_240, %dma_wait3A_241] : memref<320000x128xf32, #tpu.memory_space<hbm>> -> memref<40x128xf32, #tpu.memory_space<hbm>>
        tpu.wait_dma2 semaphore(%arg13 : memref<!tpu.dma_semaphore, #tpu.memory_space<semaphore_mem>>) src(%dma_wait3A_242 : memref<40x128xf32, #tpu.memory_space<hbm>>) dst(%dma_wait3A_239 : memref<40x128xf32, #tpu.memory_space<vmem>>)
        %dma_wait3A_243 = arith.constant 1 : i32
        %dma_wait3A_244 = arith.constant 0 : i32
        %dma_wait3A_245 = arith.constant 0 : i32
        %dma_wait3A_246 = tpu.memref_slice %arg11[%dma_wait3A_243, %dma_wait3A_244, %dma_wait3A_245] : memref<3x40x128xf32, #tpu.memory_space<vmem>> -> memref<1x40x128xf32, #tpu.memory_space<vmem>>
        %dma_wait3A_247 = tpu.memref_squeeze %dma_wait3A_246 : memref<1x40x128xf32, #tpu.memory_space<vmem>> -> memref<40x128xf32, #tpu.memory_space<vmem>>
        %dma_wait3A_248 = arith.constant 0 : i32
        %dma_wait3A_249 = tpu.memref_slice %arg8[%add3A_227, %dma_wait3A_248] : memref<25x40xi32, #tpu.memory_space<vmem>> -> memref<1x40xi32, #tpu.memory_space<vmem>>
        %dma_wait3A_250 = tpu.memref_squeeze %dma_wait3A_249 : memref<1x40xi32, #tpu.memory_space<vmem>> -> memref<40xi32, #tpu.memory_space<vmem>>
        %dma_wait3A_251 = arith.constant 0 : i32
        %dma_wait3A_252 = arith.constant 0 : i32
        %dma_wait3A_253 = tpu.memref_slice %arg2[%dma_wait3A_251, %dma_wait3A_252] : memref<10000x128xf32, #tpu.memory_space<hbm>> -> memref<10000x128xf32, #tpu.memory_space<hbm>>
        tpu.wait_indirect_dma semaphore(%arg16 : memref<!tpu.dma_semaphore, #tpu.memory_space<semaphore_mem>>) src(%dma_wait3A_253 : memref<10000x128xf32, #tpu.memory_space<hbm>>) dst(%dma_wait3A_247 : memref<40x128xf32, #tpu.memory_space<vmem>>)
        %scan3A_254 = arith.constant 0 : i32
        %scan3A_255 = arith.constant 40 : i32
        %scan3A_256 = arith.addi %scan3A_254, %scan3A_255 : i32
        %scan3A_257 = arith.constant 1 : i32
        scf.for %scan3A_340 = %scan3A_254 to %scan3A_256 step %scan3A_257  : i32 {
          %mul3A_341 = arith.constant 1 : i32
          %mul3A_342 = arith.muli %scan3A_340, %mul3A_341 : i32
          %add3A_343 = arith.constant 0 : i32
          %add3A_344 = arith.addi %add3A_343, %mul3A_342 : i32
          %get3A = arith.constant 1 : i32
          %get3A_345 = arith.index_cast %get3A : i32 to index
          %get3A_346 = arith.index_cast %add3A_344 : i32 to index
          %get3A_347 = arith.constant 0 : index
          %get3A_348 = tpu.vector_load %arg10[%get3A_345, %get3A_346, %get3A_347] {strides = array<i32>} : memref<3x40x128xf32, #tpu.memory_space<vmem>>, vector<1x1x16xf32>,
          %get3A_349 = vector.shape_cast %get3A_348 : vector<1x1x16xf32> to vector<16xf32>
          %get3A_350 = arith.constant 1 : i32
          %get3A_351 = arith.index_cast %get3A_350 : i32 to index
          %get3A_352 = arith.index_cast %add3A_344 : i32 to index
          %get3A_353 = arith.constant 0 : index
          %get3A_354 = tpu.vector_load %arg11[%get3A_351, %get3A_352, %get3A_353] {strides = array<i32>} : memref<3x40x128xf32, #tpu.memory_space<vmem>>, vector<1x1x16xf32>,
          %get3A_355 = vector.shape_cast %get3A_354 : vector<1x1x16xf32> to vector<16xf32>
          %add3A_356 = arith.addf %get3A_349, %get3A_355 : vector<16xf32>
          %max3A = arith.constant 0.000000e+00 : f32
          %max3A_357 = vector.broadcast %max3A : f32 to vector<16xf32>
          %max3A_358 = arith.maximumf %add3A_356, %max3A_357 : vector<16xf32>
          %swap3A = arith.constant 1 : i32
          %swap3A_359 = arith.index_cast %swap3A : i32 to index
          %swap3A_360 = arith.index_cast %add3A_344 : i32 to index
          %swap3A_361 = arith.constant 0 : index
          %swap3A_362 = tpu.vector_load %arg10[%swap3A_359, %swap3A_360, %swap3A_361] {strides = array<i32>} : memref<3x40x128xf32, #tpu.memory_space<vmem>>, vector<1x1x16xf32>,
          %swap3A_363 = vector.shape_cast %swap3A_362 : vector<1x1x16xf32> to vector<16xf32>
          %swap3A_364 = vector.shape_cast %max3A_358 : vector<16xf32> to vector<1x1x16xf32>
          tpu.vector_store %arg10[%swap3A_359, %swap3A_360, %swap3A_361], %swap3A_364 {strides = array<i32>} : memref<3x40x128xf32, #tpu.memory_space<vmem>>, vector<1x1x16xf32>,
          %get3A_365 = arith.constant 1 : i32
          %get3A_366 = arith.index_cast %get3A_365 : i32 to index
          %get3A_367 = arith.index_cast %add3A_344 : i32 to index
          %get3A_368 = arith.constant 16 : index
          %get3A_369 = tpu.vector_load %arg10[%get3A_366, %get3A_367, %get3A_368] {strides = array<i32>} : memref<3x40x128xf32, #tpu.memory_space<vmem>>, vector<1x1x16xf32>,
          %get3A_370 = vector.shape_cast %get3A_369 : vector<1x1x16xf32> to vector<16xf32>
          %get3A_371 = arith.constant 1 : i32
          %get3A_372 = arith.index_cast %get3A_371 : i32 to index
          %get3A_373 = arith.index_cast %add3A_344 : i32 to index
          %get3A_374 = arith.constant 16 : index
          %get3A_375 = tpu.vector_load %arg11[%get3A_372, %get3A_373, %get3A_374] {strides = array<i32>} : memref<3x40x128xf32, #tpu.memory_space<vmem>>, vector<1x1x16xf32>,
          %get3A_376 = vector.shape_cast %get3A_375 : vector<1x1x16xf32> to vector<16xf32>
          %add3A_377 = arith.addf %get3A_370, %get3A_376 : vector<16xf32>
          %max3A_378 = arith.constant 0.000000e+00 : f32
          %max3A_379 = vector.broadcast %max3A_378 : f32 to vector<16xf32>
          %max3A_380 = arith.maximumf %add3A_377, %max3A_379 : vector<16xf32>
          %swap3A_381 = arith.constant 1 : i32
          %swap3A_382 = arith.index_cast %swap3A_381 : i32 to index
          %swap3A_383 = arith.index_cast %add3A_344 : i32 to index
          %swap3A_384 = arith.constant 16 : index
          %swap3A_385 = tpu.vector_load %arg10[%swap3A_382, %swap3A_383, %swap3A_384] {strides = array<i32>} : memref<3x40x128xf32, #tpu.memory_space<vmem>>, vector<1x1x16xf32>,
          %swap3A_386 = vector.shape_cast %swap3A_385 : vector<1x1x16xf32> to vector<16xf32>
          %swap3A_387 = vector.shape_cast %max3A_380 : vector<16xf32> to vector<1x1x16xf32>
          tpu.vector_store %arg10[%swap3A_382, %swap3A_383, %swap3A_384], %swap3A_387 {strides = array<i32>} : memref<3x40x128xf32, #tpu.memory_space<vmem>>, vector<1x1x16xf32>,
          %get3A_388 = arith.constant 1 : i32
          %get3A_389 = arith.index_cast %get3A_388 : i32 to index
          %get3A_390 = arith.index_cast %add3A_344 : i32 to index
          %get3A_391 = arith.constant 32 : index
          %get3A_392 = tpu.vector_load %arg10[%get3A_389, %get3A_390, %get3A_391] {strides = array<i32>} : memref<3x40x128xf32, #tpu.memory_space<vmem>>, vector<1x1x16xf32>,
          %get3A_393 = vector.shape_cast %get3A_392 : vector<1x1x16xf32> to vector<16xf32>
          %get3A_394 = arith.constant 1 : i32
          %get3A_395 = arith.index_cast %get3A_394 : i32 to index
          %get3A_396 = arith.index_cast %add3A_344 : i32 to index
          %get3A_397 = arith.constant 32 : index
          %get3A_398 = tpu.vector_load %arg11[%get3A_395, %get3A_396, %get3A_397] {strides = array<i32>} : memref<3x40x128xf32, #tpu.memory_space<vmem>>, vector<1x1x16xf32>,
          %get3A_399 = vector.shape_cast %get3A_398 : vector<1x1x16xf32> to vector<16xf32>
          %add3A_400 = arith.addf %get3A_393, %get3A_399 : vector<16xf32>
          %max3A_401 = arith.constant 0.000000e+00 : f32
          %max3A_402 = vector.broadcast %max3A_401 : f32 to vector<16xf32>
          %max3A_403 = arith.maximumf %add3A_400, %max3A_402 : vector<16xf32>
          %swap3A_404 = arith.constant 1 : i32
          %swap3A_405 = arith.index_cast %swap3A_404 : i32 to index
          %swap3A_406 = arith.index_cast %add3A_344 : i32 to index
          %swap3A_407 = arith.constant 32 : index
          %swap3A_408 = tpu.vector_load %arg10[%swap3A_405, %swap3A_406, %swap3A_407] {strides = array<i32>} : memref<3x40x128xf32, #tpu.memory_space<vmem>>, vector<1x1x16xf32>,
          %swap3A_409 = vector.shape_cast %swap3A_408 : vector<1x1x16xf32> to vector<16xf32>
          %swap3A_410 = vector.shape_cast %max3A_403 : vector<16xf32> to vector<1x1x16xf32>
          tpu.vector_store %arg10[%swap3A_405, %swap3A_406, %swap3A_407], %swap3A_410 {strides = array<i32>} : memref<3x40x128xf32, #tpu.memory_space<vmem>>, vector<1x1x16xf32>,
          %get3A_411 = arith.constant 1 : i32
          %get3A_412 = arith.index_cast %get3A_411 : i32 to index
          %get3A_413 = arith.index_cast %add3A_344 : i32 to index
          %get3A_414 = arith.constant 48 : index
          %get3A_415 = tpu.vector_load %arg10[%get3A_412, %get3A_413, %get3A_414] {strides = array<i32>} : memref<3x40x128xf32, #tpu.memory_space<vmem>>, vector<1x1x16xf32>,
          %get3A_416 = vector.shape_cast %get3A_415 : vector<1x1x16xf32> to vector<16xf32>
          %get3A_417 = arith.constant 1 : i32
          %get3A_418 = arith.index_cast %get3A_417 : i32 to index
          %get3A_419 = arith.index_cast %add3A_344 : i32 to index
          %get3A_420 = arith.constant 48 : index
          %get3A_421 = tpu.vector_load %arg11[%get3A_418, %get3A_419, %get3A_420] {strides = array<i32>} : memref<3x40x128xf32, #tpu.memory_space<vmem>>, vector<1x1x16xf32>,
          %get3A_422 = vector.shape_cast %get3A_421 : vector<1x1x16xf32> to vector<16xf32>
          %add3A_423 = arith.addf %get3A_416, %get3A_422 : vector<16xf32>
          %max3A_424 = arith.constant 0.000000e+00 : f32
          %max3A_425 = vector.broadcast %max3A_424 : f32 to vector<16xf32>
          %max3A_426 = arith.maximumf %add3A_423, %max3A_425 : vector<16xf32>
          %swap3A_427 = arith.constant 1 : i32
          %swap3A_428 = arith.index_cast %swap3A_427 : i32 to index
          %swap3A_429 = arith.index_cast %add3A_344 : i32 to index
          %swap3A_430 = arith.constant 48 : index
          %swap3A_431 = tpu.vector_load %arg10[%swap3A_428, %swap3A_429, %swap3A_430] {strides = array<i32>} : memref<3x40x128xf32, #tpu.memory_space<vmem>>, vector<1x1x16xf32>,
          %swap3A_432 = vector.shape_cast %swap3A_431 : vector<1x1x16xf32> to vector<16xf32>
          %swap3A_433 = vector.shape_cast %max3A_426 : vector<16xf32> to vector<1x1x16xf32>
          tpu.vector_store %arg10[%swap3A_428, %swap3A_429, %swap3A_430], %swap3A_433 {strides = array<i32>} : memref<3x40x128xf32, #tpu.memory_space<vmem>>, vector<1x1x16xf32>,
          %get3A_434 = arith.constant 1 : i32
          %get3A_435 = arith.index_cast %get3A_434 : i32 to index
          %get3A_436 = arith.index_cast %add3A_344 : i32 to index
          %get3A_437 = arith.constant 64 : index
          %get3A_438 = tpu.vector_load %arg10[%get3A_435, %get3A_436, %get3A_437] {strides = array<i32>} : memref<3x40x128xf32, #tpu.memory_space<vmem>>, vector<1x1x16xf32>,
          %get3A_439 = vector.shape_cast %get3A_438 : vector<1x1x16xf32> to vector<16xf32>
          %get3A_440 = arith.constant 1 : i32
          %get3A_441 = arith.index_cast %get3A_440 : i32 to index
          %get3A_442 = arith.index_cast %add3A_344 : i32 to index
          %get3A_443 = arith.constant 64 : index
          %get3A_444 = tpu.vector_load %arg11[%get3A_441, %get3A_442, %get3A_443] {strides = array<i32>} : memref<3x40x128xf32, #tpu.memory_space<vmem>>, vector<1x1x16xf32>,
          %get3A_445 = vector.shape_cast %get3A_444 : vector<1x1x16xf32> to vector<16xf32>
          %add3A_446 = arith.addf %get3A_439, %get3A_445 : vector<16xf32>
          %max3A_447 = arith.constant 0.000000e+00 : f32
          %max3A_448 = vector.broadcast %max3A_447 : f32 to vector<16xf32>
          %max3A_449 = arith.maximumf %add3A_446, %max3A_448 : vector<16xf32>
          %swap3A_450 = arith.constant 1 : i32
          %swap3A_451 = arith.index_cast %swap3A_450 : i32 to index
          %swap3A_452 = arith.index_cast %add3A_344 : i32 to index
          %swap3A_453 = arith.constant 64 : index
          %swap3A_454 = tpu.vector_load %arg10[%swap3A_451, %swap3A_452, %swap3A_453] {strides = array<i32>} : memref<3x40x128xf32, #tpu.memory_space<vmem>>, vector<1x1x16xf32>,
          %swap3A_455 = vector.shape_cast %swap3A_454 : vector<1x1x16xf32> to vector<16xf32>
          %swap3A_456 = vector.shape_cast %max3A_449 : vector<16xf32> to vector<1x1x16xf32>
          tpu.vector_store %arg10[%swap3A_451, %swap3A_452, %swap3A_453], %swap3A_456 {strides = array<i32>} : memref<3x40x128xf32, #tpu.memory_space<vmem>>, vector<1x1x16xf32>,
          %get3A_457 = arith.constant 1 : i32
          %get3A_458 = arith.index_cast %get3A_457 : i32 to index
          %get3A_459 = arith.index_cast %add3A_344 : i32 to index
          %get3A_460 = arith.constant 80 : index
          %get3A_461 = tpu.vector_load %arg10[%get3A_458, %get3A_459, %get3A_460] {strides = array<i32>} : memref<3x40x128xf32, #tpu.memory_space<vmem>>, vector<1x1x16xf32>,
          %get3A_462 = vector.shape_cast %get3A_461 : vector<1x1x16xf32> to vector<16xf32>
          %get3A_463 = arith.constant 1 : i32
          %get3A_464 = arith.index_cast %get3A_463 : i32 to index
          %get3A_465 = arith.index_cast %add3A_344 : i32 to index
          %get3A_466 = arith.constant 80 : index
          %get3A_467 = tpu.vector_load %arg11[%get3A_464, %get3A_465, %get3A_466] {strides = array<i32>} : memref<3x40x128xf32, #tpu.memory_space<vmem>>, vector<1x1x16xf32>,
          %get3A_468 = vector.shape_cast %get3A_467 : vector<1x1x16xf32> to vector<16xf32>
          %add3A_469 = arith.addf %get3A_462, %get3A_468 : vector<16xf32>
          %max3A_470 = arith.constant 0.000000e+00 : f32
          %max3A_471 = vector.broadcast %max3A_470 : f32 to vector<16xf32>
          %max3A_472 = arith.maximumf %add3A_469, %max3A_471 : vector<16xf32>
          %swap3A_473 = arith.constant 1 : i32
          %swap3A_474 = arith.index_cast %swap3A_473 : i32 to index
          %swap3A_475 = arith.index_cast %add3A_344 : i32 to index
          %swap3A_476 = arith.constant 80 : index
          %swap3A_477 = tpu.vector_load %arg10[%swap3A_474, %swap3A_475, %swap3A_476] {strides = array<i32>} : memref<3x40x128xf32, #tpu.memory_space<vmem>>, vector<1x1x16xf32>,
          %swap3A_478 = vector.shape_cast %swap3A_477 : vector<1x1x16xf32> to vector<16xf32>
          %swap3A_479 = vector.shape_cast %max3A_472 : vector<16xf32> to vector<1x1x16xf32>
          tpu.vector_store %arg10[%swap3A_474, %swap3A_475, %swap3A_476], %swap3A_479 {strides = array<i32>} : memref<3x40x128xf32, #tpu.memory_space<vmem>>, vector<1x1x16xf32>,
          %get3A_480 = arith.constant 1 : i32
          %get3A_481 = arith.index_cast %get3A_480 : i32 to index
          %get3A_482 = arith.index_cast %add3A_344 : i32 to index
          %get3A_483 = arith.constant 96 : index
          %get3A_484 = tpu.vector_load %arg10[%get3A_481, %get3A_482, %get3A_483] {strides = array<i32>} : memref<3x40x128xf32, #tpu.memory_space<vmem>>, vector<1x1x16xf32>,
          %get3A_485 = vector.shape_cast %get3A_484 : vector<1x1x16xf32> to vector<16xf32>
          %get3A_486 = arith.constant 1 : i32
          %get3A_487 = arith.index_cast %get3A_486 : i32 to index
          %get3A_488 = arith.index_cast %add3A_344 : i32 to index
          %get3A_489 = arith.constant 96 : index
          %get3A_490 = tpu.vector_load %arg11[%get3A_487, %get3A_488, %get3A_489] {strides = array<i32>} : memref<3x40x128xf32, #tpu.memory_space<vmem>>, vector<1x1x16xf32>,
          %get3A_491 = vector.shape_cast %get3A_490 : vector<1x1x16xf32> to vector<16xf32>
          %add3A_492 = arith.addf %get3A_485, %get3A_491 : vector<16xf32>
          %max3A_493 = arith.constant 0.000000e+00 : f32
          %max3A_494 = vector.broadcast %max3A_493 : f32 to vector<16xf32>
          %max3A_495 = arith.maximumf %add3A_492, %max3A_494 : vector<16xf32>
          %swap3A_496 = arith.constant 1 : i32
          %swap3A_497 = arith.index_cast %swap3A_496 : i32 to index
          %swap3A_498 = arith.index_cast %add3A_344 : i32 to index
          %swap3A_499 = arith.constant 96 : index
          %swap3A_500 = tpu.vector_load %arg10[%swap3A_497, %swap3A_498, %swap3A_499] {strides = array<i32>} : memref<3x40x128xf32, #tpu.memory_space<vmem>>, vector<1x1x16xf32>,
          %swap3A_501 = vector.shape_cast %swap3A_500 : vector<1x1x16xf32> to vector<16xf32>
          %swap3A_502 = vector.shape_cast %max3A_495 : vector<16xf32> to vector<1x1x16xf32>
          tpu.vector_store %arg10[%swap3A_497, %swap3A_498, %swap3A_499], %swap3A_502 {strides = array<i32>} : memref<3x40x128xf32, #tpu.memory_space<vmem>>, vector<1x1x16xf32>,
          %get3A_503 = arith.constant 1 : i32
          %get3A_504 = arith.index_cast %get3A_503 : i32 to index
          %get3A_505 = arith.index_cast %add3A_344 : i32 to index
          %get3A_506 = arith.constant 112 : index
          %get3A_507 = tpu.vector_load %arg10[%get3A_504, %get3A_505, %get3A_506] {strides = array<i32>} : memref<3x40x128xf32, #tpu.memory_space<vmem>>, vector<1x1x16xf32>,
          %get3A_508 = vector.shape_cast %get3A_507 : vector<1x1x16xf32> to vector<16xf32>
          %get3A_509 = arith.constant 1 : i32
          %get3A_510 = arith.index_cast %get3A_509 : i32 to index
          %get3A_511 = arith.index_cast %add3A_344 : i32 to index
          %get3A_512 = arith.constant 112 : index
          %get3A_513 = tpu.vector_load %arg11[%get3A_510, %get3A_511, %get3A_512] {strides = array<i32>} : memref<3x40x128xf32, #tpu.memory_space<vmem>>, vector<1x1x16xf32>,
          %get3A_514 = vector.shape_cast %get3A_513 : vector<1x1x16xf32> to vector<16xf32>
          %add3A_515 = arith.addf %get3A_508, %get3A_514 : vector<16xf32>
          %max3A_516 = arith.constant 0.000000e+00 : f32
          %max3A_517 = vector.broadcast %max3A_516 : f32 to vector<16xf32>
          %max3A_518 = arith.maximumf %add3A_515, %max3A_517 : vector<16xf32>
          %swap3A_519 = arith.constant 1 : i32
          %swap3A_520 = arith.index_cast %swap3A_519 : i32 to index
          %swap3A_521 = arith.index_cast %add3A_344 : i32 to index
          %swap3A_522 = arith.constant 112 : index
          %swap3A_523 = tpu.vector_load %arg10[%swap3A_520, %swap3A_521, %swap3A_522] {strides = array<i32>} : memref<3x40x128xf32, #tpu.memory_space<vmem>>, vector<1x1x16xf32>,
          %swap3A_524 = vector.shape_cast %swap3A_523 : vector<1x1x16xf32> to vector<16xf32>
          %swap3A_525 = vector.shape_cast %max3A_518 : vector<16xf32> to vector<1x1x16xf32>
          tpu.vector_store %arg10[%swap3A_520, %swap3A_521, %swap3A_522], %swap3A_525 {strides = array<i32>} : memref<3x40x128xf32, #tpu.memory_space<vmem>>, vector<1x1x16xf32>,
        }
        %scan3A_258 = arith.constant 40 : i32
        %dma_start3A_259 = arith.constant 1 : i32
        %dma_start3A_260 = arith.constant 0 : i32
        %dma_start3A_261 = arith.constant 0 : i32
        %dma_start3A_262 = tpu.memref_slice %arg10[%dma_start3A_259, %dma_start3A_260, %dma_start3A_261] : memref<3x40x128xf32, #tpu.memory_space<vmem>> -> memref<1x40x128xf32, #tpu.memory_space<vmem>>
        %dma_start3A_263 = tpu.memref_squeeze %dma_start3A_262 : memref<1x40x128xf32, #tpu.memory_space<vmem>> -> memref<40x128xf32, #tpu.memory_space<vmem>>
        %dma_start3A_264 = arith.constant 0 : i32
        %dma_start3A_265 = tpu.memref_slice %arg9[%add3A_227, %dma_start3A_264] : memref<25x40xi32, #tpu.memory_space<vmem>> -> memref<1x40xi32, #tpu.memory_space<vmem>>
        %dma_start3A_266 = tpu.memref_squeeze %dma_start3A_265 : memref<1x40xi32, #tpu.memory_space<vmem>> -> memref<40xi32, #tpu.memory_space<vmem>>
        %dma_start3A_267 = arith.constant 0 : i32
        %dma_start3A_268 = arith.constant 0 : i32
        %dma_start3A_269 = tpu.memref_slice %arg7[%dma_start3A_267, %dma_start3A_268] : memref<10240x128xf32, #tpu.memory_space<vmem_shared>> -> memref<10240x128xf32, #tpu.memory_space<vmem_shared>>
        tpu.enqueue_indirect_dma source(%dma_start3A_263 : memref<40x128xf32, #tpu.memory_space<vmem>>) target(%dma_start3A_269 : memref<10240x128xf32, #tpu.memory_space<vmem_shared>>) offsets(%dma_start3A_266 : memref<40xi32, #tpu.memory_space<vmem>>) semaphore(%arg19 : memref<!tpu.dma_semaphore, #tpu.memory_space<semaphore_mem>>) {add = true}
        %gt3A_270 = arith.constant 0 : i32
        %gt3A_271 = arith.cmpi sgt, %add3A_227, %gt3A_270 : i32
        %convert_element_type3A_272 = arith.extui %gt3A_271 : i1 to i32
        %cond3A_273 = arith.constant 0 : i32
        %cond3A_274 = arith.cmpi ne, %convert_element_type3A_272, %cond3A_273 : i32
        scf.if %cond3A_274 {
          %dma_wait3A_340 = arith.constant 0 : i32
          %dma_wait3A_341 = arith.constant 0 : i32
          %dma_wait3A_342 = arith.constant 0 : i32
          %dma_wait3A_343 = tpu.memref_slice %arg10[%dma_wait3A_340, %dma_wait3A_341, %dma_wait3A_342] : memref<3x40x128xf32, #tpu.memory_space<vmem>> -> memref<1x40x128xf32, #tpu.memory_space<vmem>>
          %dma_wait3A_344 = tpu.memref_squeeze %dma_wait3A_343 : memref<1x40x128xf32, #tpu.memory_space<vmem>> -> memref<40x128xf32, #tpu.memory_space<vmem>>
          %dma_wait3A_345 = arith.constant 0 : i32
          %dma_wait3A_346 = tpu.memref_slice %arg9[%add3A_227, %dma_wait3A_345] : memref<25x40xi32, #tpu.memory_space<vmem>> -> memref<1x40xi32, #tpu.memory_space<vmem>>
          %dma_wait3A_347 = tpu.memref_squeeze %dma_wait3A_346 : memref<1x40xi32, #tpu.memory_space<vmem>> -> memref<40xi32, #tpu.memory_space<vmem>>
          %dma_wait3A_348 = arith.constant 0 : i32
          %dma_wait3A_349 = arith.constant 0 : i32
          %dma_wait3A_350 = tpu.memref_slice %arg7[%dma_wait3A_348, %dma_wait3A_349] : memref<10240x128xf32, #tpu.memory_space<vmem_shared>> -> memref<10240x128xf32, #tpu.memory_space<vmem_shared>>
          tpu.wait_indirect_dma semaphore(%arg18 : memref<!tpu.dma_semaphore, #tpu.memory_space<semaphore_mem>>) src(%dma_wait3A_344 : memref<40x128xf32, #tpu.memory_space<vmem>>) dst(%dma_wait3A_350 : memref<10240x128xf32, #tpu.memory_space<vmem_shared>>)
        } else {
        }
        %add3A_275 = arith.constant 2 : i32
        %add3A_276 = arith.addi %add3A_227, %add3A_275 : i32
        %lt3A_277 = arith.constant 25 : i32
        %lt3A_278 = arith.cmpi slt, %add3A_276, %lt3A_277 : i32
        %convert_element_type3A_279 = arith.extui %lt3A_278 : i1 to i32
        %cond3A_280 = arith.constant 0 : i32
        %cond3A_281 = arith.cmpi ne, %convert_element_type3A_279, %cond3A_280 : i32
        scf.if %cond3A_281 {
          %add3A_340 = arith.constant 2 : i32
          %add3A_341 = arith.addi %add3A_227, %add3A_340 : i32
          %mul3A_342 = arith.constant 10000 : i32
          %mul3A_343 = arith.muli %add3A, %mul3A_342 : i32
          %mul3A_344 = arith.constant 25 : i32
          %mul3A_345 = arith.muli %add3A_25, %mul3A_344 : i32
          %add3A_346 = arith.addi %mul3A_345, %add3A_341 : i32
          %mul3A_347 = arith.constant 40 : i32
          %mul3A_348 = arith.muli %add3A_346, %mul3A_347 : i32
          %add3A_349 = arith.addi %mul3A_343, %mul3A_348 : i32
          %dma_start3A_350 = arith.constant 0 : i32
          %dma_start3A_351 = arith.constant 0 : i32
          %dma_start3A_352 = arith.constant 0 : i32
          %dma_start3A_353 = tpu.memref_slice %arg10[%dma_start3A_350, %dma_start3A_351, %dma_start3A_352] : memref<3x40x128xf32, #tpu.memory_space<vmem>> -> memref<1x40x128xf32, #tpu.memory_space<vmem>>
          %dma_start3A_354 = tpu.memref_squeeze %dma_start3A_353 : memref<1x40x128xf32, #tpu.memory_space<vmem>> -> memref<40x128xf32, #tpu.memory_space<vmem>>
          %dma_start3A_355 = arith.constant 0 : i32
          %dma_start3A_356 = tpu.memref_slice %arg3[%add3A_349, %dma_start3A_355] : memref<320000x128xf32, #tpu.memory_space<hbm>> -> memref<40x128xf32, #tpu.memory_space<hbm>>
          %dma_start3A_357 = arith.constant 0 : i32
          %dma_start3A_358 = arith.constant 0 : i32
          %dma_start3A_359 = tpu.memref_slice %arg10[%dma_start3A_350, %dma_start3A_357, %dma_start3A_358] : memref<3x40x128xf32, #tpu.memory_space<vmem>> -> memref<1x40x128xf32, #tpu.memory_space<vmem>>
          %dma_start3A_360 = tpu.memref_squeeze %dma_start3A_359 : memref<1x40x128xf32, #tpu.memory_space<vmem>> -> memref<40x128xf32, #tpu.memory_space<vmem>>
          %dma_start3A_361 = arith.constant 0 : i32
          %dma_start3A_362 = tpu.memref_slice %arg3[%add3A_349, %dma_start3A_361] : memref<320000x128xf32, #tpu.memory_space<hbm>> -> memref<40x128xf32, #tpu.memory_space<hbm>>
          tpu.enqueue_dma source(%dma_start3A_362 : memref<40x128xf32, #tpu.memory_space<hbm>>) target(%dma_start3A_360 : memref<40x128xf32, #tpu.memory_space<vmem>>) target_semaphore(%arg12 : memref<!tpu.dma_semaphore, #tpu.memory_space<semaphore_mem>>)
          %dma_start3A_363 = arith.constant 0 : i32
          %dma_start3A_364 = arith.constant 0 : i32
          %dma_start3A_365 = arith.constant 0 : i32
          %dma_start3A_366 = tpu.memref_slice %arg11[%dma_start3A_363, %dma_start3A_364, %dma_start3A_365] : memref<3x40x128xf32, #tpu.memory_space<vmem>> -> memref<1x40x128xf32, #tpu.memory_space<vmem>>
          %dma_start3A_367 = tpu.memref_squeeze %dma_start3A_366 : memref<1x40x128xf32, #tpu.memory_space<vmem>> -> memref<40x128xf32, #tpu.memory_space<vmem>>
          %dma_start3A_368 = arith.constant 0 : i32
          %dma_start3A_369 = tpu.memref_slice %arg8[%add3A_341, %dma_start3A_368] : memref<25x40xi32, #tpu.memory_space<vmem>> -> memref<1x40xi32, #tpu.memory_space<vmem>>
          %dma_start3A_370 = tpu.memref_squeeze %dma_start3A_369 : memref<1x40xi32, #tpu.memory_space<vmem>> -> memref<40xi32, #tpu.memory_space<vmem>>
          %dma_start3A_371 = arith.constant 0 : i32
          %dma_start3A_372 = arith.constant 0 : i32
          %dma_start3A_373 = tpu.memref_slice %arg2[%dma_start3A_371, %dma_start3A_372] : memref<10000x128xf32, #tpu.memory_space<hbm>> -> memref<10000x128xf32, #tpu.memory_space<hbm>>
          tpu.enqueue_indirect_dma source(%dma_start3A_373 : memref<10000x128xf32, #tpu.memory_space<hbm>>) target(%dma_start3A_367 : memref<40x128xf32, #tpu.memory_space<vmem>>) offsets(%dma_start3A_370 : memref<40xi32, #tpu.memory_space<vmem>>) semaphore(%arg15 : memref<!tpu.dma_semaphore, #tpu.memory_space<semaphore_mem>>)
        } else {
        }
        %mul3A_282 = arith.constant 3 : i32
        %mul3A_283 = arith.muli %add3A_169, %mul3A_282 : i32
        %add3A_284 = arith.constant 2 : i32
        %add3A_285 = arith.addi %mul3A_283, %add3A_284 : i32
        %dma_wait3A_286 = arith.constant 2 : i32
        %dma_wait3A_287 = arith.constant 0 : i32
        %dma_wait3A_288 = arith.constant 0 : i32
        %dma_wait3A_289 = tpu.memref_slice %arg10[%dma_wait3A_286, %dma_wait3A_287, %dma_wait3A_288] : memref<3x40x128xf32, #tpu.memory_space<vmem>> -> memref<1x40x128xf32, #tpu.memory_space<vmem>>
        %dma_wait3A_290 = tpu.memref_squeeze %dma_wait3A_289 : memref<1x40x128xf32, #tpu.memory_space<vmem>> -> memref<40x128xf32, #tpu.memory_space<vmem>>
        %dma_wait3A_291 = arith.constant 0 : i32
        %dma_wait3A_292 = arith.constant 0 : i32
        %dma_wait3A_293 = tpu.memref_slice %arg3[%dma_wait3A_291, %dma_wait3A_292] : memref<320000x128xf32, #tpu.memory_space<hbm>> -> memref<40x128xf32, #tpu.memory_space<hbm>>
        %dma_wait3A_294 = arith.constant 0 : i32
        %dma_wait3A_295 = arith.constant 0 : i32
        %dma_wait3A_296 = tpu.memref_slice %arg10[%dma_wait3A_286, %dma_wait3A_294, %dma_wait3A_295] : memref<3x40x128xf32, #tpu.memory_space<vmem>> -> memref<1x40x128xf32, #tpu.memory_space<vmem>>
        %dma_wait3A_297 = tpu.memref_squeeze %dma_wait3A_296 : memref<1x40x128xf32, #tpu.memory_space<vmem>> -> memref<40x128xf32, #tpu.memory_space<vmem>>
        %dma_wait3A_298 = arith.constant 0 : i32
        %dma_wait3A_299 = arith.constant 0 : i32
        %dma_wait3A_300 = tpu.memref_slice %arg3[%dma_wait3A_298, %dma_wait3A_299] : memref<320000x128xf32, #tpu.memory_space<hbm>> -> memref<40x128xf32, #tpu.memory_space<hbm>>
        tpu.wait_dma2 semaphore(%arg14 : memref<!tpu.dma_semaphore, #tpu.memory_space<semaphore_mem>>) src(%dma_wait3A_300 : memref<40x128xf32, #tpu.memory_space<hbm>>) dst(%dma_wait3A_297 : memref<40x128xf32, #tpu.memory_space<vmem>>)
        %dma_wait3A_301 = arith.constant 2 : i32
        %dma_wait3A_302 = arith.constant 0 : i32
        %dma_wait3A_303 = arith.constant 0 : i32
        %dma_wait3A_304 = tpu.memref_slice %arg11[%dma_wait3A_301, %dma_wait3A_302, %dma_wait3A_303] : memref<3x40x128xf32, #tpu.memory_space<vmem>> -> memref<1x40x128xf32, #tpu.memory_space<vmem>>
        %dma_wait3A_305 = tpu.memref_squeeze %dma_wait3A_304 : memref<1x40x128xf32, #tpu.memory_space<vmem>> -> memref<40x128xf32, #tpu.memory_space<vmem>>
        %dma_wait3A_306 = arith.constant 0 : i32
        %dma_wait3A_307 = tpu.memref_slice %arg8[%add3A_285, %dma_wait3A_306] : memref<25x40xi32, #tpu.memory_space<vmem>> -> memref<1x40xi32, #tpu.memory_space<vmem>>
        %dma_wait3A_308 = tpu.memref_squeeze %dma_wait3A_307 : memref<1x40xi32, #tpu.memory_space<vmem>> -> memref<40xi32, #tpu.memory_space<vmem>>
        %dma_wait3A_309 = arith.constant 0 : i32
        %dma_wait3A_310 = arith.constant 0 : i32
        %dma_wait3A_311 = tpu.memref_slice %arg2[%dma_wait3A_309, %dma_wait3A_310] : memref<10000x128xf32, #tpu.memory_space<hbm>> -> memref<10000x128xf32, #tpu.memory_space<hbm>>
        tpu.wait_indirect_dma semaphore(%arg17 : memref<!tpu.dma_semaphore, #tpu.memory_space<semaphore_mem>>) src(%dma_wait3A_311 : memref<10000x128xf32, #tpu.memory_space<hbm>>) dst(%dma_wait3A_305 : memref<40x128xf32, #tpu.memory_space<vmem>>)
        %scan3A_312 = arith.constant 0 : i32
        %scan3A_313 = arith.constant 40 : i32
        %scan3A_314 = arith.addi %scan3A_312, %scan3A_313 : i32
        %scan3A_315 = arith.constant 1 : i32
        scf.for %scan3A_340 = %scan3A_312 to %scan3A_314 step %scan3A_315  : i32 {
          %mul3A_341 = arith.constant 1 : i32
          %mul3A_342 = arith.muli %scan3A_340, %mul3A_341 : i32
          %add3A_343 = arith.constant 0 : i32
          %add3A_344 = arith.addi %add3A_343, %mul3A_342 : i32
          %get3A = arith.constant 2 : i32
          %get3A_345 = arith.index_cast %get3A : i32 to index
          %get3A_346 = arith.index_cast %add3A_344 : i32 to index
          %get3A_347 = arith.constant 0 : index
          %get3A_348 = tpu.vector_load %arg10[%get3A_345, %get3A_346, %get3A_347] {strides = array<i32>} : memref<3x40x128xf32, #tpu.memory_space<vmem>>, vector<1x1x16xf32>,
          %get3A_349 = vector.shape_cast %get3A_348 : vector<1x1x16xf32> to vector<16xf32>
          %get3A_350 = arith.constant 2 : i32
          %get3A_351 = arith.index_cast %get3A_350 : i32 to index
          %get3A_352 = arith.index_cast %add3A_344 : i32 to index
          %get3A_353 = arith.constant 0 : index
          %get3A_354 = tpu.vector_load %arg11[%get3A_351, %get3A_352, %get3A_353] {strides = array<i32>} : memref<3x40x128xf32, #tpu.memory_space<vmem>>, vector<1x1x16xf32>,
          %get3A_355 = vector.shape_cast %get3A_354 : vector<1x1x16xf32> to vector<16xf32>
          %add3A_356 = arith.addf %get3A_349, %get3A_355 : vector<16xf32>
          %max3A = arith.constant 0.000000e+00 : f32
          %max3A_357 = vector.broadcast %max3A : f32 to vector<16xf32>
          %max3A_358 = arith.maximumf %add3A_356, %max3A_357 : vector<16xf32>
          %swap3A = arith.constant 2 : i32
          %swap3A_359 = arith.index_cast %swap3A : i32 to index
          %swap3A_360 = arith.index_cast %add3A_344 : i32 to index
          %swap3A_361 = arith.constant 0 : index
          %swap3A_362 = tpu.vector_load %arg10[%swap3A_359, %swap3A_360, %swap3A_361] {strides = array<i32>} : memref<3x40x128xf32, #tpu.memory_space<vmem>>, vector<1x1x16xf32>,
          %swap3A_363 = vector.shape_cast %swap3A_362 : vector<1x1x16xf32> to vector<16xf32>
          %swap3A_364 = vector.shape_cast %max3A_358 : vector<16xf32> to vector<1x1x16xf32>
          tpu.vector_store %arg10[%swap3A_359, %swap3A_360, %swap3A_361], %swap3A_364 {strides = array<i32>} : memref<3x40x128xf32, #tpu.memory_space<vmem>>, vector<1x1x16xf32>,
          %get3A_365 = arith.constant 2 : i32
          %get3A_366 = arith.index_cast %get3A_365 : i32 to index
          %get3A_367 = arith.index_cast %add3A_344 : i32 to index
          %get3A_368 = arith.constant 16 : index
          %get3A_369 = tpu.vector_load %arg10[%get3A_366, %get3A_367, %get3A_368] {strides = array<i32>} : memref<3x40x128xf32, #tpu.memory_space<vmem>>, vector<1x1x16xf32>,
          %get3A_370 = vector.shape_cast %get3A_369 : vector<1x1x16xf32> to vector<16xf32>
          %get3A_371 = arith.constant 2 : i32
          %get3A_372 = arith.index_cast %get3A_371 : i32 to index
          %get3A_373 = arith.index_cast %add3A_344 : i32 to index
          %get3A_374 = arith.constant 16 : index
          %get3A_375 = tpu.vector_load %arg11[%get3A_372, %get3A_373, %get3A_374] {strides = array<i32>} : memref<3x40x128xf32, #tpu.memory_space<vmem>>, vector<1x1x16xf32>,
          %get3A_376 = vector.shape_cast %get3A_375 : vector<1x1x16xf32> to vector<16xf32>
          %add3A_377 = arith.addf %get3A_370, %get3A_376 : vector<16xf32>
          %max3A_378 = arith.constant 0.000000e+00 : f32
          %max3A_379 = vector.broadcast %max3A_378 : f32 to vector<16xf32>
          %max3A_380 = arith.maximumf %add3A_377, %max3A_379 : vector<16xf32>
          %swap3A_381 = arith.constant 2 : i32
          %swap3A_382 = arith.index_cast %swap3A_381 : i32 to index
          %swap3A_383 = arith.index_cast %add3A_344 : i32 to index
          %swap3A_384 = arith.constant 16 : index
          %swap3A_385 = tpu.vector_load %arg10[%swap3A_382, %swap3A_383, %swap3A_384] {strides = array<i32>} : memref<3x40x128xf32, #tpu.memory_space<vmem>>, vector<1x1x16xf32>,
          %swap3A_386 = vector.shape_cast %swap3A_385 : vector<1x1x16xf32> to vector<16xf32>
          %swap3A_387 = vector.shape_cast %max3A_380 : vector<16xf32> to vector<1x1x16xf32>
          tpu.vector_store %arg10[%swap3A_382, %swap3A_383, %swap3A_384], %swap3A_387 {strides = array<i32>} : memref<3x40x128xf32, #tpu.memory_space<vmem>>, vector<1x1x16xf32>,
          %get3A_388 = arith.constant 2 : i32
          %get3A_389 = arith.index_cast %get3A_388 : i32 to index
          %get3A_390 = arith.index_cast %add3A_344 : i32 to index
          %get3A_391 = arith.constant 32 : index
          %get3A_392 = tpu.vector_load %arg10[%get3A_389, %get3A_390, %get3A_391] {strides = array<i32>} : memref<3x40x128xf32, #tpu.memory_space<vmem>>, vector<1x1x16xf32>,
          %get3A_393 = vector.shape_cast %get3A_392 : vector<1x1x16xf32> to vector<16xf32>
          %get3A_394 = arith.constant 2 : i32
          %get3A_395 = arith.index_cast %get3A_394 : i32 to index
          %get3A_396 = arith.index_cast %add3A_344 : i32 to index
          %get3A_397 = arith.constant 32 : index
          %get3A_398 = tpu.vector_load %arg11[%get3A_395, %get3A_396, %get3A_397] {strides = array<i32>} : memref<3x40x128xf32, #tpu.memory_space<vmem>>, vector<1x1x16xf32>,
          %get3A_399 = vector.shape_cast %get3A_398 : vector<1x1x16xf32> to vector<16xf32>
          %add3A_400 = arith.addf %get3A_393, %get3A_399 : vector<16xf32>
          %max3A_401 = arith.constant 0.000000e+00 : f32
          %max3A_402 = vector.broadcast %max3A_401 : f32 to vector<16xf32>
          %max3A_403 = arith.maximumf %add3A_400, %max3A_402 : vector<16xf32>
          %swap3A_404 = arith.constant 2 : i32
          %swap3A_405 = arith.index_cast %swap3A_404 : i32 to index
          %swap3A_406 = arith.index_cast %add3A_344 : i32 to index
          %swap3A_407 = arith.constant 32 : index
          %swap3A_408 = tpu.vector_load %arg10[%swap3A_405, %swap3A_406, %swap3A_407] {strides = array<i32>} : memref<3x40x128xf32, #tpu.memory_space<vmem>>, vector<1x1x16xf32>,
          %swap3A_409 = vector.shape_cast %swap3A_408 : vector<1x1x16xf32> to vector<16xf32>
          %swap3A_410 = vector.shape_cast %max3A_403 : vector<16xf32> to vector<1x1x16xf32>
          tpu.vector_store %arg10[%swap3A_405, %swap3A_406, %swap3A_407], %swap3A_410 {strides = array<i32>} : memref<3x40x128xf32, #tpu.memory_space<vmem>>, vector<1x1x16xf32>,
          %get3A_411 = arith.constant 2 : i32
          %get3A_412 = arith.index_cast %get3A_411 : i32 to index
          %get3A_413 = arith.index_cast %add3A_344 : i32 to index
          %get3A_414 = arith.constant 48 : index
          %get3A_415 = tpu.vector_load %arg10[%get3A_412, %get3A_413, %get3A_414] {strides = array<i32>} : memref<3x40x128xf32, #tpu.memory_space<vmem>>, vector<1x1x16xf32>,
          %get3A_416 = vector.shape_cast %get3A_415 : vector<1x1x16xf32> to vector<16xf32>
          %get3A_417 = arith.constant 2 : i32
          %get3A_418 = arith.index_cast %get3A_417 : i32 to index
          %get3A_419 = arith.index_cast %add3A_344 : i32 to index
          %get3A_420 = arith.constant 48 : index
          %get3A_421 = tpu.vector_load %arg11[%get3A_418, %get3A_419, %get3A_420] {strides = array<i32>} : memref<3x40x128xf32, #tpu.memory_space<vmem>>, vector<1x1x16xf32>,
          %get3A_422 = vector.shape_cast %get3A_421 : vector<1x1x16xf32> to vector<16xf32>
          %add3A_423 = arith.addf %get3A_416, %get3A_422 : vector<16xf32>
          %max3A_424 = arith.constant 0.000000e+00 : f32
          %max3A_425 = vector.broadcast %max3A_424 : f32 to vector<16xf32>
          %max3A_426 = arith.maximumf %add3A_423, %max3A_425 : vector<16xf32>
          %swap3A_427 = arith.constant 2 : i32
          %swap3A_428 = arith.index_cast %swap3A_427 : i32 to index
          %swap3A_429 = arith.index_cast %add3A_344 : i32 to index
          %swap3A_430 = arith.constant 48 : index
          %swap3A_431 = tpu.vector_load %arg10[%swap3A_428, %swap3A_429, %swap3A_430] {strides = array<i32>} : memref<3x40x128xf32, #tpu.memory_space<vmem>>, vector<1x1x16xf32>,
          %swap3A_432 = vector.shape_cast %swap3A_431 : vector<1x1x16xf32> to vector<16xf32>
          %swap3A_433 = vector.shape_cast %max3A_426 : vector<16xf32> to vector<1x1x16xf32>
          tpu.vector_store %arg10[%swap3A_428, %swap3A_429, %swap3A_430], %swap3A_433 {strides = array<i32>} : memref<3x40x128xf32, #tpu.memory_space<vmem>>, vector<1x1x16xf32>,
          %get3A_434 = arith.constant 2 : i32
          %get3A_435 = arith.index_cast %get3A_434 : i32 to index
          %get3A_436 = arith.index_cast %add3A_344 : i32 to index
          %get3A_437 = arith.constant 64 : index
          %get3A_438 = tpu.vector_load %arg10[%get3A_435, %get3A_436, %get3A_437] {strides = array<i32>} : memref<3x40x128xf32, #tpu.memory_space<vmem>>, vector<1x1x16xf32>,
          %get3A_439 = vector.shape_cast %get3A_438 : vector<1x1x16xf32> to vector<16xf32>
          %get3A_440 = arith.constant 2 : i32
          %get3A_441 = arith.index_cast %get3A_440 : i32 to index
          %get3A_442 = arith.index_cast %add3A_344 : i32 to index
          %get3A_443 = arith.constant 64 : index
          %get3A_444 = tpu.vector_load %arg11[%get3A_441, %get3A_442, %get3A_443] {strides = array<i32>} : memref<3x40x128xf32, #tpu.memory_space<vmem>>, vector<1x1x16xf32>,
          %get3A_445 = vector.shape_cast %get3A_444 : vector<1x1x16xf32> to vector<16xf32>
          %add3A_446 = arith.addf %get3A_439, %get3A_445 : vector<16xf32>
          %max3A_447 = arith.constant 0.000000e+00 : f32
          %max3A_448 = vector.broadcast %max3A_447 : f32 to vector<16xf32>
          %max3A_449 = arith.maximumf %add3A_446, %max3A_448 : vector<16xf32>
          %swap3A_450 = arith.constant 2 : i32
          %swap3A_451 = arith.index_cast %swap3A_450 : i32 to index
          %swap3A_452 = arith.index_cast %add3A_344 : i32 to index
          %swap3A_453 = arith.constant 64 : index
          %swap3A_454 = tpu.vector_load %arg10[%swap3A_451, %swap3A_452, %swap3A_453] {strides = array<i32>} : memref<3x40x128xf32, #tpu.memory_space<vmem>>, vector<1x1x16xf32>,
          %swap3A_455 = vector.shape_cast %swap3A_454 : vector<1x1x16xf32> to vector<16xf32>
          %swap3A_456 = vector.shape_cast %max3A_449 : vector<16xf32> to vector<1x1x16xf32>
          tpu.vector_store %arg10[%swap3A_451, %swap3A_452, %swap3A_453], %swap3A_456 {strides = array<i32>} : memref<3x40x128xf32, #tpu.memory_space<vmem>>, vector<1x1x16xf32>,
          %get3A_457 = arith.constant 2 : i32
          %get3A_458 = arith.index_cast %get3A_457 : i32 to index
          %get3A_459 = arith.index_cast %add3A_344 : i32 to index
          %get3A_460 = arith.constant 80 : index
          %get3A_461 = tpu.vector_load %arg10[%get3A_458, %get3A_459, %get3A_460] {strides = array<i32>} : memref<3x40x128xf32, #tpu.memory_space<vmem>>, vector<1x1x16xf32>,
          %get3A_462 = vector.shape_cast %get3A_461 : vector<1x1x16xf32> to vector<16xf32>
          %get3A_463 = arith.constant 2 : i32
          %get3A_464 = arith.index_cast %get3A_463 : i32 to index
          %get3A_465 = arith.index_cast %add3A_344 : i32 to index
          %get3A_466 = arith.constant 80 : index
          %get3A_467 = tpu.vector_load %arg11[%get3A_464, %get3A_465, %get3A_466] {strides = array<i32>} : memref<3x40x128xf32, #tpu.memory_space<vmem>>, vector<1x1x16xf32>,
          %get3A_468 = vector.shape_cast %get3A_467 : vector<1x1x16xf32> to vector<16xf32>
          %add3A_469 = arith.addf %get3A_462, %get3A_468 : vector<16xf32>
          %max3A_470 = arith.constant 0.000000e+00 : f32
          %max3A_471 = vector.broadcast %max3A_470 : f32 to vector<16xf32>
          %max3A_472 = arith.maximumf %add3A_469, %max3A_471 : vector<16xf32>
          %swap3A_473 = arith.constant 2 : i32
          %swap3A_474 = arith.index_cast %swap3A_473 : i32 to index
          %swap3A_475 = arith.index_cast %add3A_344 : i32 to index
          %swap3A_476 = arith.constant 80 : index
          %swap3A_477 = tpu.vector_load %arg10[%swap3A_474, %swap3A_475, %swap3A_476] {strides = array<i32>} : memref<3x40x128xf32, #tpu.memory_space<vmem>>, vector<1x1x16xf32>,
          %swap3A_478 = vector.shape_cast %swap3A_477 : vector<1x1x16xf32> to vector<16xf32>
          %swap3A_479 = vector.shape_cast %max3A_472 : vector<16xf32> to vector<1x1x16xf32>
          tpu.vector_store %arg10[%swap3A_474, %swap3A_475, %swap3A_476], %swap3A_479 {strides = array<i32>} : memref<3x40x128xf32, #tpu.memory_space<vmem>>, vector<1x1x16xf32>,
          %get3A_480 = arith.constant 2 : i32
          %get3A_481 = arith.index_cast %get3A_480 : i32 to index
          %get3A_482 = arith.index_cast %add3A_344 : i32 to index
          %get3A_483 = arith.constant 96 : index
          %get3A_484 = tpu.vector_load %arg10[%get3A_481, %get3A_482, %get3A_483] {strides = array<i32>} : memref<3x40x128xf32, #tpu.memory_space<vmem>>, vector<1x1x16xf32>,
          %get3A_485 = vector.shape_cast %get3A_484 : vector<1x1x16xf32> to vector<16xf32>
          %get3A_486 = arith.constant 2 : i32
          %get3A_487 = arith.index_cast %get3A_486 : i32 to index
          %get3A_488 = arith.index_cast %add3A_344 : i32 to index
          %get3A_489 = arith.constant 96 : index
          %get3A_490 = tpu.vector_load %arg11[%get3A_487, %get3A_488, %get3A_489] {strides = array<i32>} : memref<3x40x128xf32, #tpu.memory_space<vmem>>, vector<1x1x16xf32>,
          %get3A_491 = vector.shape_cast %get3A_490 : vector<1x1x16xf32> to vector<16xf32>
          %add3A_492 = arith.addf %get3A_485, %get3A_491 : vector<16xf32>
          %max3A_493 = arith.constant 0.000000e+00 : f32
          %max3A_494 = vector.broadcast %max3A_493 : f32 to vector<16xf32>
          %max3A_495 = arith.maximumf %add3A_492, %max3A_494 : vector<16xf32>
          %swap3A_496 = arith.constant 2 : i32
          %swap3A_497 = arith.index_cast %swap3A_496 : i32 to index
          %swap3A_498 = arith.index_cast %add3A_344 : i32 to index
          %swap3A_499 = arith.constant 96 : index
          %swap3A_500 = tpu.vector_load %arg10[%swap3A_497, %swap3A_498, %swap3A_499] {strides = array<i32>} : memref<3x40x128xf32, #tpu.memory_space<vmem>>, vector<1x1x16xf32>,
          %swap3A_501 = vector.shape_cast %swap3A_500 : vector<1x1x16xf32> to vector<16xf32>
          %swap3A_502 = vector.shape_cast %max3A_495 : vector<16xf32> to vector<1x1x16xf32>
          tpu.vector_store %arg10[%swap3A_497, %swap3A_498, %swap3A_499], %swap3A_502 {strides = array<i32>} : memref<3x40x128xf32, #tpu.memory_space<vmem>>, vector<1x1x16xf32>,
          %get3A_503 = arith.constant 2 : i32
          %get3A_504 = arith.index_cast %get3A_503 : i32 to index
          %get3A_505 = arith.index_cast %add3A_344 : i32 to index
          %get3A_506 = arith.constant 112 : index
          %get3A_507 = tpu.vector_load %arg10[%get3A_504, %get3A_505, %get3A_506] {strides = array<i32>} : memref<3x40x128xf32, #tpu.memory_space<vmem>>, vector<1x1x16xf32>,
          %get3A_508 = vector.shape_cast %get3A_507 : vector<1x1x16xf32> to vector<16xf32>
          %get3A_509 = arith.constant 2 : i32
          %get3A_510 = arith.index_cast %get3A_509 : i32 to index
          %get3A_511 = arith.index_cast %add3A_344 : i32 to index
          %get3A_512 = arith.constant 112 : index
          %get3A_513 = tpu.vector_load %arg11[%get3A_510, %get3A_511, %get3A_512] {strides = array<i32>} : memref<3x40x128xf32, #tpu.memory_space<vmem>>, vector<1x1x16xf32>,
          %get3A_514 = vector.shape_cast %get3A_513 : vector<1x1x16xf32> to vector<16xf32>
          %add3A_515 = arith.addf %get3A_508, %get3A_514 : vector<16xf32>
          %max3A_516 = arith.constant 0.000000e+00 : f32
          %max3A_517 = vector.broadcast %max3A_516 : f32 to vector<16xf32>
          %max3A_518 = arith.maximumf %add3A_515, %max3A_517 : vector<16xf32>
          %swap3A_519 = arith.constant 2 : i32
          %swap3A_520 = arith.index_cast %swap3A_519 : i32 to index
          %swap3A_521 = arith.index_cast %add3A_344 : i32 to index
          %swap3A_522 = arith.constant 112 : index
          %swap3A_523 = tpu.vector_load %arg10[%swap3A_520, %swap3A_521, %swap3A_522] {strides = array<i32>} : memref<3x40x128xf32, #tpu.memory_space<vmem>>, vector<1x1x16xf32>,
          %swap3A_524 = vector.shape_cast %swap3A_523 : vector<1x1x16xf32> to vector<16xf32>
          %swap3A_525 = vector.shape_cast %max3A_518 : vector<16xf32> to vector<1x1x16xf32>
          tpu.vector_store %arg10[%swap3A_520, %swap3A_521, %swap3A_522], %swap3A_525 {strides = array<i32>} : memref<3x40x128xf32, #tpu.memory_space<vmem>>, vector<1x1x16xf32>,
        }
        %scan3A_316 = arith.constant 40 : i32
        %dma_start3A_317 = arith.constant 2 : i32
        %dma_start3A_318 = arith.constant 0 : i32
        %dma_start3A_319 = arith.constant 0 : i32
        %dma_start3A_320 = tpu.memref_slice %arg10[%dma_start3A_317, %dma_start3A_318, %dma_start3A_319] : memref<3x40x128xf32, #tpu.memory_space<vmem>> -> memref<1x40x128xf32, #tpu.memory_space<vmem>>
        %dma_start3A_321 = tpu.memref_squeeze %dma_start3A_320 : memref<1x40x128xf32, #tpu.memory_space<vmem>> -> memref<40x128xf32, #tpu.memory_space<vmem>>
        %dma_start3A_322 = arith.constant 0 : i32
        %dma_start3A_323 = tpu.memref_slice %arg9[%add3A_285, %dma_start3A_322] : memref<25x40xi32, #tpu.memory_space<vmem>> -> memref<1x40xi32, #tpu.memory_space<vmem>>
        %dma_start3A_324 = tpu.memref_squeeze %dma_start3A_323 : memref<1x40xi32, #tpu.memory_space<vmem>> -> memref<40xi32, #tpu.memory_space<vmem>>
        %dma_start3A_325 = arith.constant 0 : i32
        %dma_start3A_326 = arith.constant 0 : i32
        %dma_start3A_327 = tpu.memref_slice %arg7[%dma_start3A_325, %dma_start3A_326] : memref<10240x128xf32, #tpu.memory_space<vmem_shared>> -> memref<10240x128xf32, #tpu.memory_space<vmem_shared>>
        tpu.enqueue_indirect_dma source(%dma_start3A_321 : memref<40x128xf32, #tpu.memory_space<vmem>>) target(%dma_start3A_327 : memref<10240x128xf32, #tpu.memory_space<vmem_shared>>) offsets(%dma_start3A_324 : memref<40xi32, #tpu.memory_space<vmem>>) semaphore(%arg20 : memref<!tpu.dma_semaphore, #tpu.memory_space<semaphore_mem>>) {add = true}
        %gt3A_328 = arith.constant 0 : i32
        %gt3A_329 = arith.cmpi sgt, %add3A_285, %gt3A_328 : i32
        %convert_element_type3A_330 = arith.extui %gt3A_329 : i1 to i32
        %cond3A_331 = arith.constant 0 : i32
        %cond3A_332 = arith.cmpi ne, %convert_element_type3A_330, %cond3A_331 : i32
        scf.if %cond3A_332 {
          %dma_wait3A_340 = arith.constant 1 : i32
          %dma_wait3A_341 = arith.constant 0 : i32
          %dma_wait3A_342 = arith.constant 0 : i32
          %dma_wait3A_343 = tpu.memref_slice %arg10[%dma_wait3A_340, %dma_wait3A_341, %dma_wait3A_342] : memref<3x40x128xf32, #tpu.memory_space<vmem>> -> memref<1x40x128xf32, #tpu.memory_space<vmem>>
          %dma_wait3A_344 = tpu.memref_squeeze %dma_wait3A_343 : memref<1x40x128xf32, #tpu.memory_space<vmem>> -> memref<40x128xf32, #tpu.memory_space<vmem>>
          %dma_wait3A_345 = arith.constant 0 : i32
          %dma_wait3A_346 = tpu.memref_slice %arg9[%add3A_285, %dma_wait3A_345] : memref<25x40xi32, #tpu.memory_space<vmem>> -> memref<1x40xi32, #tpu.memory_space<vmem>>
          %dma_wait3A_347 = tpu.memref_squeeze %dma_wait3A_346 : memref<1x40xi32, #tpu.memory_space<vmem>> -> memref<40xi32, #tpu.memory_space<vmem>>
          %dma_wait3A_348 = arith.constant 0 : i32
          %dma_wait3A_349 = arith.constant 0 : i32
          %dma_wait3A_350 = tpu.memref_slice %arg7[%dma_wait3A_348, %dma_wait3A_349] : memref<10240x128xf32, #tpu.memory_space<vmem_shared>> -> memref<10240x128xf32, #tpu.memory_space<vmem_shared>>
          tpu.wait_indirect_dma semaphore(%arg19 : memref<!tpu.dma_semaphore, #tpu.memory_space<semaphore_mem>>) src(%dma_wait3A_344 : memref<40x128xf32, #tpu.memory_space<vmem>>) dst(%dma_wait3A_350 : memref<10240x128xf32, #tpu.memory_space<vmem_shared>>)
        } else {
        }
        %add3A_333 = arith.constant 2 : i32
        %add3A_334 = arith.addi %add3A_285, %add3A_333 : i32
        %lt3A_335 = arith.constant 25 : i32
        %lt3A_336 = arith.cmpi slt, %add3A_334, %lt3A_335 : i32
        %convert_element_type3A_337 = arith.extui %lt3A_336 : i1 to i32
        %cond3A_338 = arith.constant 0 : i32
        %cond3A_339 = arith.cmpi ne, %convert_element_type3A_337, %cond3A_338 : i32
        scf.if %cond3A_339 {
          %add3A_340 = arith.constant 2 : i32
          %add3A_341 = arith.addi %add3A_285, %add3A_340 : i32
          %mul3A_342 = arith.constant 10000 : i32
          %mul3A_343 = arith.muli %add3A, %mul3A_342 : i32
          %mul3A_344 = arith.constant 25 : i32
          %mul3A_345 = arith.muli %add3A_25, %mul3A_344 : i32
          %add3A_346 = arith.addi %mul3A_345, %add3A_341 : i32
          %mul3A_347 = arith.constant 40 : i32
          %mul3A_348 = arith.muli %add3A_346, %mul3A_347 : i32
          %add3A_349 = arith.addi %mul3A_343, %mul3A_348 : i32
          %dma_start3A_350 = arith.constant 1 : i32
          %dma_start3A_351 = arith.constant 0 : i32
          %dma_start3A_352 = arith.constant 0 : i32
          %dma_start3A_353 = tpu.memref_slice %arg10[%dma_start3A_350, %dma_start3A_351, %dma_start3A_352] : memref<3x40x128xf32, #tpu.memory_space<vmem>> -> memref<1x40x128xf32, #tpu.memory_space<vmem>>
          %dma_start3A_354 = tpu.memref_squeeze %dma_start3A_353 : memref<1x40x128xf32, #tpu.memory_space<vmem>> -> memref<40x128xf32, #tpu.memory_space<vmem>>
          %dma_start3A_355 = arith.constant 0 : i32
          %dma_start3A_356 = tpu.memref_slice %arg3[%add3A_349, %dma_start3A_355] : memref<320000x128xf32, #tpu.memory_space<hbm>> -> memref<40x128xf32, #tpu.memory_space<hbm>>
          %dma_start3A_357 = arith.constant 0 : i32
          %dma_start3A_358 = arith.constant 0 : i32
          %dma_start3A_359 = tpu.memref_slice %arg10[%dma_start3A_350, %dma_start3A_357, %dma_start3A_358] : memref<3x40x128xf32, #tpu.memory_space<vmem>> -> memref<1x40x128xf32, #tpu.memory_space<vmem>>
          %dma_start3A_360 = tpu.memref_squeeze %dma_start3A_359 : memref<1x40x128xf32, #tpu.memory_space<vmem>> -> memref<40x128xf32, #tpu.memory_space<vmem>>
          %dma_start3A_361 = arith.constant 0 : i32
          %dma_start3A_362 = tpu.memref_slice %arg3[%add3A_349, %dma_start3A_361] : memref<320000x128xf32, #tpu.memory_space<hbm>> -> memref<40x128xf32, #tpu.memory_space<hbm>>
          tpu.enqueue_dma source(%dma_start3A_362 : memref<40x128xf32, #tpu.memory_space<hbm>>) target(%dma_start3A_360 : memref<40x128xf32, #tpu.memory_space<vmem>>) target_semaphore(%arg13 : memref<!tpu.dma_semaphore, #tpu.memory_space<semaphore_mem>>)
          %dma_start3A_363 = arith.constant 1 : i32
          %dma_start3A_364 = arith.constant 0 : i32
          %dma_start3A_365 = arith.constant 0 : i32
          %dma_start3A_366 = tpu.memref_slice %arg11[%dma_start3A_363, %dma_start3A_364, %dma_start3A_365] : memref<3x40x128xf32, #tpu.memory_space<vmem>> -> memref<1x40x128xf32, #tpu.memory_space<vmem>>
          %dma_start3A_367 = tpu.memref_squeeze %dma_start3A_366 : memref<1x40x128xf32, #tpu.memory_space<vmem>> -> memref<40x128xf32, #tpu.memory_space<vmem>>
          %dma_start3A_368 = arith.constant 0 : i32
          %dma_start3A_369 = tpu.memref_slice %arg8[%add3A_341, %dma_start3A_368] : memref<25x40xi32, #tpu.memory_space<vmem>> -> memref<1x40xi32, #tpu.memory_space<vmem>>
          %dma_start3A_370 = tpu.memref_squeeze %dma_start3A_369 : memref<1x40xi32, #tpu.memory_space<vmem>> -> memref<40xi32, #tpu.memory_space<vmem>>
          %dma_start3A_371 = arith.constant 0 : i32
          %dma_start3A_372 = arith.constant 0 : i32
          %dma_start3A_373 = tpu.memref_slice %arg2[%dma_start3A_371, %dma_start3A_372] : memref<10000x128xf32, #tpu.memory_space<hbm>> -> memref<10000x128xf32, #tpu.memory_space<hbm>>
          tpu.enqueue_indirect_dma source(%dma_start3A_373 : memref<10000x128xf32, #tpu.memory_space<hbm>>) target(%dma_start3A_367 : memref<40x128xf32, #tpu.memory_space<vmem>>) offsets(%dma_start3A_370 : memref<40xi32, #tpu.memory_space<vmem>>) semaphore(%arg16 : memref<!tpu.dma_semaphore, #tpu.memory_space<semaphore_mem>>)
        } else {
        }
      }
      %scan3A_97 = arith.constant 8 : i32
      %dma_wait3A = arith.constant 0 : i32
      %dma_wait3A_98 = arith.constant 0 : i32
      %dma_wait3A_99 = arith.constant 0 : i32
      %dma_wait3A_100 = tpu.memref_slice %arg10[%dma_wait3A, %dma_wait3A_98, %dma_wait3A_99] : memref<3x40x128xf32, #tpu.memory_space<vmem>> -> memref<1x40x128xf32, #tpu.memory_space<vmem>>
      %dma_wait3A_101 = tpu.memref_squeeze %dma_wait3A_100 : memref<1x40x128xf32, #tpu.memory_space<vmem>> -> memref<40x128xf32, #tpu.memory_space<vmem>>
      %dma_wait3A_102 = arith.constant 0 : i32
      %dma_wait3A_103 = arith.constant 0 : i32
      %dma_wait3A_104 = tpu.memref_slice %arg3[%dma_wait3A_102, %dma_wait3A_103] : memref<320000x128xf32, #tpu.memory_space<hbm>> -> memref<40x128xf32, #tpu.memory_space<hbm>>
      %dma_wait3A_105 = arith.constant 0 : i32
      %dma_wait3A_106 = arith.constant 0 : i32
      %dma_wait3A_107 = tpu.memref_slice %arg10[%dma_wait3A, %dma_wait3A_105, %dma_wait3A_106] : memref<3x40x128xf32, #tpu.memory_space<vmem>> -> memref<1x40x128xf32, #tpu.memory_space<vmem>>
      %dma_wait3A_108 = tpu.memref_squeeze %dma_wait3A_107 : memref<1x40x128xf32, #tpu.memory_space<vmem>> -> memref<40x128xf32, #tpu.memory_space<vmem>>
      %dma_wait3A_109 = arith.constant 0 : i32
      %dma_wait3A_110 = arith.constant 0 : i32
      %dma_wait3A_111 = tpu.memref_slice %arg3[%dma_wait3A_109, %dma_wait3A_110] : memref<320000x128xf32, #tpu.memory_space<hbm>> -> memref<40x128xf32, #tpu.memory_space<hbm>>
      tpu.wait_dma2 semaphore(%arg12 : memref<!tpu.dma_semaphore, #tpu.memory_space<semaphore_mem>>) src(%dma_wait3A_111 : memref<40x128xf32, #tpu.memory_space<hbm>>) dst(%dma_wait3A_108 : memref<40x128xf32, #tpu.memory_space<vmem>>)
      %dma_wait3A_112 = arith.constant 24 : i32
      %dma_wait3A_113 = arith.constant 0 : i32
      %dma_wait3A_114 = arith.constant 0 : i32
      %dma_wait3A_115 = arith.constant 0 : i32
      %dma_wait3A_116 = tpu.memref_slice %arg11[%dma_wait3A_113, %dma_wait3A_114, %dma_wait3A_115] : memref<3x40x128xf32, #tpu.memory_space<vmem>> -> memref<1x40x128xf32, #tpu.memory_space<vmem>>
      %dma_wait3A_117 = tpu.memref_squeeze %dma_wait3A_116 : memref<1x40x128xf32, #tpu.memory_space<vmem>> -> memref<40x128xf32, #tpu.memory_space<vmem>>
      %dma_wait3A_118 = arith.constant 0 : i32
      %dma_wait3A_119 = tpu.memref_slice %arg8[%dma_wait3A_112, %dma_wait3A_118] : memref<25x40xi32, #tpu.memory_space<vmem>> -> memref<1x40xi32, #tpu.memory_space<vmem>>
      %dma_wait3A_120 = tpu.memref_squeeze %dma_wait3A_119 : memref<1x40xi32, #tpu.memory_space<vmem>> -> memref<40xi32, #tpu.memory_space<vmem>>
      %dma_wait3A_121 = arith.constant 0 : i32
      %dma_wait3A_122 = arith.constant 0 : i32
      %dma_wait3A_123 = tpu.memref_slice %arg2[%dma_wait3A_121, %dma_wait3A_122] : memref<10000x128xf32, #tpu.memory_space<hbm>> -> memref<10000x128xf32, #tpu.memory_space<hbm>>
      tpu.wait_indirect_dma semaphore(%arg15 : memref<!tpu.dma_semaphore, #tpu.memory_space<semaphore_mem>>) src(%dma_wait3A_123 : memref<10000x128xf32, #tpu.memory_space<hbm>>) dst(%dma_wait3A_117 : memref<40x128xf32, #tpu.memory_space<vmem>>)
      %scan3A_124 = arith.constant 0 : i32
      %scan3A_125 = arith.constant 40 : i32
      %scan3A_126 = arith.addi %scan3A_124, %scan3A_125 : i32
      %scan3A_127 = arith.constant 1 : i32
      scf.for %scan3A_165 = %scan3A_124 to %scan3A_126 step %scan3A_127  : i32 {
        %mul3A_166 = arith.constant 1 : i32
        %mul3A_167 = arith.muli %scan3A_165, %mul3A_166 : i32
        %add3A_168 = arith.constant 0 : i32
        %add3A_169 = arith.addi %add3A_168, %mul3A_167 : i32
        %get3A = arith.constant 0 : i32
        %get3A_170 = arith.index_cast %get3A : i32 to index
        %get3A_171 = arith.index_cast %add3A_169 : i32 to index
        %get3A_172 = arith.constant 0 : index
        %get3A_173 = tpu.vector_load %arg10[%get3A_170, %get3A_171, %get3A_172] {strides = array<i32>} : memref<3x40x128xf32, #tpu.memory_space<vmem>>, vector<1x1x16xf32>,
        %get3A_174 = vector.shape_cast %get3A_173 : vector<1x1x16xf32> to vector<16xf32>
        %get3A_175 = arith.constant 0 : i32
        %get3A_176 = arith.index_cast %get3A_175 : i32 to index
        %get3A_177 = arith.index_cast %add3A_169 : i32 to index
        %get3A_178 = arith.constant 0 : index
        %get3A_179 = tpu.vector_load %arg11[%get3A_176, %get3A_177, %get3A_178] {strides = array<i32>} : memref<3x40x128xf32, #tpu.memory_space<vmem>>, vector<1x1x16xf32>,
        %get3A_180 = vector.shape_cast %get3A_179 : vector<1x1x16xf32> to vector<16xf32>
        %add3A_181 = arith.addf %get3A_174, %get3A_180 : vector<16xf32>
        %max3A = arith.constant 0.000000e+00 : f32
        %max3A_182 = vector.broadcast %max3A : f32 to vector<16xf32>
        %max3A_183 = arith.maximumf %add3A_181, %max3A_182 : vector<16xf32>
        %swap3A = arith.constant 0 : i32
        %swap3A_184 = arith.index_cast %swap3A : i32 to index
        %swap3A_185 = arith.index_cast %add3A_169 : i32 to index
        %swap3A_186 = arith.constant 0 : index
        %swap3A_187 = tpu.vector_load %arg10[%swap3A_184, %swap3A_185, %swap3A_186] {strides = array<i32>} : memref<3x40x128xf32, #tpu.memory_space<vmem>>, vector<1x1x16xf32>,
        %swap3A_188 = vector.shape_cast %swap3A_187 : vector<1x1x16xf32> to vector<16xf32>
        %swap3A_189 = vector.shape_cast %max3A_183 : vector<16xf32> to vector<1x1x16xf32>
        tpu.vector_store %arg10[%swap3A_184, %swap3A_185, %swap3A_186], %swap3A_189 {strides = array<i32>} : memref<3x40x128xf32, #tpu.memory_space<vmem>>, vector<1x1x16xf32>,
        %get3A_190 = arith.constant 0 : i32
        %get3A_191 = arith.index_cast %get3A_190 : i32 to index
        %get3A_192 = arith.index_cast %add3A_169 : i32 to index
        %get3A_193 = arith.constant 16 : index
        %get3A_194 = tpu.vector_load %arg10[%get3A_191, %get3A_192, %get3A_193] {strides = array<i32>} : memref<3x40x128xf32, #tpu.memory_space<vmem>>, vector<1x1x16xf32>,
        %get3A_195 = vector.shape_cast %get3A_194 : vector<1x1x16xf32> to vector<16xf32>
        %get3A_196 = arith.constant 0 : i32
        %get3A_197 = arith.index_cast %get3A_196 : i32 to index
        %get3A_198 = arith.index_cast %add3A_169 : i32 to index
        %get3A_199 = arith.constant 16 : index
        %get3A_200 = tpu.vector_load %arg11[%get3A_197, %get3A_198, %get3A_199] {strides = array<i32>} : memref<3x40x128xf32, #tpu.memory_space<vmem>>, vector<1x1x16xf32>,
        %get3A_201 = vector.shape_cast %get3A_200 : vector<1x1x16xf32> to vector<16xf32>
        %add3A_202 = arith.addf %get3A_195, %get3A_201 : vector<16xf32>
        %max3A_203 = arith.constant 0.000000e+00 : f32
        %max3A_204 = vector.broadcast %max3A_203 : f32 to vector<16xf32>
        %max3A_205 = arith.maximumf %add3A_202, %max3A_204 : vector<16xf32>
        %swap3A_206 = arith.constant 0 : i32
        %swap3A_207 = arith.index_cast %swap3A_206 : i32 to index
        %swap3A_208 = arith.index_cast %add3A_169 : i32 to index
        %swap3A_209 = arith.constant 16 : index
        %swap3A_210 = tpu.vector_load %arg10[%swap3A_207, %swap3A_208, %swap3A_209] {strides = array<i32>} : memref<3x40x128xf32, #tpu.memory_space<vmem>>, vector<1x1x16xf32>,
        %swap3A_211 = vector.shape_cast %swap3A_210 : vector<1x1x16xf32> to vector<16xf32>
        %swap3A_212 = vector.shape_cast %max3A_205 : vector<16xf32> to vector<1x1x16xf32>
        tpu.vector_store %arg10[%swap3A_207, %swap3A_208, %swap3A_209], %swap3A_212 {strides = array<i32>} : memref<3x40x128xf32, #tpu.memory_space<vmem>>, vector<1x1x16xf32>,
        %get3A_213 = arith.constant 0 : i32
        %get3A_214 = arith.index_cast %get3A_213 : i32 to index
        %get3A_215 = arith.index_cast %add3A_169 : i32 to index
        %get3A_216 = arith.constant 32 : index
        %get3A_217 = tpu.vector_load %arg10[%get3A_214, %get3A_215, %get3A_216] {strides = array<i32>} : memref<3x40x128xf32, #tpu.memory_space<vmem>>, vector<1x1x16xf32>,
        %get3A_218 = vector.shape_cast %get3A_217 : vector<1x1x16xf32> to vector<16xf32>
        %get3A_219 = arith.constant 0 : i32
        %get3A_220 = arith.index_cast %get3A_219 : i32 to index
        %get3A_221 = arith.index_cast %add3A_169 : i32 to index
        %get3A_222 = arith.constant 32 : index
        %get3A_223 = tpu.vector_load %arg11[%get3A_220, %get3A_221, %get3A_222] {strides = array<i32>} : memref<3x40x128xf32, #tpu.memory_space<vmem>>, vector<1x1x16xf32>,
        %get3A_224 = vector.shape_cast %get3A_223 : vector<1x1x16xf32> to vector<16xf32>
        %add3A_225 = arith.addf %get3A_218, %get3A_224 : vector<16xf32>
        %max3A_226 = arith.constant 0.000000e+00 : f32
        %max3A_227 = vector.broadcast %max3A_226 : f32 to vector<16xf32>
        %max3A_228 = arith.maximumf %add3A_225, %max3A_227 : vector<16xf32>
        %swap3A_229 = arith.constant 0 : i32
        %swap3A_230 = arith.index_cast %swap3A_229 : i32 to index
        %swap3A_231 = arith.index_cast %add3A_169 : i32 to index
        %swap3A_232 = arith.constant 32 : index
        %swap3A_233 = tpu.vector_load %arg10[%swap3A_230, %swap3A_231, %swap3A_232] {strides = array<i32>} : memref<3x40x128xf32, #tpu.memory_space<vmem>>, vector<1x1x16xf32>,
        %swap3A_234 = vector.shape_cast %swap3A_233 : vector<1x1x16xf32> to vector<16xf32>
        %swap3A_235 = vector.shape_cast %max3A_228 : vector<16xf32> to vector<1x1x16xf32>
        tpu.vector_store %arg10[%swap3A_230, %swap3A_231, %swap3A_232], %swap3A_235 {strides = array<i32>} : memref<3x40x128xf32, #tpu.memory_space<vmem>>, vector<1x1x16xf32>,
        %get3A_236 = arith.constant 0 : i32
        %get3A_237 = arith.index_cast %get3A_236 : i32 to index
        %get3A_238 = arith.index_cast %add3A_169 : i32 to index
        %get3A_239 = arith.constant 48 : index
        %get3A_240 = tpu.vector_load %arg10[%get3A_237, %get3A_238, %get3A_239] {strides = array<i32>} : memref<3x40x128xf32, #tpu.memory_space<vmem>>, vector<1x1x16xf32>,
        %get3A_241 = vector.shape_cast %get3A_240 : vector<1x1x16xf32> to vector<16xf32>
        %get3A_242 = arith.constant 0 : i32
        %get3A_243 = arith.index_cast %get3A_242 : i32 to index
        %get3A_244 = arith.index_cast %add3A_169 : i32 to index
        %get3A_245 = arith.constant 48 : index
        %get3A_246 = tpu.vector_load %arg11[%get3A_243, %get3A_244, %get3A_245] {strides = array<i32>} : memref<3x40x128xf32, #tpu.memory_space<vmem>>, vector<1x1x16xf32>,
        %get3A_247 = vector.shape_cast %get3A_246 : vector<1x1x16xf32> to vector<16xf32>
        %add3A_248 = arith.addf %get3A_241, %get3A_247 : vector<16xf32>
        %max3A_249 = arith.constant 0.000000e+00 : f32
        %max3A_250 = vector.broadcast %max3A_249 : f32 to vector<16xf32>
        %max3A_251 = arith.maximumf %add3A_248, %max3A_250 : vector<16xf32>
        %swap3A_252 = arith.constant 0 : i32
        %swap3A_253 = arith.index_cast %swap3A_252 : i32 to index
        %swap3A_254 = arith.index_cast %add3A_169 : i32 to index
        %swap3A_255 = arith.constant 48 : index
        %swap3A_256 = tpu.vector_load %arg10[%swap3A_253, %swap3A_254, %swap3A_255] {strides = array<i32>} : memref<3x40x128xf32, #tpu.memory_space<vmem>>, vector<1x1x16xf32>,
        %swap3A_257 = vector.shape_cast %swap3A_256 : vector<1x1x16xf32> to vector<16xf32>
        %swap3A_258 = vector.shape_cast %max3A_251 : vector<16xf32> to vector<1x1x16xf32>
        tpu.vector_store %arg10[%swap3A_253, %swap3A_254, %swap3A_255], %swap3A_258 {strides = array<i32>} : memref<3x40x128xf32, #tpu.memory_space<vmem>>, vector<1x1x16xf32>,
        %get3A_259 = arith.constant 0 : i32
        %get3A_260 = arith.index_cast %get3A_259 : i32 to index
        %get3A_261 = arith.index_cast %add3A_169 : i32 to index
        %get3A_262 = arith.constant 64 : index
        %get3A_263 = tpu.vector_load %arg10[%get3A_260, %get3A_261, %get3A_262] {strides = array<i32>} : memref<3x40x128xf32, #tpu.memory_space<vmem>>, vector<1x1x16xf32>,
        %get3A_264 = vector.shape_cast %get3A_263 : vector<1x1x16xf32> to vector<16xf32>
        %get3A_265 = arith.constant 0 : i32
        %get3A_266 = arith.index_cast %get3A_265 : i32 to index
        %get3A_267 = arith.index_cast %add3A_169 : i32 to index
        %get3A_268 = arith.constant 64 : index
        %get3A_269 = tpu.vector_load %arg11[%get3A_266, %get3A_267, %get3A_268] {strides = array<i32>} : memref<3x40x128xf32, #tpu.memory_space<vmem>>, vector<1x1x16xf32>,
        %get3A_270 = vector.shape_cast %get3A_269 : vector<1x1x16xf32> to vector<16xf32>
        %add3A_271 = arith.addf %get3A_264, %get3A_270 : vector<16xf32>
        %max3A_272 = arith.constant 0.000000e+00 : f32
        %max3A_273 = vector.broadcast %max3A_272 : f32 to vector<16xf32>
        %max3A_274 = arith.maximumf %add3A_271, %max3A_273 : vector<16xf32>
        %swap3A_275 = arith.constant 0 : i32
        %swap3A_276 = arith.index_cast %swap3A_275 : i32 to index
        %swap3A_277 = arith.index_cast %add3A_169 : i32 to index
        %swap3A_278 = arith.constant 64 : index
        %swap3A_279 = tpu.vector_load %arg10[%swap3A_276, %swap3A_277, %swap3A_278] {strides = array<i32>} : memref<3x40x128xf32, #tpu.memory_space<vmem>>, vector<1x1x16xf32>,
        %swap3A_280 = vector.shape_cast %swap3A_279 : vector<1x1x16xf32> to vector<16xf32>
        %swap3A_281 = vector.shape_cast %max3A_274 : vector<16xf32> to vector<1x1x16xf32>
        tpu.vector_store %arg10[%swap3A_276, %swap3A_277, %swap3A_278], %swap3A_281 {strides = array<i32>} : memref<3x40x128xf32, #tpu.memory_space<vmem>>, vector<1x1x16xf32>,
        %get3A_282 = arith.constant 0 : i32
        %get3A_283 = arith.index_cast %get3A_282 : i32 to index
        %get3A_284 = arith.index_cast %add3A_169 : i32 to index
        %get3A_285 = arith.constant 80 : index
        %get3A_286 = tpu.vector_load %arg10[%get3A_283, %get3A_284, %get3A_285] {strides = array<i32>} : memref<3x40x128xf32, #tpu.memory_space<vmem>>, vector<1x1x16xf32>,
        %get3A_287 = vector.shape_cast %get3A_286 : vector<1x1x16xf32> to vector<16xf32>
        %get3A_288 = arith.constant 0 : i32
        %get3A_289 = arith.index_cast %get3A_288 : i32 to index
        %get3A_290 = arith.index_cast %add3A_169 : i32 to index
        %get3A_291 = arith.constant 80 : index
        %get3A_292 = tpu.vector_load %arg11[%get3A_289, %get3A_290, %get3A_291] {strides = array<i32>} : memref<3x40x128xf32, #tpu.memory_space<vmem>>, vector<1x1x16xf32>,
        %get3A_293 = vector.shape_cast %get3A_292 : vector<1x1x16xf32> to vector<16xf32>
        %add3A_294 = arith.addf %get3A_287, %get3A_293 : vector<16xf32>
        %max3A_295 = arith.constant 0.000000e+00 : f32
        %max3A_296 = vector.broadcast %max3A_295 : f32 to vector<16xf32>
        %max3A_297 = arith.maximumf %add3A_294, %max3A_296 : vector<16xf32>
        %swap3A_298 = arith.constant 0 : i32
        %swap3A_299 = arith.index_cast %swap3A_298 : i32 to index
        %swap3A_300 = arith.index_cast %add3A_169 : i32 to index
        %swap3A_301 = arith.constant 80 : index
        %swap3A_302 = tpu.vector_load %arg10[%swap3A_299, %swap3A_300, %swap3A_301] {strides = array<i32>} : memref<3x40x128xf32, #tpu.memory_space<vmem>>, vector<1x1x16xf32>,
        %swap3A_303 = vector.shape_cast %swap3A_302 : vector<1x1x16xf32> to vector<16xf32>
        %swap3A_304 = vector.shape_cast %max3A_297 : vector<16xf32> to vector<1x1x16xf32>
        tpu.vector_store %arg10[%swap3A_299, %swap3A_300, %swap3A_301], %swap3A_304 {strides = array<i32>} : memref<3x40x128xf32, #tpu.memory_space<vmem>>, vector<1x1x16xf32>,
        %get3A_305 = arith.constant 0 : i32
        %get3A_306 = arith.index_cast %get3A_305 : i32 to index
        %get3A_307 = arith.index_cast %add3A_169 : i32 to index
        %get3A_308 = arith.constant 96 : index
        %get3A_309 = tpu.vector_load %arg10[%get3A_306, %get3A_307, %get3A_308] {strides = array<i32>} : memref<3x40x128xf32, #tpu.memory_space<vmem>>, vector<1x1x16xf32>,
        %get3A_310 = vector.shape_cast %get3A_309 : vector<1x1x16xf32> to vector<16xf32>
        %get3A_311 = arith.constant 0 : i32
        %get3A_312 = arith.index_cast %get3A_311 : i32 to index
        %get3A_313 = arith.index_cast %add3A_169 : i32 to index
        %get3A_314 = arith.constant 96 : index
        %get3A_315 = tpu.vector_load %arg11[%get3A_312, %get3A_313, %get3A_314] {strides = array<i32>} : memref<3x40x128xf32, #tpu.memory_space<vmem>>, vector<1x1x16xf32>,
        %get3A_316 = vector.shape_cast %get3A_315 : vector<1x1x16xf32> to vector<16xf32>
        %add3A_317 = arith.addf %get3A_310, %get3A_316 : vector<16xf32>
        %max3A_318 = arith.constant 0.000000e+00 : f32
        %max3A_319 = vector.broadcast %max3A_318 : f32 to vector<16xf32>
        %max3A_320 = arith.maximumf %add3A_317, %max3A_319 : vector<16xf32>
        %swap3A_321 = arith.constant 0 : i32
        %swap3A_322 = arith.index_cast %swap3A_321 : i32 to index
        %swap3A_323 = arith.index_cast %add3A_169 : i32 to index
        %swap3A_324 = arith.constant 96 : index
        %swap3A_325 = tpu.vector_load %arg10[%swap3A_322, %swap3A_323, %swap3A_324] {strides = array<i32>} : memref<3x40x128xf32, #tpu.memory_space<vmem>>, vector<1x1x16xf32>,
        %swap3A_326 = vector.shape_cast %swap3A_325 : vector<1x1x16xf32> to vector<16xf32>
        %swap3A_327 = vector.shape_cast %max3A_320 : vector<16xf32> to vector<1x1x16xf32>
        tpu.vector_store %arg10[%swap3A_322, %swap3A_323, %swap3A_324], %swap3A_327 {strides = array<i32>} : memref<3x40x128xf32, #tpu.memory_space<vmem>>, vector<1x1x16xf32>,
        %get3A_328 = arith.constant 0 : i32
        %get3A_329 = arith.index_cast %get3A_328 : i32 to index
        %get3A_330 = arith.index_cast %add3A_169 : i32 to index
        %get3A_331 = arith.constant 112 : index
        %get3A_332 = tpu.vector_load %arg10[%get3A_329, %get3A_330, %get3A_331] {strides = array<i32>} : memref<3x40x128xf32, #tpu.memory_space<vmem>>, vector<1x1x16xf32>,
        %get3A_333 = vector.shape_cast %get3A_332 : vector<1x1x16xf32> to vector<16xf32>
        %get3A_334 = arith.constant 0 : i32
        %get3A_335 = arith.index_cast %get3A_334 : i32 to index
        %get3A_336 = arith.index_cast %add3A_169 : i32 to index
        %get3A_337 = arith.constant 112 : index
        %get3A_338 = tpu.vector_load %arg11[%get3A_335, %get3A_336, %get3A_337] {strides = array<i32>} : memref<3x40x128xf32, #tpu.memory_space<vmem>>, vector<1x1x16xf32>,
        %get3A_339 = vector.shape_cast %get3A_338 : vector<1x1x16xf32> to vector<16xf32>
        %add3A_340 = arith.addf %get3A_333, %get3A_339 : vector<16xf32>
        %max3A_341 = arith.constant 0.000000e+00 : f32
        %max3A_342 = vector.broadcast %max3A_341 : f32 to vector<16xf32>
        %max3A_343 = arith.maximumf %add3A_340, %max3A_342 : vector<16xf32>
        %swap3A_344 = arith.constant 0 : i32
        %swap3A_345 = arith.index_cast %swap3A_344 : i32 to index
        %swap3A_346 = arith.index_cast %add3A_169 : i32 to index
        %swap3A_347 = arith.constant 112 : index
        %swap3A_348 = tpu.vector_load %arg10[%swap3A_345, %swap3A_346, %swap3A_347] {strides = array<i32>} : memref<3x40x128xf32, #tpu.memory_space<vmem>>, vector<1x1x16xf32>,
        %swap3A_349 = vector.shape_cast %swap3A_348 : vector<1x1x16xf32> to vector<16xf32>
        %swap3A_350 = vector.shape_cast %max3A_343 : vector<16xf32> to vector<1x1x16xf32>
        tpu.vector_store %arg10[%swap3A_345, %swap3A_346, %swap3A_347], %swap3A_350 {strides = array<i32>} : memref<3x40x128xf32, #tpu.memory_space<vmem>>, vector<1x1x16xf32>,
      }
      %scan3A_128 = arith.constant 40 : i32
      %dma_start3A_129 = arith.constant 0 : i32
      %dma_start3A_130 = arith.constant 24 : i32
      %dma_start3A_131 = arith.constant 0 : i32
      %dma_start3A_132 = arith.constant 0 : i32
      %dma_start3A_133 = tpu.memref_slice %arg10[%dma_start3A_129, %dma_start3A_131, %dma_start3A_132] : memref<3x40x128xf32, #tpu.memory_space<vmem>> -> memref<1x40x128xf32, #tpu.memory_space<vmem>>
      %dma_start3A_134 = tpu.memref_squeeze %dma_start3A_133 : memref<1x40x128xf32, #tpu.memory_space<vmem>> -> memref<40x128xf32, #tpu.memory_space<vmem>>
      %dma_start3A_135 = arith.constant 0 : i32
      %dma_start3A_136 = tpu.memref_slice %arg9[%dma_start3A_130, %dma_start3A_135] : memref<25x40xi32, #tpu.memory_space<vmem>> -> memref<1x40xi32, #tpu.memory_space<vmem>>
      %dma_start3A_137 = tpu.memref_squeeze %dma_start3A_136 : memref<1x40xi32, #tpu.memory_space<vmem>> -> memref<40xi32, #tpu.memory_space<vmem>>
      %dma_start3A_138 = arith.constant 0 : i32
      %dma_start3A_139 = arith.constant 0 : i32
      %dma_start3A_140 = tpu.memref_slice %arg7[%dma_start3A_138, %dma_start3A_139] : memref<10240x128xf32, #tpu.memory_space<vmem_shared>> -> memref<10240x128xf32, #tpu.memory_space<vmem_shared>>
      tpu.enqueue_indirect_dma source(%dma_start3A_134 : memref<40x128xf32, #tpu.memory_space<vmem>>) target(%dma_start3A_140 : memref<10240x128xf32, #tpu.memory_space<vmem_shared>>) offsets(%dma_start3A_137 : memref<40xi32, #tpu.memory_space<vmem>>) semaphore(%arg18 : memref<!tpu.dma_semaphore, #tpu.memory_space<semaphore_mem>>) {add = true}
      %dma_wait3A_141 = arith.constant 2 : i32
      %dma_wait3A_142 = arith.constant 24 : i32
      %dma_wait3A_143 = arith.constant 0 : i32
      %dma_wait3A_144 = arith.constant 0 : i32
      %dma_wait3A_145 = tpu.memref_slice %arg10[%dma_wait3A_141, %dma_wait3A_143, %dma_wait3A_144] : memref<3x40x128xf32, #tpu.memory_space<vmem>> -> memref<1x40x128xf32, #tpu.memory_space<vmem>>
      %dma_wait3A_146 = tpu.memref_squeeze %dma_wait3A_145 : memref<1x40x128xf32, #tpu.memory_space<vmem>> -> memref<40x128xf32, #tpu.memory_space<vmem>>
      %dma_wait3A_147 = arith.constant 0 : i32
      %dma_wait3A_148 = tpu.memref_slice %arg9[%dma_wait3A_142, %dma_wait3A_147] : memref<25x40xi32, #tpu.memory_space<vmem>> -> memref<1x40xi32, #tpu.memory_space<vmem>>
      %dma_wait3A_149 = tpu.memref_squeeze %dma_wait3A_148 : memref<1x40xi32, #tpu.memory_space<vmem>> -> memref<40xi32, #tpu.memory_space<vmem>>
      %dma_wait3A_150 = arith.constant 0 : i32
      %dma_wait3A_151 = arith.constant 0 : i32
      %dma_wait3A_152 = tpu.memref_slice %arg7[%dma_wait3A_150, %dma_wait3A_151] : memref<10240x128xf32, #tpu.memory_space<vmem_shared>> -> memref<10240x128xf32, #tpu.memory_space<vmem_shared>>
      tpu.wait_indirect_dma semaphore(%arg20 : memref<!tpu.dma_semaphore, #tpu.memory_space<semaphore_mem>>) src(%dma_wait3A_146 : memref<40x128xf32, #tpu.memory_space<vmem>>) dst(%dma_wait3A_152 : memref<10240x128xf32, #tpu.memory_space<vmem_shared>>)
      %dma_wait3A_153 = arith.constant 0 : i32
      %dma_wait3A_154 = arith.constant 24 : i32
      %dma_wait3A_155 = arith.constant 0 : i32
      %dma_wait3A_156 = arith.constant 0 : i32
      %dma_wait3A_157 = tpu.memref_slice %arg10[%dma_wait3A_153, %dma_wait3A_155, %dma_wait3A_156] : memref<3x40x128xf32, #tpu.memory_space<vmem>> -> memref<1x40x128xf32, #tpu.memory_space<vmem>>
      %dma_wait3A_158 = tpu.memref_squeeze %dma_wait3A_157 : memref<1x40x128xf32, #tpu.memory_space<vmem>> -> memref<40x128xf32, #tpu.memory_space<vmem>>
      %dma_wait3A_159 = arith.constant 0 : i32
      %dma_wait3A_160 = tpu.memref_slice %arg9[%dma_wait3A_154, %dma_wait3A_159] : memref<25x40xi32, #tpu.memory_space<vmem>> -> memref<1x40xi32, #tpu.memory_space<vmem>>
      %dma_wait3A_161 = tpu.memref_squeeze %dma_wait3A_160 : memref<1x40xi32, #tpu.memory_space<vmem>> -> memref<40xi32, #tpu.memory_space<vmem>>
      %dma_wait3A_162 = arith.constant 0 : i32
      %dma_wait3A_163 = arith.constant 0 : i32
      %dma_wait3A_164 = tpu.memref_slice %arg7[%dma_wait3A_162, %dma_wait3A_163] : memref<10240x128xf32, #tpu.memory_space<vmem_shared>> -> memref<10240x128xf32, #tpu.memory_space<vmem_shared>>
      tpu.wait_indirect_dma semaphore(%arg18 : memref<!tpu.dma_semaphore, #tpu.memory_space<semaphore_mem>>) src(%dma_wait3A_158 : memref<40x128xf32, #tpu.memory_space<vmem>>) dst(%dma_wait3A_164 : memref<10240x128xf32, #tpu.memory_space<vmem_shared>>)
    }
    %scan3A_14 = arith.constant 10 : i32
    %barrier3A_15 = arith.constant 0 : index
    tpu.barrier barrier_id(%barrier3A_15)
    %scan3A_16 = arith.constant 0 : i32
    %scan3A_17 = arith.constant 5 : i32
    %scan3A_18 = arith.addi %scan3A_16, %scan3A_17 : i32
    %scan3A_19 = arith.constant 1 : i32
    scf.for %scan3A_21 = %scan3A_16 to %scan3A_18 step %scan3A_19  : i32 {
      %mul3A_22 = arith.constant 1 : i32
      %mul3A_23 = arith.muli %scan3A_21, %mul3A_22 : i32
      %add3A_24 = arith.constant 0 : i32
      %add3A_25 = arith.addi %add3A_24, %mul3A_23 : i32
      %mul3A_26 = arith.constant 640 : i32
      %mul3A_27 = arith.muli %arg1, %mul3A_26 : i32
      %mul3A_28 = arith.constant 128 : i32
      %mul3A_29 = arith.muli %add3A_25, %mul3A_28 : i32
      %add3A_30 = arith.addi %mul3A_27, %mul3A_29 : i32
      "tpu.region"() ({
        %run_scoped3A = tpu.sem_alloc : memref<!tpu.dma_semaphore, #tpu.memory_space<semaphore_mem>>
        %dma_start3A = arith.constant 0 : i32
        %dma_start3A_31 = tpu.memref_slice %arg6[%arg0, %add3A_30, %dma_start3A] : memref<2x10240x128xf32, #tpu.memory_space<hbm>> -> memref<1x128x128xf32, #tpu.memory_space<hbm>>
        %dma_start3A_32 = tpu.memref_squeeze %dma_start3A_31 : memref<1x128x128xf32, #tpu.memory_space<hbm>> -> memref<128x128xf32, #tpu.memory_space<hbm>>
        %dma_start3A_33 = arith.constant 0 : i32
        %dma_start3A_34 = tpu.memref_slice %arg7[%add3A_30, %dma_start3A_33] : memref<10240x128xf32, #tpu.memory_space<vmem_shared>> -> memref<128x128xf32, #tpu.memory_space<vmem_shared>>
        tpu.enqueue_dma source(%dma_start3A_34 : memref<128x128xf32, #tpu.memory_space<vmem_shared>>) target(%dma_start3A_32 : memref<128x128xf32, #tpu.memory_space<hbm>>) target_semaphore(%run_scoped3A : memref<!tpu.dma_semaphore, #tpu.memory_space<semaphore_mem>>)
        %dma_wait3A = arith.constant 0 : i32
        %dma_wait3A_35 = tpu.memref_slice %arg6[%arg0, %add3A_30, %dma_wait3A] : memref<2x10240x128xf32, #tpu.memory_space<hbm>> -> memref<1x128x128xf32, #tpu.memory_space<hbm>>
        %dma_wait3A_36 = tpu.memref_squeeze %dma_wait3A_35 : memref<1x128x128xf32, #tpu.memory_space<hbm>> -> memref<128x128xf32, #tpu.memory_space<hbm>>
        %dma_wait3A_37 = arith.constant 0 : i32
        %dma_wait3A_38 = tpu.memref_slice %arg7[%add3A_30, %dma_wait3A_37] : memref<10240x128xf32, #tpu.memory_space<vmem_shared>> -> memref<128x128xf32, #tpu.memory_space<vmem_shared>>
        tpu.wait_dma2 semaphore(%run_scoped3A : memref<!tpu.dma_semaphore, #tpu.memory_space<semaphore_mem>>) src(%dma_wait3A_38 : memref<128x128xf32, #tpu.memory_space<vmem_shared>>) dst(%dma_wait3A_36 : memref<128x128xf32, #tpu.memory_space<hbm>>)
        tpu.yield
      }) : () -> ()
    }
    %scan3A_20 = arith.constant 5 : i32
    return
  }
}

module attributes {stable_mosaic.version = 14 : i64} {
  func.func @_edge_proj_body(%arg0: i32, %arg1: memref<4000x16xf32, #tpu.memory_space<vmem>>, %arg2: memref<16x128xf32, #tpu.memory_space<vmem>>, %arg3: memref<1x128xf32, #tpu.memory_space<vmem>>, %arg4: memref<4000x128xf32, #tpu.memory_space<vmem>>) attributes {dimension_semantics = [#tpu.dimension_semantics<arbitrary>], iteration_bounds = array<i64: 80>, scalar_prefetch = 0 : i64, scratch_operands = 0 : i64, tpu.core_type = #tpu.core_type<tc>, window_params = [{transform_indices = @transform_0, window_bounds = array<i64: 4000, 16>}, {pipeline_mode = #tpu.pipeline_mode<synchronous>, transform_indices = @transform_1, window_bounds = array<i64: 16, 128>}, {pipeline_mode = #tpu.pipeline_mode<synchronous>, transform_indices = @transform_2, window_bounds = array<i64: 1, 128>}, {transform_indices = @transform_3, window_bounds = array<i64: 4000, 128>}]} {
    %get3A = arith.constant 0 : index
    %get3A_0 = arith.constant 0 : index
    %get3A_1 = vector.load %arg1[%get3A, %get3A_0] : memref<4000x16xf32, #tpu.memory_space<vmem>>, vector<4000x16xf32>
    %get3A_2 = arith.constant 0 : index
    %get3A_3 = arith.constant 0 : index
    %get3A_4 = vector.load %arg2[%get3A_2, %get3A_3] : memref<16x128xf32, #tpu.memory_space<vmem>>, vector<16x128xf32>
    %dot_general3A = arith.constant dense<0.000000e+00> : vector<4000x128xf32>
    %dot_general3A_5 = tpu.matmul %get3A_1, %get3A_4, %dot_general3A {dimension_numbers = #tpu.dot_dimension_numbers<[1], [0], [0], [1], [0, 0, 1, 1], [], []>, transpose_lhs_hint = false} : vector<4000x16xf32>, vector<16x128xf32>, vector<4000x128xf32> -> vector<4000x128xf32>
    %get3A_6 = arith.constant 0 : index
    %get3A_7 = arith.constant 0 : index
    %get3A_8 = vector.load %arg3[%get3A_6, %get3A_7] : memref<1x128xf32, #tpu.memory_space<vmem>>, vector<1x128xf32>
    %add3A = vector.broadcast %get3A_8 : vector<1x128xf32> to vector<4000x128xf32>
    %add3A_9 = arith.addf %dot_general3A_5, %add3A : vector<4000x128xf32>
    %swap3A = arith.constant 0 : index
    %swap3A_10 = arith.constant 0 : index
    %swap3A_11 = vector.load %arg4[%swap3A, %swap3A_10] : memref<4000x128xf32, #tpu.memory_space<vmem>>, vector<4000x128xf32>
    tpu.vector_store %arg4[%swap3A, %swap3A_10], %add3A_9 {strides = array<i32>} : memref<4000x128xf32, #tpu.memory_space<vmem>>, vector<4000x128xf32>,
    return
  }
  func.func @transform_0(%arg0: i32) -> (i32, i32) {
    %c0_i32 = arith.constant 0 : i32
    %c0_i32_0 = arith.constant 0 : i32
    return %arg0, %c0_i32 : i32, i32
  }
  func.func @transform_1(%arg0: i32) -> (i32, i32) {
    %c0_i32 = arith.constant 0 : i32
    %c0_i32_0 = arith.constant 0 : i32
    %c0_i32_1 = arith.constant 0 : i32
    return %c0_i32, %c0_i32_0 : i32, i32
  }
  func.func @transform_2(%arg0: i32) -> (i32, i32) {
    %c0_i32 = arith.constant 0 : i32
    %c0_i32_0 = arith.constant 0 : i32
    %c0_i32_1 = arith.constant 0 : i32
    return %c0_i32, %c0_i32_0 : i32, i32
  }
  func.func @transform_3(%arg0: i32) -> (i32, i32) {
    %c0_i32 = arith.constant 0 : i32
    %c0_i32_0 = arith.constant 0 : i32
    return %arg0, %c0_i32 : i32, i32
  }
}

module attributes {stable_mosaic.version = 14 : i64} {
  func.func @_node_bn_body(%arg0: memref<10000x128xf32, #tpu.memory_space<vmem>>, %arg1: memref<1x128xf32, #tpu.memory_space<vmem>>, %arg2: memref<1x128xf32, #tpu.memory_space<vmem>>, %arg3: memref<10000x128xf32, #tpu.memory_space<vmem>>) attributes {dimension_semantics = [], scalar_prefetch = 0 : i64, scratch_operands = 0 : i64, tpu.core_type = #tpu.core_type<tc>} {
    %get3A = arith.constant 0 : index
    %get3A_0 = arith.constant 0 : index
    %get3A_1 = vector.load %arg0[%get3A, %get3A_0] : memref<10000x128xf32, #tpu.memory_space<vmem>>, vector<10000x128xf32>
    %get3A_2 = arith.constant 0 : index
    %get3A_3 = arith.constant 0 : index
    %get3A_4 = vector.load %arg1[%get3A_2, %get3A_3] : memref<1x128xf32, #tpu.memory_space<vmem>>, vector<1x128xf32>
    %get3A_5 = arith.constant 0 : index
    %get3A_6 = arith.constant 0 : index
    %get3A_7 = vector.load %arg2[%get3A_5, %get3A_6] : memref<1x128xf32, #tpu.memory_space<vmem>>, vector<1x128xf32>
    %reduce_sum3A = arith.constant dense<0.000000e+00> : vector<128xf32>
    %reduce_sum3A_8 = vector.multi_reduction <add>, %get3A_1, %reduce_sum3A [0] : vector<10000x128xf32> to vector<128xf32>
    %div3A = arith.constant 1.000000e+04 : f32
    %div3A_9 = vector.broadcast %div3A : f32 to vector<128xf32>
    %div3A_10 = arith.divf %reduce_sum3A_8, %div3A_9 : vector<128xf32>
    %broadcast_in_dim3A = vector.shape_cast %div3A_10 : vector<128xf32> to vector<1x128xf32>
    %sub3A = vector.broadcast %broadcast_in_dim3A : vector<1x128xf32> to vector<10000x128xf32>
    %sub3A_11 = arith.subf %get3A_1, %sub3A : vector<10000x128xf32>
    %integer_pow3A = arith.mulf %sub3A_11, %sub3A_11 : vector<10000x128xf32>
    %reduce_sum3A_12 = arith.constant dense<0.000000e+00> : vector<128xf32>
    %reduce_sum3A_13 = vector.multi_reduction <add>, %integer_pow3A, %reduce_sum3A_12 [0] : vector<10000x128xf32> to vector<128xf32>
    %div3A_14 = arith.constant 1.000000e+04 : f32
    %div3A_15 = vector.broadcast %div3A_14 : f32 to vector<128xf32>
    %div3A_16 = arith.divf %reduce_sum3A_13, %div3A_15 : vector<128xf32>
    %broadcast_in_dim3A_17 = vector.shape_cast %div3A_10 : vector<128xf32> to vector<1x128xf32>
    %sub3A_18 = vector.broadcast %broadcast_in_dim3A_17 : vector<1x128xf32> to vector<10000x128xf32>
    %sub3A_19 = arith.subf %get3A_1, %sub3A_18 : vector<10000x128xf32>
    %add3A = arith.constant 9.99999974E-6 : f32
    %add3A_20 = vector.broadcast %add3A : f32 to vector<128xf32>
    %add3A_21 = arith.addf %div3A_16, %add3A_20 : vector<128xf32>
    %sqrt3A = math.sqrt %add3A_21 : vector<128xf32>
    %broadcast_in_dim3A_22 = vector.shape_cast %sqrt3A : vector<128xf32> to vector<1x128xf32>
    %div3A_23 = vector.broadcast %broadcast_in_dim3A_22 : vector<1x128xf32> to vector<10000x128xf32>
    %div3A_24 = arith.divf %sub3A_19, %div3A_23 : vector<10000x128xf32>
    %mul3A = vector.broadcast %get3A_4 : vector<1x128xf32> to vector<10000x128xf32>
    %mul3A_25 = arith.mulf %div3A_24, %mul3A : vector<10000x128xf32>
    %add3A_26 = vector.broadcast %get3A_7 : vector<1x128xf32> to vector<10000x128xf32>
    %add3A_27 = arith.addf %mul3A_25, %add3A_26 : vector<10000x128xf32>
    %swap3A = arith.constant 0 : index
    %swap3A_28 = arith.constant 0 : index
    %swap3A_29 = vector.load %arg3[%swap3A, %swap3A_28] : memref<10000x128xf32, #tpu.memory_space<vmem>>, vector<10000x128xf32>
    tpu.vector_store %arg3[%swap3A, %swap3A_28], %add3A_27 {strides = array<i32>} : memref<10000x128xf32, #tpu.memory_space<vmem>>, vector<10000x128xf32>,
    return
  }
}

module attributes {stable_mosaic.version = 14 : i64} {
  func.func @_dense_mid_body(%arg0: memref<10000x128xf32, #tpu.memory_space<vmem>>, %arg1: memref<2x10240x128xf32, #tpu.memory_space<vmem>>, %arg2: memref<1x1xf32, #tpu.memory_space<vmem>>, %arg3: memref<128x128xf32, #tpu.memory_space<vmem>>, %arg4: memref<1x128xf32, #tpu.memory_space<vmem>>, %arg5: memref<1x128xf32, #tpu.memory_space<vmem>>, %arg6: memref<1x128xf32, #tpu.memory_space<vmem>>, %arg7: memref<128x128xf32, #tpu.memory_space<vmem>>, %arg8: memref<1x128xf32, #tpu.memory_space<vmem>>, %arg9: memref<1x128xf32, #tpu.memory_space<vmem>>, %arg10: memref<1x128xf32, #tpu.memory_space<vmem>>, %arg11: memref<10000x128xf32, #tpu.memory_space<vmem>>, %arg12: memref<10000x128xf32, #tpu.memory_space<vmem>>) attributes {dimension_semantics = [], scalar_prefetch = 0 : i64, scratch_operands = 0 : i64, tpu.core_type = #tpu.core_type<tc>} {
    %get3A = arith.constant 0 : index
    %get3A_0 = arith.constant 0 : index
    %get3A_1 = vector.load %arg2[%get3A, %get3A_0] : memref<1x1xf32, #tpu.memory_space<vmem>>, vector<1x1xf32>
    %get3A_2 = vector.extract %get3A_1[0, 0] : f32 from vector<1x1xf32>
    %get3A_3 = arith.constant 0 : index
    %get3A_4 = arith.constant 0 : index
    %get3A_5 = vector.load %arg0[%get3A_3, %get3A_4] : memref<10000x128xf32, #tpu.memory_space<vmem>>, vector<10000x128xf32>
    %mul3A = vector.broadcast %get3A_2 : f32 to vector<10000x128xf32>
    %mul3A_6 = arith.mulf %mul3A, %get3A_5 : vector<10000x128xf32>
    %get3A_7 = arith.constant 0 : index
    %get3A_8 = arith.constant 0 : index
    %get3A_9 = arith.constant 0 : index
    %get3A_10 = vector.load %arg1[%get3A_7, %get3A_8, %get3A_9] : memref<2x10240x128xf32, #tpu.memory_space<vmem>>, vector<1x10000x128xf32>
    %get3A_11 = vector.shape_cast %get3A_10 : vector<1x10000x128xf32> to vector<10000x128xf32>
    %add3A = arith.addf %mul3A_6, %get3A_11 : vector<10000x128xf32>
    %get3A_12 = arith.constant 1 : index
    %get3A_13 = arith.constant 0 : index
    %get3A_14 = arith.constant 0 : index
    %get3A_15 = vector.load %arg1[%get3A_12, %get3A_13, %get3A_14] : memref<2x10240x128xf32, #tpu.memory_space<vmem>>, vector<1x10000x128xf32>
    %get3A_16 = vector.shape_cast %get3A_15 : vector<1x10000x128xf32> to vector<10000x128xf32>
    %add3A_17 = arith.addf %add3A, %get3A_16 : vector<10000x128xf32>
    %get3A_18 = arith.constant 0 : index
    %get3A_19 = arith.constant 0 : index
    %get3A_20 = vector.load %arg3[%get3A_18, %get3A_19] : memref<128x128xf32, #tpu.memory_space<vmem>>, vector<128x128xf32>
    %dot_general3A = arith.constant dense<0.000000e+00> : vector<10000x128xf32>
    %dot_general3A_21 = tpu.matmul %add3A_17, %get3A_20, %dot_general3A {dimension_numbers = #tpu.dot_dimension_numbers<[1], [0], [0], [1], [0, 0, 1, 1], [], []>, transpose_lhs_hint = false} : vector<10000x128xf32>, vector<128x128xf32>, vector<10000x128xf32> -> vector<10000x128xf32>
    %get3A_22 = arith.constant 0 : index
    %get3A_23 = arith.constant 0 : index
    %get3A_24 = vector.load %arg4[%get3A_22, %get3A_23] : memref<1x128xf32, #tpu.memory_space<vmem>>, vector<1x128xf32>
    %add3A_25 = vector.broadcast %get3A_24 : vector<1x128xf32> to vector<10000x128xf32>
    %add3A_26 = arith.addf %dot_general3A_21, %add3A_25 : vector<10000x128xf32>
    %get3A_27 = arith.constant 0 : index
    %get3A_28 = arith.constant 0 : index
    %get3A_29 = vector.load %arg5[%get3A_27, %get3A_28] : memref<1x128xf32, #tpu.memory_space<vmem>>, vector<1x128xf32>
    %get3A_30 = arith.constant 0 : index
    %get3A_31 = arith.constant 0 : index
    %get3A_32 = vector.load %arg6[%get3A_30, %get3A_31] : memref<1x128xf32, #tpu.memory_space<vmem>>, vector<1x128xf32>
    %reduce_sum3A = arith.constant dense<0.000000e+00> : vector<128xf32>
    %reduce_sum3A_33 = vector.multi_reduction <add>, %add3A_26, %reduce_sum3A [0] : vector<10000x128xf32> to vector<128xf32>
    %div3A = arith.constant 1.000000e+04 : f32
    %div3A_34 = vector.broadcast %div3A : f32 to vector<128xf32>
    %div3A_35 = arith.divf %reduce_sum3A_33, %div3A_34 : vector<128xf32>
    %broadcast_in_dim3A = vector.shape_cast %div3A_35 : vector<128xf32> to vector<1x128xf32>
    %sub3A = vector.broadcast %broadcast_in_dim3A : vector<1x128xf32> to vector<10000x128xf32>
    %sub3A_36 = arith.subf %add3A_26, %sub3A : vector<10000x128xf32>
    %integer_pow3A = arith.mulf %sub3A_36, %sub3A_36 : vector<10000x128xf32>
    %reduce_sum3A_37 = arith.constant dense<0.000000e+00> : vector<128xf32>
    %reduce_sum3A_38 = vector.multi_reduction <add>, %integer_pow3A, %reduce_sum3A_37 [0] : vector<10000x128xf32> to vector<128xf32>
    %div3A_39 = arith.constant 1.000000e+04 : f32
    %div3A_40 = vector.broadcast %div3A_39 : f32 to vector<128xf32>
    %div3A_41 = arith.divf %reduce_sum3A_38, %div3A_40 : vector<128xf32>
    %broadcast_in_dim3A_42 = vector.shape_cast %div3A_35 : vector<128xf32> to vector<1x128xf32>
    %sub3A_43 = vector.broadcast %broadcast_in_dim3A_42 : vector<1x128xf32> to vector<10000x128xf32>
    %sub3A_44 = arith.subf %add3A_26, %sub3A_43 : vector<10000x128xf32>
    %add3A_45 = arith.constant 9.99999974E-6 : f32
    %add3A_46 = vector.broadcast %add3A_45 : f32 to vector<128xf32>
    %add3A_47 = arith.addf %div3A_41, %add3A_46 : vector<128xf32>
    %sqrt3A = math.sqrt %add3A_47 : vector<128xf32>
    %broadcast_in_dim3A_48 = vector.shape_cast %sqrt3A : vector<128xf32> to vector<1x128xf32>
    %div3A_49 = vector.broadcast %broadcast_in_dim3A_48 : vector<1x128xf32> to vector<10000x128xf32>
    %div3A_50 = arith.divf %sub3A_44, %div3A_49 : vector<10000x128xf32>
    %mul3A_51 = vector.broadcast %get3A_29 : vector<1x128xf32> to vector<10000x128xf32>
    %mul3A_52 = arith.mulf %div3A_50, %mul3A_51 : vector<10000x128xf32>
    %add3A_53 = vector.broadcast %get3A_32 : vector<1x128xf32> to vector<10000x128xf32>
    %add3A_54 = arith.addf %mul3A_52, %add3A_53 : vector<10000x128xf32>
    %gt3A = arith.constant 0.000000e+00 : f32
    %gt3A_55 = vector.broadcast %gt3A : f32 to vector<10000x128xf32>
    %gt3A_56 = arith.cmpf ogt, %add3A_54, %gt3A_55 : vector<10000x128xf32>
    %mul3A_57 = arith.constant 0.00999999977 : f32
    %mul3A_58 = vector.broadcast %mul3A_57 : f32 to vector<10000x128xf32>
    %mul3A_59 = arith.mulf %mul3A_58, %add3A_54 : vector<10000x128xf32>
    %select_n3A = arith.select %gt3A_56, %add3A_54, %mul3A_59 : vector<10000x128xi1>, vector<10000x128xf32>
    %get3A_60 = arith.constant 0 : index
    %get3A_61 = arith.constant 0 : index
    %get3A_62 = vector.load %arg7[%get3A_60, %get3A_61] : memref<128x128xf32, #tpu.memory_space<vmem>>, vector<128x128xf32>
    %dot_general3A_63 = arith.constant dense<0.000000e+00> : vector<10000x128xf32>
    %dot_general3A_64 = tpu.matmul %select_n3A, %get3A_62, %dot_general3A_63 {dimension_numbers = #tpu.dot_dimension_numbers<[1], [0], [0], [1], [0, 0, 1, 1], [], []>, transpose_lhs_hint = false} : vector<10000x128xf32>, vector<128x128xf32>, vector<10000x128xf32> -> vector<10000x128xf32>
    %get3A_65 = arith.constant 0 : index
    %get3A_66 = arith.constant 0 : index
    %get3A_67 = vector.load %arg8[%get3A_65, %get3A_66] : memref<1x128xf32, #tpu.memory_space<vmem>>, vector<1x128xf32>
    %add3A_68 = vector.broadcast %get3A_67 : vector<1x128xf32> to vector<10000x128xf32>
    %add3A_69 = arith.addf %dot_general3A_64, %add3A_68 : vector<10000x128xf32>
    %swap3A = arith.constant 0 : index
    %swap3A_70 = arith.constant 0 : index
    %swap3A_71 = vector.load %arg11[%swap3A, %swap3A_70] : memref<10000x128xf32, #tpu.memory_space<vmem>>, vector<10000x128xf32>
    tpu.vector_store %arg11[%swap3A, %swap3A_70], %add3A_69 {strides = array<i32>} : memref<10000x128xf32, #tpu.memory_space<vmem>>, vector<10000x128xf32>,
    %get3A_72 = arith.constant 0 : index
    %get3A_73 = arith.constant 0 : index
    %get3A_74 = vector.load %arg9[%get3A_72, %get3A_73] : memref<1x128xf32, #tpu.memory_space<vmem>>, vector<1x128xf32>
    %get3A_75 = arith.constant 0 : index
    %get3A_76 = arith.constant 0 : index
    %get3A_77 = vector.load %arg10[%get3A_75, %get3A_76] : memref<1x128xf32, #tpu.memory_space<vmem>>, vector<1x128xf32>
    %reduce_sum3A_78 = arith.constant dense<0.000000e+00> : vector<128xf32>
    %reduce_sum3A_79 = vector.multi_reduction <add>, %add3A_69, %reduce_sum3A_78 [0] : vector<10000x128xf32> to vector<128xf32>
    %div3A_80 = arith.constant 1.000000e+04 : f32
    %div3A_81 = vector.broadcast %div3A_80 : f32 to vector<128xf32>
    %div3A_82 = arith.divf %reduce_sum3A_79, %div3A_81 : vector<128xf32>
    %broadcast_in_dim3A_83 = vector.shape_cast %div3A_82 : vector<128xf32> to vector<1x128xf32>
    %sub3A_84 = vector.broadcast %broadcast_in_dim3A_83 : vector<1x128xf32> to vector<10000x128xf32>
    %sub3A_85 = arith.subf %add3A_69, %sub3A_84 : vector<10000x128xf32>
    %integer_pow3A_86 = arith.mulf %sub3A_85, %sub3A_85 : vector<10000x128xf32>
    %reduce_sum3A_87 = arith.constant dense<0.000000e+00> : vector<128xf32>
    %reduce_sum3A_88 = vector.multi_reduction <add>, %integer_pow3A_86, %reduce_sum3A_87 [0] : vector<10000x128xf32> to vector<128xf32>
    %div3A_89 = arith.constant 1.000000e+04 : f32
    %div3A_90 = vector.broadcast %div3A_89 : f32 to vector<128xf32>
    %div3A_91 = arith.divf %reduce_sum3A_88, %div3A_90 : vector<128xf32>
    %broadcast_in_dim3A_92 = vector.shape_cast %div3A_82 : vector<128xf32> to vector<1x128xf32>
    %sub3A_93 = vector.broadcast %broadcast_in_dim3A_92 : vector<1x128xf32> to vector<10000x128xf32>
    %sub3A_94 = arith.subf %add3A_69, %sub3A_93 : vector<10000x128xf32>
    %add3A_95 = arith.constant 9.99999974E-6 : f32
    %add3A_96 = vector.broadcast %add3A_95 : f32 to vector<128xf32>
    %add3A_97 = arith.addf %div3A_91, %add3A_96 : vector<128xf32>
    %sqrt3A_98 = math.sqrt %add3A_97 : vector<128xf32>
    %broadcast_in_dim3A_99 = vector.shape_cast %sqrt3A_98 : vector<128xf32> to vector<1x128xf32>
    %div3A_100 = vector.broadcast %broadcast_in_dim3A_99 : vector<1x128xf32> to vector<10000x128xf32>
    %div3A_101 = arith.divf %sub3A_94, %div3A_100 : vector<10000x128xf32>
    %mul3A_102 = vector.broadcast %get3A_74 : vector<1x128xf32> to vector<10000x128xf32>
    %mul3A_103 = arith.mulf %div3A_101, %mul3A_102 : vector<10000x128xf32>
    %add3A_104 = vector.broadcast %get3A_77 : vector<1x128xf32> to vector<10000x128xf32>
    %add3A_105 = arith.addf %mul3A_103, %add3A_104 : vector<10000x128xf32>
    %gt3A_106 = arith.constant 0.000000e+00 : f32
    %gt3A_107 = vector.broadcast %gt3A_106 : f32 to vector<10000x128xf32>
    %gt3A_108 = arith.cmpf ogt, %add3A_105, %gt3A_107 : vector<10000x128xf32>
    %mul3A_109 = arith.constant 0.00999999977 : f32
    %mul3A_110 = vector.broadcast %mul3A_109 : f32 to vector<10000x128xf32>
    %mul3A_111 = arith.mulf %mul3A_110, %add3A_105 : vector<10000x128xf32>
    %select_n3A_112 = arith.select %gt3A_108, %add3A_105, %mul3A_111 : vector<10000x128xi1>, vector<10000x128xf32>
    %swap3A_113 = arith.constant 0 : index
    %swap3A_114 = arith.constant 0 : index
    %swap3A_115 = vector.load %arg12[%swap3A_113, %swap3A_114] : memref<10000x128xf32, #tpu.memory_space<vmem>>, vector<10000x128xf32>
    tpu.vector_store %arg12[%swap3A_113, %swap3A_114], %select_n3A_112 {strides = array<i32>} : memref<10000x128xf32, #tpu.memory_space<vmem>>, vector<10000x128xf32>,
    return
  }
}

module attributes {stable_mosaic.version = 14 : i64} {
  func.func @_dense_final_body(%arg0: memref<10000x128xf32, #tpu.memory_space<vmem>>, %arg1: memref<2x10240x128xf32, #tpu.memory_space<vmem>>, %arg2: memref<10000x128xf32, #tpu.memory_space<vmem>>, %arg3: memref<1x1xf32, #tpu.memory_space<vmem>>, %arg4: memref<128x128xf32, #tpu.memory_space<vmem>>, %arg5: memref<1x128xf32, #tpu.memory_space<vmem>>, %arg6: memref<1x128xf32, #tpu.memory_space<vmem>>, %arg7: memref<1x128xf32, #tpu.memory_space<vmem>>, %arg8: memref<128x128xf32, #tpu.memory_space<vmem>>, %arg9: memref<1x128xf32, #tpu.memory_space<vmem>>, %arg10: memref<128x128xf32, #tpu.memory_space<vmem>>, %arg11: memref<1x128xf32, #tpu.memory_space<vmem>>, %arg12: memref<1x128xf32, #tpu.memory_space<vmem>>, %arg13: memref<1x128xf32, #tpu.memory_space<vmem>>, %arg14: memref<1x128xf32, #tpu.memory_space<vmem>>, %arg15: memref<1x1xf32, #tpu.memory_space<vmem>>, %arg16: memref<10000x1xf32, #tpu.memory_space<vmem>>) attributes {dimension_semantics = [], scalar_prefetch = 0 : i64, scratch_operands = 0 : i64, tpu.core_type = #tpu.core_type<tc>} {
    %get3A = arith.constant 0 : index
    %get3A_0 = arith.constant 0 : index
    %get3A_1 = vector.load %arg3[%get3A, %get3A_0] : memref<1x1xf32, #tpu.memory_space<vmem>>, vector<1x1xf32>
    %get3A_2 = vector.extract %get3A_1[0, 0] : f32 from vector<1x1xf32>
    %get3A_3 = arith.constant 0 : index
    %get3A_4 = arith.constant 0 : index
    %get3A_5 = vector.load %arg0[%get3A_3, %get3A_4] : memref<10000x128xf32, #tpu.memory_space<vmem>>, vector<10000x128xf32>
    %mul3A = vector.broadcast %get3A_2 : f32 to vector<10000x128xf32>
    %mul3A_6 = arith.mulf %mul3A, %get3A_5 : vector<10000x128xf32>
    %get3A_7 = arith.constant 0 : index
    %get3A_8 = arith.constant 0 : index
    %get3A_9 = arith.constant 0 : index
    %get3A_10 = vector.load %arg1[%get3A_7, %get3A_8, %get3A_9] : memref<2x10240x128xf32, #tpu.memory_space<vmem>>, vector<1x10000x128xf32>
    %get3A_11 = vector.shape_cast %get3A_10 : vector<1x10000x128xf32> to vector<10000x128xf32>
    %add3A = arith.addf %mul3A_6, %get3A_11 : vector<10000x128xf32>
    %get3A_12 = arith.constant 1 : index
    %get3A_13 = arith.constant 0 : index
    %get3A_14 = arith.constant 0 : index
    %get3A_15 = vector.load %arg1[%get3A_12, %get3A_13, %get3A_14] : memref<2x10240x128xf32, #tpu.memory_space<vmem>>, vector<1x10000x128xf32>
    %get3A_16 = vector.shape_cast %get3A_15 : vector<1x10000x128xf32> to vector<10000x128xf32>
    %add3A_17 = arith.addf %add3A, %get3A_16 : vector<10000x128xf32>
    %get3A_18 = arith.constant 0 : index
    %get3A_19 = arith.constant 0 : index
    %get3A_20 = vector.load %arg4[%get3A_18, %get3A_19] : memref<128x128xf32, #tpu.memory_space<vmem>>, vector<128x128xf32>
    %dot_general3A = arith.constant dense<0.000000e+00> : vector<10000x128xf32>
    %dot_general3A_21 = tpu.matmul %add3A_17, %get3A_20, %dot_general3A {dimension_numbers = #tpu.dot_dimension_numbers<[1], [0], [0], [1], [0, 0, 1, 1], [], []>, transpose_lhs_hint = false} : vector<10000x128xf32>, vector<128x128xf32>, vector<10000x128xf32> -> vector<10000x128xf32>
    %get3A_22 = arith.constant 0 : index
    %get3A_23 = arith.constant 0 : index
    %get3A_24 = vector.load %arg5[%get3A_22, %get3A_23] : memref<1x128xf32, #tpu.memory_space<vmem>>, vector<1x128xf32>
    %add3A_25 = vector.broadcast %get3A_24 : vector<1x128xf32> to vector<10000x128xf32>
    %add3A_26 = arith.addf %dot_general3A_21, %add3A_25 : vector<10000x128xf32>
    %get3A_27 = arith.constant 0 : index
    %get3A_28 = arith.constant 0 : index
    %get3A_29 = vector.load %arg6[%get3A_27, %get3A_28] : memref<1x128xf32, #tpu.memory_space<vmem>>, vector<1x128xf32>
    %get3A_30 = arith.constant 0 : index
    %get3A_31 = arith.constant 0 : index
    %get3A_32 = vector.load %arg7[%get3A_30, %get3A_31] : memref<1x128xf32, #tpu.memory_space<vmem>>, vector<1x128xf32>
    %reduce_sum3A = arith.constant dense<0.000000e+00> : vector<128xf32>
    %reduce_sum3A_33 = vector.multi_reduction <add>, %add3A_26, %reduce_sum3A [0] : vector<10000x128xf32> to vector<128xf32>
    %div3A = arith.constant 1.000000e+04 : f32
    %div3A_34 = vector.broadcast %div3A : f32 to vector<128xf32>
    %div3A_35 = arith.divf %reduce_sum3A_33, %div3A_34 : vector<128xf32>
    %broadcast_in_dim3A = vector.shape_cast %div3A_35 : vector<128xf32> to vector<1x128xf32>
    %sub3A = vector.broadcast %broadcast_in_dim3A : vector<1x128xf32> to vector<10000x128xf32>
    %sub3A_36 = arith.subf %add3A_26, %sub3A : vector<10000x128xf32>
    %integer_pow3A = arith.mulf %sub3A_36, %sub3A_36 : vector<10000x128xf32>
    %reduce_sum3A_37 = arith.constant dense<0.000000e+00> : vector<128xf32>
    %reduce_sum3A_38 = vector.multi_reduction <add>, %integer_pow3A, %reduce_sum3A_37 [0] : vector<10000x128xf32> to vector<128xf32>
    %div3A_39 = arith.constant 1.000000e+04 : f32
    %div3A_40 = vector.broadcast %div3A_39 : f32 to vector<128xf32>
    %div3A_41 = arith.divf %reduce_sum3A_38, %div3A_40 : vector<128xf32>
    %broadcast_in_dim3A_42 = vector.shape_cast %div3A_35 : vector<128xf32> to vector<1x128xf32>
    %sub3A_43 = vector.broadcast %broadcast_in_dim3A_42 : vector<1x128xf32> to vector<10000x128xf32>
    %sub3A_44 = arith.subf %add3A_26, %sub3A_43 : vector<10000x128xf32>
    %add3A_45 = arith.constant 9.99999974E-6 : f32
    %add3A_46 = vector.broadcast %add3A_45 : f32 to vector<128xf32>
    %add3A_47 = arith.addf %div3A_41, %add3A_46 : vector<128xf32>
    %sqrt3A = math.sqrt %add3A_47 : vector<128xf32>
    %broadcast_in_dim3A_48 = vector.shape_cast %sqrt3A : vector<128xf32> to vector<1x128xf32>
    %div3A_49 = vector.broadcast %broadcast_in_dim3A_48 : vector<1x128xf32> to vector<10000x128xf32>
    %div3A_50 = arith.divf %sub3A_44, %div3A_49 : vector<10000x128xf32>
    %mul3A_51 = vector.broadcast %get3A_29 : vector<1x128xf32> to vector<10000x128xf32>
    %mul3A_52 = arith.mulf %div3A_50, %mul3A_51 : vector<10000x128xf32>
    %add3A_53 = vector.broadcast %get3A_32 : vector<1x128xf32> to vector<10000x128xf32>
    %add3A_54 = arith.addf %mul3A_52, %add3A_53 : vector<10000x128xf32>
    %gt3A = arith.constant 0.000000e+00 : f32
    %gt3A_55 = vector.broadcast %gt3A : f32 to vector<10000x128xf32>
    %gt3A_56 = arith.cmpf ogt, %add3A_54, %gt3A_55 : vector<10000x128xf32>
    %mul3A_57 = arith.constant 0.00999999977 : f32
    %mul3A_58 = vector.broadcast %mul3A_57 : f32 to vector<10000x128xf32>
    %mul3A_59 = arith.mulf %mul3A_58, %add3A_54 : vector<10000x128xf32>
    %select_n3A = arith.select %gt3A_56, %add3A_54, %mul3A_59 : vector<10000x128xi1>, vector<10000x128xf32>
    %get3A_60 = arith.constant 0 : index
    %get3A_61 = arith.constant 0 : index
    %get3A_62 = vector.load %arg2[%get3A_60, %get3A_61] : memref<10000x128xf32, #tpu.memory_space<vmem>>, vector<10000x128xf32>
    %get3A_63 = arith.constant 0 : index
    %get3A_64 = arith.constant 0 : index
    %get3A_65 = vector.load %arg8[%get3A_63, %get3A_64] : memref<128x128xf32, #tpu.memory_space<vmem>>, vector<128x128xf32>
    %dot_general3A_66 = arith.constant dense<0.000000e+00> : vector<10000x128xf32>
    %dot_general3A_67 = tpu.matmul %select_n3A, %get3A_65, %dot_general3A_66 {dimension_numbers = #tpu.dot_dimension_numbers<[1], [0], [0], [1], [0, 0, 1, 1], [], []>, transpose_lhs_hint = false} : vector<10000x128xf32>, vector<128x128xf32>, vector<10000x128xf32> -> vector<10000x128xf32>
    %add3A_68 = arith.addf %get3A_62, %dot_general3A_67 : vector<10000x128xf32>
    %get3A_69 = arith.constant 0 : index
    %get3A_70 = arith.constant 0 : index
    %get3A_71 = vector.load %arg9[%get3A_69, %get3A_70] : memref<1x128xf32, #tpu.memory_space<vmem>>, vector<1x128xf32>
    %add3A_72 = vector.broadcast %get3A_71 : vector<1x128xf32> to vector<10000x128xf32>
    %add3A_73 = arith.addf %add3A_68, %add3A_72 : vector<10000x128xf32>
    %get3A_74 = arith.constant 0 : index
    %get3A_75 = arith.constant 0 : index
    %get3A_76 = vector.load %arg10[%get3A_74, %get3A_75] : memref<128x128xf32, #tpu.memory_space<vmem>>, vector<128x128xf32>
    %dot_general3A_77 = arith.constant dense<0.000000e+00> : vector<10000x128xf32>
    %dot_general3A_78 = tpu.matmul %add3A_73, %get3A_76, %dot_general3A_77 {dimension_numbers = #tpu.dot_dimension_numbers<[1], [0], [0], [1], [0, 0, 1, 1], [], []>, transpose_lhs_hint = false} : vector<10000x128xf32>, vector<128x128xf32>, vector<10000x128xf32> -> vector<10000x128xf32>
    %get3A_79 = arith.constant 0 : index
    %get3A_80 = arith.constant 0 : index
    %get3A_81 = vector.load %arg11[%get3A_79, %get3A_80] : memref<1x128xf32, #tpu.memory_space<vmem>>, vector<1x128xf32>
    %add3A_82 = vector.broadcast %get3A_81 : vector<1x128xf32> to vector<10000x128xf32>
    %add3A_83 = arith.addf %dot_general3A_78, %add3A_82 : vector<10000x128xf32>
    %get3A_84 = arith.constant 0 : index
    %get3A_85 = arith.constant 0 : index
    %get3A_86 = vector.load %arg12[%get3A_84, %get3A_85] : memref<1x128xf32, #tpu.memory_space<vmem>>, vector<1x128xf32>
    %get3A_87 = arith.constant 0 : index
    %get3A_88 = arith.constant 0 : index
    %get3A_89 = vector.load %arg13[%get3A_87, %get3A_88] : memref<1x128xf32, #tpu.memory_space<vmem>>, vector<1x128xf32>
    %reduce_sum3A_90 = arith.constant dense<0.000000e+00> : vector<128xf32>
    %reduce_sum3A_91 = vector.multi_reduction <add>, %add3A_83, %reduce_sum3A_90 [0] : vector<10000x128xf32> to vector<128xf32>
    %div3A_92 = arith.constant 1.000000e+04 : f32
    %div3A_93 = vector.broadcast %div3A_92 : f32 to vector<128xf32>
    %div3A_94 = arith.divf %reduce_sum3A_91, %div3A_93 : vector<128xf32>
    %broadcast_in_dim3A_95 = vector.shape_cast %div3A_94 : vector<128xf32> to vector<1x128xf32>
    %sub3A_96 = vector.broadcast %broadcast_in_dim3A_95 : vector<1x128xf32> to vector<10000x128xf32>
    %sub3A_97 = arith.subf %add3A_83, %sub3A_96 : vector<10000x128xf32>
    %integer_pow3A_98 = arith.mulf %sub3A_97, %sub3A_97 : vector<10000x128xf32>
    %reduce_sum3A_99 = arith.constant dense<0.000000e+00> : vector<128xf32>
    %reduce_sum3A_100 = vector.multi_reduction <add>, %integer_pow3A_98, %reduce_sum3A_99 [0] : vector<10000x128xf32> to vector<128xf32>
    %div3A_101 = arith.constant 1.000000e+04 : f32
    %div3A_102 = vector.broadcast %div3A_101 : f32 to vector<128xf32>
    %div3A_103 = arith.divf %reduce_sum3A_100, %div3A_102 : vector<128xf32>
    %broadcast_in_dim3A_104 = vector.shape_cast %div3A_94 : vector<128xf32> to vector<1x128xf32>
    %sub3A_105 = vector.broadcast %broadcast_in_dim3A_104 : vector<1x128xf32> to vector<10000x128xf32>
    %sub3A_106 = arith.subf %add3A_83, %sub3A_105 : vector<10000x128xf32>
    %add3A_107 = arith.constant 9.99999974E-6 : f32
    %add3A_108 = vector.broadcast %add3A_107 : f32 to vector<128xf32>
    %add3A_109 = arith.addf %div3A_103, %add3A_108 : vector<128xf32>
    %sqrt3A_110 = math.sqrt %add3A_109 : vector<128xf32>
    %broadcast_in_dim3A_111 = vector.shape_cast %sqrt3A_110 : vector<128xf32> to vector<1x128xf32>
    %div3A_112 = vector.broadcast %broadcast_in_dim3A_111 : vector<1x128xf32> to vector<10000x128xf32>
    %div3A_113 = arith.divf %sub3A_106, %div3A_112 : vector<10000x128xf32>
    %mul3A_114 = vector.broadcast %get3A_86 : vector<1x128xf32> to vector<10000x128xf32>
    %mul3A_115 = arith.mulf %div3A_113, %mul3A_114 : vector<10000x128xf32>
    %add3A_116 = vector.broadcast %get3A_89 : vector<1x128xf32> to vector<10000x128xf32>
    %add3A_117 = arith.addf %mul3A_115, %add3A_116 : vector<10000x128xf32>
    %gt3A_118 = arith.constant 0.000000e+00 : f32
    %gt3A_119 = vector.broadcast %gt3A_118 : f32 to vector<10000x128xf32>
    %gt3A_120 = arith.cmpf ogt, %add3A_117, %gt3A_119 : vector<10000x128xf32>
    %mul3A_121 = arith.constant 0.00999999977 : f32
    %mul3A_122 = vector.broadcast %mul3A_121 : f32 to vector<10000x128xf32>
    %mul3A_123 = arith.mulf %mul3A_122, %add3A_117 : vector<10000x128xf32>
    %select_n3A_124 = arith.select %gt3A_120, %add3A_117, %mul3A_123 : vector<10000x128xi1>, vector<10000x128xf32>
    %get3A_125 = arith.constant 0 : index
    %get3A_126 = arith.constant 0 : index
    %get3A_127 = vector.load %arg14[%get3A_125, %get3A_126] : memref<1x128xf32, #tpu.memory_space<vmem>>, vector<1x128xf32>
    %mul3A_128 = vector.broadcast %get3A_127 : vector<1x128xf32> to vector<10000x128xf32>
    %mul3A_129 = arith.mulf %select_n3A_124, %mul3A_128 : vector<10000x128xf32>
    %reduce_sum3A_130 = arith.constant dense<0.000000e+00> : vector<10000xf32>
    %reduce_sum3A_131 = vector.multi_reduction <add>, %mul3A_129, %reduce_sum3A_130 [1] : vector<10000x128xf32> to vector<10000xf32>
    %broadcast_in_dim3A_132 = vector.shape_cast %reduce_sum3A_131 : vector<10000xf32> to vector<10000x1xf32>
    %get3A_133 = arith.constant 0 : index
    %get3A_134 = arith.constant 0 : index
    %get3A_135 = vector.load %arg15[%get3A_133, %get3A_134] : memref<1x1xf32, #tpu.memory_space<vmem>>, vector<1x1xf32>
    %get3A_136 = vector.extract %get3A_135[0, 0] : f32 from vector<1x1xf32>
    %add3A_137 = vector.broadcast %get3A_136 : f32 to vector<10000x1xf32>
    %add3A_138 = arith.addf %broadcast_in_dim3A_132, %add3A_137 : vector<10000x1xf32>
    %swap3A = arith.constant 0 : index
    %swap3A_139 = arith.constant 0 : index
    %swap3A_140 = vector.load %arg16[%swap3A, %swap3A_139] : memref<10000x1xf32, #tpu.memory_space<vmem>>, vector<10000x1xf32>
    tpu.vector_store %arg16[%swap3A, %swap3A_139], %add3A_138 {strides = array<i32>} : memref<10000x1xf32, #tpu.memory_space<vmem>>, vector<10000x1xf32>,
    return
  }
}

</mosaic_0001>

<sc_bundles>
// kernel: kernel.12.cloned.1.call-start
scs
__scs_entry_jumppad:
0x0: {  	(pc) =	sbr.rel $0x88, $3  }
0x1: {  	(tag) =	ssettag $0x0;
	lr =	simm.s32 $0x1  }
0x2: {  	[smem:$0x3F82] =	sst lr;
	_ =	strace $0xD0000000  }
0x3: {  	_ = 	snop  }
0x4: {  	_ = 	snop  }
0x5: {  	_ = 	snop  }
0x6: {  	_ = 	snop  }
0x7: {  	_ = 	snop  }
__scs_overlays_trampoline_lowered:
0x8: {  	[smem:$0x3F91] =	sst s0  }
0x9: {  	[smem:$0x3F92] =	sst s1  }
0xa: {  	[smem:$0x3F93] =	sst s2  }
0xb: {  	[smem:$0x3F94] =	sst s3  }
0xc: {  	[smem:$0x3F95] =	sst s4  }
0xd: {  	[smem:$0x3F96] =	sst s5  }
0xe: {  	[smem:$0x3F97] =	sst s6  }
0xf: {  	[smem:$0x3F98] =	sst s7  }
0x10: {  	[smem:$0x3F99] =	sst s8  }
0x11: {  	[smem:$0x3F9A] =	sst s9;
	s0 =	simm.s32 @!p0 $0x0  }
0x12: {  	s1 =	sld [smem:$0x3F80];
	s0 =	simm.s32 @p0 $0x1  }
0x13: {  	[smem:$0x3F9B] =	sst s0;
	s0 =	simm.s32 @!p1 $0x0  }
0x14: {  	s2 =	sld [smem:$0x3F7F];
	s0 =	simm.s32 @p1 $0x1  }
0x15: {  	[smem:$0x3F9C] =	sst s0;
	s0 =	simm.s32 @!p2 $0x0  }
0x16: {  	s3 =	sld [smem:$0x3FDB];
	s0 =	simm.s32 @p2 $0x1  }
0x17: {  	s4 =	simm.s32 $0x1BF5;
	[smem:$0x3F9E] =	sst s0  }
0x18: {  	s0 =	sld [smem:$0x3F81];
	_ =	swait.ge [sflag:s4], $0x0  }
0x19: {  	s7 =	sld [smem:$0x3F82]  }
0x1a: {  	s8 =	sadd.s32 $0xFFFFE003, lr  }
0x1b: {  	s9 =	sadd.s32 $0xFFFFFEF7, lr;
	s5 =	simm.s32 $0xFFFFFFFF;
	p2 =	slt.u32 s8, $0xFFFFF086  }
0x1c: {  	p1 =	slt.u32 s9, $0xF7A;
	s5 =	simm.s32 @!p2 $0x0  }
0x1d: {  	s5 =	simm.s32 @p1 $0x1;
	p0 =	seq.s32 s7, s2  }
0x1e: {  	s7 =	smul.u32 @!p0 $0xF7A, s2;
	p2 =	seq.s32 @!p0 s5, $0x0  }
0x1f: {  	s9 =	smul.u32 $0xF7A, s1;
	s8 =	simm.s32 @!p0 $0x1BF5;
	p2 =	por !p2, p0  }
0x20: {  	[sflag:s8] =	ssyncset.s32 @!p0 $0xFFFFF086;
	s6 =	sadd.s32 @!p0 s3, s7;
	s7 =	simm.s32 @!p0 $0x108  }
0x21: {  	s3 =	sadd.s32 s3, s9;
	s6 =	sadd.s32 @!p0 $0x88, s6;
	s7 =	simm.s32 @p2 $0x1082  }
0x22: {  	[simem:s7], [sflag:s8] =	dma.local @!p0 [hbm:s6], $0xF7A  }
0x23: {  	s9 =	sor.u32 $0xD0000000, s2;
	s6 =	simm.s32 $0x108;
	_ =	swait.ge @!p0 [sflag:s8], $0x0  }
0x24: {  	s3 =	sadd.s32 $0x88, s3;
	s6 =	simm.s32 @!p1 $0x1082;
	[sflag:s4] =	ssyncset.s32 $0xFFFFF086  }
0x25: {  	[simem:s6], [sflag:s4] =	dma.local [hbm:s3], $0xF7A  }
0x26: {  	[smem:$0x3F82] =	sst s1;
	(tag) =	ssettag s2;
	_ =	strace s9  }
0x27: {  	s1 =	sld [smem:$0x3F92]  }
0x28: {  	s2 =	sld [smem:$0x3F93]  }
0x29: {  	s4 =	sld [smem:$0x3F95]  }
0x2a: {  	p0 =	seq.s32 s5, $0x0;
	s5 =	sld [smem:$0x3F96]  }
0x2b: {  	s6 =	sld [smem:$0x3F97]  }
0x2c: {  	s7 =	sld [smem:$0x3F98]  }
0x2d: {  	s3 =	simm.s32 $0x108;
	s8 =	sld [smem:$0x3F99]  }
0x2e: {  	s3 =	simm.s32 @!p0 $0x1082;
	s9 =	sld [smem:$0x3F9A]  }
0x2f: {  	lr =	sadd.s32 s0, s3;
	s0 =	sld [smem:$0x3F91]  }
0x30: {  	s3 =	sld [smem:$0x3F94]  }
0x31: {  	[smem:$0x3F9D] =	sst s10  }
0x32: {  	s10 =	sld [smem:$0x3F9B];
	_ =	sdelay $0x3  }
0x33: {  	p0 =	seq.s32 s10, $0x1;
	s10 =	sld [smem:$0x3F9D];
	_ =	sdelay $0x3  }
0x34: {  	[smem:$0x3F9D] =	sst s10  }
0x35: {  	s10 =	sld [smem:$0x3F9C];
	_ =	sdelay $0x3  }
0x36: {  	p1 =	seq.s32 s10, $0x1;
	s10 =	sld [smem:$0x3F9D];
	_ =	sdelay $0x3  }
0x37: {  	[smem:$0x3F9D] =	sst s10  }
0x38: {  	s10 =	sld [smem:$0x3F9E]  }
0x39: {  	_ = 	snop;
	(pc) =	sbr.ind lr, $3  }
0x3a: {  	_ = 	snop  }
0x3b: {  	_ = 	snop  }
0x3c: {  	p2 =	seq.s32 s10, $0x1;
	s10 =	sld [smem:$0x3F9D]  }
0x3d: {  	_ =	shalt  }
0x3e: {  	_ =	shalt  }
0x3f: {  	_ =	shalt  }
0x40: {  	_ =	shalt  }
0x41: {  	_ =	shalt  }
0x42: {  	_ =	shalt  }
0x43: {  	_ =	shalt  }
0x44: {  	_ =	shalt  }
0x45: {  	_ =	shalt  }
0x46: {  	_ =	shalt  }
0x47: {  	_ =	shalt  }
0x48: {  	_ =	shalt  }
0x49: {  	_ =	shalt  }
0x4a: {  	_ =	shalt  }
0x4b: {  	_ =	shalt  }
0x4c: {  	_ =	shalt  }
0x4d: {  	_ =	shalt  }
0x4e: {  	_ =	shalt  }
0x4f: {  	_ =	shalt  }
0x50: {  	_ =	shalt  }
0x51: {  	_ =	shalt  }
0x52: {  	_ =	shalt  }
0x53: {  	_ =	shalt  }
0x54: {  	_ =	shalt  }
0x55: {  	_ =	shalt  }
0x56: {  	_ =	shalt  }
0x57: {  	_ =	shalt  }
0x58: {  	_ =	shalt  }
0x59: {  	_ =	shalt  }
0x5a: {  	_ =	shalt  }
0x5b: {  	_ =	shalt  }
0x5c: {  	_ =	shalt  }
0x5d: {  	_ =	shalt  }
0x5e: {  	_ =	shalt  }
0x5f: {  	_ =	shalt  }
0x60: {  	_ =	shalt  }
0x61: {  	_ =	shalt  }
0x62: {  	_ =	shalt  }
0x63: {  	_ =	shalt  }
0x64: {  	_ =	shalt  }
0x65: {  	_ =	shalt  }
0x66: {  	_ =	shalt  }
0x67: {  	_ =	shalt  }
0x68: {  	_ =	shalt  }
0x69: {  	_ =	shalt  }
0x6a: {  	_ =	shalt  }
0x6b: {  	_ =	shalt  }
0x6c: {  	_ =	shalt  }
0x6d: {  	_ =	shalt  }
0x6e: {  	_ =	shalt  }
0x6f: {  	_ =	shalt  }
0x70: {  	_ =	shalt  }
0x71: {  	_ =	shalt  }
0x72: {  	_ =	shalt  }
0x73: {  	_ =	shalt  }
0x74: {  	_ =	shalt  }
0x75: {  	_ =	shalt  }
0x76: {  	_ =	shalt  }
0x77: {  	_ =	shalt  }
0x78: {  	_ =	shalt  }
0x79: {  	_ =	shalt  }
0x7a: {  	_ =	shalt  }
0x7b: {  	_ =	shalt  }
0x7c: {  	_ =	shalt  }
0x7d: {  	_ =	shalt  }
0x7e: {  	_ =	shalt  }
0x7f: {  	_ =	shalt  }
0x80: {  	_ =	shalt  }
0x81: {  	_ =	shalt  }
0x82: {  	_ =	shalt  }
0x83: {  	_ =	shalt  }
0x84: {  	_ =	shalt  }
0x85: {  	_ =	shalt  }
0x86: {  	_ =	shalt  }
0x87: {  	_ =	shalt  }
.Lfunc_end0:
.L_simem_size_0:
called_computation.1_lowered:
.L_overlay_start_0:
0x88: {  	s2 =	sld [smem:$0x3FD9]  }
0x89: {  	s3 =	sld [smem:$0x3FFE];
	_ =	sdelay $0x1  }
0x8a: {  	s1 =	srdreg.scid  }
0x8b: {  	s0 =	sand.u32 $0x1, s1  }
0x8c: {  	s16 =	sshll.u32 s0, $0xA;
	s2 =	sadd.s32 s3, s2  }
0x8d: {  	s2 =	sadd.s32 s2, s16  }
0x8e: {  	[smem:$0x3FA9] =	sst s2  }
0x8f: {  	_ = 	snop  }
0x90: {  	(tm) =	ssettm $0x1  }
0x91: {  	s17 =	sld [smem:$0x3FFB];
	_ =	sdelay $0x3  }
0x92: {  	_ =	strace s17  }
0x93: {  	s2 =	sld [smem:$0x3FFC];
	_ =	sdelay $0x3  }
0x94: {  	_ =	strace s2  }
0x95: {  	s2 =	sld [smem:$0x3FFD];
	_ =	sdelay $0x3  }
0x96: {  	_ =	strace s2  }
0x97: {  	_ =	strace $0x8FFFFFFF  }
0x98: {  	s18 =	sld [smem:$0x3FDB];
	_ =	sdelay $0x1  }
0x99: {  	s19 =	simm.s32 $_scs_section_size  }
0x9a: {  	s4 =	simm.s32 $_size__tile_overlayer_lowered;
	s5 =	simm.s32 $_tile_overlayer_lowered  }
0x9b: {  	s22 =	simm.s32 $0x1BFF;
	s21 =	sshll.u32 s5, $0x1;
	s2 =	sadd.s32 s19, s18  }
0x9c: {  	s6 =	simm.s32 $0x0;
	s20 =	sshll.u32 s4, $0x1;
	s4 =	sadd.s32 s21, s2  }
0x9d: {  	[timem:s6], [sflag:s22] =	dma.local [hbm:s4], s20  }
0x9e: {  	_ =	swait.ge [sflag:s22], s20  }
0x9f: {  	s3 =	ssub.s32 $0x0, s20;
	[sflag:s22] =	ssyncset.done $0x0  }
0xa0: {  	[sflag:s22] =	ssyncadd.s32 s3;
	_ =	sdelay $0x1  }
0xa1: {  	s23 =	simm.s32 $0x1B8B  }
0xa2: {  	_ =	swait.ge [sflag:s23], $0x1  }
0xa3: {  	[sflag:s23] =	ssyncset.done $0x0  }
0xa4: {  	s25 =	simm.s32 $0x1B8E;
	s24 =	sld [smem:$0x3FFE];
	[sflag:s23] =	ssyncadd.s32 $0xFFFFFFFF  }
0xa5: {  	s26 =	simm.s32 $execute0_lowered;
	[smem:$0x3FD2] =	sst s25  }
0xa6: {  	s4 =	sshll.u32 s26, $0x1;
	_ =	strace $0x80000049;
	[dreg:$0x1] =	wrdreg $0xFFFFFFFF  }
0xa7: {  	s28 =	simm.s32 $_size_execute0_lowered;
	s2 =	sadd.s32 s2, s4;
	[dreg:$0x0] =	wrdreg $0x0  }
0xa8: {  	s4 =	sshll.u32 s28, $0x1;
	[dreg:$0x2] =	wrdreg s2  }
0xa9: {  	[dreg:$0x3] =	wrdreg s4  }
0xaa: {  	[dreg:$0x4] =	wrdreg $0xC0  }
0xab: {  	_ =	task [dreg:s6], $0x5FFFF  }
0xac: {  	[dreg:$0x1] =	wrdreg $0xFFFFFFFF  }
0xad: {  	[dreg:$0x0] =	wrdreg $0x60  }
0xae: {  	[dreg:$0x2] =	wrdreg s24  }
0xaf: {  	[dreg:$0x3] =	wrdreg $0x0  }
0xb0: {  	[dreg:$0x4] =	wrdreg $0x9  }
0xb1: {  	_ =	task.clear_ibuf [dreg:s6], $0x5FFFF;
	_ =	strace $0x90000049  }
0xb2: {  	s29 =	simm.s32 $0x9;
	_ =	strace $0x8000004B  }
0xb3: {  	_ =	swait.ge [sflag:s29], $0x1  }
0xb4: {  	[sflag:s29] =	ssyncadd.s32 $0xFFFFFFFF  }
0xb5: {  	_ =	strace $0x9000004B  }
0xb6: {  	_ =	sfence  }
0xb7: {  	s30 =	sld [smem:$0x0];
	_ =	sdelay $0x2  }
0xb8: {  	s31 =	sshll.u32 s1, $0xD;
	s1 =	sshrl.u32 s1, $0x2  }
0xb9: {  	s3 =	sand.u32 $0x4000, s31;
	s1 =	sadd.s32 s1, s30  }
0xba: {  	s0 =	sor.u32 s3, s0;
	s1 =	sshll.u32 s1, $0x11  }
0xbb: {  	s0 =	sor.u32 s1, s0  }
0xbc: {  	s0 =	sadd.s32 $0x8F2B, s0  }
0xbd: {  	[sflag:s0] =	ssyncadd.remote.s32 $0x1  }
0xbe: {  	_ =	sfence.sel $0xFFFF  }
0xbf: {  	[dreg:$0x0] =	wrdreg $0xFFFFFFFF;
	(pc) =	sbr.abs _section_cstart, $3  }
0xc0: {  	[dreg:$0x1] =	wrdreg $0xFFFFFFFF  }
0xc1: {  	_ =	task.clear_ibuf [dreg:s6], $0x2FFFF;
	_ =	strace $0x9FFFFFFF  }
0xc2: {  	(tm) =	ssettm $0x7FFFFFFF  }
0xc3: {  	_ =	shalt  }
tec
execute0_lowered:
.L_overlay_start_1:
0x0: {  	(tag) =	ssettag $0x1  }
0x1: {  	s0 =	rddreg [dreg:$0x0]  }
0x2: {  	s1 =	rddreg [dreg:$0x1];
	s2 =	srdreg.scid  }
0x3: {  	s3 =	simm.s32 $0x0;
	s11 =	stileid.u32;
	s28 =	simm.s32 $0x18800  }
0x4: {  	s29 =	simm.s32 $0x1C400;
	s2 =	sand.u32 $0x1, s2;
	[smem:$0x7FF] =	sst s3  }
0x5: {  	s5 =	sadd.s32 $0xA8F400, s0;
	s8 =	sadd.s32 $0x4200, s0;
	s10 =	smul.u32 $0x14000, s11  }
0x6: {  	s9 =	sadd.s32 $0x2C200, s0;
	s13 =	smul.u32 $0x50000, s11;
	s4 =	sshll.u32 s2, $0x4  }
0x7: {  	_ =	strace $0x8000004A;
	[dreg:$0x3] =	wrdreg s8;
	s26 =	ssub.s32 $0x2, s2  }
0x8: {  	s2 =	smul.u32 $0x140000, s2;
	[dreg:$0x4] =	wrdreg s9;
	s7 =	sor.u32 s11, s4  }
0x9: {  	s4 =	sadd.s32 $0x54200, s0;
	s12 =	sshrl.u32 s26, $0x1;
	s0 =	sadd.s32 $0xA2600, s0  }
0xa: {  	s16 =	sadd.s32 $0x4000, s10;
	s21 =	sadd.s32 $0x8000, s10;
	s6 =	smul.u32 $0x2710, s7  }
0xb: {  	s22 =	sadd.s32 $0xC000, s10;
	s23 =	sadd.s32 $0x10000, s10;
	s7 =	smul.u32 $0xA000, s7  }
0xc: {  	s8 =	ssub.s32 s26, s12;
	s15 =	sadd.s32 s2, s10;
	s24 =	sadd.s32 s2, s21  }
0xd: {  	s12 =	sadd.s32 s2, s22;
	s8 =	smax.u32 s8, $0x1;
	[dreg:$0x5] =	wrdreg s7  }
0xe: {  	s10 =	sshrl.u32 s24, $0x3;
	s14 =	sadd.s32 $0x28, s6;
	[dreg:$0x9] =	wrdreg s8  }
0xf: {  	s12 =	sshrl.u32 s12, $0x3;
	s10 =	sadd.s32 s0, s10;
	[dreg:$0x6] =	wrdreg s14  }
0x10: {  	s11 =	sadd.s32 s23, s1;
	s25 =	sadd.s32 s0, s12;
	[dreg:$0xe] =	wrdreg s10  }
0x11: {  	s7 =	sshrl.u32 s15, $0x3;
	s15 =	sshrl.u32 s11, $0x3;
	[dreg:$0xf] =	wrdreg s25  }
0x12: {  	s9 =	sshrl.u32 s13, $0x2;
	s7 =	sadd.s32 s0, s7;
	[dreg:$0x15] =	wrdreg s15  }
0x13: {  	s30 =	simm.s32 $0x2;
	s14 =	sadd.s32 s9, s1;
	[dreg:$0x7] =	wrdreg s7  }
0x14: {  	s31 =	simm.s32 $0x5;
	s18 =	sadd.s32 $0x1400, s14;
	[dreg:$0x8] =	wrdreg s14  }
0x15: {  	s17 =	sadd.s32 s2, s16;
	s19 =	sadd.s32 $0x2800, s14;
	[dreg:$0xa] =	wrdreg s18  }
0x16: {  	s2 =	sadd.s32 s2, s23;
	s20 =	sadd.s32 $0x3C00, s14;
	[dreg:$0xb] =	wrdreg s19  }
0x17: {  	s10 =	sadd.s32 s22, s1;
	s26 =	sadd.s32 $0x5000, s14;
	[dreg:$0xc] =	wrdreg s20  }
0x18: {  	s2 =	sshrl.u32 s2, $0x3;
	s13 =	sshrl.u32 s10, $0x3;
	[dreg:$0x11] =	wrdreg s26  }
0x19: {  	s7 =	sshrl.u32 s17, $0x3;
	s17 =	sadd.s32 $0x7800, s14;
	[dreg:$0x14] =	wrdreg s13  }
0x1a: {  	s11 =	simm.s32 $0x6;
	s22 =	sadd.s32 $0xDC00, s14;
	[dreg:$0x17] =	wrdreg s17  }
0x1b: {  	s8 =	simm.s32 $0x0;
	s23 =	sadd.s32 $0xF000, s14;
	[dreg:$0x1c] =	wrdreg s22  }
0x1c: {  	s24 =	sadd.s32 $0x10400, s14;
	s25 =	sadd.s32 $0x11800, s14;
	[dreg:$0x1d] =	wrdreg s23  }
0x1d: {  	s7 =	sadd.s32 s0, s7;
	s0 =	sadd.s32 s0, s2;
	[dreg:$0x1e] =	wrdreg s24  }
0x1e: {  	s2 =	sadd.s32 s16, s1;
	s16 =	sadd.s32 $0x6400, s14;
	[dreg:$0x1f] =	wrdreg s25  }
0x1f: {  	s18 =	sadd.s32 $0x8C00, s14;
	s19 =	sadd.s32 $0xA000, s14;
	[dreg:$0xd] =	wrdreg s7  }
0x20: {  	s20 =	sadd.s32 $0xB400, s14;
	s26 =	sadd.s32 $0x12C00, s14;
	[dreg:$0x10] =	wrdreg s0  }
0x21: {  	s17 =	simm.s32 $0xA;
	s22 =	simm.s32 $0x17400;
	[dreg:$0x16] =	wrdreg s16  }
0x22: {  	s24 =	simm.s32 $0x1B000;
	s25 =	simm.s32 $0x1;
	[dreg:$0x18] =	wrdreg s18  }
0x23: {  	s13 =	simm.s32 $0x8;
	s7 =	sadd.s32 s21, s1;
	[dreg:$0x19] =	wrdreg s19  }
0x24: {  	s0 =	sshrl.u32 s2, $0x3;
	[dreg:$0x1a] =	wrdreg s20;
	s21 =	sadd.s32 $0xC800, s14  }
0x25: {  	[smem:$0x7FD] =	sst s26;
	s16 =	simm.s32 $0x16000;
	s20 =	simm.s32 $0x28  }
0x26: {  	s26 =	simm.s32 $0x4;
	s2 =	simm.s32 $0x3;
	[dreg:$0x12] =	wrdreg s0  }
0x27: {  	s12 =	sshrl.u32 s7, $0x3;
	[dreg:$0x1b] =	wrdreg s21;
	s21 =	simm.s32 $0x19C00  }
0x28: {  	v0 =	vimm.f32 $0.0e+00;
	s0 =	simm.s32 $0x7;
	[dreg:$0x13] =	wrdreg s12;
	s12 =	simm.s32 $0x0  }
.LBB2_1:
0x29: {  	[smem:$0x7FC] =	sst s8;
	s7 =	simm.s32 $0x0;
	s8 =	simm.s32 $0x200  }
.LBB2_2:
0x2a: {  	p0 =	sne.s32 s8, $0x4E00;
	[tilespmem:s7+$0x16070] =	vst v0  }
0x2b: {  	[tilespmem:s7+$0x16000] =	vst v0  }
0x2c: {  	[tilespmem:s7+$0x16010] =	vst v0  }
.Ltmp0:
0x2d: {  	[tilespmem:s7+$0x16020] =	vst v0;
	(pc) =	sbr.rel @p0 .LBB2_2-.Ltmp0, $4  }
0x2e: {  	[tilespmem:s7+$0x16030] =	vst v0  }
0x2f: {  	[tilespmem:s7+$0x16040] =	vst v0  }
0x30: {  	[tilespmem:s7+$0x16050] =	vst v0  }
0x31: {  	[tilespmem:s7+$0x16060] =	vst v0;
	s7 =	sshra.s32 s8, $0x2;
	s8 =	sadd.s32 $0x200, s8  }
0x32: {  	[tilespmem:s7+$0x16070] =	vst v0  }
0x33: {  	[tilespmem:s7+$0x16000] =	vst v0  }
0x34: {  	[tilespmem:s7+$0x16010] =	vst v0  }
0x35: {  	[tilespmem:s7+$0x16020] =	vst v0  }
0x36: {  	[tilespmem:s7+$0x16030] =	vst v0  }
0x37: {  	[tilespmem:s7+$0x16040] =	vst v0  }
0x38: {  	[tilespmem:s7+$0x16050] =	vst v0  }
0x39: {  	[tilespmem:s7+$0x16060] =	vst v0  }
0x3a: {  	[spmem:s14] =	stream.linear.scatter [tilespmem:s16], [sflag:$0xA], $0x1400, $0x38;
	[tilespmem:$0x1D800] =	vst v63  }
0x3b: {  	_ =	swait.ge [sflag:s17], $0x1400  }
0x3c: {  	[sflag:s17] =	ssyncset.done $0x0  }
0x3d: {  	s9 =	rddreg [dreg:$0xa];
	[sflag:s17] =	ssyncadd.s32 $0xFFFFEC00  }
0x3e: {  	[spmem:s9] =	stream.linear.scatter [tilespmem:s16], [sflag:$0xA], $0x1400, $0x38;
	[tilespmem:$0x1D800] =	vst v63  }
0x3f: {  	_ =	swait.ge [sflag:s17], $0x1400  }
0x40: {  	[sflag:s17] =	ssyncset.done $0x0  }
0x41: {  	s10 =	rddreg [dreg:$0xb];
	[sflag:s17] =	ssyncadd.s32 $0xFFFFEC00  }
0x42: {  	[spmem:s10] =	stream.linear.scatter [tilespmem:s16], [sflag:$0xA], $0x1400, $0x38;
	[tilespmem:$0x1D800] =	vst v63  }
0x43: {  	_ =	swait.ge [sflag:s17], $0x1400  }
0x44: {  	[sflag:s17] =	ssyncset.done $0x0  }
0x45: {  	s14 =	rddreg [dreg:$0xc];
	[sflag:s17] =	ssyncadd.s32 $0xFFFFEC00  }
0x46: {  	[spmem:s14] =	stream.linear.scatter [tilespmem:s16], [sflag:$0xA], $0x1400, $0x38;
	[tilespmem:$0x1D800] =	vst v63  }
0x47: {  	_ =	swait.ge [sflag:s17], $0x1400  }
0x48: {  	[sflag:s17] =	ssyncset.done $0x0  }
0x49: {  	s15 =	rddreg [dreg:$0x11];
	[sflag:s17] =	ssyncadd.s32 $0xFFFFEC00  }
0x4a: {  	[spmem:s15] =	stream.linear.scatter [tilespmem:s16], [sflag:$0xA], $0x1400, $0x38;
	[tilespmem:$0x1D800] =	vst v63  }
0x4b: {  	_ =	swait.ge [sflag:s17], $0x1400  }
0x4c: {  	[sflag:s17] =	ssyncset.done $0x0  }
0x4d: {  	s18 =	rddreg [dreg:$0x16];
	[sflag:s17] =	ssyncadd.s32 $0xFFFFEC00  }
0x4e: {  	[spmem:s18] =	stream.linear.scatter [tilespmem:s16], [sflag:$0xA], $0x1400, $0x38;
	[tilespmem:$0x1D800] =	vst v63  }
0x4f: {  	_ =	swait.ge [sflag:s17], $0x1400  }
0x50: {  	[sflag:s17] =	ssyncset.done $0x0  }
0x51: {  	s19 =	rddreg [dreg:$0x17];
	[sflag:s17] =	ssyncadd.s32 $0xFFFFEC00  }
0x52: {  	[spmem:s19] =	stream.linear.scatter [tilespmem:s16], [sflag:$0xA], $0x1400, $0x38;
	[tilespmem:$0x1D800] =	vst v63  }
0x53: {  	_ =	swait.ge [sflag:s17], $0x1400  }
0x54: {  	[sflag:s17] =	ssyncset.done $0x0  }
0x55: {  	s23 =	rddreg [dreg:$0x18];
	[sflag:s17] =	ssyncadd.s32 $0xFFFFEC00  }
0x56: {  	[spmem:s23] =	stream.linear.scatter [tilespmem:s16], [sflag:$0xA], $0x1400, $0x38;
	[tilespmem:$0x1D800] =	vst v63  }
0x57: {  	_ =	swait.ge [sflag:s17], $0x1400  }
0x58: {  	[sflag:s17] =	ssyncset.done $0x0  }
0x59: {  	s8 =	rddreg [dreg:$0x19];
	[sflag:s17] =	ssyncadd.s32 $0xFFFFEC00  }
0x5a: {  	[spmem:s8] =	stream.linear.scatter [tilespmem:s16], [sflag:$0xA], $0x1400, $0x38;
	[tilespmem:$0x1D800] =	vst v63  }
0x5b: {  	_ =	swait.ge [sflag:s17], $0x1400  }
0x5c: {  	[sflag:s17] =	ssyncset.done $0x0  }
0x5d: {  	s9 =	rddreg [dreg:$0x1a];
	[sflag:s17] =	ssyncadd.s32 $0xFFFFEC00  }
0x5e: {  	[spmem:s9] =	stream.linear.scatter [tilespmem:s16], [sflag:$0xA], $0x1400, $0x38;
	[tilespmem:$0x1D800] =	vst v63  }
0x5f: {  	_ =	swait.ge [sflag:s17], $0x1400  }
0x60: {  	[sflag:s17] =	ssyncset.done $0x0  }
0x61: {  	s10 =	rddreg [dreg:$0x1b];
	[sflag:s17] =	ssyncadd.s32 $0xFFFFEC00  }
0x62: {  	[spmem:s10] =	stream.linear.scatter [tilespmem:s16], [sflag:$0xA], $0x1400, $0x38;
	[tilespmem:$0x1D800] =	vst v63  }
0x63: {  	_ =	swait.ge [sflag:s17], $0x1400  }
0x64: {  	[sflag:s17] =	ssyncset.done $0x0  }
0x65: {  	s14 =	rddreg [dreg:$0x1c];
	[sflag:s17] =	ssyncadd.s32 $0xFFFFEC00  }
0x66: {  	[spmem:s14] =	stream.linear.scatter [tilespmem:s16], [sflag:$0xA], $0x1400, $0x38;
	[tilespmem:$0x1D800] =	vst v63  }
0x67: {  	_ =	swait.ge [sflag:s17], $0x1400  }
0x68: {  	[sflag:s17] =	ssyncset.done $0x0  }
0x69: {  	s15 =	rddreg [dreg:$0x1d];
	[sflag:s17] =	ssyncadd.s32 $0xFFFFEC00  }
0x6a: {  	[spmem:s15] =	stream.linear.scatter [tilespmem:s16], [sflag:$0xA], $0x1400, $0x38;
	[tilespmem:$0x1D800] =	vst v63  }
0x6b: {  	_ =	swait.ge [sflag:s17], $0x1400  }
0x6c: {  	[sflag:s17] =	ssyncset.done $0x0  }
0x6d: {  	s18 =	rddreg [dreg:$0x1e];
	[sflag:s17] =	ssyncadd.s32 $0xFFFFEC00  }
0x6e: {  	[spmem:s18] =	stream.linear.scatter [tilespmem:s16], [sflag:$0xA], $0x1400, $0x38;
	[tilespmem:$0x1D800] =	vst v63  }
0x6f: {  	_ =	swait.ge [sflag:s17], $0x1400  }
0x70: {  	[sflag:s17] =	ssyncset.done $0x0  }
0x71: {  	s19 =	rddreg [dreg:$0x1f];
	[sflag:s17] =	ssyncadd.s32 $0xFFFFEC00  }
0x72: {  	[spmem:s19] =	stream.linear.scatter [tilespmem:s16], [sflag:$0xA], $0x1400, $0x38;
	[tilespmem:$0x1D800] =	vst v63  }
0x73: {  	_ =	swait.ge [sflag:s17], $0x1400  }
0x74: {  	s23 =	sld [smem:$0x7FD]  }
0x75: {  	[sflag:s17] =	ssyncset.done $0x0  }
0x76: {  	[sflag:s17] =	ssyncadd.s32 $0xFFFFEC00  }
0x77: {  	[spmem:s23] =	stream.linear.scatter [tilespmem:s16], [sflag:$0xA], $0x1400, $0x38;
	[tilespmem:$0x1D800] =	vst v63  }
0x78: {  	_ =	swait.ge [sflag:s17], $0x1400  }
0x79: {  	[sflag:s17] =	ssyncset.done $0x0  }
0x7a: {  	[sflag:s17] =	ssyncadd.s32 $0xFFFFEC00  }
0x7b: {  	s19 =	simm.s32 $0x0;
	[bflag:$0x0] =	sbarrier.arrive $0xFFFF  }
.LBB2_4:
0x7c: {  	s7 =	sshll.u32 s19, $0xC;
	s8 =	rddreg [dreg:$0x5]  }
0x7d: {  	s7 =	sadd.s32 s8, s7  }
0x7e: {  	s9 =	rddreg [dreg:$0x3];
	s7 =	sshrl.u32 s7, $0x3  }
0x7f: {  	s8 =	sadd.s32 s9, s7;
	s9 =	simm.s32 $0x14000  }
0x80: {  	[tilespmem:s9], [sflag:$0xA] =	stream.linear.gather [hbm4b:s8+s12], $0xC80, $0x38;
	[tilespmem:$0x1D800] =	vst v63  }
0x81: {  	_ =	swait.ge [sflag:s17], $0xC80  }
0x82: {  	s14 =	smul.u32 $0x3E8, s19;
	[sflag:s17] =	ssyncset.done $0x0;
	s10 =	rddreg [dreg:$0x4]  }
0x83: {  	[sflag:s17] =	ssyncadd.s32 $0xFFFFF380;
	s7 =	sadd.s32 s10, s7;
	s10 =	simm.s32 $0x15000  }
0x84: {  	[tilespmem:s10], [sflag:$0xA] =	stream.linear.gather [hbm4b:s7+s12], $0xC80, $0x38;
	[tilespmem:$0x1D800] =	vst v63  }
0x85: {  	s15 =	sadd.s32 s6, s14;
	_ =	swait.ge [sflag:s17], $0xC80  }
0x86: {  	s7 =	sshll.u32 s15, $0x4;
	[sflag:s17] =	ssyncset.done $0x0  }
0x87: {  	s7 =	sadd.s32 s5, s7;
	s18 =	rddreg [dreg:$0x6];
	[sflag:s17] =	ssyncadd.s32 $0xFFFFF380  }
0x88: {  	[tilespmem:s16], [sflag:$0x1] =	stream.linear.gather [hbm4b:s7+s12], $0x1400, $0x38;
	[tilespmem:$0x1D800] =	vst v63  }
0x89: {  	s7 =	sadd.s32 s18, s14  }
0x8a: {  	s7 =	sshll.u32 s7, $0x4  }
0x8b: {  	[tilespmem:s21], [sflag:$0x4] =	stream.indirect.gather [hbm4b:s4+s20], $0x80, s9, s20, $0xb8;
	[tilespmem:$0x1D800] =	vst v63  }
0x8c: {  	s7 =	sadd.s32 s5, s7  }
0x8d: {  	[tilespmem:s22], [sflag:$0x2] =	stream.linear.gather [hbm4b:s7+s12], $0x1400, $0x38;
	[tilespmem:$0x1D800] =	vst v63  }
0x8e: {  	s23 =	simm.s32 $0x14080  }
0x8f: {  	[tilespmem:s24], [sflag:$0x5] =	stream.indirect.gather [hbm4b:s4+s20], $0x80, s23, s20, $0xb8;
	[tilespmem:$0x1D800] =	vst v63  }
0x90: {  	s14 =	simm.s32 $0x0;
	s23 =	smul.u32 $0x19, s19  }
.LBB2_5:
0x91: {  	_ =	swait.ge [sflag:s25], $0x1400  }
0x92: {  	[sflag:s25] =	ssyncset.done $0x0  }
0x93: {  	[sflag:s25] =	ssyncadd.s32 $0xFFFFEC00  }
0x94: {  	_ =	swait.ge [sflag:s26], $0x1400  }
0x95: {  	[sflag:s26] =	ssyncset.done $0x0  }
0x96: {  	s7 =	simm.s32 $0x0;
	[sflag:s26] =	ssyncadd.s32 $0xFFFFEC00  }
0x97: {  	v7 =	vld [tilespmem:s7+$0x19C00]  }
0x98: {  	v12 =	vld [tilespmem:s7+$0x19C10]  }
0x99: {  	v6 =	vld [tilespmem:s7+$0x19C20]  }
0x9a: {  	v5 =	vld [tilespmem:s7+$0x19C30]  }
0x9b: {  	v4 =	vld [tilespmem:s7+$0x19C40]  }
0x9c: {  	v3 =	vld [tilespmem:s7+$0x19C50]  }
0x9d: {  	v2 =	vld [tilespmem:s7+$0x19C60]  }
0x9e: {  	v1 =	vld [tilespmem:s7+$0x19C70]  }
0x9f: {  	v13 =	vld [tilespmem:s7+$0x16000]  }
0xa0: {  	v14 =	vld [tilespmem:s7+$0x16010]  }
0xa1: {  	v11 =	vld [tilespmem:s7+$0x16020]  }
0xa2: {  	v10 =	vld [tilespmem:s7+$0x16030]  }
0xa3: {  	v9 =	vld [tilespmem:s7+$0x16040]  }
0xa4: {  	v8 =	vld [tilespmem:s7+$0x16050];
	v13 =	vadd.f32 v7, v13  }
0xa5: {  	s8 =	simm.s32 $0x200;
	v12 =	vadd.f32 v12, v14;
	v7 =	vld [tilespmem:s7+$0x16060]  }
.LBB2_6:
0xa6: {  	s9 =	sshra.s32 s8, $0x2;
	p0 =	sne.s32 s8, $0x4E00;
	v13 =	vmax.f32 v13, $0.0e+00;
	v6 =	vadd.f32 v6, v11;
	v11 =	vld [tilespmem:s7+$0x16070]  }
0xa7: {  	v14 =	vld [tilespmem:s9+$0x19C00];
	[tilespmem:s7+$0x16000] =	vst v13;
	v12 =	vmax.f32 v12, $0.0e+00;
	v5 =	vadd.f32 v5, v10  }
0xa8: {  	v15 =	vld [tilespmem:s9+$0x19C10];
	[tilespmem:s7+$0x16010] =	vst v12;
	v10 =	vmax.f32 v6, $0.0e+00;
	v4 =	vadd.f32 v4, v9  }
0xa9: {  	v6 =	vld [tilespmem:s9+$0x19C20];
	[tilespmem:s7+$0x16020] =	vst v10;
	v9 =	vmax.f32 v5, $0.0e+00;
	v3 =	vadd.f32 v3, v8  }
0xaa: {  	v5 =	vld [tilespmem:s9+$0x19C30];
	[tilespmem:s7+$0x16030] =	vst v9;
	v8 =	vmax.f32 v4, $0.0e+00;
	v2 =	vadd.f32 v2, v7  }
0xab: {  	v4 =	vld [tilespmem:s9+$0x19C40];
	[tilespmem:s7+$0x16040] =	vst v8;
	v7 =	vmax.f32 v3, $0.0e+00;
	v1 =	vadd.f32 v1, v11  }
0xac: {  	v3 =	vld [tilespmem:s9+$0x19C50];
	[tilespmem:s7+$0x16050] =	vst v7;
	v7 =	vmax.f32 v2, $0.0e+00  }
0xad: {  	v2 =	vld [tilespmem:s9+$0x19C60];
	[tilespmem:s7+$0x16060] =	vst v7;
	v7 =	vmax.f32 v1, $0.0e+00  }
0xae: {  	v1 =	vld [tilespmem:s9+$0x19C70];
	[tilespmem:s7+$0x16070] =	vst v7;
	s7 =	smov.u32 s9  }
0xaf: {  	v7 =	vld [tilespmem:s7+$0x16000]  }
0xb0: {  	v12 =	vld [tilespmem:s7+$0x16010]  }
.Ltmp1:
0xb1: {  	v11 =	vld [tilespmem:s7+$0x16020];
	(pc) =	sbr.rel @p0 .LBB2_6-.Ltmp1, $4  }
0xb2: {  	v10 =	vld [tilespmem:s7+$0x16030]  }
0xb3: {  	v9 =	vld [tilespmem:s7+$0x16040]  }
0xb4: {  	v13 =	vadd.f32 v14, v7;
	v8 =	vld [tilespmem:s7+$0x16050]  }
0xb5: {  	s8 =	sadd.s32 $0x200, s8;
	v12 =	vadd.f32 v15, v12;
	v7 =	vld [tilespmem:s7+$0x16060]  }
0xb6: {  	v13 =	vmax.f32 v13, $0.0e+00;
	v6 =	vadd.f32 v6, v11;
	v11 =	vld [tilespmem:s7+$0x16070]  }
0xb7: {  	[tilespmem:s7+$0x16000] =	vst v13;
	v12 =	vmax.f32 v12, $0.0e+00;
	v5 =	vadd.f32 v5, v10  }
0xb8: {  	[tilespmem:s7+$0x16010] =	vst v12;
	v6 =	vmax.f32 v6, $0.0e+00;
	v4 =	vadd.f32 v4, v9  }
0xb9: {  	[tilespmem:s7+$0x16020] =	vst v6;
	v5 =	vmax.f32 v5, $0.0e+00;
	v3 =	vadd.f32 v3, v8  }
0xba: {  	[tilespmem:s7+$0x16030] =	vst v5;
	v4 =	vmax.f32 v4, $0.0e+00;
	v2 =	vadd.f32 v2, v7  }
0xbb: {  	s8 =	smul.u32 $0x600, s14;
	[tilespmem:s7+$0x16040] =	vst v4;
	v3 =	vmax.f32 v3, $0.0e+00;
	v1 =	vadd.f32 v1, v11  }
0xbc: {  	[tilespmem:s7+$0x16050] =	vst v3;
	v2 =	vmax.f32 v2, $0.0e+00  }
0xbd: {  	s9 =	sshra.s32 s8, $0x2;
	[tilespmem:s7+$0x16060] =	vst v2;
	v1 =	vmax.f32 v1, $0.0e+00  }
0xbe: {  	s8 =	sadd.s32 $0x15000, s9;
	[tilespmem:s7+$0x16070] =	vst v1;
	s7 =	smul.u32 $0x3, s14  }
0xbf: {  	[spmem:s1] =	stream.indirect.scatter.add.f32 [tilespmem:s16], [sflag:$0x7], $0x80, s8, s20, $0xb8;
	[tilespmem:$0x1D800] =	vst v63  }
0xc0: {  	s8 =	sadd.s32 $0x2, s7  }
0xc1: {  	s10 =	sadd.s32 s23, s8  }
0xc2: {  	p0 =	seq.s32 s14, $0x0;
	s10 =	smul.u32 $0x28, s10  }
0xc3: {  	s18 =	simm.s32 @!p0 $0x9  }
0xc4: {  	s15 =	simm.s32 $0x0;
	_ =	swait.ge @!p0 [sflag:s18], $0x1400;
	s10 =	sadd.s32 s6, s10  }
0xc5: {  	[sflag:s18] =	ssyncset.done @!p0 $0x0;
	s8 =	sshll.u32 s8, $0x9;
	s10 =	sshll.u32 s10, $0x4  }
0xc6: {  	[sflag:s18] =	ssyncadd.s32 @!p0 $0xFFFFEC00;
	s8 =	sshrl.u32 s8, $0x2;
	s10 =	sadd.s32 s5, s10  }
0xc7: {  	[tilespmem:s28], [sflag:$0x3] =	stream.linear.gather [hbm4b:s10+s15], $0x1400, $0x38;
	[tilespmem:$0x1D800] =	vst v63  }
0xc8: {  	s18 =	sadd.s32 $0x14000, s8  }
0xc9: {  	[tilespmem:s29], [sflag:$0x6] =	stream.indirect.gather [hbm4b:s4+s20], $0x80, s18, s20, $0xb8;
	[tilespmem:$0x1D800] =	vst v63  }
0xca: {  	_ =	swait.ge [sflag:s30], $0x1400  }
0xcb: {  	[sflag:s30] =	ssyncset.done $0x0  }
0xcc: {  	[sflag:s30] =	ssyncadd.s32 $0xFFFFEC00  }
0xcd: {  	_ =	swait.ge [sflag:s31], $0x1400  }
0xce: {  	[sflag:s31] =	ssyncset.done $0x0  }
0xcf: {  	s10 =	simm.s32 $0x0;
	[sflag:s31] =	ssyncadd.s32 $0xFFFFEC00  }
0xd0: {  	v7 =	vld [tilespmem:s10+$0x1B000]  }
0xd1: {  	v12 =	vld [tilespmem:s10+$0x1B010]  }
0xd2: {  	v6 =	vld [tilespmem:s10+$0x1B020]  }
0xd3: {  	v5 =	vld [tilespmem:s10+$0x1B030]  }
0xd4: {  	v4 =	vld [tilespmem:s10+$0x1B040]  }
0xd5: {  	v3 =	vld [tilespmem:s10+$0x1B050]  }
0xd6: {  	v2 =	vld [tilespmem:s10+$0x1B060]  }
0xd7: {  	v1 =	vld [tilespmem:s10+$0x1B070]  }
0xd8: {  	v13 =	vld [tilespmem:s10+$0x17400]  }
0xd9: {  	v14 =	vld [tilespmem:s10+$0x17410]  }
0xda: {  	v11 =	vld [tilespmem:s10+$0x17420]  }
0xdb: {  	v10 =	vld [tilespmem:s10+$0x17430]  }
0xdc: {  	v9 =	vld [tilespmem:s10+$0x17440]  }
0xdd: {  	v8 =	vld [tilespmem:s10+$0x17450];
	v13 =	vadd.f32 v7, v13  }
0xde: {  	s18 =	simm.s32 $0x200;
	v12 =	vadd.f32 v12, v14;
	v7 =	vld [tilespmem:s10+$0x17460]  }
.LBB2_8:
0xdf: {  	s15 =	sshra.s32 s18, $0x2;
	p0 =	sne.s32 s18, $0x4E00;
	v13 =	vmax.f32 v13, $0.0e+00;
	v6 =	vadd.f32 v6, v11;
	v11 =	vld [tilespmem:s10+$0x17470]  }
0xe0: {  	v14 =	vld [tilespmem:s15+$0x1B000];
	[tilespmem:s10+$0x17400] =	vst v13;
	v12 =	vmax.f32 v12, $0.0e+00;
	v5 =	vadd.f32 v5, v10  }
0xe1: {  	v15 =	vld [tilespmem:s15+$0x1B010];
	[tilespmem:s10+$0x17410] =	vst v12;
	v10 =	vmax.f32 v6, $0.0e+00;
	v4 =	vadd.f32 v4, v9  }
0xe2: {  	v6 =	vld [tilespmem:s15+$0x1B020];
	[tilespmem:s10+$0x17420] =	vst v10;
	v9 =	vmax.f32 v5, $0.0e+00;
	v3 =	vadd.f32 v3, v8  }
0xe3: {  	v5 =	vld [tilespmem:s15+$0x1B030];
	[tilespmem:s10+$0x17430] =	vst v9;
	v8 =	vmax.f32 v4, $0.0e+00;
	v2 =	vadd.f32 v2, v7  }
0xe4: {  	v4 =	vld [tilespmem:s15+$0x1B040];
	[tilespmem:s10+$0x17440] =	vst v8;
	v7 =	vmax.f32 v3, $0.0e+00;
	v1 =	vadd.f32 v1, v11  }
0xe5: {  	v3 =	vld [tilespmem:s15+$0x1B050];
	[tilespmem:s10+$0x17450] =	vst v7;
	v7 =	vmax.f32 v2, $0.0e+00  }
0xe6: {  	v2 =	vld [tilespmem:s15+$0x1B060];
	[tilespmem:s10+$0x17460] =	vst v7;
	v7 =	vmax.f32 v1, $0.0e+00  }
0xe7: {  	v1 =	vld [tilespmem:s15+$0x1B070];
	[tilespmem:s10+$0x17470] =	vst v7;
	s10 =	smov.u32 s15  }
0xe8: {  	v7 =	vld [tilespmem:s10+$0x17400]  }
0xe9: {  	v12 =	vld [tilespmem:s10+$0x17410]  }
.Ltmp2:
0xea: {  	v11 =	vld [tilespmem:s10+$0x17420];
	(pc) =	sbr.rel @p0 .LBB2_8-.Ltmp2, $4  }
0xeb: {  	v10 =	vld [tilespmem:s10+$0x17430]  }
0xec: {  	v9 =	vld [tilespmem:s10+$0x17440]  }
0xed: {  	v13 =	vadd.f32 v14, v7;
	v8 =	vld [tilespmem:s10+$0x17450]  }
0xee: {  	s18 =	sadd.s32 $0x200, s18;
	v12 =	vadd.f32 v15, v12;
	v7 =	vld [tilespmem:s10+$0x17460]  }
0xef: {  	v13 =	vmax.f32 v13, $0.0e+00;
	v6 =	vadd.f32 v6, v11;
	v11 =	vld [tilespmem:s10+$0x17470]  }
0xf0: {  	[tilespmem:s10+$0x17400] =	vst v13;
	v12 =	vmax.f32 v12, $0.0e+00;
	v5 =	vadd.f32 v5, v10  }
0xf1: {  	[tilespmem:s10+$0x17410] =	vst v12;
	v6 =	vmax.f32 v6, $0.0e+00;
	v4 =	vadd.f32 v4, v9  }
0xf2: {  	[tilespmem:s10+$0x17420] =	vst v6;
	v5 =	vmax.f32 v5, $0.0e+00;
	v3 =	vadd.f32 v3, v8  }
0xf3: {  	[tilespmem:s10+$0x17430] =	vst v5;
	v4 =	vmax.f32 v4, $0.0e+00;
	v2 =	vadd.f32 v2, v7  }
0xf4: {  	[tilespmem:s10+$0x17440] =	vst v4;
	v3 =	vmax.f32 v3, $0.0e+00;
	v1 =	vadd.f32 v1, v11  }
0xf5: {  	s15 =	sadd.s32 $0x3, s7;
	[tilespmem:s10+$0x17450] =	vst v3;
	v2 =	vmax.f32 v2, $0.0e+00  }
0xf6: {  	s18 =	sadd.s32 s23, s15;
	[tilespmem:s10+$0x17460] =	vst v2;
	v1 =	vmax.f32 v1, $0.0e+00  }
0xf7: {  	s9 =	sadd.s32 $0x15080, s9;
	s18 =	smul.u32 $0x28, s18;
	[tilespmem:s10+$0x17470] =	vst v1  }
0xf8: {  	[spmem:s1] =	stream.indirect.scatter.add.f32 [tilespmem:s22], [sflag:$0x8], $0x80, s9, s20, $0xb8;
	[tilespmem:$0x1D800] =	vst v63  }
0xf9: {  	s10 =	sadd.s32 s6, s18;
	_ =	swait.ge [sflag:s0], $0x1400  }
0xfa: {  	s9 =	sshll.u32 s10, $0x4;
	[sflag:s0] =	ssyncset.done $0x0  }
0xfb: {  	s18 =	simm.s32 $0x0;
	s9 =	sadd.s32 s5, s9;
	[sflag:s0] =	ssyncadd.s32 $0xFFFFEC00  }
0xfc: {  	[tilespmem:s16], [sflag:$0x1] =	stream.linear.gather [hbm4b:s9+s18], $0x1400, $0x38;
	[tilespmem:$0x1D800] =	vst v63  }
0xfd: {  	s18 =	sshll.u32 s15, $0x7  }
0xfe: {  	s9 =	sand.u32 $0x3FFFFF80, s18  }
0xff: {  	s9 =	sadd.s32 $0x14000, s9  }
0x100: {  	[tilespmem:s21], [sflag:$0x4] =	stream.indirect.gather [hbm4b:s4+s20], $0x80, s9, s20, $0xb8;
	[tilespmem:$0x1D800] =	vst v63  }
0x101: {  	_ =	swait.ge [sflag:s2], $0x1400  }
0x102: {  	[sflag:s2] =	ssyncset.done $0x0  }
0x103: {  	[sflag:s2] =	ssyncadd.s32 $0xFFFFEC00  }
0x104: {  	_ =	swait.ge [sflag:s11], $0x1400  }
0x105: {  	[sflag:s11] =	ssyncset.done $0x0  }
0x106: {  	s9 =	simm.s32 $0x0;
	[sflag:s11] =	ssyncadd.s32 $0xFFFFEC00  }
0x107: {  	v7 =	vld [tilespmem:s9+$0x1C400]  }
0x108: {  	v12 =	vld [tilespmem:s9+$0x1C410]  }
0x109: {  	v6 =	vld [tilespmem:s9+$0x1C420]  }
0x10a: {  	v5 =	vld [tilespmem:s9+$0x1C430]  }
0x10b: {  	v4 =	vld [tilespmem:s9+$0x1C440]  }
0x10c: {  	v3 =	vld [tilespmem:s9+$0x1C450]  }
0x10d: {  	v2 =	vld [tilespmem:s9+$0x1C460]  }
0x10e: {  	v1 =	vld [tilespmem:s9+$0x1C470]  }
0x10f: {  	v13 =	vld [tilespmem:s9+$0x18800]  }
0x110: {  	v14 =	vld [tilespmem:s9+$0x18810]  }
0x111: {  	v11 =	vld [tilespmem:s9+$0x18820]  }
0x112: {  	v10 =	vld [tilespmem:s9+$0x18830]  }
0x113: {  	v9 =	vld [tilespmem:s9+$0x18840]  }
0x114: {  	v8 =	vld [tilespmem:s9+$0x18850];
	v13 =	vadd.f32 v7, v13  }
0x115: {  	s10 =	simm.s32 $0x200;
	v12 =	vadd.f32 v12, v14;
	v7 =	vld [tilespmem:s9+$0x18860]  }
.LBB2_10:
0x116: {  	s15 =	sshra.s32 s10, $0x2;
	p0 =	sne.s32 s10, $0x4E00;
	v13 =	vmax.f32 v13, $0.0e+00;
	v6 =	vadd.f32 v6, v11;
	v11 =	vld [tilespmem:s9+$0x18870]  }
0x117: {  	v14 =	vld [tilespmem:s15+$0x1C400];
	[tilespmem:s9+$0x18800] =	vst v13;
	v12 =	vmax.f32 v12, $0.0e+00;
	v5 =	vadd.f32 v5, v10  }
0x118: {  	v15 =	vld [tilespmem:s15+$0x1C410];
	[tilespmem:s9+$0x18810] =	vst v12;
	v10 =	vmax.f32 v6, $0.0e+00;
	v4 =	vadd.f32 v4, v9  }
0x119: {  	v6 =	vld [tilespmem:s15+$0x1C420];
	[tilespmem:s9+$0x18820] =	vst v10;
	v9 =	vmax.f32 v5, $0.0e+00;
	v3 =	vadd.f32 v3, v8  }
0x11a: {  	v5 =	vld [tilespmem:s15+$0x1C430];
	[tilespmem:s9+$0x18830] =	vst v9;
	v8 =	vmax.f32 v4, $0.0e+00;
	v2 =	vadd.f32 v2, v7  }
0x11b: {  	v4 =	vld [tilespmem:s15+$0x1C440];
	[tilespmem:s9+$0x18840] =	vst v8;
	v7 =	vmax.f32 v3, $0.0e+00;
	v1 =	vadd.f32 v1, v11  }
0x11c: {  	v3 =	vld [tilespmem:s15+$0x1C450];
	[tilespmem:s9+$0x18850] =	vst v7;
	v7 =	vmax.f32 v2, $0.0e+00  }
0x11d: {  	v2 =	vld [tilespmem:s15+$0x1C460];
	[tilespmem:s9+$0x18860] =	vst v7;
	v7 =	vmax.f32 v1, $0.0e+00  }
0x11e: {  	v1 =	vld [tilespmem:s15+$0x1C470];
	[tilespmem:s9+$0x18870] =	vst v7;
	s9 =	smov.u32 s15  }
0x11f: {  	v7 =	vld [tilespmem:s9+$0x18800]  }
0x120: {  	v12 =	vld [tilespmem:s9+$0x18810]  }
.Ltmp3:
0x121: {  	v11 =	vld [tilespmem:s9+$0x18820];
	(pc) =	sbr.rel @p0 .LBB2_10-.Ltmp3, $4  }
0x122: {  	v10 =	vld [tilespmem:s9+$0x18830]  }
0x123: {  	v9 =	vld [tilespmem:s9+$0x18840]  }
0x124: {  	v13 =	vadd.f32 v14, v7;
	v8 =	vld [tilespmem:s9+$0x18850]  }
0x125: {  	s10 =	sadd.s32 $0x200, s10;
	v12 =	vadd.f32 v15, v12;
	v7 =	vld [tilespmem:s9+$0x18860]  }
0x126: {  	v13 =	vmax.f32 v13, $0.0e+00;
	v6 =	vadd.f32 v6, v11;
	v63 =	vld [tilespmem:s9+$0x18870]  }
0x127: {  	[tilespmem:s9+$0x18800] =	vst v13;
	v12 =	vmax.f32 v12, $0.0e+00;
	v5 =	vadd.f32 v5, v10  }
0x128: {  	[tilespmem:s9+$0x18810] =	vst v12;
	v6 =	vmax.f32 v6, $0.0e+00;
	v4 =	vadd.f32 v4, v9  }
0x129: {  	[tilespmem:s9+$0x18820] =	vst v6;
	v5 =	vmax.f32 v5, $0.0e+00;
	v3 =	vadd.f32 v3, v8  }
0x12a: {  	[tilespmem:s9+$0x18830] =	vst v5;
	v4 =	vmax.f32 v4, $0.0e+00;
	v2 =	vadd.f32 v2, v7  }
0x12b: {  	[tilespmem:s9+$0x18840] =	vst v4;
	v3 =	vmax.f32 v3, $0.0e+00;
	v1 =	vadd.f32 v1, v63  }
0x12c: {  	[tilespmem:s9+$0x18850] =	vst v3;
	v2 =	vmax.f32 v2, $0.0e+00  }
0x12d: {  	p0 =	seq.s32 s14, $0x7;
	[tilespmem:s9+$0x18860] =	vst v2;
	v1 =	vmax.f32 v1, $0.0e+00  }
.Ltmp4:
0x12e: {  	s8 =	sadd.s32 $0x15000, s8;
	[tilespmem:s9+$0x18870] =	vst v1;
	(pc) =	sbr.rel @p0 .LBB2_13-.Ltmp4, $4  }
0x12f: {  	[spmem:s1] =	stream.indirect.scatter.add.f32 [tilespmem:s28], [sflag:$0x9], $0x80, s8, s20, $0xb8;
	[tilespmem:$0x1D800] =	vst v63  }
0x130: {  	_ =	swait.ge [sflag:s13], $0x1400  }
0x131: {  	[sflag:s13] =	ssyncset.done $0x0  }
0x132: {  	[sflag:s13] =	ssyncadd.s32 $0xFFFFEC00  }
0x133: {  	s7 =	sadd.s32 $0x4, s7  }
0x134: {  	s8 =	sadd.s32 s23, s7  }
0x135: {  	s8 =	smul.u32 $0x28, s8;
	_ =	sdelay $0x1  }
0x136: {  	s8 =	sadd.s32 s6, s8  }
.Ltmp5:
0x137: {  	s7 =	sshll.u32 s7, $0x7;
	s8 =	sshll.u32 s8, $0x4;
	(pc) =	sbr.rel .LBB2_5-.Ltmp5, $4  }
0x138: {  	s7 =	sand.u32 $0x3FFFFF80, s7;
	s8 =	sadd.s32 s5, s8  }
0x139: {  	[tilespmem:s22], [sflag:$0x2] =	stream.linear.gather [hbm4b:s8+s3], $0x1400, $0x38;
	[tilespmem:$0x1D800] =	vst v63  }
0x13a: {  	s14 =	sadd.s32 $0x1, s14;
	s7 =	sadd.s32 $0x14000, s7  }
0x13b: {  	[tilespmem:s24], [sflag:$0x5] =	stream.indirect.gather [hbm4b:s4+s20], $0x80, s7, s20, $0xb8;
	[tilespmem:$0x1D800] =	vst v63  }
.LBB2_13:
0x13c: {  	_ =	swait.ge [sflag:s25], $0x1400  }
0x13d: {  	[sflag:s25] =	ssyncset.done $0x0  }
0x13e: {  	[sflag:s25] =	ssyncadd.s32 $0xFFFFEC00  }
0x13f: {  	_ =	swait.ge [sflag:s26], $0x1400  }
0x140: {  	[sflag:s26] =	ssyncset.done $0x0  }
0x141: {  	s7 =	simm.s32 $0x0;
	[sflag:s26] =	ssyncadd.s32 $0xFFFFEC00  }
0x142: {  	v7 =	vld [tilespmem:s7+$0x19C00]  }
0x143: {  	v12 =	vld [tilespmem:s7+$0x19C10]  }
0x144: {  	v6 =	vld [tilespmem:s7+$0x19C20]  }
0x145: {  	v5 =	vld [tilespmem:s7+$0x19C30]  }
0x146: {  	v4 =	vld [tilespmem:s7+$0x19C40]  }
0x147: {  	v3 =	vld [tilespmem:s7+$0x19C50]  }
0x148: {  	v2 =	vld [tilespmem:s7+$0x19C60]  }
0x149: {  	v1 =	vld [tilespmem:s7+$0x19C70]  }
0x14a: {  	v13 =	vld [tilespmem:s7+$0x16000]  }
0x14b: {  	v14 =	vld [tilespmem:s7+$0x16010]  }
0x14c: {  	v11 =	vld [tilespmem:s7+$0x16020]  }
0x14d: {  	v10 =	vld [tilespmem:s7+$0x16030]  }
0x14e: {  	v9 =	vld [tilespmem:s7+$0x16040]  }
0x14f: {  	v8 =	vld [tilespmem:s7+$0x16050];
	v13 =	vadd.f32 v7, v13  }
0x150: {  	s8 =	simm.s32 $0x200;
	v12 =	vadd.f32 v12, v14;
	v7 =	vld [tilespmem:s7+$0x16060]  }
.LBB2_14:
0x151: {  	s9 =	sshra.s32 s8, $0x2;
	p0 =	sne.s32 s8, $0x4E00;
	v13 =	vmax.f32 v13, $0.0e+00;
	v6 =	vadd.f32 v6, v11;
	v11 =	vld [tilespmem:s7+$0x16070]  }
0x152: {  	v14 =	vld [tilespmem:s9+$0x19C00];
	[tilespmem:s7+$0x16000] =	vst v13;
	v12 =	vmax.f32 v12, $0.0e+00;
	v5 =	vadd.f32 v5, v10  }
0x153: {  	v15 =	vld [tilespmem:s9+$0x19C10];
	[tilespmem:s7+$0x16010] =	vst v12;
	v10 =	vmax.f32 v6, $0.0e+00;
	v4 =	vadd.f32 v4, v9  }
0x154: {  	v6 =	vld [tilespmem:s9+$0x19C20];
	[tilespmem:s7+$0x16020] =	vst v10;
	v9 =	vmax.f32 v5, $0.0e+00;
	v3 =	vadd.f32 v3, v8  }
0x155: {  	v5 =	vld [tilespmem:s9+$0x19C30];
	[tilespmem:s7+$0x16030] =	vst v9;
	v8 =	vmax.f32 v4, $0.0e+00;
	v2 =	vadd.f32 v2, v7  }
0x156: {  	v4 =	vld [tilespmem:s9+$0x19C40];
	[tilespmem:s7+$0x16040] =	vst v8;
	v7 =	vmax.f32 v3, $0.0e+00;
	v1 =	vadd.f32 v1, v11  }
0x157: {  	v3 =	vld [tilespmem:s9+$0x19C50];
	[tilespmem:s7+$0x16050] =	vst v7;
	v7 =	vmax.f32 v2, $0.0e+00  }
0x158: {  	v2 =	vld [tilespmem:s9+$0x19C60];
	[tilespmem:s7+$0x16060] =	vst v7;
	v7 =	vmax.f32 v1, $0.0e+00  }
0x159: {  	v1 =	vld [tilespmem:s9+$0x19C70];
	[tilespmem:s7+$0x16070] =	vst v7;
	s7 =	smov.u32 s9  }
0x15a: {  	v7 =	vld [tilespmem:s7+$0x16000]  }
0x15b: {  	v12 =	vld [tilespmem:s7+$0x16010]  }
.Ltmp6:
0x15c: {  	v11 =	vld [tilespmem:s7+$0x16020];
	(pc) =	sbr.rel @p0 .LBB2_14-.Ltmp6, $4  }
0x15d: {  	v10 =	vld [tilespmem:s7+$0x16030]  }
0x15e: {  	v9 =	vld [tilespmem:s7+$0x16040]  }
0x15f: {  	v13 =	vadd.f32 v14, v7;
	v8 =	vld [tilespmem:s7+$0x16050]  }
0x160: {  	s8 =	sadd.s32 $0x200, s8;
	v12 =	vadd.f32 v15, v12;
	v7 =	vld [tilespmem:s7+$0x16060]  }
0x161: {  	v13 =	vmax.f32 v13, $0.0e+00;
	v6 =	vadd.f32 v6, v11;
	v63 =	vld [tilespmem:s7+$0x16070]  }
0x162: {  	[tilespmem:s7+$0x16000] =	vst v13;
	v12 =	vmax.f32 v12, $0.0e+00;
	v5 =	vadd.f32 v5, v10  }
0x163: {  	[tilespmem:s7+$0x16010] =	vst v12;
	v6 =	vmax.f32 v6, $0.0e+00;
	v4 =	vadd.f32 v4, v9  }
0x164: {  	[tilespmem:s7+$0x16020] =	vst v6;
	v5 =	vmax.f32 v5, $0.0e+00;
	v3 =	vadd.f32 v3, v8  }
0x165: {  	[tilespmem:s7+$0x16030] =	vst v5;
	v4 =	vmax.f32 v4, $0.0e+00;
	v2 =	vadd.f32 v2, v7  }
0x166: {  	[tilespmem:s7+$0x16040] =	vst v4;
	v3 =	vmax.f32 v3, $0.0e+00;
	v1 =	vadd.f32 v1, v63  }
0x167: {  	[tilespmem:s7+$0x16050] =	vst v3;
	v2 =	vmax.f32 v2, $0.0e+00  }
0x168: {  	[tilespmem:s7+$0x16060] =	vst v2;
	v1 =	vmax.f32 v1, $0.0e+00  }
0x169: {  	s18 =	simm.s32 $0x15C00;
	s23 =	simm.s32 $0x9;
	s19 =	sadd.s32 $0x1, s19;
	[tilespmem:s7+$0x16070] =	vst v1  }
0x16a: {  	[spmem:s1] =	stream.indirect.scatter.add.f32 [tilespmem:s16], [sflag:$0x7], $0x80, s18, s20, $0xb8;
	[tilespmem:$0x1D800] =	vst v63  }
0x16b: {  	p0 =	sne.s32 s19, $0xA;
	_ =	swait.ge [sflag:s23], $0x1400  }
.Ltmp7:
0x16c: {  	[sflag:s23] =	ssyncset.done $0x0;
	(pc) =	sbr.rel @p0 .LBB2_4-.Ltmp7, $4  }
0x16d: {  	[sflag:s23] =	ssyncadd.s32 $0xFFFFEC00  }
0x16e: {  	_ =	swait.ge [sflag:s0], $0x1400  }
0x16f: {  	[sflag:s0] =	ssyncset.done $0x0  }
0x170: {  	[sflag:s0] =	ssyncadd.s32 $0xFFFFEC00  }
0x171: {  	s7 =	stileid.u32;
	[bflag:$0x0] =	sbarrier.arrive $0xFFFF  }
0x172: {  	s7 =	sshll.u32 s7, $0x6;
	s14 =	rddreg [dreg:$0x8]  }
0x173: {  	s9 =	rddreg [dreg:$0x7];
	s7 =	sor.u32 $0x1C0A, s7;
	s8 =	sshrl.u32 s14, $0x3  }
0x174: {  	[hbm:s9], [sflag:s7] =	dma.local [spmem:s8], $0x800  }
0x175: {  	_ =	swait.ge [sflag:s17], $0x800  }
0x176: {  	[sflag:s17] =	ssyncset.done $0x0;
	s15 =	rddreg [dreg:$0xd]  }
0x177: {  	s18 =	rddreg [dreg:$0x12];
	[sflag:s17] =	ssyncadd.s32 $0xFFFFF800  }
0x178: {  	[hbm:s15], [sflag:s7] =	dma.local [spmem:s18], $0x800  }
0x179: {  	_ =	swait.ge [sflag:s17], $0x800  }
0x17a: {  	[sflag:s17] =	ssyncset.done $0x0;
	s19 =	rddreg [dreg:$0xe]  }
0x17b: {  	s23 =	rddreg [dreg:$0x13];
	[sflag:s17] =	ssyncadd.s32 $0xFFFFF800  }
0x17c: {  	[hbm:s19], [sflag:s7] =	dma.local [spmem:s23], $0x800  }
0x17d: {  	_ =	swait.ge [sflag:s17], $0x800  }
0x17e: {  	[sflag:s17] =	ssyncset.done $0x0;
	s9 =	rddreg [dreg:$0xf]  }
0x17f: {  	s10 =	rddreg [dreg:$0x14];
	[sflag:s17] =	ssyncadd.s32 $0xFFFFF800  }
0x180: {  	[hbm:s9], [sflag:s7] =	dma.local [spmem:s10], $0x800  }
0x181: {  	_ =	swait.ge [sflag:s17], $0x800  }
0x182: {  	[sflag:s17] =	ssyncset.done $0x0;
	s15 =	rddreg [dreg:$0x10]  }
0x183: {  	s18 =	rddreg [dreg:$0x15];
	[sflag:s17] =	ssyncadd.s32 $0xFFFFF800  }
0x184: {  	[hbm:s15], [sflag:s7] =	dma.local [spmem:s18], $0x800  }
0x185: {  	_ =	swait.ge [sflag:s17], $0x800  }
0x186: {  	s19 =	sld [smem:$0x7FC];
	_ =	sdelay $0x2  }
0x187: {  	s23 =	rddreg [dreg:$0x9];
	s8 =	sadd.s32 $0x1, s19  }
0x188: {  	p0 =	sne.s32 s8, s23  }
.Ltmp8:
0x189: {  	_ = 	snop;
	(pc) =	sbr.rel @p0 .LBB2_1-.Ltmp8, $3  }
0x18a: {  	_ =	sdelay $0x1  }
0x18b: {  	[sflag:s17] =	ssyncset.done $0x0  }
0x18c: {  	[sflag:s17] =	ssyncadd.s32 $0xFFFFF800  }
0x18d: {  	_ =	sfence.sel $0x180000  }
0x18e: {  	[bflag:$0x0] =	sbarrier.arrive $0xFFFF  }
0x18f: {  	_ =	strace $0x9000004A  }
0x190: {  	s0 =	stileid.u32;
	[bflag:$0x2] =	sbarrier.arrive $0xFFFF  }
0x191: {  	p0 =	sne.s32 s0, $0x0;
	s0 =	rddreg [dreg:$0x2]  }
0x192: {  	s0 =	sadd.s32 @!p0 $0x100000, s0  }
0x193: {  	[sflag:s0] =	ssyncadd.tile.s32 @!p0 $0x1;
	_ =	shalt  }
.Lfunc_end2:
_tile_overlayer_lowered:
.L_overlay_start_2:
0x194: {  	(tag) =	ssettag $0x2  }
0x195: {  	s0 =	rddreg [dreg:$0x0];
	s2 =	stileid.u32  }
0x196: {  	s1 =	rddreg [dreg:$0x1];
	p0 =	sne.s32 s2, $0x0  }
0x197: {  	s3 =	rddreg [dreg:$0x2];
	[bflag:$0x3] =	sbarrier.arrive $0xFFFF;
	s2 =	simm.s32 @!p0 $0x1C0A  }
0x198: {  	[timem:s3], [sflag:s2] =	dma.local @!p0 [hbm:s0], s1  }
0x199: {  	s0 =	simm.s32 @!p0 $0xA  }
0x19a: {  	_ =	swait.ge @!p0 [sflag:s0], s1  }
0x19b: {  	s1 =	ssub.s32 @!p0 $0x0, s1;
	[sflag:s0] =	ssyncset.done @!p0 $0x0  }
0x19c: {  	[sflag:s0] =	ssyncadd.s32 @!p0 s1  }
0x19d: {  	[bflag:$0x3] =	sbarrier.arrive $0xFFFF  }
0x19e: {  	_ =	shalt  }

// kernel: kernel.9.cloned.1.call-start
scs
__scs_entry_jumppad:
0x0: {  	(pc) =	sbr.rel $0x88, $3  }
0x1: {  	(tag) =	ssettag $0x0;
	lr =	simm.s32 $0x1  }
0x2: {  	[smem:$0x3F82] =	sst lr;
	_ =	strace $0xD0000000  }
0x3: {  	_ = 	snop  }
0x4: {  	_ = 	snop  }
0x5: {  	_ = 	snop  }
0x6: {  	_ = 	snop  }
0x7: {  	_ = 	snop  }
__scs_overlays_trampoline_lowered:
0x8: {  	[smem:$0x3F91] =	sst s0  }
0x9: {  	[smem:$0x3F92] =	sst s1  }
0xa: {  	[smem:$0x3F93] =	sst s2  }
0xb: {  	[smem:$0x3F94] =	sst s3  }
0xc: {  	[smem:$0x3F95] =	sst s4  }
0xd: {  	[smem:$0x3F96] =	sst s5  }
0xe: {  	[smem:$0x3F97] =	sst s6  }
0xf: {  	[smem:$0x3F98] =	sst s7  }
0x10: {  	[smem:$0x3F99] =	sst s8  }
0x11: {  	[smem:$0x3F9A] =	sst s9;
	s0 =	simm.s32 @!p0 $0x0  }
0x12: {  	s1 =	sld [smem:$0x3F80];
	s0 =	simm.s32 @p0 $0x1  }
0x13: {  	[smem:$0x3F9B] =	sst s0;
	s0 =	simm.s32 @!p1 $0x0  }
0x14: {  	s2 =	sld [smem:$0x3F7F];
	s0 =	simm.s32 @p1 $0x1  }
0x15: {  	[smem:$0x3F9C] =	sst s0;
	s0 =	simm.s32 @!p2 $0x0  }
0x16: {  	s3 =	sld [smem:$0x3FDB];
	s0 =	simm.s32 @p2 $0x1  }
0x17: {  	s4 =	simm.s32 $0x1BF5;
	[smem:$0x3F9E] =	sst s0  }
0x18: {  	s0 =	sld [smem:$0x3F81];
	_ =	swait.ge [sflag:s4], $0x0  }
0x19: {  	s7 =	sld [smem:$0x3F82]  }
0x1a: {  	s8 =	sadd.s32 $0xFFFFE003, lr  }
0x1b: {  	s9 =	sadd.s32 $0xFFFFFEF7, lr;
	s5 =	simm.s32 $0xFFFFFFFF;
	p2 =	slt.u32 s8, $0xFFFFF086  }
0x1c: {  	p1 =	slt.u32 s9, $0xF7A;
	s5 =	simm.s32 @!p2 $0x0  }
0x1d: {  	s5 =	simm.s32 @p1 $0x1;
	p0 =	seq.s32 s7, s2  }
0x1e: {  	s7 =	smul.u32 @!p0 $0xF7A, s2;
	p2 =	seq.s32 @!p0 s5, $0x0  }
0x1f: {  	s9 =	smul.u32 $0xF7A, s1;
	s8 =	simm.s32 @!p0 $0x1BF5;
	p2 =	por !p2, p0  }
0x20: {  	[sflag:s8] =	ssyncset.s32 @!p0 $0xFFFFF086;
	s6 =	sadd.s32 @!p0 s3, s7;
	s7 =	simm.s32 @!p0 $0x108  }
0x21: {  	s3 =	sadd.s32 s3, s9;
	s6 =	sadd.s32 @!p0 $0x88, s6;
	s7 =	simm.s32 @p2 $0x1082  }
0x22: {  	[simem:s7], [sflag:s8] =	dma.local @!p0 [hbm:s6], $0xF7A  }
0x23: {  	s9 =	sor.u32 $0xD0000000, s2;
	s6 =	simm.s32 $0x108;
	_ =	swait.ge @!p0 [sflag:s8], $0x0  }
0x24: {  	s3 =	sadd.s32 $0x88, s3;
	s6 =	simm.s32 @!p1 $0x1082;
	[sflag:s4] =	ssyncset.s32 $0xFFFFF086  }
0x25: {  	[simem:s6], [sflag:s4] =	dma.local [hbm:s3], $0xF7A  }
0x26: {  	[smem:$0x3F82] =	sst s1;
	(tag) =	ssettag s2;
	_ =	strace s9  }
0x27: {  	s1 =	sld [smem:$0x3F92]  }
0x28: {  	s2 =	sld [smem:$0x3F93]  }
0x29: {  	s4 =	sld [smem:$0x3F95]  }
0x2a: {  	p0 =	seq.s32 s5, $0x0;
	s5 =	sld [smem:$0x3F96]  }
0x2b: {  	s6 =	sld [smem:$0x3F97]  }
0x2c: {  	s7 =	sld [smem:$0x3F98]  }
0x2d: {  	s3 =	simm.s32 $0x108;
	s8 =	sld [smem:$0x3F99]  }
0x2e: {  	s3 =	simm.s32 @!p0 $0x1082;
	s9 =	sld [smem:$0x3F9A]  }
0x2f: {  	lr =	sadd.s32 s0, s3;
	s0 =	sld [smem:$0x3F91]  }
0x30: {  	s3 =	sld [smem:$0x3F94]  }
0x31: {  	[smem:$0x3F9D] =	sst s10  }
0x32: {  	s10 =	sld [smem:$0x3F9B];
	_ =	sdelay $0x3  }
0x33: {  	p0 =	seq.s32 s10, $0x1;
	s10 =	sld [smem:$0x3F9D];
	_ =	sdelay $0x3  }
0x34: {  	[smem:$0x3F9D] =	sst s10  }
0x35: {  	s10 =	sld [smem:$0x3F9C];
	_ =	sdelay $0x3  }
0x36: {  	p1 =	seq.s32 s10, $0x1;
	s10 =	sld [smem:$0x3F9D];
	_ =	sdelay $0x3  }
0x37: {  	[smem:$0x3F9D] =	sst s10  }
0x38: {  	s10 =	sld [smem:$0x3F9E]  }
0x39: {  	_ = 	snop;
	(pc) =	sbr.ind lr, $3  }
0x3a: {  	_ = 	snop  }
0x3b: {  	_ = 	snop  }
0x3c: {  	p2 =	seq.s32 s10, $0x1;
	s10 =	sld [smem:$0x3F9D]  }
0x3d: {  	_ =	shalt  }
0x3e: {  	_ =	shalt  }
0x3f: {  	_ =	shalt  }
0x40: {  	_ =	shalt  }
0x41: {  	_ =	shalt  }
0x42: {  	_ =	shalt  }
0x43: {  	_ =	shalt  }
0x44: {  	_ =	shalt  }
0x45: {  	_ =	shalt  }
0x46: {  	_ =	shalt  }
0x47: {  	_ =	shalt  }
0x48: {  	_ =	shalt  }
0x49: {  	_ =	shalt  }
0x4a: {  	_ =	shalt  }
0x4b: {  	_ =	shalt  }
0x4c: {  	_ =	shalt  }
0x4d: {  	_ =	shalt  }
0x4e: {  	_ =	shalt  }
0x4f: {  	_ =	shalt  }
0x50: {  	_ =	shalt  }
0x51: {  	_ =	shalt  }
0x52: {  	_ =	shalt  }
0x53: {  	_ =	shalt  }
0x54: {  	_ =	shalt  }
0x55: {  	_ =	shalt  }
0x56: {  	_ =	shalt  }
0x57: {  	_ =	shalt  }
0x58: {  	_ =	shalt  }
0x59: {  	_ =	shalt  }
0x5a: {  	_ =	shalt  }
0x5b: {  	_ =	shalt  }
0x5c: {  	_ =	shalt  }
0x5d: {  	_ =	shalt  }
0x5e: {  	_ =	shalt  }
0x5f: {  	_ =	shalt  }
0x60: {  	_ =	shalt  }
0x61: {  	_ =	shalt  }
0x62: {  	_ =	shalt  }
0x63: {  	_ =	shalt  }
0x64: {  	_ =	shalt  }
0x65: {  	_ =	shalt  }
0x66: {  	_ =	shalt  }
0x67: {  	_ =	shalt  }
0x68: {  	_ =	shalt  }
0x69: {  	_ =	shalt  }
0x6a: {  	_ =	shalt  }
0x6b: {  	_ =	shalt  }
0x6c: {  	_ =	shalt  }
0x6d: {  	_ =	shalt  }
0x6e: {  	_ =	shalt  }
0x6f: {  	_ =	shalt  }
0x70: {  	_ =	shalt  }
0x71: {  	_ =	shalt  }
0x72: {  	_ =	shalt  }
0x73: {  	_ =	shalt  }
0x74: {  	_ =	shalt  }
0x75: {  	_ =	shalt  }
0x76: {  	_ =	shalt  }
0x77: {  	_ =	shalt  }
0x78: {  	_ =	shalt  }
0x79: {  	_ =	shalt  }
0x7a: {  	_ =	shalt  }
0x7b: {  	_ =	shalt  }
0x7c: {  	_ =	shalt  }
0x7d: {  	_ =	shalt  }
0x7e: {  	_ =	shalt  }
0x7f: {  	_ =	shalt  }
0x80: {  	_ =	shalt  }
0x81: {  	_ =	shalt  }
0x82: {  	_ =	shalt  }
0x83: {  	_ =	shalt  }
0x84: {  	_ =	shalt  }
0x85: {  	_ =	shalt  }
0x86: {  	_ =	shalt  }
0x87: {  	_ =	shalt  }
.Lfunc_end0:
.L_simem_size_0:
called_computation_lowered:
.L_overlay_start_0:
0x88: {  	s2 =	sld [smem:$0x3FD9]  }
0x89: {  	s3 =	sld [smem:$0x3FFE];
	_ =	sdelay $0x1  }
0x8a: {  	s1 =	srdreg.scid  }
0x8b: {  	s0 =	sand.u32 $0x1, s1  }
0x8c: {  	s16 =	sshll.u32 s0, $0xA;
	s2 =	sadd.s32 s3, s2  }
0x8d: {  	s2 =	sadd.s32 s2, s16  }
0x8e: {  	[smem:$0x3FA9] =	sst s2  }
0x8f: {  	_ = 	snop  }
0x90: {  	(tm) =	ssettm $0x1  }
0x91: {  	s17 =	sld [smem:$0x3FFB];
	_ =	sdelay $0x3  }
0x92: {  	_ =	strace s17  }
0x93: {  	s2 =	sld [smem:$0x3FFC];
	_ =	sdelay $0x3  }
0x94: {  	_ =	strace s2  }
0x95: {  	s2 =	sld [smem:$0x3FFD];
	_ =	sdelay $0x3  }
0x96: {  	_ =	strace s2  }
0x97: {  	_ =	strace $0x8FFFFFFF  }
0x98: {  	s18 =	sld [smem:$0x3FDB];
	_ =	sdelay $0x1  }
0x99: {  	s19 =	simm.s32 $_scs_section_size  }
0x9a: {  	s4 =	simm.s32 $_size__tile_overlayer_lowered;
	s5 =	simm.s32 $_tile_overlayer_lowered  }
0x9b: {  	s22 =	simm.s32 $0x1BFF;
	s21 =	sshll.u32 s5, $0x1;
	s2 =	sadd.s32 s19, s18  }
0x9c: {  	s6 =	simm.s32 $0x0;
	s20 =	sshll.u32 s4, $0x1;
	s4 =	sadd.s32 s21, s2  }
0x9d: {  	[timem:s6], [sflag:s22] =	dma.local [hbm:s4], s20  }
0x9e: {  	_ =	swait.ge [sflag:s22], s20  }
0x9f: {  	s3 =	ssub.s32 $0x0, s20;
	[sflag:s22] =	ssyncset.done $0x0  }
0xa0: {  	[sflag:s22] =	ssyncadd.s32 s3;
	_ =	sdelay $0x1  }
0xa1: {  	s23 =	simm.s32 $0x1B8B  }
0xa2: {  	_ =	swait.ge [sflag:s23], $0x1  }
0xa3: {  	[sflag:s23] =	ssyncset.done $0x0  }
0xa4: {  	s25 =	simm.s32 $0x1B8E;
	s24 =	sld [smem:$0x3FFE];
	[sflag:s23] =	ssyncadd.s32 $0xFFFFFFFF  }
0xa5: {  	s26 =	simm.s32 $execute0_lowered;
	[smem:$0x3FD2] =	sst s25  }
0xa6: {  	s4 =	sshll.u32 s26, $0x1;
	_ =	strace $0x80000046;
	[dreg:$0x1] =	wrdreg $0xFFFFFFFF  }
0xa7: {  	s28 =	simm.s32 $_size_execute0_lowered;
	s2 =	sadd.s32 s2, s4;
	[dreg:$0x0] =	wrdreg $0x0  }
0xa8: {  	s4 =	sshll.u32 s28, $0x1;
	[dreg:$0x2] =	wrdreg s2  }
0xa9: {  	[dreg:$0x3] =	wrdreg s4  }
0xaa: {  	[dreg:$0x4] =	wrdreg $0xC0  }
0xab: {  	_ =	task [dreg:s6], $0x5FFFF  }
0xac: {  	[dreg:$0x1] =	wrdreg $0xFFFFFFFF  }
0xad: {  	[dreg:$0x0] =	wrdreg $0x60  }
0xae: {  	[dreg:$0x2] =	wrdreg s24  }
0xaf: {  	[dreg:$0x3] =	wrdreg $0x0  }
0xb0: {  	[dreg:$0x4] =	wrdreg $0x9  }
0xb1: {  	_ =	task.clear_ibuf [dreg:s6], $0x5FFFF;
	_ =	strace $0x90000046  }
0xb2: {  	s29 =	simm.s32 $0x9;
	_ =	strace $0x80000048  }
0xb3: {  	_ =	swait.ge [sflag:s29], $0x1  }
0xb4: {  	[sflag:s29] =	ssyncadd.s32 $0xFFFFFFFF  }
0xb5: {  	_ =	strace $0x90000048  }
0xb6: {  	_ =	sfence  }
0xb7: {  	s30 =	sld [smem:$0x0];
	_ =	sdelay $0x2  }
0xb8: {  	s31 =	sshll.u32 s1, $0xD;
	s1 =	sshrl.u32 s1, $0x2  }
0xb9: {  	s3 =	sand.u32 $0x4000, s31;
	s1 =	sadd.s32 s1, s30  }
0xba: {  	s0 =	sor.u32 s3, s0;
	s1 =	sshll.u32 s1, $0x11  }
0xbb: {  	s0 =	sor.u32 s1, s0  }
0xbc: {  	s0 =	sadd.s32 $0x8F2B, s0  }
0xbd: {  	[sflag:s0] =	ssyncadd.remote.s32 $0x1  }
0xbe: {  	_ =	sfence.sel $0xFFFF  }
0xbf: {  	[dreg:$0x0] =	wrdreg $0xFFFFFFFF;
	(pc) =	sbr.abs _section_cstart, $3  }
0xc0: {  	[dreg:$0x1] =	wrdreg $0xFFFFFFFF  }
0xc1: {  	_ =	task.clear_ibuf [dreg:s6], $0x2FFFF;
	_ =	strace $0x9FFFFFFF  }
0xc2: {  	(tm) =	ssettm $0x7FFFFFFF  }
0xc3: {  	_ =	shalt  }
tec
execute0_lowered:
.L_overlay_start_1:
0x0: {  	(tag) =	ssettag $0x1  }
0x1: {  	s0 =	rddreg [dreg:$0x0]  }
0x2: {  	s1 =	rddreg [dreg:$0x1];
	s2 =	srdreg.scid  }
0x3: {  	s3 =	simm.s32 $0x0;
	s11 =	stileid.u32;
	s28 =	simm.s32 $0x18800  }
0x4: {  	s29 =	simm.s32 $0x1C400;
	s2 =	sand.u32 $0x1, s2;
	[smem:$0x7FF] =	sst s3  }
0x5: {  	s4 =	sadd.s32 $0xA18200, s0;
	s8 =	sadd.s32 $0x4200, s0;
	s10 =	smul.u32 $0x14000, s11  }
0x6: {  	s9 =	sadd.s32 $0x2C200, s0;
	s13 =	smul.u32 $0x50000, s11;
	s5 =	sshll.u32 s2, $0x4  }
0x7: {  	_ =	strace $0x80000047;
	[dreg:$0x3] =	wrdreg s8;
	s26 =	ssub.s32 $0x2, s2  }
0x8: {  	s2 =	smul.u32 $0x140000, s2;
	[dreg:$0x4] =	wrdreg s9;
	s7 =	sor.u32 s11, s5  }
0x9: {  	s5 =	sadd.s32 $0x536200, s0;
	s12 =	sshrl.u32 s26, $0x1;
	s0 =	sadd.s32 $0xA3F400, s0  }
0xa: {  	s16 =	sadd.s32 $0x4000, s10;
	s21 =	sadd.s32 $0x8000, s10;
	s6 =	smul.u32 $0x2710, s7  }
0xb: {  	s22 =	sadd.s32 $0xC000, s10;
	s23 =	sadd.s32 $0x10000, s10;
	s7 =	smul.u32 $0xA000, s7  }
0xc: {  	s8 =	ssub.s32 s26, s12;
	s15 =	sadd.s32 s2, s10;
	s24 =	sadd.s32 s2, s21  }
0xd: {  	s12 =	sadd.s32 s2, s22;
	s8 =	smax.u32 s8, $0x1;
	[dreg:$0x5] =	wrdreg s7  }
0xe: {  	s10 =	sshrl.u32 s24, $0x3;
	s14 =	sadd.s32 $0x28, s6;
	[dreg:$0x9] =	wrdreg s8  }
0xf: {  	s12 =	sshrl.u32 s12, $0x3;
	s10 =	sadd.s32 s0, s10;
	[dreg:$0x6] =	wrdreg s14  }
0x10: {  	s11 =	sadd.s32 s23, s1;
	s25 =	sadd.s32 s0, s12;
	[dreg:$0xe] =	wrdreg s10  }
0x11: {  	s7 =	sshrl.u32 s15, $0x3;
	s15 =	sshrl.u32 s11, $0x3;
	[dreg:$0xf] =	wrdreg s25  }
0x12: {  	s9 =	sshrl.u32 s13, $0x2;
	s7 =	sadd.s32 s0, s7;
	[dreg:$0x15] =	wrdreg s15  }
0x13: {  	s30 =	simm.s32 $0x2;
	s14 =	sadd.s32 s9, s1;
	[dreg:$0x7] =	wrdreg s7  }
0x14: {  	s31 =	simm.s32 $0x5;
	s18 =	sadd.s32 $0x1400, s14;
	[dreg:$0x8] =	wrdreg s14  }
0x15: {  	s17 =	sadd.s32 s2, s16;
	s19 =	sadd.s32 $0x2800, s14;
	[dreg:$0xa] =	wrdreg s18  }
0x16: {  	s2 =	sadd.s32 s2, s23;
	s20 =	sadd.s32 $0x3C00, s14;
	[dreg:$0xb] =	wrdreg s19  }
0x17: {  	s10 =	sadd.s32 s22, s1;
	s26 =	sadd.s32 $0x5000, s14;
	[dreg:$0xc] =	wrdreg s20  }
0x18: {  	s2 =	sshrl.u32 s2, $0x3;
	s13 =	sshrl.u32 s10, $0x3;
	[dreg:$0x11] =	wrdreg s26  }
0x19: {  	s7 =	sshrl.u32 s17, $0x3;
	s17 =	sadd.s32 $0x7800, s14;
	[dreg:$0x14] =	wrdreg s13  }
0x1a: {  	s11 =	simm.s32 $0x6;
	s22 =	sadd.s32 $0xDC00, s14;
	[dreg:$0x17] =	wrdreg s17  }
0x1b: {  	s8 =	simm.s32 $0x0;
	s23 =	sadd.s32 $0xF000, s14;
	[dreg:$0x1c] =	wrdreg s22  }
0x1c: {  	s24 =	sadd.s32 $0x10400, s14;
	s25 =	sadd.s32 $0x11800, s14;
	[dreg:$0x1d] =	wrdreg s23  }
0x1d: {  	s7 =	sadd.s32 s0, s7;
	s0 =	sadd.s32 s0, s2;
	[dreg:$0x1e] =	wrdreg s24  }
0x1e: {  	s2 =	sadd.s32 s16, s1;
	s16 =	sadd.s32 $0x6400, s14;
	[dreg:$0x1f] =	wrdreg s25  }
0x1f: {  	s18 =	sadd.s32 $0x8C00, s14;
	s19 =	sadd.s32 $0xA000, s14;
	[dreg:$0xd] =	wrdreg s7  }
0x20: {  	s20 =	sadd.s32 $0xB400, s14;
	s26 =	sadd.s32 $0x12C00, s14;
	[dreg:$0x10] =	wrdreg s0  }
0x21: {  	s17 =	simm.s32 $0xA;
	s22 =	simm.s32 $0x17400;
	[dreg:$0x16] =	wrdreg s16  }
0x22: {  	s24 =	simm.s32 $0x1B000;
	s25 =	simm.s32 $0x1;
	[dreg:$0x18] =	wrdreg s18  }
0x23: {  	s13 =	simm.s32 $0x8;
	s7 =	sadd.s32 s21, s1;
	[dreg:$0x19] =	wrdreg s19  }
0x24: {  	s0 =	sshrl.u32 s2, $0x3;
	[dreg:$0x1a] =	wrdreg s20;
	s21 =	sadd.s32 $0xC800, s14  }
0x25: {  	[smem:$0x7FD] =	sst s26;
	s16 =	simm.s32 $0x16000;
	s20 =	simm.s32 $0x28  }
0x26: {  	s26 =	simm.s32 $0x4;
	s2 =	simm.s32 $0x3;
	[dreg:$0x12] =	wrdreg s0  }
0x27: {  	s12 =	sshrl.u32 s7, $0x3;
	[dreg:$0x1b] =	wrdreg s21;
	s21 =	simm.s32 $0x19C00  }
0x28: {  	v0 =	vimm.f32 $0.0e+00;
	s0 =	simm.s32 $0x7;
	[dreg:$0x13] =	wrdreg s12;
	s12 =	simm.s32 $0x0  }
.LBB2_1:
0x29: {  	[smem:$0x7FC] =	sst s8;
	s7 =	simm.s32 $0x0;
	s8 =	simm.s32 $0x200  }
.LBB2_2:
0x2a: {  	p0 =	sne.s32 s8, $0x4E00;
	[tilespmem:s7+$0x16070] =	vst v0  }
0x2b: {  	[tilespmem:s7+$0x16000] =	vst v0  }
0x2c: {  	[tilespmem:s7+$0x16010] =	vst v0  }
.Ltmp0:
0x2d: {  	[tilespmem:s7+$0x16020] =	vst v0;
	(pc) =	sbr.rel @p0 .LBB2_2-.Ltmp0, $4  }
0x2e: {  	[tilespmem:s7+$0x16030] =	vst v0  }
0x2f: {  	[tilespmem:s7+$0x16040] =	vst v0  }
0x30: {  	[tilespmem:s7+$0x16050] =	vst v0  }
0x31: {  	[tilespmem:s7+$0x16060] =	vst v0;
	s7 =	sshra.s32 s8, $0x2;
	s8 =	sadd.s32 $0x200, s8  }
0x32: {  	[tilespmem:s7+$0x16070] =	vst v0  }
0x33: {  	[tilespmem:s7+$0x16000] =	vst v0  }
0x34: {  	[tilespmem:s7+$0x16010] =	vst v0  }
0x35: {  	[tilespmem:s7+$0x16020] =	vst v0  }
0x36: {  	[tilespmem:s7+$0x16030] =	vst v0  }
0x37: {  	[tilespmem:s7+$0x16040] =	vst v0  }
0x38: {  	[tilespmem:s7+$0x16050] =	vst v0  }
0x39: {  	[tilespmem:s7+$0x16060] =	vst v0  }
0x3a: {  	[spmem:s14] =	stream.linear.scatter [tilespmem:s16], [sflag:$0xA], $0x1400, $0x38;
	[tilespmem:$0x1D800] =	vst v63  }
0x3b: {  	_ =	swait.ge [sflag:s17], $0x1400  }
0x3c: {  	[sflag:s17] =	ssyncset.done $0x0  }
0x3d: {  	s9 =	rddreg [dreg:$0xa];
	[sflag:s17] =	ssyncadd.s32 $0xFFFFEC00  }
0x3e: {  	[spmem:s9] =	stream.linear.scatter [tilespmem:s16], [sflag:$0xA], $0x1400, $0x38;
	[tilespmem:$0x1D800] =	vst v63  }
0x3f: {  	_ =	swait.ge [sflag:s17], $0x1400  }
0x40: {  	[sflag:s17] =	ssyncset.done $0x0  }
0x41: {  	s10 =	rddreg [dreg:$0xb];
	[sflag:s17] =	ssyncadd.s32 $0xFFFFEC00  }
0x42: {  	[spmem:s10] =	stream.linear.scatter [tilespmem:s16], [sflag:$0xA], $0x1400, $0x38;
	[tilespmem:$0x1D800] =	vst v63  }
0x43: {  	_ =	swait.ge [sflag:s17], $0x1400  }
0x44: {  	[sflag:s17] =	ssyncset.done $0x0  }
0x45: {  	s14 =	rddreg [dreg:$0xc];
	[sflag:s17] =	ssyncadd.s32 $0xFFFFEC00  }
0x46: {  	[spmem:s14] =	stream.linear.scatter [tilespmem:s16], [sflag:$0xA], $0x1400, $0x38;
	[tilespmem:$0x1D800] =	vst v63  }
0x47: {  	_ =	swait.ge [sflag:s17], $0x1400  }
0x48: {  	[sflag:s17] =	ssyncset.done $0x0  }
0x49: {  	s15 =	rddreg [dreg:$0x11];
	[sflag:s17] =	ssyncadd.s32 $0xFFFFEC00  }
0x4a: {  	[spmem:s15] =	stream.linear.scatter [tilespmem:s16], [sflag:$0xA], $0x1400, $0x38;
	[tilespmem:$0x1D800] =	vst v63  }
0x4b: {  	_ =	swait.ge [sflag:s17], $0x1400  }
0x4c: {  	[sflag:s17] =	ssyncset.done $0x0  }
0x4d: {  	s18 =	rddreg [dreg:$0x16];
	[sflag:s17] =	ssyncadd.s32 $0xFFFFEC00  }
0x4e: {  	[spmem:s18] =	stream.linear.scatter [tilespmem:s16], [sflag:$0xA], $0x1400, $0x38;
	[tilespmem:$0x1D800] =	vst v63  }
0x4f: {  	_ =	swait.ge [sflag:s17], $0x1400  }
0x50: {  	[sflag:s17] =	ssyncset.done $0x0  }
0x51: {  	s19 =	rddreg [dreg:$0x17];
	[sflag:s17] =	ssyncadd.s32 $0xFFFFEC00  }
0x52: {  	[spmem:s19] =	stream.linear.scatter [tilespmem:s16], [sflag:$0xA], $0x1400, $0x38;
	[tilespmem:$0x1D800] =	vst v63  }
0x53: {  	_ =	swait.ge [sflag:s17], $0x1400  }
0x54: {  	[sflag:s17] =	ssyncset.done $0x0  }
0x55: {  	s23 =	rddreg [dreg:$0x18];
	[sflag:s17] =	ssyncadd.s32 $0xFFFFEC00  }
0x56: {  	[spmem:s23] =	stream.linear.scatter [tilespmem:s16], [sflag:$0xA], $0x1400, $0x38;
	[tilespmem:$0x1D800] =	vst v63  }
0x57: {  	_ =	swait.ge [sflag:s17], $0x1400  }
0x58: {  	[sflag:s17] =	ssyncset.done $0x0  }
0x59: {  	s8 =	rddreg [dreg:$0x19];
	[sflag:s17] =	ssyncadd.s32 $0xFFFFEC00  }
0x5a: {  	[spmem:s8] =	stream.linear.scatter [tilespmem:s16], [sflag:$0xA], $0x1400, $0x38;
	[tilespmem:$0x1D800] =	vst v63  }
0x5b: {  	_ =	swait.ge [sflag:s17], $0x1400  }
0x5c: {  	[sflag:s17] =	ssyncset.done $0x0  }
0x5d: {  	s9 =	rddreg [dreg:$0x1a];
	[sflag:s17] =	ssyncadd.s32 $0xFFFFEC00  }
0x5e: {  	[spmem:s9] =	stream.linear.scatter [tilespmem:s16], [sflag:$0xA], $0x1400, $0x38;
	[tilespmem:$0x1D800] =	vst v63  }
0x5f: {  	_ =	swait.ge [sflag:s17], $0x1400  }
0x60: {  	[sflag:s17] =	ssyncset.done $0x0  }
0x61: {  	s10 =	rddreg [dreg:$0x1b];
	[sflag:s17] =	ssyncadd.s32 $0xFFFFEC00  }
0x62: {  	[spmem:s10] =	stream.linear.scatter [tilespmem:s16], [sflag:$0xA], $0x1400, $0x38;
	[tilespmem:$0x1D800] =	vst v63  }
0x63: {  	_ =	swait.ge [sflag:s17], $0x1400  }
0x64: {  	[sflag:s17] =	ssyncset.done $0x0  }
0x65: {  	s14 =	rddreg [dreg:$0x1c];
	[sflag:s17] =	ssyncadd.s32 $0xFFFFEC00  }
0x66: {  	[spmem:s14] =	stream.linear.scatter [tilespmem:s16], [sflag:$0xA], $0x1400, $0x38;
	[tilespmem:$0x1D800] =	vst v63  }
0x67: {  	_ =	swait.ge [sflag:s17], $0x1400  }
0x68: {  	[sflag:s17] =	ssyncset.done $0x0  }
0x69: {  	s15 =	rddreg [dreg:$0x1d];
	[sflag:s17] =	ssyncadd.s32 $0xFFFFEC00  }
0x6a: {  	[spmem:s15] =	stream.linear.scatter [tilespmem:s16], [sflag:$0xA], $0x1400, $0x38;
	[tilespmem:$0x1D800] =	vst v63  }
0x6b: {  	_ =	swait.ge [sflag:s17], $0x1400  }
0x6c: {  	[sflag:s17] =	ssyncset.done $0x0  }
0x6d: {  	s18 =	rddreg [dreg:$0x1e];
	[sflag:s17] =	ssyncadd.s32 $0xFFFFEC00  }
0x6e: {  	[spmem:s18] =	stream.linear.scatter [tilespmem:s16], [sflag:$0xA], $0x1400, $0x38;
	[tilespmem:$0x1D800] =	vst v63  }
0x6f: {  	_ =	swait.ge [sflag:s17], $0x1400  }
0x70: {  	[sflag:s17] =	ssyncset.done $0x0  }
0x71: {  	s19 =	rddreg [dreg:$0x1f];
	[sflag:s17] =	ssyncadd.s32 $0xFFFFEC00  }
0x72: {  	[spmem:s19] =	stream.linear.scatter [tilespmem:s16], [sflag:$0xA], $0x1400, $0x38;
	[tilespmem:$0x1D800] =	vst v63  }
0x73: {  	_ =	swait.ge [sflag:s17], $0x1400  }
0x74: {  	s23 =	sld [smem:$0x7FD]  }
0x75: {  	[sflag:s17] =	ssyncset.done $0x0  }
0x76: {  	[sflag:s17] =	ssyncadd.s32 $0xFFFFEC00  }
0x77: {  	[spmem:s23] =	stream.linear.scatter [tilespmem:s16], [sflag:$0xA], $0x1400, $0x38;
	[tilespmem:$0x1D800] =	vst v63  }
0x78: {  	_ =	swait.ge [sflag:s17], $0x1400  }
0x79: {  	[sflag:s17] =	ssyncset.done $0x0  }
0x7a: {  	[sflag:s17] =	ssyncadd.s32 $0xFFFFEC00  }
0x7b: {  	s19 =	simm.s32 $0x0;
	[bflag:$0x0] =	sbarrier.arrive $0xFFFF  }
.LBB2_4:
0x7c: {  	s7 =	sshll.u32 s19, $0xC;
	s8 =	rddreg [dreg:$0x5]  }
0x7d: {  	s7 =	sadd.s32 s8, s7  }
0x7e: {  	s9 =	rddreg [dreg:$0x3];
	s7 =	sshrl.u32 s7, $0x3  }
0x7f: {  	s8 =	sadd.s32 s9, s7;
	s9 =	simm.s32 $0x14000  }
0x80: {  	[tilespmem:s9], [sflag:$0xA] =	stream.linear.gather [hbm4b:s8+s12], $0xC80, $0x38;
	[tilespmem:$0x1D800] =	vst v63  }
0x81: {  	_ =	swait.ge [sflag:s17], $0xC80  }
0x82: {  	s14 =	smul.u32 $0x3E8, s19;
	[sflag:s17] =	ssyncset.done $0x0;
	s10 =	rddreg [dreg:$0x4]  }
0x83: {  	[sflag:s17] =	ssyncadd.s32 $0xFFFFF380;
	s7 =	sadd.s32 s10, s7;
	s10 =	simm.s32 $0x15000  }
0x84: {  	[tilespmem:s10], [sflag:$0xA] =	stream.linear.gather [hbm4b:s7+s12], $0xC80, $0x38;
	[tilespmem:$0x1D800] =	vst v63  }
0x85: {  	s15 =	sadd.s32 s6, s14;
	_ =	swait.ge [sflag:s17], $0xC80  }
0x86: {  	s7 =	sshll.u32 s15, $0x4;
	[sflag:s17] =	ssyncset.done $0x0  }
0x87: {  	s7 =	sadd.s32 s5, s7;
	s18 =	rddreg [dreg:$0x6];
	[sflag:s17] =	ssyncadd.s32 $0xFFFFF380  }
0x88: {  	[tilespmem:s16], [sflag:$0x1] =	stream.linear.gather [hbm4b:s7+s12], $0x1400, $0x38;
	[tilespmem:$0x1D800] =	vst v63  }
0x89: {  	s7 =	sadd.s32 s18, s14  }
0x8a: {  	s7 =	sshll.u32 s7, $0x4  }
0x8b: {  	[tilespmem:s21], [sflag:$0x4] =	stream.indirect.gather [hbm4b:s4+s20], $0x80, s9, s20, $0xb8;
	[tilespmem:$0x1D800] =	vst v63  }
0x8c: {  	s7 =	sadd.s32 s5, s7  }
0x8d: {  	[tilespmem:s22], [sflag:$0x2] =	stream.linear.gather [hbm4b:s7+s12], $0x1400, $0x38;
	[tilespmem:$0x1D800] =	vst v63  }
0x8e: {  	s23 =	simm.s32 $0x14080  }
0x8f: {  	[tilespmem:s24], [sflag:$0x5] =	stream.indirect.gather [hbm4b:s4+s20], $0x80, s23, s20, $0xb8;
	[tilespmem:$0x1D800] =	vst v63  }
0x90: {  	s14 =	simm.s32 $0x0;
	s23 =	smul.u32 $0x19, s19  }
.LBB2_5:
0x91: {  	_ =	swait.ge [sflag:s25], $0x1400  }
0x92: {  	[sflag:s25] =	ssyncset.done $0x0  }
0x93: {  	[sflag:s25] =	ssyncadd.s32 $0xFFFFEC00  }
0x94: {  	_ =	swait.ge [sflag:s26], $0x1400  }
0x95: {  	[sflag:s26] =	ssyncset.done $0x0  }
0x96: {  	s7 =	simm.s32 $0x0;
	[sflag:s26] =	ssyncadd.s32 $0xFFFFEC00  }
0x97: {  	v7 =	vld [tilespmem:s7+$0x19C00]  }
0x98: {  	v12 =	vld [tilespmem:s7+$0x19C10]  }
0x99: {  	v6 =	vld [tilespmem:s7+$0x19C20]  }
0x9a: {  	v5 =	vld [tilespmem:s7+$0x19C30]  }
0x9b: {  	v4 =	vld [tilespmem:s7+$0x19C40]  }
0x9c: {  	v3 =	vld [tilespmem:s7+$0x19C50]  }
0x9d: {  	v2 =	vld [tilespmem:s7+$0x19C60]  }
0x9e: {  	v1 =	vld [tilespmem:s7+$0x19C70]  }
0x9f: {  	v13 =	vld [tilespmem:s7+$0x16000]  }
0xa0: {  	v14 =	vld [tilespmem:s7+$0x16010]  }
0xa1: {  	v11 =	vld [tilespmem:s7+$0x16020]  }
0xa2: {  	v10 =	vld [tilespmem:s7+$0x16030]  }
0xa3: {  	v9 =	vld [tilespmem:s7+$0x16040]  }
0xa4: {  	v8 =	vld [tilespmem:s7+$0x16050];
	v13 =	vadd.f32 v7, v13  }
0xa5: {  	s8 =	simm.s32 $0x200;
	v12 =	vadd.f32 v12, v14;
	v7 =	vld [tilespmem:s7+$0x16060]  }
.LBB2_6:
0xa6: {  	s9 =	sshra.s32 s8, $0x2;
	p0 =	sne.s32 s8, $0x4E00;
	v13 =	vmax.f32 v13, $0.0e+00;
	v6 =	vadd.f32 v6, v11;
	v11 =	vld [tilespmem:s7+$0x16070]  }
0xa7: {  	v14 =	vld [tilespmem:s9+$0x19C00];
	[tilespmem:s7+$0x16000] =	vst v13;
	v12 =	vmax.f32 v12, $0.0e+00;
	v5 =	vadd.f32 v5, v10  }
0xa8: {  	v15 =	vld [tilespmem:s9+$0x19C10];
	[tilespmem:s7+$0x16010] =	vst v12;
	v10 =	vmax.f32 v6, $0.0e+00;
	v4 =	vadd.f32 v4, v9  }
0xa9: {  	v6 =	vld [tilespmem:s9+$0x19C20];
	[tilespmem:s7+$0x16020] =	vst v10;
	v9 =	vmax.f32 v5, $0.0e+00;
	v3 =	vadd.f32 v3, v8  }
0xaa: {  	v5 =	vld [tilespmem:s9+$0x19C30];
	[tilespmem:s7+$0x16030] =	vst v9;
	v8 =	vmax.f32 v4, $0.0e+00;
	v2 =	vadd.f32 v2, v7  }
0xab: {  	v4 =	vld [tilespmem:s9+$0x19C40];
	[tilespmem:s7+$0x16040] =	vst v8;
	v7 =	vmax.f32 v3, $0.0e+00;
	v1 =	vadd.f32 v1, v11  }
0xac: {  	v3 =	vld [tilespmem:s9+$0x19C50];
	[tilespmem:s7+$0x16050] =	vst v7;
	v7 =	vmax.f32 v2, $0.0e+00  }
0xad: {  	v2 =	vld [tilespmem:s9+$0x19C60];
	[tilespmem:s7+$0x16060] =	vst v7;
	v7 =	vmax.f32 v1, $0.0e+00  }
0xae: {  	v1 =	vld [tilespmem:s9+$0x19C70];
	[tilespmem:s7+$0x16070] =	vst v7;
	s7 =	smov.u32 s9  }
0xaf: {  	v7 =	vld [tilespmem:s7+$0x16000]  }
0xb0: {  	v12 =	vld [tilespmem:s7+$0x16010]  }
.Ltmp1:
0xb1: {  	v11 =	vld [tilespmem:s7+$0x16020];
	(pc) =	sbr.rel @p0 .LBB2_6-.Ltmp1, $4  }
0xb2: {  	v10 =	vld [tilespmem:s7+$0x16030]  }
0xb3: {  	v9 =	vld [tilespmem:s7+$0x16040]  }
0xb4: {  	v13 =	vadd.f32 v14, v7;
	v8 =	vld [tilespmem:s7+$0x16050]  }
0xb5: {  	s8 =	sadd.s32 $0x200, s8;
	v12 =	vadd.f32 v15, v12;
	v7 =	vld [tilespmem:s7+$0x16060]  }
0xb6: {  	v13 =	vmax.f32 v13, $0.0e+00;
	v6 =	vadd.f32 v6, v11;
	v11 =	vld [tilespmem:s7+$0x16070]  }
0xb7: {  	[tilespmem:s7+$0x16000] =	vst v13;
	v12 =	vmax.f32 v12, $0.0e+00;
	v5 =	vadd.f32 v5, v10  }
0xb8: {  	[tilespmem:s7+$0x16010] =	vst v12;
	v6 =	vmax.f32 v6, $0.0e+00;
	v4 =	vadd.f32 v4, v9  }
0xb9: {  	[tilespmem:s7+$0x16020] =	vst v6;
	v5 =	vmax.f32 v5, $0.0e+00;
	v3 =	vadd.f32 v3, v8  }
0xba: {  	[tilespmem:s7+$0x16030] =	vst v5;
	v4 =	vmax.f32 v4, $0.0e+00;
	v2 =	vadd.f32 v2, v7  }
0xbb: {  	s8 =	smul.u32 $0x600, s14;
	[tilespmem:s7+$0x16040] =	vst v4;
	v3 =	vmax.f32 v3, $0.0e+00;
	v1 =	vadd.f32 v1, v11  }
0xbc: {  	[tilespmem:s7+$0x16050] =	vst v3;
	v2 =	vmax.f32 v2, $0.0e+00  }
0xbd: {  	s9 =	sshra.s32 s8, $0x2;
	[tilespmem:s7+$0x16060] =	vst v2;
	v1 =	vmax.f32 v1, $0.0e+00  }
0xbe: {  	s8 =	sadd.s32 $0x15000, s9;
	[tilespmem:s7+$0x16070] =	vst v1;
	s7 =	smul.u32 $0x3, s14  }
0xbf: {  	[spmem:s1] =	stream.indirect.scatter.add.f32 [tilespmem:s16], [sflag:$0x7], $0x80, s8, s20, $0xb8;
	[tilespmem:$0x1D800] =	vst v63  }
0xc0: {  	s8 =	sadd.s32 $0x2, s7  }
0xc1: {  	s10 =	sadd.s32 s23, s8  }
0xc2: {  	p0 =	seq.s32 s14, $0x0;
	s10 =	smul.u32 $0x28, s10  }
0xc3: {  	s18 =	simm.s32 @!p0 $0x9  }
0xc4: {  	s15 =	simm.s32 $0x0;
	_ =	swait.ge @!p0 [sflag:s18], $0x1400;
	s10 =	sadd.s32 s6, s10  }
0xc5: {  	[sflag:s18] =	ssyncset.done @!p0 $0x0;
	s8 =	sshll.u32 s8, $0x9;
	s10 =	sshll.u32 s10, $0x4  }
0xc6: {  	[sflag:s18] =	ssyncadd.s32 @!p0 $0xFFFFEC00;
	s8 =	sshrl.u32 s8, $0x2;
	s10 =	sadd.s32 s5, s10  }
0xc7: {  	[tilespmem:s28], [sflag:$0x3] =	stream.linear.gather [hbm4b:s10+s15], $0x1400, $0x38;
	[tilespmem:$0x1D800] =	vst v63  }
0xc8: {  	s18 =	sadd.s32 $0x14000, s8  }
0xc9: {  	[tilespmem:s29], [sflag:$0x6] =	stream.indirect.gather [hbm4b:s4+s20], $0x80, s18, s20, $0xb8;
	[tilespmem:$0x1D800] =	vst v63  }
0xca: {  	_ =	swait.ge [sflag:s30], $0x1400  }
0xcb: {  	[sflag:s30] =	ssyncset.done $0x0  }
0xcc: {  	[sflag:s30] =	ssyncadd.s32 $0xFFFFEC00  }
0xcd: {  	_ =	swait.ge [sflag:s31], $0x1400  }
0xce: {  	[sflag:s31] =	ssyncset.done $0x0  }
0xcf: {  	s10 =	simm.s32 $0x0;
	[sflag:s31] =	ssyncadd.s32 $0xFFFFEC00  }
0xd0: {  	v7 =	vld [tilespmem:s10+$0x1B000]  }
0xd1: {  	v12 =	vld [tilespmem:s10+$0x1B010]  }
0xd2: {  	v6 =	vld [tilespmem:s10+$0x1B020]  }
0xd3: {  	v5 =	vld [tilespmem:s10+$0x1B030]  }
0xd4: {  	v4 =	vld [tilespmem:s10+$0x1B040]  }
0xd5: {  	v3 =	vld [tilespmem:s10+$0x1B050]  }
0xd6: {  	v2 =	vld [tilespmem:s10+$0x1B060]  }
0xd7: {  	v1 =	vld [tilespmem:s10+$0x1B070]  }
0xd8: {  	v13 =	vld [tilespmem:s10+$0x17400]  }
0xd9: {  	v14 =	vld [tilespmem:s10+$0x17410]  }
0xda: {  	v11 =	vld [tilespmem:s10+$0x17420]  }
0xdb: {  	v10 =	vld [tilespmem:s10+$0x17430]  }
0xdc: {  	v9 =	vld [tilespmem:s10+$0x17440]  }
0xdd: {  	v8 =	vld [tilespmem:s10+$0x17450];
	v13 =	vadd.f32 v7, v13  }
0xde: {  	s18 =	simm.s32 $0x200;
	v12 =	vadd.f32 v12, v14;
	v7 =	vld [tilespmem:s10+$0x17460]  }
.LBB2_8:
0xdf: {  	s15 =	sshra.s32 s18, $0x2;
	p0 =	sne.s32 s18, $0x4E00;
	v13 =	vmax.f32 v13, $0.0e+00;
	v6 =	vadd.f32 v6, v11;
	v11 =	vld [tilespmem:s10+$0x17470]  }
0xe0: {  	v14 =	vld [tilespmem:s15+$0x1B000];
	[tilespmem:s10+$0x17400] =	vst v13;
	v12 =	vmax.f32 v12, $0.0e+00;
	v5 =	vadd.f32 v5, v10  }
0xe1: {  	v15 =	vld [tilespmem:s15+$0x1B010];
	[tilespmem:s10+$0x17410] =	vst v12;
	v10 =	vmax.f32 v6, $0.0e+00;
	v4 =	vadd.f32 v4, v9  }
0xe2: {  	v6 =	vld [tilespmem:s15+$0x1B020];
	[tilespmem:s10+$0x17420] =	vst v10;
	v9 =	vmax.f32 v5, $0.0e+00;
	v3 =	vadd.f32 v3, v8  }
0xe3: {  	v5 =	vld [tilespmem:s15+$0x1B030];
	[tilespmem:s10+$0x17430] =	vst v9;
	v8 =	vmax.f32 v4, $0.0e+00;
	v2 =	vadd.f32 v2, v7  }
0xe4: {  	v4 =	vld [tilespmem:s15+$0x1B040];
	[tilespmem:s10+$0x17440] =	vst v8;
	v7 =	vmax.f32 v3, $0.0e+00;
	v1 =	vadd.f32 v1, v11  }
0xe5: {  	v3 =	vld [tilespmem:s15+$0x1B050];
	[tilespmem:s10+$0x17450] =	vst v7;
	v7 =	vmax.f32 v2, $0.0e+00  }
0xe6: {  	v2 =	vld [tilespmem:s15+$0x1B060];
	[tilespmem:s10+$0x17460] =	vst v7;
	v7 =	vmax.f32 v1, $0.0e+00  }
0xe7: {  	v1 =	vld [tilespmem:s15+$0x1B070];
	[tilespmem:s10+$0x17470] =	vst v7;
	s10 =	smov.u32 s15  }
0xe8: {  	v7 =	vld [tilespmem:s10+$0x17400]  }
0xe9: {  	v12 =	vld [tilespmem:s10+$0x17410]  }
.Ltmp2:
0xea: {  	v11 =	vld [tilespmem:s10+$0x17420];
	(pc) =	sbr.rel @p0 .LBB2_8-.Ltmp2, $4  }
0xeb: {  	v10 =	vld [tilespmem:s10+$0x17430]  }
0xec: {  	v9 =	vld [tilespmem:s10+$0x17440]  }
0xed: {  	v13 =	vadd.f32 v14, v7;
	v8 =	vld [tilespmem:s10+$0x17450]  }
0xee: {  	s18 =	sadd.s32 $0x200, s18;
	v12 =	vadd.f32 v15, v12;
	v7 =	vld [tilespmem:s10+$0x17460]  }
0xef: {  	v13 =	vmax.f32 v13, $0.0e+00;
	v6 =	vadd.f32 v6, v11;
	v11 =	vld [tilespmem:s10+$0x17470]  }
0xf0: {  	[tilespmem:s10+$0x17400] =	vst v13;
	v12 =	vmax.f32 v12, $0.0e+00;
	v5 =	vadd.f32 v5, v10  }
0xf1: {  	[tilespmem:s10+$0x17410] =	vst v12;
	v6 =	vmax.f32 v6, $0.0e+00;
	v4 =	vadd.f32 v4, v9  }
0xf2: {  	[tilespmem:s10+$0x17420] =	vst v6;
	v5 =	vmax.f32 v5, $0.0e+00;
	v3 =	vadd.f32 v3, v8  }
0xf3: {  	[tilespmem:s10+$0x17430] =	vst v5;
	v4 =	vmax.f32 v4, $0.0e+00;
	v2 =	vadd.f32 v2, v7  }
0xf4: {  	[tilespmem:s10+$0x17440] =	vst v4;
	v3 =	vmax.f32 v3, $0.0e+00;
	v1 =	vadd.f32 v1, v11  }
0xf5: {  	s15 =	sadd.s32 $0x3, s7;
	[tilespmem:s10+$0x17450] =	vst v3;
	v2 =	vmax.f32 v2, $0.0e+00  }
0xf6: {  	s18 =	sadd.s32 s23, s15;
	[tilespmem:s10+$0x17460] =	vst v2;
	v1 =	vmax.f32 v1, $0.0e+00  }
0xf7: {  	s9 =	sadd.s32 $0x15080, s9;
	s18 =	smul.u32 $0x28, s18;
	[tilespmem:s10+$0x17470] =	vst v1  }
0xf8: {  	[spmem:s1] =	stream.indirect.scatter.add.f32 [tilespmem:s22], [sflag:$0x8], $0x80, s9, s20, $0xb8;
	[tilespmem:$0x1D800] =	vst v63  }
0xf9: {  	s10 =	sadd.s32 s6, s18;
	_ =	swait.ge [sflag:s0], $0x1400  }
0xfa: {  	s9 =	sshll.u32 s10, $0x4;
	[sflag:s0] =	ssyncset.done $0x0  }
0xfb: {  	s18 =	simm.s32 $0x0;
	s9 =	sadd.s32 s5, s9;
	[sflag:s0] =	ssyncadd.s32 $0xFFFFEC00  }
0xfc: {  	[tilespmem:s16], [sflag:$0x1] =	stream.linear.gather [hbm4b:s9+s18], $0x1400, $0x38;
	[tilespmem:$0x1D800] =	vst v63  }
0xfd: {  	s18 =	sshll.u32 s15, $0x7  }
0xfe: {  	s9 =	sand.u32 $0x3FFFFF80, s18  }
0xff: {  	s9 =	sadd.s32 $0x14000, s9  }
0x100: {  	[tilespmem:s21], [sflag:$0x4] =	stream.indirect.gather [hbm4b:s4+s20], $0x80, s9, s20, $0xb8;
	[tilespmem:$0x1D800] =	vst v63  }
0x101: {  	_ =	swait.ge [sflag:s2], $0x1400  }
0x102: {  	[sflag:s2] =	ssyncset.done $0x0  }
0x103: {  	[sflag:s2] =	ssyncadd.s32 $0xFFFFEC00  }
0x104: {  	_ =	swait.ge [sflag:s11], $0x1400  }
0x105: {  	[sflag:s11] =	ssyncset.done $0x0  }
0x106: {  	s9 =	simm.s32 $0x0;
	[sflag:s11] =	ssyncadd.s32 $0xFFFFEC00  }
0x107: {  	v7 =	vld [tilespmem:s9+$0x1C400]  }
0x108: {  	v12 =	vld [tilespmem:s9+$0x1C410]  }
0x109: {  	v6 =	vld [tilespmem:s9+$0x1C420]  }
0x10a: {  	v5 =	vld [tilespmem:s9+$0x1C430]  }
0x10b: {  	v4 =	vld [tilespmem:s9+$0x1C440]  }
0x10c: {  	v3 =	vld [tilespmem:s9+$0x1C450]  }
0x10d: {  	v2 =	vld [tilespmem:s9+$0x1C460]  }
0x10e: {  	v1 =	vld [tilespmem:s9+$0x1C470]  }
0x10f: {  	v13 =	vld [tilespmem:s9+$0x18800]  }
0x110: {  	v14 =	vld [tilespmem:s9+$0x18810]  }
0x111: {  	v11 =	vld [tilespmem:s9+$0x18820]  }
0x112: {  	v10 =	vld [tilespmem:s9+$0x18830]  }
0x113: {  	v9 =	vld [tilespmem:s9+$0x18840]  }
0x114: {  	v8 =	vld [tilespmem:s9+$0x18850];
	v13 =	vadd.f32 v7, v13  }
0x115: {  	s10 =	simm.s32 $0x200;
	v12 =	vadd.f32 v12, v14;
	v7 =	vld [tilespmem:s9+$0x18860]  }
.LBB2_10:
0x116: {  	s15 =	sshra.s32 s10, $0x2;
	p0 =	sne.s32 s10, $0x4E00;
	v13 =	vmax.f32 v13, $0.0e+00;
	v6 =	vadd.f32 v6, v11;
	v11 =	vld [tilespmem:s9+$0x18870]  }
0x117: {  	v14 =	vld [tilespmem:s15+$0x1C400];
	[tilespmem:s9+$0x18800] =	vst v13;
	v12 =	vmax.f32 v12, $0.0e+00;
	v5 =	vadd.f32 v5, v10  }
0x118: {  	v15 =	vld [tilespmem:s15+$0x1C410];
	[tilespmem:s9+$0x18810] =	vst v12;
	v10 =	vmax.f32 v6, $0.0e+00;
	v4 =	vadd.f32 v4, v9  }
0x119: {  	v6 =	vld [tilespmem:s15+$0x1C420];
	[tilespmem:s9+$0x18820] =	vst v10;
	v9 =	vmax.f32 v5, $0.0e+00;
	v3 =	vadd.f32 v3, v8  }
0x11a: {  	v5 =	vld [tilespmem:s15+$0x1C430];
	[tilespmem:s9+$0x18830] =	vst v9;
	v8 =	vmax.f32 v4, $0.0e+00;
	v2 =	vadd.f32 v2, v7  }
0x11b: {  	v4 =	vld [tilespmem:s15+$0x1C440];
	[tilespmem:s9+$0x18840] =	vst v8;
	v7 =	vmax.f32 v3, $0.0e+00;
	v1 =	vadd.f32 v1, v11  }
0x11c: {  	v3 =	vld [tilespmem:s15+$0x1C450];
	[tilespmem:s9+$0x18850] =	vst v7;
	v7 =	vmax.f32 v2, $0.0e+00  }
0x11d: {  	v2 =	vld [tilespmem:s15+$0x1C460];
	[tilespmem:s9+$0x18860] =	vst v7;
	v7 =	vmax.f32 v1, $0.0e+00  }
0x11e: {  	v1 =	vld [tilespmem:s15+$0x1C470];
	[tilespmem:s9+$0x18870] =	vst v7;
	s9 =	smov.u32 s15  }
0x11f: {  	v7 =	vld [tilespmem:s9+$0x18800]  }
0x120: {  	v12 =	vld [tilespmem:s9+$0x18810]  }
.Ltmp3:
0x121: {  	v11 =	vld [tilespmem:s9+$0x18820];
	(pc) =	sbr.rel @p0 .LBB2_10-.Ltmp3, $4  }
0x122: {  	v10 =	vld [tilespmem:s9+$0x18830]  }
0x123: {  	v9 =	vld [tilespmem:s9+$0x18840]  }
0x124: {  	v13 =	vadd.f32 v14, v7;
	v8 =	vld [tilespmem:s9+$0x18850]  }
0x125: {  	s10 =	sadd.s32 $0x200, s10;
	v12 =	vadd.f32 v15, v12;
	v7 =	vld [tilespmem:s9+$0x18860]  }
0x126: {  	v13 =	vmax.f32 v13, $0.0e+00;
	v6 =	vadd.f32 v6, v11;
	v63 =	vld [tilespmem:s9+$0x18870]  }
0x127: {  	[tilespmem:s9+$0x18800] =	vst v13;
	v12 =	vmax.f32 v12, $0.0e+00;
	v5 =	vadd.f32 v5, v10  }
0x128: {  	[tilespmem:s9+$0x18810] =	vst v12;
	v6 =	vmax.f32 v6, $0.0e+00;
	v4 =	vadd.f32 v4, v9  }
0x129: {  	[tilespmem:s9+$0x18820] =	vst v6;
	v5 =	vmax.f32 v5, $0.0e+00;
	v3 =	vadd.f32 v3, v8  }
0x12a: {  	[tilespmem:s9+$0x18830] =	vst v5;
	v4 =	vmax.f32 v4, $0.0e+00;
	v2 =	vadd.f32 v2, v7  }
0x12b: {  	[tilespmem:s9+$0x18840] =	vst v4;
	v3 =	vmax.f32 v3, $0.0e+00;
	v1 =	vadd.f32 v1, v63  }
0x12c: {  	[tilespmem:s9+$0x18850] =	vst v3;
	v2 =	vmax.f32 v2, $0.0e+00  }
0x12d: {  	p0 =	seq.s32 s14, $0x7;
	[tilespmem:s9+$0x18860] =	vst v2;
	v1 =	vmax.f32 v1, $0.0e+00  }
.Ltmp4:
0x12e: {  	s8 =	sadd.s32 $0x15000, s8;
	[tilespmem:s9+$0x18870] =	vst v1;
	(pc) =	sbr.rel @p0 .LBB2_13-.Ltmp4, $4  }
0x12f: {  	[spmem:s1] =	stream.indirect.scatter.add.f32 [tilespmem:s28], [sflag:$0x9], $0x80, s8, s20, $0xb8;
	[tilespmem:$0x1D800] =	vst v63  }
0x130: {  	_ =	swait.ge [sflag:s13], $0x1400  }
0x131: {  	[sflag:s13] =	ssyncset.done $0x0  }
0x132: {  	[sflag:s13] =	ssyncadd.s32 $0xFFFFEC00  }
0x133: {  	s7 =	sadd.s32 $0x4, s7  }
0x134: {  	s8 =	sadd.s32 s23, s7  }
0x135: {  	s8 =	smul.u32 $0x28, s8;
	_ =	sdelay $0x1  }
0x136: {  	s8 =	sadd.s32 s6, s8  }
.Ltmp5:
0x137: {  	s7 =	sshll.u32 s7, $0x7;
	s8 =	sshll.u32 s8, $0x4;
	(pc) =	sbr.rel .LBB2_5-.Ltmp5, $4  }
0x138: {  	s7 =	sand.u32 $0x3FFFFF80, s7;
	s8 =	sadd.s32 s5, s8  }
0x139: {  	[tilespmem:s22], [sflag:$0x2] =	stream.linear.gather [hbm4b:s8+s3], $0x1400, $0x38;
	[tilespmem:$0x1D800] =	vst v63  }
0x13a: {  	s14 =	sadd.s32 $0x1, s14;
	s7 =	sadd.s32 $0x14000, s7  }
0x13b: {  	[tilespmem:s24], [sflag:$0x5] =	stream.indirect.gather [hbm4b:s4+s20], $0x80, s7, s20, $0xb8;
	[tilespmem:$0x1D800] =	vst v63  }
.LBB2_13:
0x13c: {  	_ =	swait.ge [sflag:s25], $0x1400  }
0x13d: {  	[sflag:s25] =	ssyncset.done $0x0  }
0x13e: {  	[sflag:s25] =	ssyncadd.s32 $0xFFFFEC00  }
0x13f: {  	_ =	swait.ge [sflag:s26], $0x1400  }
0x140: {  	[sflag:s26] =	ssyncset.done $0x0  }
0x141: {  	s7 =	simm.s32 $0x0;
	[sflag:s26] =	ssyncadd.s32 $0xFFFFEC00  }
0x142: {  	v7 =	vld [tilespmem:s7+$0x19C00]  }
0x143: {  	v12 =	vld [tilespmem:s7+$0x19C10]  }
0x144: {  	v6 =	vld [tilespmem:s7+$0x19C20]  }
0x145: {  	v5 =	vld [tilespmem:s7+$0x19C30]  }
0x146: {  	v4 =	vld [tilespmem:s7+$0x19C40]  }
0x147: {  	v3 =	vld [tilespmem:s7+$0x19C50]  }
0x148: {  	v2 =	vld [tilespmem:s7+$0x19C60]  }
0x149: {  	v1 =	vld [tilespmem:s7+$0x19C70]  }
0x14a: {  	v13 =	vld [tilespmem:s7+$0x16000]  }
0x14b: {  	v14 =	vld [tilespmem:s7+$0x16010]  }
0x14c: {  	v11 =	vld [tilespmem:s7+$0x16020]  }
0x14d: {  	v10 =	vld [tilespmem:s7+$0x16030]  }
0x14e: {  	v9 =	vld [tilespmem:s7+$0x16040]  }
0x14f: {  	v8 =	vld [tilespmem:s7+$0x16050];
	v13 =	vadd.f32 v7, v13  }
0x150: {  	s8 =	simm.s32 $0x200;
	v12 =	vadd.f32 v12, v14;
	v7 =	vld [tilespmem:s7+$0x16060]  }
.LBB2_14:
0x151: {  	s9 =	sshra.s32 s8, $0x2;
	p0 =	sne.s32 s8, $0x4E00;
	v13 =	vmax.f32 v13, $0.0e+00;
	v6 =	vadd.f32 v6, v11;
	v11 =	vld [tilespmem:s7+$0x16070]  }
0x152: {  	v14 =	vld [tilespmem:s9+$0x19C00];
	[tilespmem:s7+$0x16000] =	vst v13;
	v12 =	vmax.f32 v12, $0.0e+00;
	v5 =	vadd.f32 v5, v10  }
0x153: {  	v15 =	vld [tilespmem:s9+$0x19C10];
	[tilespmem:s7+$0x16010] =	vst v12;
	v10 =	vmax.f32 v6, $0.0e+00;
	v4 =	vadd.f32 v4, v9  }
0x154: {  	v6 =	vld [tilespmem:s9+$0x19C20];
	[tilespmem:s7+$0x16020] =	vst v10;
	v9 =	vmax.f32 v5, $0.0e+00;
	v3 =	vadd.f32 v3, v8  }
0x155: {  	v5 =	vld [tilespmem:s9+$0x19C30];
	[tilespmem:s7+$0x16030] =	vst v9;
	v8 =	vmax.f32 v4, $0.0e+00;
	v2 =	vadd.f32 v2, v7  }
0x156: {  	v4 =	vld [tilespmem:s9+$0x19C40];
	[tilespmem:s7+$0x16040] =	vst v8;
	v7 =	vmax.f32 v3, $0.0e+00;
	v1 =	vadd.f32 v1, v11  }
0x157: {  	v3 =	vld [tilespmem:s9+$0x19C50];
	[tilespmem:s7+$0x16050] =	vst v7;
	v7 =	vmax.f32 v2, $0.0e+00  }
0x158: {  	v2 =	vld [tilespmem:s9+$0x19C60];
	[tilespmem:s7+$0x16060] =	vst v7;
	v7 =	vmax.f32 v1, $0.0e+00  }
0x159: {  	v1 =	vld [tilespmem:s9+$0x19C70];
	[tilespmem:s7+$0x16070] =	vst v7;
	s7 =	smov.u32 s9  }
0x15a: {  	v7 =	vld [tilespmem:s7+$0x16000]  }
0x15b: {  	v12 =	vld [tilespmem:s7+$0x16010]  }
.Ltmp6:
0x15c: {  	v11 =	vld [tilespmem:s7+$0x16020];
	(pc) =	sbr.rel @p0 .LBB2_14-.Ltmp6, $4  }
0x15d: {  	v10 =	vld [tilespmem:s7+$0x16030]  }
0x15e: {  	v9 =	vld [tilespmem:s7+$0x16040]  }
0x15f: {  	v13 =	vadd.f32 v14, v7;
	v8 =	vld [tilespmem:s7+$0x16050]  }
0x160: {  	s8 =	sadd.s32 $0x200, s8;
	v12 =	vadd.f32 v15, v12;
	v7 =	vld [tilespmem:s7+$0x16060]  }
0x161: {  	v13 =	vmax.f32 v13, $0.0e+00;
	v6 =	vadd.f32 v6, v11;
	v63 =	vld [tilespmem:s7+$0x16070]  }
0x162: {  	[tilespmem:s7+$0x16000] =	vst v13;
	v12 =	vmax.f32 v12, $0.0e+00;
	v5 =	vadd.f32 v5, v10  }
0x163: {  	[tilespmem:s7+$0x16010] =	vst v12;
	v6 =	vmax.f32 v6, $0.0e+00;
	v4 =	vadd.f32 v4, v9  }
0x164: {  	[tilespmem:s7+$0x16020] =	vst v6;
	v5 =	vmax.f32 v5, $0.0e+00;
	v3 =	vadd.f32 v3, v8  }
0x165: {  	[tilespmem:s7+$0x16030] =	vst v5;
	v4 =	vmax.f32 v4, $0.0e+00;
	v2 =	vadd.f32 v2, v7  }
0x166: {  	[tilespmem:s7+$0x16040] =	vst v4;
	v3 =	vmax.f32 v3, $0.0e+00;
	v1 =	vadd.f32 v1, v63  }
0x167: {  	[tilespmem:s7+$0x16050] =	vst v3;
	v2 =	vmax.f32 v2, $0.0e+00  }
0x168: {  	[tilespmem:s7+$0x16060] =	vst v2;
	v1 =	vmax.f32 v1, $0.0e+00  }
0x169: {  	s18 =	simm.s32 $0x15C00;
	s23 =	simm.s32 $0x9;
	s19 =	sadd.s32 $0x1, s19;
	[tilespmem:s7+$0x16070] =	vst v1  }
0x16a: {  	[spmem:s1] =	stream.indirect.scatter.add.f32 [tilespmem:s16], [sflag:$0x7], $0x80, s18, s20, $0xb8;
	[tilespmem:$0x1D800] =	vst v63  }
0x16b: {  	p0 =	sne.s32 s19, $0xA;
	_ =	swait.ge [sflag:s23], $0x1400  }
.Ltmp7:
0x16c: {  	[sflag:s23] =	ssyncset.done $0x0;
	(pc) =	sbr.rel @p0 .LBB2_4-.Ltmp7, $4  }
0x16d: {  	[sflag:s23] =	ssyncadd.s32 $0xFFFFEC00  }
0x16e: {  	_ =	swait.ge [sflag:s0], $0x1400  }
0x16f: {  	[sflag:s0] =	ssyncset.done $0x0  }
0x170: {  	[sflag:s0] =	ssyncadd.s32 $0xFFFFEC00  }
0x171: {  	s7 =	stileid.u32;
	[bflag:$0x0] =	sbarrier.arrive $0xFFFF  }
0x172: {  	s7 =	sshll.u32 s7, $0x6;
	s14 =	rddreg [dreg:$0x8]  }
0x173: {  	s9 =	rddreg [dreg:$0x7];
	s7 =	sor.u32 $0x1C0A, s7;
	s8 =	sshrl.u32 s14, $0x3  }
0x174: {  	[hbm:s9], [sflag:s7] =	dma.local [spmem:s8], $0x800  }
0x175: {  	_ =	swait.ge [sflag:s17], $0x800  }
0x176: {  	[sflag:s17] =	ssyncset.done $0x0;
	s15 =	rddreg [dreg:$0xd]  }
0x177: {  	s18 =	rddreg [dreg:$0x12];
	[sflag:s17] =	ssyncadd.s32 $0xFFFFF800  }
0x178: {  	[hbm:s15], [sflag:s7] =	dma.local [spmem:s18], $0x800  }
0x179: {  	_ =	swait.ge [sflag:s17], $0x800  }
0x17a: {  	[sflag:s17] =	ssyncset.done $0x0;
	s19 =	rddreg [dreg:$0xe]  }
0x17b: {  	s23 =	rddreg [dreg:$0x13];
	[sflag:s17] =	ssyncadd.s32 $0xFFFFF800  }
0x17c: {  	[hbm:s19], [sflag:s7] =	dma.local [spmem:s23], $0x800  }
0x17d: {  	_ =	swait.ge [sflag:s17], $0x800  }
0x17e: {  	[sflag:s17] =	ssyncset.done $0x0;
	s9 =	rddreg [dreg:$0xf]  }
0x17f: {  	s10 =	rddreg [dreg:$0x14];
	[sflag:s17] =	ssyncadd.s32 $0xFFFFF800  }
0x180: {  	[hbm:s9], [sflag:s7] =	dma.local [spmem:s10], $0x800  }
0x181: {  	_ =	swait.ge [sflag:s17], $0x800  }
0x182: {  	[sflag:s17] =	ssyncset.done $0x0;
	s15 =	rddreg [dreg:$0x10]  }
0x183: {  	s18 =	rddreg [dreg:$0x15];
	[sflag:s17] =	ssyncadd.s32 $0xFFFFF800  }
0x184: {  	[hbm:s15], [sflag:s7] =	dma.local [spmem:s18], $0x800  }
0x185: {  	_ =	swait.ge [sflag:s17], $0x800  }
0x186: {  	s19 =	sld [smem:$0x7FC];
	_ =	sdelay $0x2  }
0x187: {  	s23 =	rddreg [dreg:$0x9];
	s8 =	sadd.s32 $0x1, s19  }
0x188: {  	p0 =	sne.s32 s8, s23  }
.Ltmp8:
0x189: {  	_ = 	snop;
	(pc) =	sbr.rel @p0 .LBB2_1-.Ltmp8, $3  }
0x18a: {  	_ =	sdelay $0x1  }
0x18b: {  	[sflag:s17] =	ssyncset.done $0x0  }
0x18c: {  	[sflag:s17] =	ssyncadd.s32 $0xFFFFF800  }
0x18d: {  	_ =	sfence.sel $0x180000  }
0x18e: {  	[bflag:$0x0] =	sbarrier.arrive $0xFFFF  }
0x18f: {  	_ =	strace $0x90000047  }
0x190: {  	s0 =	stileid.u32;
	[bflag:$0x2] =	sbarrier.arrive $0xFFFF  }
0x191: {  	p0 =	sne.s32 s0, $0x0;
	s0 =	rddreg [dreg:$0x2]  }
0x192: {  	s0 =	sadd.s32 @!p0 $0x100000, s0  }
0x193: {  	[sflag:s0] =	ssyncadd.tile.s32 @!p0 $0x1;
	_ =	shalt  }
.Lfunc_end2:
_tile_overlayer_lowered:
.L_overlay_start_2:
0x194: {  	(tag) =	ssettag $0x2  }
0x195: {  	s0 =	rddreg [dreg:$0x0];
	s2 =	stileid.u32  }
0x196: {  	s1 =	rddreg [dreg:$0x1];
	p0 =	sne.s32 s2, $0x0  }
0x197: {  	s3 =	rddreg [dreg:$0x2];
	[bflag:$0x3] =	sbarrier.arrive $0xFFFF;
	s2 =	simm.s32 @!p0 $0x1C0A  }
0x198: {  	[timem:s3], [sflag:s2] =	dma.local @!p0 [hbm:s0], s1  }
0x199: {  	s0 =	simm.s32 @!p0 $0xA  }
0x19a: {  	_ =	swait.ge @!p0 [sflag:s0], s1  }
0x19b: {  	s1 =	ssub.s32 @!p0 $0x0, s1;
	[sflag:s0] =	ssyncset.done @!p0 $0x0  }
0x19c: {  	[sflag:s0] =	ssyncadd.s32 @!p0 s1  }
0x19d: {  	[bflag:$0x3] =	sbarrier.arrive $0xFFFF  }
0x19e: {  	_ =	shalt  }

</sc_bundles>
